<compile_context>
chip_gen: v7x
topology: tpu7x:2x2x1
jax: 0.10.2.dev20260603
libtpu: 0.0.44.dev20260713+nightly
codegen_flags: <defaults>
</compile_context>

<pallas_src>
import functools

import jax
import jax.numpy as jnp
from jax import lax
from jax.experimental import pallas as pl
from jax.experimental.pallas import tpu as pltpu
from jax.experimental.pallas import tpu_sc as plsc

N = 10000
D = 128
E = 320000
NC = 2
NS = 16
NW = NC * NS
CH = 128
CPT = 80
CPT0 = 112
CPT1 = 48
IB = 16
NCHUNK = NS * (CPT0 + CPT1)
EP = NCHUNK * CH
DCPT = NCHUNK // NW
NBD = 10240
RPTD = NBD // NS
NB = 10112
RPT = NB // NS

_mesh = plsc.VectorSubcoreMesh(
    core_axis_name="c", subcore_axis_name="s", num_cores=NC, num_subcores=NS
)


def _deg_body(sd_hbm, rr_hbm, z_hbm, o_hbm, outs_hbm, outr_hbm, acc_s, acc_r, sbuf, rbuf, obuf):
    c = lax.axis_index("c")
    s = lax.axis_index("s")
    wid = s * NC + c
    pltpu.sync_copy(z_hbm, acc_s.at[pl.ds(s * RPTD, RPTD)])
    pltpu.sync_copy(z_hbm, acc_r.at[pl.ds(s * RPTD, RPTD)])
    pltpu.sync_copy(o_hbm, obuf)
    pltpu.sync_copy(sd_hbm.at[pl.ds(wid * DCPT, DCPT)], sbuf)
    pltpu.sync_copy(rr_hbm.at[pl.ds(wid * DCPT, DCPT)], rbuf)
    plsc.subcore_barrier()

    def it(j, carry):
        pltpu.sync_copy(obuf, acc_s.at[sbuf.at[j]], add=True)
        pltpu.sync_copy(obuf, acc_r.at[rbuf.at[j]], add=True)
        return carry

    lax.fori_loop(0, DCPT, it, 0)
    plsc.subcore_barrier()
    pltpu.sync_copy(acc_s.at[pl.ds(s * RPTD, RPTD)], outs_hbm.at[c, 0, pl.ds(s * RPTD, RPTD)])
    pltpu.sync_copy(acc_r.at[pl.ds(s * RPTD, RPTD)], outr_hbm.at[c, 0, pl.ds(s * RPTD, RPTD)])


_deg_call = pl.kernel(
    _deg_body,
    out_type=(jax.ShapeDtypeStruct((NC, 1, NBD), jnp.float32),
              jax.ShapeDtypeStruct((NC, 1, NBD), jnp.float32)),
    mesh=_mesh,
    scratch_types=[
        pltpu.VMEM_SHARED((NBD,), jnp.float32),
        pltpu.VMEM_SHARED((NBD,), jnp.float32),
        pltpu.VMEM((DCPT, CH), jnp.int32),
        pltpu.VMEM((DCPT, CH), jnp.int32),
        pltpu.VMEM((CH,), jnp.float32),
    ],
)


def _scat_body(xn_hbm, sg_hbm, rr_hbm, zr_hbm, out_hbm, acc, sbuf, rbuf,
               s1buf, r1buf, rows0, rows1, gsem0, gsem1):
    c = lax.axis_index("c")
    s = lax.axis_index("s")

    def start_gather(j, rows, sem):
        pltpu.async_copy(xn_hbm.at[sbuf.at[j]], rows, sem)

    def wait_gather(j, rows, sem):
        pltpu.make_async_copy(xn_hbm.at[sbuf.at[j]], rows, sem).wait()

    pltpu.sync_copy(zr_hbm, acc.at[pl.ds(s * RPT, RPT)])
    plsc.subcore_barrier()

    @pl.when(c == 0)
    def _sc0():
        for ib in range(CPT0 // IB):
            off = s * CPT0 + ib * IB
            pltpu.sync_copy(sg_hbm.at[pl.ds(off, IB)], sbuf)
            pltpu.sync_copy(rr_hbm.at[pl.ds(off, IB)], rbuf)
            start_gather(0, rows0, gsem0)

            def it(i, carry):
                j = 2 * i
                wait_gather(j, rows0, gsem0)
                start_gather(j + 1, rows1, gsem1)
                pltpu.sync_copy(rows0, acc.at[rbuf.at[j]], add=True)
                jn = jnp.minimum(j + 2, IB - 1)
                wait_gather(j + 1, rows1, gsem1)
                start_gather(jn, rows0, gsem0)
                pltpu.sync_copy(rows1, acc.at[rbuf.at[j + 1]], add=True)
                return carry

            lax.fori_loop(0, IB // 2, it, 0)
            wait_gather(IB - 1, rows0, gsem0)

    @pl.when(c == 1)
    def _sc1():
        pltpu.sync_copy(sg_hbm.at[pl.ds(NS * CPT0 + s * CPT1, CPT1)], s1buf)
        pltpu.sync_copy(rr_hbm.at[pl.ds(NS * CPT0 + s * CPT1, CPT1)], r1buf)

        def it1(j, carry):
            pltpu.sync_copy(xn_hbm.at[s1buf.at[j]], rows0)
            pltpu.sync_copy(rows0, acc.at[r1buf.at[j]], add=True)
            return carry

        lax.fori_loop(0, CPT1, it1, 0)

    plsc.subcore_barrier()
    pltpu.sync_copy(acc.at[pl.ds(s * RPT, RPT)], out_hbm.at[c, pl.ds(s * RPT, RPT)])


_scat_call = pl.kernel(
    _scat_body,
    out_type=jax.ShapeDtypeStruct((NC, NB, D), jnp.float32),
    mesh=_mesh,
    scratch_types=[
        pltpu.VMEM_SHARED((NB, D), jnp.float32),
        pltpu.VMEM((IB, CH), jnp.int32),
        pltpu.VMEM((IB, CH), jnp.int32),
        pltpu.VMEM((CPT1, CH), jnp.int32),
        pltpu.VMEM((CPT1, CH), jnp.int32),
        pltpu.VMEM((CH, D), jnp.float32),
        pltpu.VMEM((CH, D), jnp.float32),
        pltpu.SemaphoreType.DMA,
        pltpu.SemaphoreType.DMA,
    ],
)

BN = 2000


def _tc_body(do_relu, x, y0, y1, xn, srb, wt, wb, b, out):
    hi = lax.Precision.HIGHEST
    z = (y0[...].reshape(BN, D) + y1[...].reshape(BN, D) + xn[...]) * srb[...]
    o = (
        jnp.dot(x[...], wt[...], precision=hi, preferred_element_type=jnp.float32)
        + jnp.dot(z, wb[...], precision=hi, preferred_element_type=jnp.float32)
        + b[...]
    )
    if do_relu:
        o = jnp.maximum(o, 0.0)
    out[...] = o


def _tc_layer(do_relu):
    row = pl.BlockSpec((BN, D), lambda i: (i, 0))
    full = pl.BlockSpec((D, D), lambda i: (0, 0))
    brow = pl.BlockSpec((1, D), lambda i: (0, 0))

    def yspec(c):
        return pl.BlockSpec((1, BN, D), lambda i: (c, i, 0))

    return pl.pallas_call(
        functools.partial(_tc_body, do_relu),
        grid=(N // BN,),
        in_specs=[row, yspec(0), yspec(1), row, row, full, full, brow],
        out_specs=row,
        out_shape=jax.ShapeDtypeStruct((N, D), jnp.float32),
    )


_tc1 = _tc_layer(True)
_tc2 = _tc_layer(False)


def kernel(gid, senders, receivers, is_training, node_embeddings, W1, b1, W2, b2):
    del is_training
    x = jnp.take(node_embeddings, gid, axis=0)

    pad = EP - E
    junk = N + (jnp.arange(pad, dtype=jnp.int32) % (NB - N))
    sg = jnp.concatenate([senders, jnp.zeros((pad,), jnp.int32)]).reshape(NCHUNK, CH)
    sd = jnp.concatenate([senders, junk]).reshape(NCHUNK, CH)
    rr = jnp.concatenate([receivers, junk]).reshape(NCHUNK, CH)
    zvec = jnp.zeros((RPTD,), jnp.float32)
    ones = jnp.ones((CH,), jnp.float32)
    zrows = jnp.zeros((RPT, D), jnp.float32)

    dS, dR = _deg_call(sd, rr, zvec, ones)
    deg_s = 1.0 + dS[0, 0, :N] + dS[1, 0, :N]
    cnt_r = 1.0 + dR[0, 0, :N] + dR[1, 0, :N]
    ss = lax.rsqrt(deg_s)[:, None]
    srb = jnp.broadcast_to((cnt_r * jnp.sqrt(cnt_r))[:, None] ** -1.0, (N, D))

    def layer(xin, tc, W, b):
        xn = xin * ss
        y = _scat_call(xn, sg, rr, zrows)
        return tc(xin, y, y, xn, srb, W[:D], W[D:], b.reshape(1, D))

    h1 = layer(x, _tc1, W1, b1)
    return layer(h1, _tc2, W2, b2)

# --- scband reference (transcript-rebuilt; emitter-appended) ---
"""Pipeline reference for scband-node-encoder-71622874628185 (READ-ONLY COPY).

The authoritative reference and input builder live on the scoring server;
editing this copy changes nothing except your own understanding.
"""

import jax, jax.numpy as jnp
import numpy as np

N_NODES = 10000
N_EDGES = 320000
D = 128


def _sage_conv(x, senders, receivers, n_nodes, W, b):
    # with_self=True: add self loops
    all_nodes = jnp.arange(n_nodes, dtype=senders.dtype)
    s = jnp.concatenate([senders, all_nodes])
    r = jnp.concatenate([receivers, all_nodes])
    # degree_norm=True path
    deg_s = jax.ops.segment_sum(jnp.ones(s.shape[0], dtype=jnp.float32), s, num_segments=n_nodes)
    x_norm = x * jax.lax.rsqrt(jnp.maximum(deg_s, 1.0))[:, None]
    # segment_mean(x_norm[s], r, n_nodes)
    sums = jax.ops.segment_sum(x_norm[s], r, num_segments=n_nodes)
    counts = jax.ops.segment_sum(jnp.ones(r.shape[0], dtype=jnp.float32), r, num_segments=n_nodes)
    x_upd = sums / jnp.maximum(counts, 1.0)[:, None]
    # normalize by receiver degree (counts == degree of receivers incl. self loops)
    x_upd = x_upd * jax.lax.rsqrt(jnp.maximum(counts, 1.0))[:, None]
    combined = jnp.concatenate([x, x_upd], axis=-1)
    return combined @ W + b


def setup_inputs(seed: int = 0) -> dict:
    key = jax.random.key(seed)
    k1, k2, k3, k4, k5 = jax.random.split(key, 5)
    gid = jnp.arange(N_NODES, dtype=jnp.int32)
    senders = jax.random.randint(k1, (N_EDGES,), 0, N_NODES, dtype=jnp.int32)
    receivers = jax.random.randint(k2, (N_EDGES,), 0, N_NODES, dtype=jnp.int32)
    node_embeddings = jax.random.normal(k3, (N_NODES, D), dtype=jnp.float32) * 0.02
    W1 = jax.random.normal(k4, (2 * D, D), dtype=jnp.float32) * 0.05
    b1 = jnp.zeros((D,), dtype=jnp.float32)
    W2 = jax.random.normal(k5, (2 * D, D), dtype=jnp.float32) * 0.05
    b2 = jnp.zeros((D,), dtype=jnp.float32)
    return {"gid": gid, "senders": senders, "receivers": receivers, "is_training": 0,
            "node_embeddings": node_embeddings, "W1": W1, "b1": b1, "W2": W2, "b2": b2}


def reference(gid, senders, receivers, is_training, node_embeddings, W1, b1, W2, b2):
    n_nodes = node_embeddings.shape[0]
    # embedding lookup
    x = jnp.take(node_embeddings, gid, axis=0)
    # layer 1: SAGEConv(with_self=True, degree_norm=True)
    x = _sage_conv(x, senders, receivers, n_nodes, W1, b1)
    x = jax.nn.relu(x)
    # dropout is deterministic (is_training falsy) -> identity
    # layer 2: SAGEConv(with_self=last_layer_self=True, degree_norm=True)
    x = _sage_conv(x, senders, receivers, n_nodes, W2, b2)
    return x

if __name__ == "__main__":
    import jax
    _d = setup_inputs()
    print(jax.jit(kernel)(*tuple(_d.values())))

</pallas_src>

<mosaic_0001>
#map = affine_map<(d0, d1) -> (0, 0)>
#map1 = affine_map<(d0, d1) -> (0, 0, 0)>
module attributes {stable_mosaic.version = 14 : i64} {
  func.func @_scat_body(%arg0: i32, %arg1: i32, %arg2: memref<10000x128xf32, #tpu.memory_space<hbm>>, %arg3: memref<2560x128xi32, #tpu.memory_space<hbm>>, %arg4: memref<2560x128xi32, #tpu.memory_space<hbm>>, %arg5: memref<632x128xf32, #tpu.memory_space<hbm>>, %arg6: memref<2x10112x128xf32, #tpu.memory_space<hbm>>, %arg7: memref<10112x128xf32, #tpu.memory_space<vmem_shared>>, %arg8: memref<16x128xi32, #tpu.memory_space<vmem>>, %arg9: memref<16x128xi32, #tpu.memory_space<vmem>>, %arg10: memref<48x128xi32, #tpu.memory_space<vmem>>, %arg11: memref<48x128xi32, #tpu.memory_space<vmem>>, %arg12: memref<128x128xf32, #tpu.memory_space<vmem>>, %arg13: memref<128x128xf32, #tpu.memory_space<vmem>>, %arg14: memref<!tpu.dma_semaphore, #tpu.memory_space<semaphore_mem>>, %arg15: memref<!tpu.dma_semaphore, #tpu.memory_space<semaphore_mem>>) attributes {dimension_semantics = [#tpu.dimension_semantics<core_parallel>, #tpu.dimension_semantics<subcore_parallel>], iteration_bounds = array<i64: 2, 16>, scalar_prefetch = 0 : i64, scratch_operands = 9 : i64, tpu.core_type = #tpu.core_type<sc_vector_subcore>, window_params = [{transform_indices = #map}, {transform_indices = #map}, {transform_indices = #map}, {transform_indices = #map}, {transform_indices = #map1}]} {
    %mul3A = arith.constant 632 : i32
    %mul3A_0 = arith.muli %arg1, %mul3A : i32
    "tpu.region"() ({
      %run_scoped3A = tpu.sem_alloc : memref<!tpu.dma_semaphore, #tpu.memory_space<semaphore_mem>>
      %dma_start3A = arith.constant 0 : i32
      %dma_start3A_13 = tpu.memref_slice %arg7[%mul3A_0, %dma_start3A] : memref<10112x128xf32, #tpu.memory_space<vmem_shared>> -> memref<632x128xf32, #tpu.memory_space<vmem_shared>>
      tpu.enqueue_dma source(%arg5 : memref<632x128xf32, #tpu.memory_space<hbm>>) target(%dma_start3A_13 : memref<632x128xf32, #tpu.memory_space<vmem_shared>>) target_semaphore(%run_scoped3A : memref<!tpu.dma_semaphore, #tpu.memory_space<semaphore_mem>>)
      %dma_wait3A = arith.constant 0 : i32
      %dma_wait3A_14 = tpu.memref_slice %arg7[%mul3A_0, %dma_wait3A] : memref<10112x128xf32, #tpu.memory_space<vmem_shared>> -> memref<632x128xf32, #tpu.memory_space<vmem_shared>>
      tpu.wait_dma2 semaphore(%run_scoped3A : memref<!tpu.dma_semaphore, #tpu.memory_space<semaphore_mem>>) src(%arg5 : memref<632x128xf32, #tpu.memory_space<hbm>>) dst(%dma_wait3A_14 : memref<632x128xf32, #tpu.memory_space<vmem_shared>>)
      tpu.yield
    }) : () -> ()
    %barrier3A = arith.constant 0 : index
    tpu.barrier barrier_id(%barrier3A)
    %eq3A = arith.constant 0 : i32
    %eq3A_1 = arith.cmpi eq, %arg0, %eq3A : i32
    %convert_element_type3A = arith.extui %eq3A_1 : i1 to i32
    %cond3A = arith.constant 0 : i32
    %cond3A_2 = arith.cmpi ne, %convert_element_type3A, %cond3A : i32
    scf.if %cond3A_2 {
      %mul3A_13 = arith.constant 112 : i32
      %mul3A_14 = arith.muli %arg1, %mul3A_13 : i32
      %add3A = arith.constant 0 : i32
      %add3A_15 = arith.addi %mul3A_14, %add3A : i32
      "tpu.region"() ({
        %run_scoped3A = tpu.sem_alloc : memref<!tpu.dma_semaphore, #tpu.memory_space<semaphore_mem>>
        %dma_start3A_177 = arith.constant 0 : i32
        %dma_start3A_178 = tpu.memref_slice %arg3[%add3A_15, %dma_start3A_177] : memref<2560x128xi32, #tpu.memory_space<hbm>> -> memref<16x128xi32, #tpu.memory_space<hbm>>
        %dma_start3A_179 = arith.constant 0 : i32
        %dma_start3A_180 = tpu.memref_slice %arg3[%add3A_15, %dma_start3A_179] : memref<2560x128xi32, #tpu.memory_space<hbm>> -> memref<16x128xi32, #tpu.memory_space<hbm>>
        tpu.enqueue_dma source(%dma_start3A_180 : memref<16x128xi32, #tpu.memory_space<hbm>>) target(%arg8 : memref<16x128xi32, #tpu.memory_space<vmem>>) target_semaphore(%run_scoped3A : memref<!tpu.dma_semaphore, #tpu.memory_space<semaphore_mem>>)
        %dma_wait3A_181 = arith.constant 0 : i32
        %dma_wait3A_182 = tpu.memref_slice %arg3[%add3A_15, %dma_wait3A_181] : memref<2560x128xi32, #tpu.memory_space<hbm>> -> memref<16x128xi32, #tpu.memory_space<hbm>>
        %dma_wait3A_183 = arith.constant 0 : i32
        %dma_wait3A_184 = tpu.memref_slice %arg3[%add3A_15, %dma_wait3A_183] : memref<2560x128xi32, #tpu.memory_space<hbm>> -> memref<16x128xi32, #tpu.memory_space<hbm>>
        tpu.wait_dma2 semaphore(%run_scoped3A : memref<!tpu.dma_semaphore, #tpu.memory_space<semaphore_mem>>) src(%dma_wait3A_184 : memref<16x128xi32, #tpu.memory_space<hbm>>) dst(%arg8 : memref<16x128xi32, #tpu.memory_space<vmem>>)
        tpu.yield
      }) : () -> ()
      "tpu.region"() ({
        %run_scoped3A = tpu.sem_alloc : memref<!tpu.dma_semaphore, #tpu.memory_space<semaphore_mem>>
        %dma_start3A_177 = arith.constant 0 : i32
        %dma_start3A_178 = tpu.memref_slice %arg4[%add3A_15, %dma_start3A_177] : memref<2560x128xi32, #tpu.memory_space<hbm>> -> memref<16x128xi32, #tpu.memory_space<hbm>>
        %dma_start3A_179 = arith.constant 0 : i32
        %dma_start3A_180 = tpu.memref_slice %arg4[%add3A_15, %dma_start3A_179] : memref<2560x128xi32, #tpu.memory_space<hbm>> -> memref<16x128xi32, #tpu.memory_space<hbm>>
        tpu.enqueue_dma source(%dma_start3A_180 : memref<16x128xi32, #tpu.memory_space<hbm>>) target(%arg9 : memref<16x128xi32, #tpu.memory_space<vmem>>) target_semaphore(%run_scoped3A : memref<!tpu.dma_semaphore, #tpu.memory_space<semaphore_mem>>)
        %dma_wait3A_181 = arith.constant 0 : i32
        %dma_wait3A_182 = tpu.memref_slice %arg4[%add3A_15, %dma_wait3A_181] : memref<2560x128xi32, #tpu.memory_space<hbm>> -> memref<16x128xi32, #tpu.memory_space<hbm>>
        %dma_wait3A_183 = arith.constant 0 : i32
        %dma_wait3A_184 = tpu.memref_slice %arg4[%add3A_15, %dma_wait3A_183] : memref<2560x128xi32, #tpu.memory_space<hbm>> -> memref<16x128xi32, #tpu.memory_space<hbm>>
        tpu.wait_dma2 semaphore(%run_scoped3A : memref<!tpu.dma_semaphore, #tpu.memory_space<semaphore_mem>>) src(%dma_wait3A_184 : memref<16x128xi32, #tpu.memory_space<hbm>>) dst(%arg9 : memref<16x128xi32, #tpu.memory_space<vmem>>)
        tpu.yield
      }) : () -> ()
      %dma_start3A = arith.constant 0 : i32
      %dma_start3A_16 = arith.constant 0 : i32
      %dma_start3A_17 = tpu.memref_slice %arg8[%dma_start3A, %dma_start3A_16] : memref<16x128xi32, #tpu.memory_space<vmem>> -> memref<1x128xi32, #tpu.memory_space<vmem>>
      %dma_start3A_18 = tpu.memref_squeeze %dma_start3A_17 : memref<1x128xi32, #tpu.memory_space<vmem>> -> memref<128xi32, #tpu.memory_space<vmem>>
      %dma_start3A_19 = arith.constant 0 : i32
      %dma_start3A_20 = arith.constant 0 : i32
      %dma_start3A_21 = tpu.memref_slice %arg2[%dma_start3A_19, %dma_start3A_20] : memref<10000x128xf32, #tpu.memory_space<hbm>> -> memref<10000x128xf32, #tpu.memory_space<hbm>>
      tpu.enqueue_indirect_dma source(%dma_start3A_21 : memref<10000x128xf32, #tpu.memory_space<hbm>>) target(%arg12 : memref<128x128xf32, #tpu.memory_space<vmem>>) offsets(%dma_start3A_18 : memref<128xi32, #tpu.memory_space<vmem>>) semaphore(%arg14 : memref<!tpu.dma_semaphore, #tpu.memory_space<semaphore_mem>>)
      %scan3A = arith.constant 0 : i32
      %scan3A_22 = arith.constant 0 : i32
      %scan3A_23 = arith.constant 8 : i32
      %scan3A_24 = arith.addi %scan3A_22, %scan3A_23 : i32
      %scan3A_25 = arith.constant 1 : i32
      scf.for %scan3A_177 = %scan3A_22 to %scan3A_24 step %scan3A_25  : i32 {
        %mul3A_178 = arith.constant 2 : i32
        %mul3A_179 = arith.muli %mul3A_178, %scan3A_177 : i32
        %dma_wait3A_180 = arith.constant 0 : i32
        %dma_wait3A_181 = tpu.memref_slice %arg8[%mul3A_179, %dma_wait3A_180] : memref<16x128xi32, #tpu.memory_space<vmem>> -> memref<1x128xi32, #tpu.memory_space<vmem>>
        %dma_wait3A_182 = tpu.memref_squeeze %dma_wait3A_181 : memref<1x128xi32, #tpu.memory_space<vmem>> -> memref<128xi32, #tpu.memory_space<vmem>>
        %dma_wait3A_183 = arith.constant 0 : i32
        %dma_wait3A_184 = arith.constant 0 : i32
        %dma_wait3A_185 = tpu.memref_slice %arg2[%dma_wait3A_183, %dma_wait3A_184] : memref<10000x128xf32, #tpu.memory_space<hbm>> -> memref<10000x128xf32, #tpu.memory_space<hbm>>
        tpu.wait_indirect_dma semaphore(%arg14 : memref<!tpu.dma_semaphore, #tpu.memory_space<semaphore_mem>>) src(%dma_wait3A_185 : memref<10000x128xf32, #tpu.memory_space<hbm>>) dst(%arg12 : memref<128x128xf32, #tpu.memory_space<vmem>>)
        %add3A_186 = arith.constant 1 : i32
        %add3A_187 = arith.addi %mul3A_179, %add3A_186 : i32
        %dma_start3A_188 = arith.constant 0 : i32
        %dma_start3A_189 = tpu.memref_slice %arg8[%add3A_187, %dma_start3A_188] : memref<16x128xi32, #tpu.memory_space<vmem>> -> memref<1x128xi32, #tpu.memory_space<vmem>>
        %dma_start3A_190 = tpu.memref_squeeze %dma_start3A_189 : memref<1x128xi32, #tpu.memory_space<vmem>> -> memref<128xi32, #tpu.memory_space<vmem>>
        %dma_start3A_191 = arith.constant 0 : i32
        %dma_start3A_192 = arith.constant 0 : i32
        %dma_start3A_193 = tpu.memref_slice %arg2[%dma_start3A_191, %dma_start3A_192] : memref<10000x128xf32, #tpu.memory_space<hbm>> -> memref<10000x128xf32, #tpu.memory_space<hbm>>
        tpu.enqueue_indirect_dma source(%dma_start3A_193 : memref<10000x128xf32, #tpu.memory_space<hbm>>) target(%arg13 : memref<128x128xf32, #tpu.memory_space<vmem>>) offsets(%dma_start3A_190 : memref<128xi32, #tpu.memory_space<vmem>>) semaphore(%arg15 : memref<!tpu.dma_semaphore, #tpu.memory_space<semaphore_mem>>)
        "tpu.region"() ({
          %run_scoped3A = tpu.sem_alloc : memref<!tpu.dma_semaphore, #tpu.memory_space<semaphore_mem>>
          %dma_start3A_213 = arith.constant 0 : i32
          %dma_start3A_214 = tpu.memref_slice %arg9[%mul3A_179, %dma_start3A_213] : memref<16x128xi32, #tpu.memory_space<vmem>> -> memref<1x128xi32, #tpu.memory_space<vmem>>
          %dma_start3A_215 = tpu.memref_squeeze %dma_start3A_214 : memref<1x128xi32, #tpu.memory_space<vmem>> -> memref<128xi32, #tpu.memory_space<vmem>>
          %dma_start3A_216 = arith.constant 0 : i32
          %dma_start3A_217 = arith.constant 0 : i32
          %dma_start3A_218 = tpu.memref_slice %arg7[%dma_start3A_216, %dma_start3A_217] : memref<10112x128xf32, #tpu.memory_space<vmem_shared>> -> memref<10112x128xf32, #tpu.memory_space<vmem_shared>>
          tpu.enqueue_indirect_dma source(%arg12 : memref<128x128xf32, #tpu.memory_space<vmem>>) target(%dma_start3A_218 : memref<10112x128xf32, #tpu.memory_space<vmem_shared>>) offsets(%dma_start3A_215 : memref<128xi32, #tpu.memory_space<vmem>>) semaphore(%run_scoped3A : memref<!tpu.dma_semaphore, #tpu.memory_space<semaphore_mem>>) {add = true}
          %dma_wait3A_219 = arith.constant 0 : i32
          %dma_wait3A_220 = tpu.memref_slice %arg9[%mul3A_179, %dma_wait3A_219] : memref<16x128xi32, #tpu.memory_space<vmem>> -> memref<1x128xi32, #tpu.memory_space<vmem>>
          %dma_wait3A_221 = tpu.memref_squeeze %dma_wait3A_220 : memref<1x128xi32, #tpu.memory_space<vmem>> -> memref<128xi32, #tpu.memory_space<vmem>>
          %dma_wait3A_222 = arith.constant 0 : i32
          %dma_wait3A_223 = arith.constant 0 : i32
          %dma_wait3A_224 = tpu.memref_slice %arg7[%dma_wait3A_222, %dma_wait3A_223] : memref<10112x128xf32, #tpu.memory_space<vmem_shared>> -> memref<10112x128xf32, #tpu.memory_space<vmem_shared>>
          tpu.wait_indirect_dma semaphore(%run_scoped3A : memref<!tpu.dma_semaphore, #tpu.memory_space<semaphore_mem>>) src(%arg12 : memref<128x128xf32, #tpu.memory_space<vmem>>) dst(%dma_wait3A_224 : memref<10112x128xf32, #tpu.memory_space<vmem_shared>>)
          tpu.yield
        }) : () -> ()
        %add3A_194 = arith.constant 2 : i32
        %add3A_195 = arith.addi %mul3A_179, %add3A_194 : i32
        %min3A = arith.constant 15 : i32
        %min3A_196 = arith.minsi %add3A_195, %min3A : i32
        %add3A_197 = arith.constant 1 : i32
        %add3A_198 = arith.addi %mul3A_179, %add3A_197 : i32
        %dma_wait3A_199 = arith.constant 0 : i32
        %dma_wait3A_200 = tpu.memref_slice %arg8[%add3A_198, %dma_wait3A_199] : memref<16x128xi32, #tpu.memory_space<vmem>> -> memref<1x128xi32, #tpu.memory_space<vmem>>
        %dma_wait3A_201 = tpu.memref_squeeze %dma_wait3A_200 : memref<1x128xi32, #tpu.memory_space<vmem>> -> memref<128xi32, #tpu.memory_space<vmem>>
        %dma_wait3A_202 = arith.constant 0 : i32
        %dma_wait3A_203 = arith.constant 0 : i32
        %dma_wait3A_204 = tpu.memref_slice %arg2[%dma_wait3A_202, %dma_wait3A_203] : memref<10000x128xf32, #tpu.memory_space<hbm>> -> memref<10000x128xf32, #tpu.memory_space<hbm>>
        tpu.wait_indirect_dma semaphore(%arg15 : memref<!tpu.dma_semaphore, #tpu.memory_space<semaphore_mem>>) src(%dma_wait3A_204 : memref<10000x128xf32, #tpu.memory_space<hbm>>) dst(%arg13 : memref<128x128xf32, #tpu.memory_space<vmem>>)
        %dma_start3A_205 = arith.constant 0 : i32
        %dma_start3A_206 = tpu.memref_slice %arg8[%min3A_196, %dma_start3A_205] : memref<16x128xi32, #tpu.memory_space<vmem>> -> memref<1x128xi32, #tpu.memory_space<vmem>>
        %dma_start3A_207 = tpu.memref_squeeze %dma_start3A_206 : memref<1x128xi32, #tpu.memory_space<vmem>> -> memref<128xi32, #tpu.memory_space<vmem>>
        %dma_start3A_208 = arith.constant 0 : i32
        %dma_start3A_209 = arith.constant 0 : i32
        %dma_start3A_210 = tpu.memref_slice %arg2[%dma_start3A_208, %dma_start3A_209] : memref<10000x128xf32, #tpu.memory_space<hbm>> -> memref<10000x128xf32, #tpu.memory_space<hbm>>
        tpu.enqueue_indirect_dma source(%dma_start3A_210 : memref<10000x128xf32, #tpu.memory_space<hbm>>) target(%arg12 : memref<128x128xf32, #tpu.memory_space<vmem>>) offsets(%dma_start3A_207 : memref<128xi32, #tpu.memory_space<vmem>>) semaphore(%arg14 : memref<!tpu.dma_semaphore, #tpu.memory_space<semaphore_mem>>)
        %add3A_211 = arith.constant 1 : i32
        %add3A_212 = arith.addi %mul3A_179, %add3A_211 : i32
        "tpu.region"() ({
          %run_scoped3A = tpu.sem_alloc : memref<!tpu.dma_semaphore, #tpu.memory_space<semaphore_mem>>
          %dma_start3A_213 = arith.constant 0 : i32
          %dma_start3A_214 = tpu.memref_slice %arg9[%add3A_212, %dma_start3A_213] : memref<16x128xi32, #tpu.memory_space<vmem>> -> memref<1x128xi32, #tpu.memory_space<vmem>>
          %dma_start3A_215 = tpu.memref_squeeze %dma_start3A_214 : memref<1x128xi32, #tpu.memory_space<vmem>> -> memref<128xi32, #tpu.memory_space<vmem>>
          %dma_start3A_216 = arith.constant 0 : i32
          %dma_start3A_217 = arith.constant 0 : i32
          %dma_start3A_218 = tpu.memref_slice %arg7[%dma_start3A_216, %dma_start3A_217] : memref<10112x128xf32, #tpu.memory_space<vmem_shared>> -> memref<10112x128xf32, #tpu.memory_space<vmem_shared>>
          tpu.enqueue_indirect_dma source(%arg13 : memref<128x128xf32, #tpu.memory_space<vmem>>) target(%dma_start3A_218 : memref<10112x128xf32, #tpu.memory_space<vmem_shared>>) offsets(%dma_start3A_215 : memref<128xi32, #tpu.memory_space<vmem>>) semaphore(%run_scoped3A : memref<!tpu.dma_semaphore, #tpu.memory_space<semaphore_mem>>) {add = true}
          %dma_wait3A_219 = arith.constant 0 : i32
          %dma_wait3A_220 = tpu.memref_slice %arg9[%add3A_212, %dma_wait3A_219] : memref<16x128xi32, #tpu.memory_space<vmem>> -> memref<1x128xi32, #tpu.memory_space<vmem>>
          %dma_wait3A_221 = tpu.memref_squeeze %dma_wait3A_220 : memref<1x128xi32, #tpu.memory_space<vmem>> -> memref<128xi32, #tpu.memory_space<vmem>>
          %dma_wait3A_222 = arith.constant 0 : i32
          %dma_wait3A_223 = arith.constant 0 : i32
          %dma_wait3A_224 = tpu.memref_slice %arg7[%dma_wait3A_222, %dma_wait3A_223] : memref<10112x128xf32, #tpu.memory_space<vmem_shared>> -> memref<10112x128xf32, #tpu.memory_space<vmem_shared>>
          tpu.wait_indirect_dma semaphore(%run_scoped3A : memref<!tpu.dma_semaphore, #tpu.memory_space<semaphore_mem>>) src(%arg13 : memref<128x128xf32, #tpu.memory_space<vmem>>) dst(%dma_wait3A_224 : memref<10112x128xf32, #tpu.memory_space<vmem_shared>>)
          tpu.yield
        }) : () -> ()
      }
      %scan3A_26 = arith.constant 8 : i32
      %dma_wait3A = arith.constant 15 : i32
      %dma_wait3A_27 = arith.constant 0 : i32
      %dma_wait3A_28 = tpu.memref_slice %arg8[%dma_wait3A, %dma_wait3A_27] : memref<16x128xi32, #tpu.memory_space<vmem>> -> memref<1x128xi32, #tpu.memory_space<vmem>>
      %dma_wait3A_29 = tpu.memref_squeeze %dma_wait3A_28 : memref<1x128xi32, #tpu.memory_space<vmem>> -> memref<128xi32, #tpu.memory_space<vmem>>
      %dma_wait3A_30 = arith.constant 0 : i32
      %dma_wait3A_31 = arith.constant 0 : i32
      %dma_wait3A_32 = tpu.memref_slice %arg2[%dma_wait3A_30, %dma_wait3A_31] : memref<10000x128xf32, #tpu.memory_space<hbm>> -> memref<10000x128xf32, #tpu.memory_space<hbm>>
      tpu.wait_indirect_dma semaphore(%arg14 : memref<!tpu.dma_semaphore, #tpu.memory_space<semaphore_mem>>) src(%dma_wait3A_32 : memref<10000x128xf32, #tpu.memory_space<hbm>>) dst(%arg12 : memref<128x128xf32, #tpu.memory_space<vmem>>)
      %mul3A_33 = arith.constant 112 : i32
      %mul3A_34 = arith.muli %arg1, %mul3A_33 : i32
      %add3A_35 = arith.constant 16 : i32
      %add3A_36 = arith.addi %mul3A_34, %add3A_35 : i32
      "tpu.region"() ({
        %run_scoped3A = tpu.sem_alloc : memref<!tpu.dma_semaphore, #tpu.memory_space<semaphore_mem>>
        %dma_start3A_177 = arith.constant 0 : i32
        %dma_start3A_178 = tpu.memref_slice %arg3[%add3A_36, %dma_start3A_177] : memref<2560x128xi32, #tpu.memory_space<hbm>> -> memref<16x128xi32, #tpu.memory_space<hbm>>
        %dma_start3A_179 = arith.constant 0 : i32
        %dma_start3A_180 = tpu.memref_slice %arg3[%add3A_36, %dma_start3A_179] : memref<2560x128xi32, #tpu.memory_space<hbm>> -> memref<16x128xi32, #tpu.memory_space<hbm>>
        tpu.enqueue_dma source(%dma_start3A_180 : memref<16x128xi32, #tpu.memory_space<hbm>>) target(%arg8 : memref<16x128xi32, #tpu.memory_space<vmem>>) target_semaphore(%run_scoped3A : memref<!tpu.dma_semaphore, #tpu.memory_space<semaphore_mem>>)
        %dma_wait3A_181 = arith.constant 0 : i32
        %dma_wait3A_182 = tpu.memref_slice %arg3[%add3A_36, %dma_wait3A_181] : memref<2560x128xi32, #tpu.memory_space<hbm>> -> memref<16x128xi32, #tpu.memory_space<hbm>>
        %dma_wait3A_183 = arith.constant 0 : i32
        %dma_wait3A_184 = tpu.memref_slice %arg3[%add3A_36, %dma_wait3A_183] : memref<2560x128xi32, #tpu.memory_space<hbm>> -> memref<16x128xi32, #tpu.memory_space<hbm>>
        tpu.wait_dma2 semaphore(%run_scoped3A : memref<!tpu.dma_semaphore, #tpu.memory_space<semaphore_mem>>) src(%dma_wait3A_184 : memref<16x128xi32, #tpu.memory_space<hbm>>) dst(%arg8 : memref<16x128xi32, #tpu.memory_space<vmem>>)
        tpu.yield
      }) : () -> ()
      "tpu.region"() ({
        %run_scoped3A = tpu.sem_alloc : memref<!tpu.dma_semaphore, #tpu.memory_space<semaphore_mem>>
        %dma_start3A_177 = arith.constant 0 : i32
        %dma_start3A_178 = tpu.memref_slice %arg4[%add3A_36, %dma_start3A_177] : memref<2560x128xi32, #tpu.memory_space<hbm>> -> memref<16x128xi32, #tpu.memory_space<hbm>>
        %dma_start3A_179 = arith.constant 0 : i32
        %dma_start3A_180 = tpu.memref_slice %arg4[%add3A_36, %dma_start3A_179] : memref<2560x128xi32, #tpu.memory_space<hbm>> -> memref<16x128xi32, #tpu.memory_space<hbm>>
        tpu.enqueue_dma source(%dma_start3A_180 : memref<16x128xi32, #tpu.memory_space<hbm>>) target(%arg9 : memref<16x128xi32, #tpu.memory_space<vmem>>) target_semaphore(%run_scoped3A : memref<!tpu.dma_semaphore, #tpu.memory_space<semaphore_mem>>)
        %dma_wait3A_181 = arith.constant 0 : i32
        %dma_wait3A_182 = tpu.memref_slice %arg4[%add3A_36, %dma_wait3A_181] : memref<2560x128xi32, #tpu.memory_space<hbm>> -> memref<16x128xi32, #tpu.memory_space<hbm>>
        %dma_wait3A_183 = arith.constant 0 : i32
        %dma_wait3A_184 = tpu.memref_slice %arg4[%add3A_36, %dma_wait3A_183] : memref<2560x128xi32, #tpu.memory_space<hbm>> -> memref<16x128xi32, #tpu.memory_space<hbm>>
        tpu.wait_dma2 semaphore(%run_scoped3A : memref<!tpu.dma_semaphore, #tpu.memory_space<semaphore_mem>>) src(%dma_wait3A_184 : memref<16x128xi32, #tpu.memory_space<hbm>>) dst(%arg9 : memref<16x128xi32, #tpu.memory_space<vmem>>)
        tpu.yield
      }) : () -> ()
      %dma_start3A_37 = arith.constant 0 : i32
      %dma_start3A_38 = arith.constant 0 : i32
      %dma_start3A_39 = tpu.memref_slice %arg8[%dma_start3A_37, %dma_start3A_38] : memref<16x128xi32, #tpu.memory_space<vmem>> -> memref<1x128xi32, #tpu.memory_space<vmem>>
      %dma_start3A_40 = tpu.memref_squeeze %dma_start3A_39 : memref<1x128xi32, #tpu.memory_space<vmem>> -> memref<128xi32, #tpu.memory_space<vmem>>
      %dma_start3A_41 = arith.constant 0 : i32
      %dma_start3A_42 = arith.constant 0 : i32
      %dma_start3A_43 = tpu.memref_slice %arg2[%dma_start3A_41, %dma_start3A_42] : memref<10000x128xf32, #tpu.memory_space<hbm>> -> memref<10000x128xf32, #tpu.memory_space<hbm>>
      tpu.enqueue_indirect_dma source(%dma_start3A_43 : memref<10000x128xf32, #tpu.memory_space<hbm>>) target(%arg12 : memref<128x128xf32, #tpu.memory_space<vmem>>) offsets(%dma_start3A_40 : memref<128xi32, #tpu.memory_space<vmem>>) semaphore(%arg14 : memref<!tpu.dma_semaphore, #tpu.memory_space<semaphore_mem>>)
      %scan3A_44 = arith.constant 0 : i32
      %scan3A_45 = arith.constant 0 : i32
      %scan3A_46 = arith.constant 8 : i32
      %scan3A_47 = arith.addi %scan3A_45, %scan3A_46 : i32
      %scan3A_48 = arith.constant 1 : i32
      scf.for %scan3A_177 = %scan3A_45 to %scan3A_47 step %scan3A_48  : i32 {
        %mul3A_178 = arith.constant 2 : i32
        %mul3A_179 = arith.muli %mul3A_178, %scan3A_177 : i32
        %dma_wait3A_180 = arith.constant 0 : i32
        %dma_wait3A_181 = tpu.memref_slice %arg8[%mul3A_179, %dma_wait3A_180] : memref<16x128xi32, #tpu.memory_space<vmem>> -> memref<1x128xi32, #tpu.memory_space<vmem>>
        %dma_wait3A_182 = tpu.memref_squeeze %dma_wait3A_181 : memref<1x128xi32, #tpu.memory_space<vmem>> -> memref<128xi32, #tpu.memory_space<vmem>>
        %dma_wait3A_183 = arith.constant 0 : i32
        %dma_wait3A_184 = arith.constant 0 : i32
        %dma_wait3A_185 = tpu.memref_slice %arg2[%dma_wait3A_183, %dma_wait3A_184] : memref<10000x128xf32, #tpu.memory_space<hbm>> -> memref<10000x128xf32, #tpu.memory_space<hbm>>
        tpu.wait_indirect_dma semaphore(%arg14 : memref<!tpu.dma_semaphore, #tpu.memory_space<semaphore_mem>>) src(%dma_wait3A_185 : memref<10000x128xf32, #tpu.memory_space<hbm>>) dst(%arg12 : memref<128x128xf32, #tpu.memory_space<vmem>>)
        %add3A_186 = arith.constant 1 : i32
        %add3A_187 = arith.addi %mul3A_179, %add3A_186 : i32
        %dma_start3A_188 = arith.constant 0 : i32
        %dma_start3A_189 = tpu.memref_slice %arg8[%add3A_187, %dma_start3A_188] : memref<16x128xi32, #tpu.memory_space<vmem>> -> memref<1x128xi32, #tpu.memory_space<vmem>>
        %dma_start3A_190 = tpu.memref_squeeze %dma_start3A_189 : memref<1x128xi32, #tpu.memory_space<vmem>> -> memref<128xi32, #tpu.memory_space<vmem>>
        %dma_start3A_191 = arith.constant 0 : i32
        %dma_start3A_192 = arith.constant 0 : i32
        %dma_start3A_193 = tpu.memref_slice %arg2[%dma_start3A_191, %dma_start3A_192] : memref<10000x128xf32, #tpu.memory_space<hbm>> -> memref<10000x128xf32, #tpu.memory_space<hbm>>
        tpu.enqueue_indirect_dma source(%dma_start3A_193 : memref<10000x128xf32, #tpu.memory_space<hbm>>) target(%arg13 : memref<128x128xf32, #tpu.memory_space<vmem>>) offsets(%dma_start3A_190 : memref<128xi32, #tpu.memory_space<vmem>>) semaphore(%arg15 : memref<!tpu.dma_semaphore, #tpu.memory_space<semaphore_mem>>)
        "tpu.region"() ({
          %run_scoped3A = tpu.sem_alloc : memref<!tpu.dma_semaphore, #tpu.memory_space<semaphore_mem>>
          %dma_start3A_213 = arith.constant 0 : i32
          %dma_start3A_214 = tpu.memref_slice %arg9[%mul3A_179, %dma_start3A_213] : memref<16x128xi32, #tpu.memory_space<vmem>> -> memref<1x128xi32, #tpu.memory_space<vmem>>
          %dma_start3A_215 = tpu.memref_squeeze %dma_start3A_214 : memref<1x128xi32, #tpu.memory_space<vmem>> -> memref<128xi32, #tpu.memory_space<vmem>>
          %dma_start3A_216 = arith.constant 0 : i32
          %dma_start3A_217 = arith.constant 0 : i32
          %dma_start3A_218 = tpu.memref_slice %arg7[%dma_start3A_216, %dma_start3A_217] : memref<10112x128xf32, #tpu.memory_space<vmem_shared>> -> memref<10112x128xf32, #tpu.memory_space<vmem_shared>>
          tpu.enqueue_indirect_dma source(%arg12 : memref<128x128xf32, #tpu.memory_space<vmem>>) target(%dma_start3A_218 : memref<10112x128xf32, #tpu.memory_space<vmem_shared>>) offsets(%dma_start3A_215 : memref<128xi32, #tpu.memory_space<vmem>>) semaphore(%run_scoped3A : memref<!tpu.dma_semaphore, #tpu.memory_space<semaphore_mem>>) {add = true}
          %dma_wait3A_219 = arith.constant 0 : i32
          %dma_wait3A_220 = tpu.memref_slice %arg9[%mul3A_179, %dma_wait3A_219] : memref<16x128xi32, #tpu.memory_space<vmem>> -> memref<1x128xi32, #tpu.memory_space<vmem>>
          %dma_wait3A_221 = tpu.memref_squeeze %dma_wait3A_220 : memref<1x128xi32, #tpu.memory_space<vmem>> -> memref<128xi32, #tpu.memory_space<vmem>>
          %dma_wait3A_222 = arith.constant 0 : i32
          %dma_wait3A_223 = arith.constant 0 : i32
          %dma_wait3A_224 = tpu.memref_slice %arg7[%dma_wait3A_222, %dma_wait3A_223] : memref<10112x128xf32, #tpu.memory_space<vmem_shared>> -> memref<10112x128xf32, #tpu.memory_space<vmem_shared>>
          tpu.wait_indirect_dma semaphore(%run_scoped3A : memref<!tpu.dma_semaphore, #tpu.memory_space<semaphore_mem>>) src(%arg12 : memref<128x128xf32, #tpu.memory_space<vmem>>) dst(%dma_wait3A_224 : memref<10112x128xf32, #tpu.memory_space<vmem_shared>>)
          tpu.yield
        }) : () -> ()
        %add3A_194 = arith.constant 2 : i32
        %add3A_195 = arith.addi %mul3A_179, %add3A_194 : i32
        %min3A = arith.constant 15 : i32
        %min3A_196 = arith.minsi %add3A_195, %min3A : i32
        %add3A_197 = arith.constant 1 : i32
        %add3A_198 = arith.addi %mul3A_179, %add3A_197 : i32
        %dma_wait3A_199 = arith.constant 0 : i32
        %dma_wait3A_200 = tpu.memref_slice %arg8[%add3A_198, %dma_wait3A_199] : memref<16x128xi32, #tpu.memory_space<vmem>> -> memref<1x128xi32, #tpu.memory_space<vmem>>
        %dma_wait3A_201 = tpu.memref_squeeze %dma_wait3A_200 : memref<1x128xi32, #tpu.memory_space<vmem>> -> memref<128xi32, #tpu.memory_space<vmem>>
        %dma_wait3A_202 = arith.constant 0 : i32
        %dma_wait3A_203 = arith.constant 0 : i32
        %dma_wait3A_204 = tpu.memref_slice %arg2[%dma_wait3A_202, %dma_wait3A_203] : memref<10000x128xf32, #tpu.memory_space<hbm>> -> memref<10000x128xf32, #tpu.memory_space<hbm>>
        tpu.wait_indirect_dma semaphore(%arg15 : memref<!tpu.dma_semaphore, #tpu.memory_space<semaphore_mem>>) src(%dma_wait3A_204 : memref<10000x128xf32, #tpu.memory_space<hbm>>) dst(%arg13 : memref<128x128xf32, #tpu.memory_space<vmem>>)
        %dma_start3A_205 = arith.constant 0 : i32
        %dma_start3A_206 = tpu.memref_slice %arg8[%min3A_196, %dma_start3A_205] : memref<16x128xi32, #tpu.memory_space<vmem>> -> memref<1x128xi32, #tpu.memory_space<vmem>>
        %dma_start3A_207 = tpu.memref_squeeze %dma_start3A_206 : memref<1x128xi32, #tpu.memory_space<vmem>> -> memref<128xi32, #tpu.memory_space<vmem>>
        %dma_start3A_208 = arith.constant 0 : i32
        %dma_start3A_209 = arith.constant 0 : i32
        %dma_start3A_210 = tpu.memref_slice %arg2[%dma_start3A_208, %dma_start3A_209] : memref<10000x128xf32, #tpu.memory_space<hbm>> -> memref<10000x128xf32, #tpu.memory_space<hbm>>
        tpu.enqueue_indirect_dma source(%dma_start3A_210 : memref<10000x128xf32, #tpu.memory_space<hbm>>) target(%arg12 : memref<128x128xf32, #tpu.memory_space<vmem>>) offsets(%dma_start3A_207 : memref<128xi32, #tpu.memory_space<vmem>>) semaphore(%arg14 : memref<!tpu.dma_semaphore, #tpu.memory_space<semaphore_mem>>)
        %add3A_211 = arith.constant 1 : i32
        %add3A_212 = arith.addi %mul3A_179, %add3A_211 : i32
        "tpu.region"() ({
          %run_scoped3A = tpu.sem_alloc : memref<!tpu.dma_semaphore, #tpu.memory_space<semaphore_mem>>
          %dma_start3A_213 = arith.constant 0 : i32
          %dma_start3A_214 = tpu.memref_slice %arg9[%add3A_212, %dma_start3A_213] : memref<16x128xi32, #tpu.memory_space<vmem>> -> memref<1x128xi32, #tpu.memory_space<vmem>>
          %dma_start3A_215 = tpu.memref_squeeze %dma_start3A_214 : memref<1x128xi32, #tpu.memory_space<vmem>> -> memref<128xi32, #tpu.memory_space<vmem>>
          %dma_start3A_216 = arith.constant 0 : i32
          %dma_start3A_217 = arith.constant 0 : i32
          %dma_start3A_218 = tpu.memref_slice %arg7[%dma_start3A_216, %dma_start3A_217] : memref<10112x128xf32, #tpu.memory_space<vmem_shared>> -> memref<10112x128xf32, #tpu.memory_space<vmem_shared>>
          tpu.enqueue_indirect_dma source(%arg13 : memref<128x128xf32, #tpu.memory_space<vmem>>) target(%dma_start3A_218 : memref<10112x128xf32, #tpu.memory_space<vmem_shared>>) offsets(%dma_start3A_215 : memref<128xi32, #tpu.memory_space<vmem>>) semaphore(%run_scoped3A : memref<!tpu.dma_semaphore, #tpu.memory_space<semaphore_mem>>) {add = true}
          %dma_wait3A_219 = arith.constant 0 : i32
          %dma_wait3A_220 = tpu.memref_slice %arg9[%add3A_212, %dma_wait3A_219] : memref<16x128xi32, #tpu.memory_space<vmem>> -> memref<1x128xi32, #tpu.memory_space<vmem>>
          %dma_wait3A_221 = tpu.memref_squeeze %dma_wait3A_220 : memref<1x128xi32, #tpu.memory_space<vmem>> -> memref<128xi32, #tpu.memory_space<vmem>>
          %dma_wait3A_222 = arith.constant 0 : i32
          %dma_wait3A_223 = arith.constant 0 : i32
          %dma_wait3A_224 = tpu.memref_slice %arg7[%dma_wait3A_222, %dma_wait3A_223] : memref<10112x128xf32, #tpu.memory_space<vmem_shared>> -> memref<10112x128xf32, #tpu.memory_space<vmem_shared>>
          tpu.wait_indirect_dma semaphore(%run_scoped3A : memref<!tpu.dma_semaphore, #tpu.memory_space<semaphore_mem>>) src(%arg13 : memref<128x128xf32, #tpu.memory_space<vmem>>) dst(%dma_wait3A_224 : memref<10112x128xf32, #tpu.memory_space<vmem_shared>>)
          tpu.yield
        }) : () -> ()
      }
      %scan3A_49 = arith.constant 8 : i32
      %dma_wait3A_50 = arith.constant 15 : i32
      %dma_wait3A_51 = arith.constant 0 : i32
      %dma_wait3A_52 = tpu.memref_slice %arg8[%dma_wait3A_50, %dma_wait3A_51] : memref<16x128xi32, #tpu.memory_space<vmem>> -> memref<1x128xi32, #tpu.memory_space<vmem>>
      %dma_wait3A_53 = tpu.memref_squeeze %dma_wait3A_52 : memref<1x128xi32, #tpu.memory_space<vmem>> -> memref<128xi32, #tpu.memory_space<vmem>>
      %dma_wait3A_54 = arith.constant 0 : i32
      %dma_wait3A_55 = arith.constant 0 : i32
      %dma_wait3A_56 = tpu.memref_slice %arg2[%dma_wait3A_54, %dma_wait3A_55] : memref<10000x128xf32, #tpu.memory_space<hbm>> -> memref<10000x128xf32, #tpu.memory_space<hbm>>
      tpu.wait_indirect_dma semaphore(%arg14 : memref<!tpu.dma_semaphore, #tpu.memory_space<semaphore_mem>>) src(%dma_wait3A_56 : memref<10000x128xf32, #tpu.memory_space<hbm>>) dst(%arg12 : memref<128x128xf32, #tpu.memory_space<vmem>>)
      %mul3A_57 = arith.constant 112 : i32
      %mul3A_58 = arith.muli %arg1, %mul3A_57 : i32
      %add3A_59 = arith.constant 32 : i32
      %add3A_60 = arith.addi %mul3A_58, %add3A_59 : i32
      "tpu.region"() ({
        %run_scoped3A = tpu.sem_alloc : memref<!tpu.dma_semaphore, #tpu.memory_space<semaphore_mem>>
        %dma_start3A_177 = arith.constant 0 : i32
        %dma_start3A_178 = tpu.memref_slice %arg3[%add3A_60, %dma_start3A_177] : memref<2560x128xi32, #tpu.memory_space<hbm>> -> memref<16x128xi32, #tpu.memory_space<hbm>>
        %dma_start3A_179 = arith.constant 0 : i32
        %dma_start3A_180 = tpu.memref_slice %arg3[%add3A_60, %dma_start3A_179] : memref<2560x128xi32, #tpu.memory_space<hbm>> -> memref<16x128xi32, #tpu.memory_space<hbm>>
        tpu.enqueue_dma source(%dma_start3A_180 : memref<16x128xi32, #tpu.memory_space<hbm>>) target(%arg8 : memref<16x128xi32, #tpu.memory_space<vmem>>) target_semaphore(%run_scoped3A : memref<!tpu.dma_semaphore, #tpu.memory_space<semaphore_mem>>)
        %dma_wait3A_181 = arith.constant 0 : i32
        %dma_wait3A_182 = tpu.memref_slice %arg3[%add3A_60, %dma_wait3A_181] : memref<2560x128xi32, #tpu.memory_space<hbm>> -> memref<16x128xi32, #tpu.memory_space<hbm>>
        %dma_wait3A_183 = arith.constant 0 : i32
        %dma_wait3A_184 = tpu.memref_slice %arg3[%add3A_60, %dma_wait3A_183] : memref<2560x128xi32, #tpu.memory_space<hbm>> -> memref<16x128xi32, #tpu.memory_space<hbm>>
        tpu.wait_dma2 semaphore(%run_scoped3A : memref<!tpu.dma_semaphore, #tpu.memory_space<semaphore_mem>>) src(%dma_wait3A_184 : memref<16x128xi32, #tpu.memory_space<hbm>>) dst(%arg8 : memref<16x128xi32, #tpu.memory_space<vmem>>)
        tpu.yield
      }) : () -> ()
      "tpu.region"() ({
        %run_scoped3A = tpu.sem_alloc : memref<!tpu.dma_semaphore, #tpu.memory_space<semaphore_mem>>
        %dma_start3A_177 = arith.constant 0 : i32
        %dma_start3A_178 = tpu.memref_slice %arg4[%add3A_60, %dma_start3A_177] : memref<2560x128xi32, #tpu.memory_space<hbm>> -> memref<16x128xi32, #tpu.memory_space<hbm>>
        %dma_start3A_179 = arith.constant 0 : i32
        %dma_start3A_180 = tpu.memref_slice %arg4[%add3A_60, %dma_start3A_179] : memref<2560x128xi32, #tpu.memory_space<hbm>> -> memref<16x128xi32, #tpu.memory_space<hbm>>
        tpu.enqueue_dma source(%dma_start3A_180 : memref<16x128xi32, #tpu.memory_space<hbm>>) target(%arg9 : memref<16x128xi32, #tpu.memory_space<vmem>>) target_semaphore(%run_scoped3A : memref<!tpu.dma_semaphore, #tpu.memory_space<semaphore_mem>>)
        %dma_wait3A_181 = arith.constant 0 : i32
        %dma_wait3A_182 = tpu.memref_slice %arg4[%add3A_60, %dma_wait3A_181] : memref<2560x128xi32, #tpu.memory_space<hbm>> -> memref<16x128xi32, #tpu.memory_space<hbm>>
        %dma_wait3A_183 = arith.constant 0 : i32
        %dma_wait3A_184 = tpu.memref_slice %arg4[%add3A_60, %dma_wait3A_183] : memref<2560x128xi32, #tpu.memory_space<hbm>> -> memref<16x128xi32, #tpu.memory_space<hbm>>
        tpu.wait_dma2 semaphore(%run_scoped3A : memref<!tpu.dma_semaphore, #tpu.memory_space<semaphore_mem>>) src(%dma_wait3A_184 : memref<16x128xi32, #tpu.memory_space<hbm>>) dst(%arg9 : memref<16x128xi32, #tpu.memory_space<vmem>>)
        tpu.yield
      }) : () -> ()
      %dma_start3A_61 = arith.constant 0 : i32
      %dma_start3A_62 = arith.constant 0 : i32
      %dma_start3A_63 = tpu.memref_slice %arg8[%dma_start3A_61, %dma_start3A_62] : memref<16x128xi32, #tpu.memory_space<vmem>> -> memref<1x128xi32, #tpu.memory_space<vmem>>
      %dma_start3A_64 = tpu.memref_squeeze %dma_start3A_63 : memref<1x128xi32, #tpu.memory_space<vmem>> -> memref<128xi32, #tpu.memory_space<vmem>>
      %dma_start3A_65 = arith.constant 0 : i32
      %dma_start3A_66 = arith.constant 0 : i32
      %dma_start3A_67 = tpu.memref_slice %arg2[%dma_start3A_65, %dma_start3A_66] : memref<10000x128xf32, #tpu.memory_space<hbm>> -> memref<10000x128xf32, #tpu.memory_space<hbm>>
      tpu.enqueue_indirect_dma source(%dma_start3A_67 : memref<10000x128xf32, #tpu.memory_space<hbm>>) target(%arg12 : memref<128x128xf32, #tpu.memory_space<vmem>>) offsets(%dma_start3A_64 : memref<128xi32, #tpu.memory_space<vmem>>) semaphore(%arg14 : memref<!tpu.dma_semaphore, #tpu.memory_space<semaphore_mem>>)
      %scan3A_68 = arith.constant 0 : i32
      %scan3A_69 = arith.constant 0 : i32
      %scan3A_70 = arith.constant 8 : i32
      %scan3A_71 = arith.addi %scan3A_69, %scan3A_70 : i32
      %scan3A_72 = arith.constant 1 : i32
      scf.for %scan3A_177 = %scan3A_69 to %scan3A_71 step %scan3A_72  : i32 {
        %mul3A_178 = arith.constant 2 : i32
        %mul3A_179 = arith.muli %mul3A_178, %scan3A_177 : i32
        %dma_wait3A_180 = arith.constant 0 : i32
        %dma_wait3A_181 = tpu.memref_slice %arg8[%mul3A_179, %dma_wait3A_180] : memref<16x128xi32, #tpu.memory_space<vmem>> -> memref<1x128xi32, #tpu.memory_space<vmem>>
        %dma_wait3A_182 = tpu.memref_squeeze %dma_wait3A_181 : memref<1x128xi32, #tpu.memory_space<vmem>> -> memref<128xi32, #tpu.memory_space<vmem>>
        %dma_wait3A_183 = arith.constant 0 : i32
        %dma_wait3A_184 = arith.constant 0 : i32
        %dma_wait3A_185 = tpu.memref_slice %arg2[%dma_wait3A_183, %dma_wait3A_184] : memref<10000x128xf32, #tpu.memory_space<hbm>> -> memref<10000x128xf32, #tpu.memory_space<hbm>>
        tpu.wait_indirect_dma semaphore(%arg14 : memref<!tpu.dma_semaphore, #tpu.memory_space<semaphore_mem>>) src(%dma_wait3A_185 : memref<10000x128xf32, #tpu.memory_space<hbm>>) dst(%arg12 : memref<128x128xf32, #tpu.memory_space<vmem>>)
        %add3A_186 = arith.constant 1 : i32
        %add3A_187 = arith.addi %mul3A_179, %add3A_186 : i32
        %dma_start3A_188 = arith.constant 0 : i32
        %dma_start3A_189 = tpu.memref_slice %arg8[%add3A_187, %dma_start3A_188] : memref<16x128xi32, #tpu.memory_space<vmem>> -> memref<1x128xi32, #tpu.memory_space<vmem>>
        %dma_start3A_190 = tpu.memref_squeeze %dma_start3A_189 : memref<1x128xi32, #tpu.memory_space<vmem>> -> memref<128xi32, #tpu.memory_space<vmem>>
        %dma_start3A_191 = arith.constant 0 : i32
        %dma_start3A_192 = arith.constant 0 : i32
        %dma_start3A_193 = tpu.memref_slice %arg2[%dma_start3A_191, %dma_start3A_192] : memref<10000x128xf32, #tpu.memory_space<hbm>> -> memref<10000x128xf32, #tpu.memory_space<hbm>>
        tpu.enqueue_indirect_dma source(%dma_start3A_193 : memref<10000x128xf32, #tpu.memory_space<hbm>>) target(%arg13 : memref<128x128xf32, #tpu.memory_space<vmem>>) offsets(%dma_start3A_190 : memref<128xi32, #tpu.memory_space<vmem>>) semaphore(%arg15 : memref<!tpu.dma_semaphore, #tpu.memory_space<semaphore_mem>>)
        "tpu.region"() ({
          %run_scoped3A = tpu.sem_alloc : memref<!tpu.dma_semaphore, #tpu.memory_space<semaphore_mem>>
          %dma_start3A_213 = arith.constant 0 : i32
          %dma_start3A_214 = tpu.memref_slice %arg9[%mul3A_179, %dma_start3A_213] : memref<16x128xi32, #tpu.memory_space<vmem>> -> memref<1x128xi32, #tpu.memory_space<vmem>>
          %dma_start3A_215 = tpu.memref_squeeze %dma_start3A_214 : memref<1x128xi32, #tpu.memory_space<vmem>> -> memref<128xi32, #tpu.memory_space<vmem>>
          %dma_start3A_216 = arith.constant 0 : i32
          %dma_start3A_217 = arith.constant 0 : i32
          %dma_start3A_218 = tpu.memref_slice %arg7[%dma_start3A_216, %dma_start3A_217] : memref<10112x128xf32, #tpu.memory_space<vmem_shared>> -> memref<10112x128xf32, #tpu.memory_space<vmem_shared>>
          tpu.enqueue_indirect_dma source(%arg12 : memref<128x128xf32, #tpu.memory_space<vmem>>) target(%dma_start3A_218 : memref<10112x128xf32, #tpu.memory_space<vmem_shared>>) offsets(%dma_start3A_215 : memref<128xi32, #tpu.memory_space<vmem>>) semaphore(%run_scoped3A : memref<!tpu.dma_semaphore, #tpu.memory_space<semaphore_mem>>) {add = true}
          %dma_wait3A_219 = arith.constant 0 : i32
          %dma_wait3A_220 = tpu.memref_slice %arg9[%mul3A_179, %dma_wait3A_219] : memref<16x128xi32, #tpu.memory_space<vmem>> -> memref<1x128xi32, #tpu.memory_space<vmem>>
          %dma_wait3A_221 = tpu.memref_squeeze %dma_wait3A_220 : memref<1x128xi32, #tpu.memory_space<vmem>> -> memref<128xi32, #tpu.memory_space<vmem>>
          %dma_wait3A_222 = arith.constant 0 : i32
          %dma_wait3A_223 = arith.constant 0 : i32
          %dma_wait3A_224 = tpu.memref_slice %arg7[%dma_wait3A_222, %dma_wait3A_223] : memref<10112x128xf32, #tpu.memory_space<vmem_shared>> -> memref<10112x128xf32, #tpu.memory_space<vmem_shared>>
          tpu.wait_indirect_dma semaphore(%run_scoped3A : memref<!tpu.dma_semaphore, #tpu.memory_space<semaphore_mem>>) src(%arg12 : memref<128x128xf32, #tpu.memory_space<vmem>>) dst(%dma_wait3A_224 : memref<10112x128xf32, #tpu.memory_space<vmem_shared>>)
          tpu.yield
        }) : () -> ()
        %add3A_194 = arith.constant 2 : i32
        %add3A_195 = arith.addi %mul3A_179, %add3A_194 : i32
        %min3A = arith.constant 15 : i32
        %min3A_196 = arith.minsi %add3A_195, %min3A : i32
        %add3A_197 = arith.constant 1 : i32
        %add3A_198 = arith.addi %mul3A_179, %add3A_197 : i32
        %dma_wait3A_199 = arith.constant 0 : i32
        %dma_wait3A_200 = tpu.memref_slice %arg8[%add3A_198, %dma_wait3A_199] : memref<16x128xi32, #tpu.memory_space<vmem>> -> memref<1x128xi32, #tpu.memory_space<vmem>>
        %dma_wait3A_201 = tpu.memref_squeeze %dma_wait3A_200 : memref<1x128xi32, #tpu.memory_space<vmem>> -> memref<128xi32, #tpu.memory_space<vmem>>
        %dma_wait3A_202 = arith.constant 0 : i32
        %dma_wait3A_203 = arith.constant 0 : i32
        %dma_wait3A_204 = tpu.memref_slice %arg2[%dma_wait3A_202, %dma_wait3A_203] : memref<10000x128xf32, #tpu.memory_space<hbm>> -> memref<10000x128xf32, #tpu.memory_space<hbm>>
        tpu.wait_indirect_dma semaphore(%arg15 : memref<!tpu.dma_semaphore, #tpu.memory_space<semaphore_mem>>) src(%dma_wait3A_204 : memref<10000x128xf32, #tpu.memory_space<hbm>>) dst(%arg13 : memref<128x128xf32, #tpu.memory_space<vmem>>)
        %dma_start3A_205 = arith.constant 0 : i32
        %dma_start3A_206 = tpu.memref_slice %arg8[%min3A_196, %dma_start3A_205] : memref<16x128xi32, #tpu.memory_space<vmem>> -> memref<1x128xi32, #tpu.memory_space<vmem>>
        %dma_start3A_207 = tpu.memref_squeeze %dma_start3A_206 : memref<1x128xi32, #tpu.memory_space<vmem>> -> memref<128xi32, #tpu.memory_space<vmem>>
        %dma_start3A_208 = arith.constant 0 : i32
        %dma_start3A_209 = arith.constant 0 : i32
        %dma_start3A_210 = tpu.memref_slice %arg2[%dma_start3A_208, %dma_start3A_209] : memref<10000x128xf32, #tpu.memory_space<hbm>> -> memref<10000x128xf32, #tpu.memory_space<hbm>>
        tpu.enqueue_indirect_dma source(%dma_start3A_210 : memref<10000x128xf32, #tpu.memory_space<hbm>>) target(%arg12 : memref<128x128xf32, #tpu.memory_space<vmem>>) offsets(%dma_start3A_207 : memref<128xi32, #tpu.memory_space<vmem>>) semaphore(%arg14 : memref<!tpu.dma_semaphore, #tpu.memory_space<semaphore_mem>>)
        %add3A_211 = arith.constant 1 : i32
        %add3A_212 = arith.addi %mul3A_179, %add3A_211 : i32
        "tpu.region"() ({
          %run_scoped3A = tpu.sem_alloc : memref<!tpu.dma_semaphore, #tpu.memory_space<semaphore_mem>>
          %dma_start3A_213 = arith.constant 0 : i32
          %dma_start3A_214 = tpu.memref_slice %arg9[%add3A_212, %dma_start3A_213] : memref<16x128xi32, #tpu.memory_space<vmem>> -> memref<1x128xi32, #tpu.memory_space<vmem>>
          %dma_start3A_215 = tpu.memref_squeeze %dma_start3A_214 : memref<1x128xi32, #tpu.memory_space<vmem>> -> memref<128xi32, #tpu.memory_space<vmem>>
          %dma_start3A_216 = arith.constant 0 : i32
          %dma_start3A_217 = arith.constant 0 : i32
          %dma_start3A_218 = tpu.memref_slice %arg7[%dma_start3A_216, %dma_start3A_217] : memref<10112x128xf32, #tpu.memory_space<vmem_shared>> -> memref<10112x128xf32, #tpu.memory_space<vmem_shared>>
          tpu.enqueue_indirect_dma source(%arg13 : memref<128x128xf32, #tpu.memory_space<vmem>>) target(%dma_start3A_218 : memref<10112x128xf32, #tpu.memory_space<vmem_shared>>) offsets(%dma_start3A_215 : memref<128xi32, #tpu.memory_space<vmem>>) semaphore(%run_scoped3A : memref<!tpu.dma_semaphore, #tpu.memory_space<semaphore_mem>>) {add = true}
          %dma_wait3A_219 = arith.constant 0 : i32
          %dma_wait3A_220 = tpu.memref_slice %arg9[%add3A_212, %dma_wait3A_219] : memref<16x128xi32, #tpu.memory_space<vmem>> -> memref<1x128xi32, #tpu.memory_space<vmem>>
          %dma_wait3A_221 = tpu.memref_squeeze %dma_wait3A_220 : memref<1x128xi32, #tpu.memory_space<vmem>> -> memref<128xi32, #tpu.memory_space<vmem>>
          %dma_wait3A_222 = arith.constant 0 : i32
          %dma_wait3A_223 = arith.constant 0 : i32
          %dma_wait3A_224 = tpu.memref_slice %arg7[%dma_wait3A_222, %dma_wait3A_223] : memref<10112x128xf32, #tpu.memory_space<vmem_shared>> -> memref<10112x128xf32, #tpu.memory_space<vmem_shared>>
          tpu.wait_indirect_dma semaphore(%run_scoped3A : memref<!tpu.dma_semaphore, #tpu.memory_space<semaphore_mem>>) src(%arg13 : memref<128x128xf32, #tpu.memory_space<vmem>>) dst(%dma_wait3A_224 : memref<10112x128xf32, #tpu.memory_space<vmem_shared>>)
          tpu.yield
        }) : () -> ()
      }
      %scan3A_73 = arith.constant 8 : i32
      %dma_wait3A_74 = arith.constant 15 : i32
      %dma_wait3A_75 = arith.constant 0 : i32
      %dma_wait3A_76 = tpu.memref_slice %arg8[%dma_wait3A_74, %dma_wait3A_75] : memref<16x128xi32, #tpu.memory_space<vmem>> -> memref<1x128xi32, #tpu.memory_space<vmem>>
      %dma_wait3A_77 = tpu.memref_squeeze %dma_wait3A_76 : memref<1x128xi32, #tpu.memory_space<vmem>> -> memref<128xi32, #tpu.memory_space<vmem>>
      %dma_wait3A_78 = arith.constant 0 : i32
      %dma_wait3A_79 = arith.constant 0 : i32
      %dma_wait3A_80 = tpu.memref_slice %arg2[%dma_wait3A_78, %dma_wait3A_79] : memref<10000x128xf32, #tpu.memory_space<hbm>> -> memref<10000x128xf32, #tpu.memory_space<hbm>>
      tpu.wait_indirect_dma semaphore(%arg14 : memref<!tpu.dma_semaphore, #tpu.memory_space<semaphore_mem>>) src(%dma_wait3A_80 : memref<10000x128xf32, #tpu.memory_space<hbm>>) dst(%arg12 : memref<128x128xf32, #tpu.memory_space<vmem>>)
      %mul3A_81 = arith.constant 112 : i32
      %mul3A_82 = arith.muli %arg1, %mul3A_81 : i32
      %add3A_83 = arith.constant 48 : i32
      %add3A_84 = arith.addi %mul3A_82, %add3A_83 : i32
      "tpu.region"() ({
        %run_scoped3A = tpu.sem_alloc : memref<!tpu.dma_semaphore, #tpu.memory_space<semaphore_mem>>
        %dma_start3A_177 = arith.constant 0 : i32
        %dma_start3A_178 = tpu.memref_slice %arg3[%add3A_84, %dma_start3A_177] : memref<2560x128xi32, #tpu.memory_space<hbm>> -> memref<16x128xi32, #tpu.memory_space<hbm>>
        %dma_start3A_179 = arith.constant 0 : i32
        %dma_start3A_180 = tpu.memref_slice %arg3[%add3A_84, %dma_start3A_179] : memref<2560x128xi32, #tpu.memory_space<hbm>> -> memref<16x128xi32, #tpu.memory_space<hbm>>
        tpu.enqueue_dma source(%dma_start3A_180 : memref<16x128xi32, #tpu.memory_space<hbm>>) target(%arg8 : memref<16x128xi32, #tpu.memory_space<vmem>>) target_semaphore(%run_scoped3A : memref<!tpu.dma_semaphore, #tpu.memory_space<semaphore_mem>>)
        %dma_wait3A_181 = arith.constant 0 : i32
        %dma_wait3A_182 = tpu.memref_slice %arg3[%add3A_84, %dma_wait3A_181] : memref<2560x128xi32, #tpu.memory_space<hbm>> -> memref<16x128xi32, #tpu.memory_space<hbm>>
        %dma_wait3A_183 = arith.constant 0 : i32
        %dma_wait3A_184 = tpu.memref_slice %arg3[%add3A_84, %dma_wait3A_183] : memref<2560x128xi32, #tpu.memory_space<hbm>> -> memref<16x128xi32, #tpu.memory_space<hbm>>
        tpu.wait_dma2 semaphore(%run_scoped3A : memref<!tpu.dma_semaphore, #tpu.memory_space<semaphore_mem>>) src(%dma_wait3A_184 : memref<16x128xi32, #tpu.memory_space<hbm>>) dst(%arg8 : memref<16x128xi32, #tpu.memory_space<vmem>>)
        tpu.yield
      }) : () -> ()
      "tpu.region"() ({
        %run_scoped3A = tpu.sem_alloc : memref<!tpu.dma_semaphore, #tpu.memory_space<semaphore_mem>>
        %dma_start3A_177 = arith.constant 0 : i32
        %dma_start3A_178 = tpu.memref_slice %arg4[%add3A_84, %dma_start3A_177] : memref<2560x128xi32, #tpu.memory_space<hbm>> -> memref<16x128xi32, #tpu.memory_space<hbm>>
        %dma_start3A_179 = arith.constant 0 : i32
        %dma_start3A_180 = tpu.memref_slice %arg4[%add3A_84, %dma_start3A_179] : memref<2560x128xi32, #tpu.memory_space<hbm>> -> memref<16x128xi32, #tpu.memory_space<hbm>>
        tpu.enqueue_dma source(%dma_start3A_180 : memref<16x128xi32, #tpu.memory_space<hbm>>) target(%arg9 : memref<16x128xi32, #tpu.memory_space<vmem>>) target_semaphore(%run_scoped3A : memref<!tpu.dma_semaphore, #tpu.memory_space<semaphore_mem>>)
        %dma_wait3A_181 = arith.constant 0 : i32
        %dma_wait3A_182 = tpu.memref_slice %arg4[%add3A_84, %dma_wait3A_181] : memref<2560x128xi32, #tpu.memory_space<hbm>> -> memref<16x128xi32, #tpu.memory_space<hbm>>
        %dma_wait3A_183 = arith.constant 0 : i32
        %dma_wait3A_184 = tpu.memref_slice %arg4[%add3A_84, %dma_wait3A_183] : memref<2560x128xi32, #tpu.memory_space<hbm>> -> memref<16x128xi32, #tpu.memory_space<hbm>>
        tpu.wait_dma2 semaphore(%run_scoped3A : memref<!tpu.dma_semaphore, #tpu.memory_space<semaphore_mem>>) src(%dma_wait3A_184 : memref<16x128xi32, #tpu.memory_space<hbm>>) dst(%arg9 : memref<16x128xi32, #tpu.memory_space<vmem>>)
        tpu.yield
      }) : () -> ()
      %dma_start3A_85 = arith.constant 0 : i32
      %dma_start3A_86 = arith.constant 0 : i32
      %dma_start3A_87 = tpu.memref_slice %arg8[%dma_start3A_85, %dma_start3A_86] : memref<16x128xi32, #tpu.memory_space<vmem>> -> memref<1x128xi32, #tpu.memory_space<vmem>>
      %dma_start3A_88 = tpu.memref_squeeze %dma_start3A_87 : memref<1x128xi32, #tpu.memory_space<vmem>> -> memref<128xi32, #tpu.memory_space<vmem>>
      %dma_start3A_89 = arith.constant 0 : i32
      %dma_start3A_90 = arith.constant 0 : i32
      %dma_start3A_91 = tpu.memref_slice %arg2[%dma_start3A_89, %dma_start3A_90] : memref<10000x128xf32, #tpu.memory_space<hbm>> -> memref<10000x128xf32, #tpu.memory_space<hbm>>
      tpu.enqueue_indirect_dma source(%dma_start3A_91 : memref<10000x128xf32, #tpu.memory_space<hbm>>) target(%arg12 : memref<128x128xf32, #tpu.memory_space<vmem>>) offsets(%dma_start3A_88 : memref<128xi32, #tpu.memory_space<vmem>>) semaphore(%arg14 : memref<!tpu.dma_semaphore, #tpu.memory_space<semaphore_mem>>)
      %scan3A_92 = arith.constant 0 : i32
      %scan3A_93 = arith.constant 0 : i32
      %scan3A_94 = arith.constant 8 : i32
      %scan3A_95 = arith.addi %scan3A_93, %scan3A_94 : i32
      %scan3A_96 = arith.constant 1 : i32
      scf.for %scan3A_177 = %scan3A_93 to %scan3A_95 step %scan3A_96  : i32 {
        %mul3A_178 = arith.constant 2 : i32
        %mul3A_179 = arith.muli %mul3A_178, %scan3A_177 : i32
        %dma_wait3A_180 = arith.constant 0 : i32
        %dma_wait3A_181 = tpu.memref_slice %arg8[%mul3A_179, %dma_wait3A_180] : memref<16x128xi32, #tpu.memory_space<vmem>> -> memref<1x128xi32, #tpu.memory_space<vmem>>
        %dma_wait3A_182 = tpu.memref_squeeze %dma_wait3A_181 : memref<1x128xi32, #tpu.memory_space<vmem>> -> memref<128xi32, #tpu.memory_space<vmem>>
        %dma_wait3A_183 = arith.constant 0 : i32
        %dma_wait3A_184 = arith.constant 0 : i32
        %dma_wait3A_185 = tpu.memref_slice %arg2[%dma_wait3A_183, %dma_wait3A_184] : memref<10000x128xf32, #tpu.memory_space<hbm>> -> memref<10000x128xf32, #tpu.memory_space<hbm>>
        tpu.wait_indirect_dma semaphore(%arg14 : memref<!tpu.dma_semaphore, #tpu.memory_space<semaphore_mem>>) src(%dma_wait3A_185 : memref<10000x128xf32, #tpu.memory_space<hbm>>) dst(%arg12 : memref<128x128xf32, #tpu.memory_space<vmem>>)
        %add3A_186 = arith.constant 1 : i32
        %add3A_187 = arith.addi %mul3A_179, %add3A_186 : i32
        %dma_start3A_188 = arith.constant 0 : i32
        %dma_start3A_189 = tpu.memref_slice %arg8[%add3A_187, %dma_start3A_188] : memref<16x128xi32, #tpu.memory_space<vmem>> -> memref<1x128xi32, #tpu.memory_space<vmem>>
        %dma_start3A_190 = tpu.memref_squeeze %dma_start3A_189 : memref<1x128xi32, #tpu.memory_space<vmem>> -> memref<128xi32, #tpu.memory_space<vmem>>
        %dma_start3A_191 = arith.constant 0 : i32
        %dma_start3A_192 = arith.constant 0 : i32
        %dma_start3A_193 = tpu.memref_slice %arg2[%dma_start3A_191, %dma_start3A_192] : memref<10000x128xf32, #tpu.memory_space<hbm>> -> memref<10000x128xf32, #tpu.memory_space<hbm>>
        tpu.enqueue_indirect_dma source(%dma_start3A_193 : memref<10000x128xf32, #tpu.memory_space<hbm>>) target(%arg13 : memref<128x128xf32, #tpu.memory_space<vmem>>) offsets(%dma_start3A_190 : memref<128xi32, #tpu.memory_space<vmem>>) semaphore(%arg15 : memref<!tpu.dma_semaphore, #tpu.memory_space<semaphore_mem>>)
        "tpu.region"() ({
          %run_scoped3A = tpu.sem_alloc : memref<!tpu.dma_semaphore, #tpu.memory_space<semaphore_mem>>
          %dma_start3A_213 = arith.constant 0 : i32
          %dma_start3A_214 = tpu.memref_slice %arg9[%mul3A_179, %dma_start3A_213] : memref<16x128xi32, #tpu.memory_space<vmem>> -> memref<1x128xi32, #tpu.memory_space<vmem>>
          %dma_start3A_215 = tpu.memref_squeeze %dma_start3A_214 : memref<1x128xi32, #tpu.memory_space<vmem>> -> memref<128xi32, #tpu.memory_space<vmem>>
          %dma_start3A_216 = arith.constant 0 : i32
          %dma_start3A_217 = arith.constant 0 : i32
          %dma_start3A_218 = tpu.memref_slice %arg7[%dma_start3A_216, %dma_start3A_217] : memref<10112x128xf32, #tpu.memory_space<vmem_shared>> -> memref<10112x128xf32, #tpu.memory_space<vmem_shared>>
          tpu.enqueue_indirect_dma source(%arg12 : memref<128x128xf32, #tpu.memory_space<vmem>>) target(%dma_start3A_218 : memref<10112x128xf32, #tpu.memory_space<vmem_shared>>) offsets(%dma_start3A_215 : memref<128xi32, #tpu.memory_space<vmem>>) semaphore(%run_scoped3A : memref<!tpu.dma_semaphore, #tpu.memory_space<semaphore_mem>>) {add = true}
          %dma_wait3A_219 = arith.constant 0 : i32
          %dma_wait3A_220 = tpu.memref_slice %arg9[%mul3A_179, %dma_wait3A_219] : memref<16x128xi32, #tpu.memory_space<vmem>> -> memref<1x128xi32, #tpu.memory_space<vmem>>
          %dma_wait3A_221 = tpu.memref_squeeze %dma_wait3A_220 : memref<1x128xi32, #tpu.memory_space<vmem>> -> memref<128xi32, #tpu.memory_space<vmem>>
          %dma_wait3A_222 = arith.constant 0 : i32
          %dma_wait3A_223 = arith.constant 0 : i32
          %dma_wait3A_224 = tpu.memref_slice %arg7[%dma_wait3A_222, %dma_wait3A_223] : memref<10112x128xf32, #tpu.memory_space<vmem_shared>> -> memref<10112x128xf32, #tpu.memory_space<vmem_shared>>
          tpu.wait_indirect_dma semaphore(%run_scoped3A : memref<!tpu.dma_semaphore, #tpu.memory_space<semaphore_mem>>) src(%arg12 : memref<128x128xf32, #tpu.memory_space<vmem>>) dst(%dma_wait3A_224 : memref<10112x128xf32, #tpu.memory_space<vmem_shared>>)
          tpu.yield
        }) : () -> ()
        %add3A_194 = arith.constant 2 : i32
        %add3A_195 = arith.addi %mul3A_179, %add3A_194 : i32
        %min3A = arith.constant 15 : i32
        %min3A_196 = arith.minsi %add3A_195, %min3A : i32
        %add3A_197 = arith.constant 1 : i32
        %add3A_198 = arith.addi %mul3A_179, %add3A_197 : i32
        %dma_wait3A_199 = arith.constant 0 : i32
        %dma_wait3A_200 = tpu.memref_slice %arg8[%add3A_198, %dma_wait3A_199] : memref<16x128xi32, #tpu.memory_space<vmem>> -> memref<1x128xi32, #tpu.memory_space<vmem>>
        %dma_wait3A_201 = tpu.memref_squeeze %dma_wait3A_200 : memref<1x128xi32, #tpu.memory_space<vmem>> -> memref<128xi32, #tpu.memory_space<vmem>>
        %dma_wait3A_202 = arith.constant 0 : i32
        %dma_wait3A_203 = arith.constant 0 : i32
        %dma_wait3A_204 = tpu.memref_slice %arg2[%dma_wait3A_202, %dma_wait3A_203] : memref<10000x128xf32, #tpu.memory_space<hbm>> -> memref<10000x128xf32, #tpu.memory_space<hbm>>
        tpu.wait_indirect_dma semaphore(%arg15 : memref<!tpu.dma_semaphore, #tpu.memory_space<semaphore_mem>>) src(%dma_wait3A_204 : memref<10000x128xf32, #tpu.memory_space<hbm>>) dst(%arg13 : memref<128x128xf32, #tpu.memory_space<vmem>>)
        %dma_start3A_205 = arith.constant 0 : i32
        %dma_start3A_206 = tpu.memref_slice %arg8[%min3A_196, %dma_start3A_205] : memref<16x128xi32, #tpu.memory_space<vmem>> -> memref<1x128xi32, #tpu.memory_space<vmem>>
        %dma_start3A_207 = tpu.memref_squeeze %dma_start3A_206 : memref<1x128xi32, #tpu.memory_space<vmem>> -> memref<128xi32, #tpu.memory_space<vmem>>
        %dma_start3A_208 = arith.constant 0 : i32
        %dma_start3A_209 = arith.constant 0 : i32
        %dma_start3A_210 = tpu.memref_slice %arg2[%dma_start3A_208, %dma_start3A_209] : memref<10000x128xf32, #tpu.memory_space<hbm>> -> memref<10000x128xf32, #tpu.memory_space<hbm>>
        tpu.enqueue_indirect_dma source(%dma_start3A_210 : memref<10000x128xf32, #tpu.memory_space<hbm>>) target(%arg12 : memref<128x128xf32, #tpu.memory_space<vmem>>) offsets(%dma_start3A_207 : memref<128xi32, #tpu.memory_space<vmem>>) semaphore(%arg14 : memref<!tpu.dma_semaphore, #tpu.memory_space<semaphore_mem>>)
        %add3A_211 = arith.constant 1 : i32
        %add3A_212 = arith.addi %mul3A_179, %add3A_211 : i32
        "tpu.region"() ({
          %run_scoped3A = tpu.sem_alloc : memref<!tpu.dma_semaphore, #tpu.memory_space<semaphore_mem>>
          %dma_start3A_213 = arith.constant 0 : i32
          %dma_start3A_214 = tpu.memref_slice %arg9[%add3A_212, %dma_start3A_213] : memref<16x128xi32, #tpu.memory_space<vmem>> -> memref<1x128xi32, #tpu.memory_space<vmem>>
          %dma_start3A_215 = tpu.memref_squeeze %dma_start3A_214 : memref<1x128xi32, #tpu.memory_space<vmem>> -> memref<128xi32, #tpu.memory_space<vmem>>
          %dma_start3A_216 = arith.constant 0 : i32
          %dma_start3A_217 = arith.constant 0 : i32
          %dma_start3A_218 = tpu.memref_slice %arg7[%dma_start3A_216, %dma_start3A_217] : memref<10112x128xf32, #tpu.memory_space<vmem_shared>> -> memref<10112x128xf32, #tpu.memory_space<vmem_shared>>
          tpu.enqueue_indirect_dma source(%arg13 : memref<128x128xf32, #tpu.memory_space<vmem>>) target(%dma_start3A_218 : memref<10112x128xf32, #tpu.memory_space<vmem_shared>>) offsets(%dma_start3A_215 : memref<128xi32, #tpu.memory_space<vmem>>) semaphore(%run_scoped3A : memref<!tpu.dma_semaphore, #tpu.memory_space<semaphore_mem>>) {add = true}
          %dma_wait3A_219 = arith.constant 0 : i32
          %dma_wait3A_220 = tpu.memref_slice %arg9[%add3A_212, %dma_wait3A_219] : memref<16x128xi32, #tpu.memory_space<vmem>> -> memref<1x128xi32, #tpu.memory_space<vmem>>
          %dma_wait3A_221 = tpu.memref_squeeze %dma_wait3A_220 : memref<1x128xi32, #tpu.memory_space<vmem>> -> memref<128xi32, #tpu.memory_space<vmem>>
          %dma_wait3A_222 = arith.constant 0 : i32
          %dma_wait3A_223 = arith.constant 0 : i32
          %dma_wait3A_224 = tpu.memref_slice %arg7[%dma_wait3A_222, %dma_wait3A_223] : memref<10112x128xf32, #tpu.memory_space<vmem_shared>> -> memref<10112x128xf32, #tpu.memory_space<vmem_shared>>
          tpu.wait_indirect_dma semaphore(%run_scoped3A : memref<!tpu.dma_semaphore, #tpu.memory_space<semaphore_mem>>) src(%arg13 : memref<128x128xf32, #tpu.memory_space<vmem>>) dst(%dma_wait3A_224 : memref<10112x128xf32, #tpu.memory_space<vmem_shared>>)
          tpu.yield
        }) : () -> ()
      }
      %scan3A_97 = arith.constant 8 : i32
      %dma_wait3A_98 = arith.constant 15 : i32
      %dma_wait3A_99 = arith.constant 0 : i32
      %dma_wait3A_100 = tpu.memref_slice %arg8[%dma_wait3A_98, %dma_wait3A_99] : memref<16x128xi32, #tpu.memory_space<vmem>> -> memref<1x128xi32, #tpu.memory_space<vmem>>
      %dma_wait3A_101 = tpu.memref_squeeze %dma_wait3A_100 : memref<1x128xi32, #tpu.memory_space<vmem>> -> memref<128xi32, #tpu.memory_space<vmem>>
      %dma_wait3A_102 = arith.constant 0 : i32
      %dma_wait3A_103 = arith.constant 0 : i32
      %dma_wait3A_104 = tpu.memref_slice %arg2[%dma_wait3A_102, %dma_wait3A_103] : memref<10000x128xf32, #tpu.memory_space<hbm>> -> memref<10000x128xf32, #tpu.memory_space<hbm>>
      tpu.wait_indirect_dma semaphore(%arg14 : memref<!tpu.dma_semaphore, #tpu.memory_space<semaphore_mem>>) src(%dma_wait3A_104 : memref<10000x128xf32, #tpu.memory_space<hbm>>) dst(%arg12 : memref<128x128xf32, #tpu.memory_space<vmem>>)
      %mul3A_105 = arith.constant 112 : i32
      %mul3A_106 = arith.muli %arg1, %mul3A_105 : i32
      %add3A_107 = arith.constant 64 : i32
      %add3A_108 = arith.addi %mul3A_106, %add3A_107 : i32
      "tpu.region"() ({
        %run_scoped3A = tpu.sem_alloc : memref<!tpu.dma_semaphore, #tpu.memory_space<semaphore_mem>>
        %dma_start3A_177 = arith.constant 0 : i32
        %dma_start3A_178 = tpu.memref_slice %arg3[%add3A_108, %dma_start3A_177] : memref<2560x128xi32, #tpu.memory_space<hbm>> -> memref<16x128xi32, #tpu.memory_space<hbm>>
        %dma_start3A_179 = arith.constant 0 : i32
        %dma_start3A_180 = tpu.memref_slice %arg3[%add3A_108, %dma_start3A_179] : memref<2560x128xi32, #tpu.memory_space<hbm>> -> memref<16x128xi32, #tpu.memory_space<hbm>>
        tpu.enqueue_dma source(%dma_start3A_180 : memref<16x128xi32, #tpu.memory_space<hbm>>) target(%arg8 : memref<16x128xi32, #tpu.memory_space<vmem>>) target_semaphore(%run_scoped3A : memref<!tpu.dma_semaphore, #tpu.memory_space<semaphore_mem>>)
        %dma_wait3A_181 = arith.constant 0 : i32
        %dma_wait3A_182 = tpu.memref_slice %arg3[%add3A_108, %dma_wait3A_181] : memref<2560x128xi32, #tpu.memory_space<hbm>> -> memref<16x128xi32, #tpu.memory_space<hbm>>
        %dma_wait3A_183 = arith.constant 0 : i32
        %dma_wait3A_184 = tpu.memref_slice %arg3[%add3A_108, %dma_wait3A_183] : memref<2560x128xi32, #tpu.memory_space<hbm>> -> memref<16x128xi32, #tpu.memory_space<hbm>>
        tpu.wait_dma2 semaphore(%run_scoped3A : memref<!tpu.dma_semaphore, #tpu.memory_space<semaphore_mem>>) src(%dma_wait3A_184 : memref<16x128xi32, #tpu.memory_space<hbm>>) dst(%arg8 : memref<16x128xi32, #tpu.memory_space<vmem>>)
        tpu.yield
      }) : () -> ()
      "tpu.region"() ({
        %run_scoped3A = tpu.sem_alloc : memref<!tpu.dma_semaphore, #tpu.memory_space<semaphore_mem>>
        %dma_start3A_177 = arith.constant 0 : i32
        %dma_start3A_178 = tpu.memref_slice %arg4[%add3A_108, %dma_start3A_177] : memref<2560x128xi32, #tpu.memory_space<hbm>> -> memref<16x128xi32, #tpu.memory_space<hbm>>
        %dma_start3A_179 = arith.constant 0 : i32
        %dma_start3A_180 = tpu.memref_slice %arg4[%add3A_108, %dma_start3A_179] : memref<2560x128xi32, #tpu.memory_space<hbm>> -> memref<16x128xi32, #tpu.memory_space<hbm>>
        tpu.enqueue_dma source(%dma_start3A_180 : memref<16x128xi32, #tpu.memory_space<hbm>>) target(%arg9 : memref<16x128xi32, #tpu.memory_space<vmem>>) target_semaphore(%run_scoped3A : memref<!tpu.dma_semaphore, #tpu.memory_space<semaphore_mem>>)
        %dma_wait3A_181 = arith.constant 0 : i32
        %dma_wait3A_182 = tpu.memref_slice %arg4[%add3A_108, %dma_wait3A_181] : memref<2560x128xi32, #tpu.memory_space<hbm>> -> memref<16x128xi32, #tpu.memory_space<hbm>>
        %dma_wait3A_183 = arith.constant 0 : i32
        %dma_wait3A_184 = tpu.memref_slice %arg4[%add3A_108, %dma_wait3A_183] : memref<2560x128xi32, #tpu.memory_space<hbm>> -> memref<16x128xi32, #tpu.memory_space<hbm>>
        tpu.wait_dma2 semaphore(%run_scoped3A : memref<!tpu.dma_semaphore, #tpu.memory_space<semaphore_mem>>) src(%dma_wait3A_184 : memref<16x128xi32, #tpu.memory_space<hbm>>) dst(%arg9 : memref<16x128xi32, #tpu.memory_space<vmem>>)
        tpu.yield
      }) : () -> ()
      %dma_start3A_109 = arith.constant 0 : i32
      %dma_start3A_110 = arith.constant 0 : i32
      %dma_start3A_111 = tpu.memref_slice %arg8[%dma_start3A_109, %dma_start3A_110] : memref<16x128xi32, #tpu.memory_space<vmem>> -> memref<1x128xi32, #tpu.memory_space<vmem>>
      %dma_start3A_112 = tpu.memref_squeeze %dma_start3A_111 : memref<1x128xi32, #tpu.memory_space<vmem>> -> memref<128xi32, #tpu.memory_space<vmem>>
      %dma_start3A_113 = arith.constant 0 : i32
      %dma_start3A_114 = arith.constant 0 : i32
      %dma_start3A_115 = tpu.memref_slice %arg2[%dma_start3A_113, %dma_start3A_114] : memref<10000x128xf32, #tpu.memory_space<hbm>> -> memref<10000x128xf32, #tpu.memory_space<hbm>>
      tpu.enqueue_indirect_dma source(%dma_start3A_115 : memref<10000x128xf32, #tpu.memory_space<hbm>>) target(%arg12 : memref<128x128xf32, #tpu.memory_space<vmem>>) offsets(%dma_start3A_112 : memref<128xi32, #tpu.memory_space<vmem>>) semaphore(%arg14 : memref<!tpu.dma_semaphore, #tpu.memory_space<semaphore_mem>>)
      %scan3A_116 = arith.constant 0 : i32
      %scan3A_117 = arith.constant 0 : i32
      %scan3A_118 = arith.constant 8 : i32
      %scan3A_119 = arith.addi %scan3A_117, %scan3A_118 : i32
      %scan3A_120 = arith.constant 1 : i32
      scf.for %scan3A_177 = %scan3A_117 to %scan3A_119 step %scan3A_120  : i32 {
        %mul3A_178 = arith.constant 2 : i32
        %mul3A_179 = arith.muli %mul3A_178, %scan3A_177 : i32
        %dma_wait3A_180 = arith.constant 0 : i32
        %dma_wait3A_181 = tpu.memref_slice %arg8[%mul3A_179, %dma_wait3A_180] : memref<16x128xi32, #tpu.memory_space<vmem>> -> memref<1x128xi32, #tpu.memory_space<vmem>>
        %dma_wait3A_182 = tpu.memref_squeeze %dma_wait3A_181 : memref<1x128xi32, #tpu.memory_space<vmem>> -> memref<128xi32, #tpu.memory_space<vmem>>
        %dma_wait3A_183 = arith.constant 0 : i32
        %dma_wait3A_184 = arith.constant 0 : i32
        %dma_wait3A_185 = tpu.memref_slice %arg2[%dma_wait3A_183, %dma_wait3A_184] : memref<10000x128xf32, #tpu.memory_space<hbm>> -> memref<10000x128xf32, #tpu.memory_space<hbm>>
        tpu.wait_indirect_dma semaphore(%arg14 : memref<!tpu.dma_semaphore, #tpu.memory_space<semaphore_mem>>) src(%dma_wait3A_185 : memref<10000x128xf32, #tpu.memory_space<hbm>>) dst(%arg12 : memref<128x128xf32, #tpu.memory_space<vmem>>)
        %add3A_186 = arith.constant 1 : i32
        %add3A_187 = arith.addi %mul3A_179, %add3A_186 : i32
        %dma_start3A_188 = arith.constant 0 : i32
        %dma_start3A_189 = tpu.memref_slice %arg8[%add3A_187, %dma_start3A_188] : memref<16x128xi32, #tpu.memory_space<vmem>> -> memref<1x128xi32, #tpu.memory_space<vmem>>
        %dma_start3A_190 = tpu.memref_squeeze %dma_start3A_189 : memref<1x128xi32, #tpu.memory_space<vmem>> -> memref<128xi32, #tpu.memory_space<vmem>>
        %dma_start3A_191 = arith.constant 0 : i32
        %dma_start3A_192 = arith.constant 0 : i32
        %dma_start3A_193 = tpu.memref_slice %arg2[%dma_start3A_191, %dma_start3A_192] : memref<10000x128xf32, #tpu.memory_space<hbm>> -> memref<10000x128xf32, #tpu.memory_space<hbm>>
        tpu.enqueue_indirect_dma source(%dma_start3A_193 : memref<10000x128xf32, #tpu.memory_space<hbm>>) target(%arg13 : memref<128x128xf32, #tpu.memory_space<vmem>>) offsets(%dma_start3A_190 : memref<128xi32, #tpu.memory_space<vmem>>) semaphore(%arg15 : memref<!tpu.dma_semaphore, #tpu.memory_space<semaphore_mem>>)
        "tpu.region"() ({
          %run_scoped3A = tpu.sem_alloc : memref<!tpu.dma_semaphore, #tpu.memory_space<semaphore_mem>>
          %dma_start3A_213 = arith.constant 0 : i32
          %dma_start3A_214 = tpu.memref_slice %arg9[%mul3A_179, %dma_start3A_213] : memref<16x128xi32, #tpu.memory_space<vmem>> -> memref<1x128xi32, #tpu.memory_space<vmem>>
          %dma_start3A_215 = tpu.memref_squeeze %dma_start3A_214 : memref<1x128xi32, #tpu.memory_space<vmem>> -> memref<128xi32, #tpu.memory_space<vmem>>
          %dma_start3A_216 = arith.constant 0 : i32
          %dma_start3A_217 = arith.constant 0 : i32
          %dma_start3A_218 = tpu.memref_slice %arg7[%dma_start3A_216, %dma_start3A_217] : memref<10112x128xf32, #tpu.memory_space<vmem_shared>> -> memref<10112x128xf32, #tpu.memory_space<vmem_shared>>
          tpu.enqueue_indirect_dma source(%arg12 : memref<128x128xf32, #tpu.memory_space<vmem>>) target(%dma_start3A_218 : memref<10112x128xf32, #tpu.memory_space<vmem_shared>>) offsets(%dma_start3A_215 : memref<128xi32, #tpu.memory_space<vmem>>) semaphore(%run_scoped3A : memref<!tpu.dma_semaphore, #tpu.memory_space<semaphore_mem>>) {add = true}
          %dma_wait3A_219 = arith.constant 0 : i32
          %dma_wait3A_220 = tpu.memref_slice %arg9[%mul3A_179, %dma_wait3A_219] : memref<16x128xi32, #tpu.memory_space<vmem>> -> memref<1x128xi32, #tpu.memory_space<vmem>>
          %dma_wait3A_221 = tpu.memref_squeeze %dma_wait3A_220 : memref<1x128xi32, #tpu.memory_space<vmem>> -> memref<128xi32, #tpu.memory_space<vmem>>
          %dma_wait3A_222 = arith.constant 0 : i32
          %dma_wait3A_223 = arith.constant 0 : i32
          %dma_wait3A_224 = tpu.memref_slice %arg7[%dma_wait3A_222, %dma_wait3A_223] : memref<10112x128xf32, #tpu.memory_space<vmem_shared>> -> memref<10112x128xf32, #tpu.memory_space<vmem_shared>>
          tpu.wait_indirect_dma semaphore(%run_scoped3A : memref<!tpu.dma_semaphore, #tpu.memory_space<semaphore_mem>>) src(%arg12 : memref<128x128xf32, #tpu.memory_space<vmem>>) dst(%dma_wait3A_224 : memref<10112x128xf32, #tpu.memory_space<vmem_shared>>)
          tpu.yield
        }) : () -> ()
        %add3A_194 = arith.constant 2 : i32
        %add3A_195 = arith.addi %mul3A_179, %add3A_194 : i32
        %min3A = arith.constant 15 : i32
        %min3A_196 = arith.minsi %add3A_195, %min3A : i32
        %add3A_197 = arith.constant 1 : i32
        %add3A_198 = arith.addi %mul3A_179, %add3A_197 : i32
        %dma_wait3A_199 = arith.constant 0 : i32
        %dma_wait3A_200 = tpu.memref_slice %arg8[%add3A_198, %dma_wait3A_199] : memref<16x128xi32, #tpu.memory_space<vmem>> -> memref<1x128xi32, #tpu.memory_space<vmem>>
        %dma_wait3A_201 = tpu.memref_squeeze %dma_wait3A_200 : memref<1x128xi32, #tpu.memory_space<vmem>> -> memref<128xi32, #tpu.memory_space<vmem>>
        %dma_wait3A_202 = arith.constant 0 : i32
        %dma_wait3A_203 = arith.constant 0 : i32
        %dma_wait3A_204 = tpu.memref_slice %arg2[%dma_wait3A_202, %dma_wait3A_203] : memref<10000x128xf32, #tpu.memory_space<hbm>> -> memref<10000x128xf32, #tpu.memory_space<hbm>>
        tpu.wait_indirect_dma semaphore(%arg15 : memref<!tpu.dma_semaphore, #tpu.memory_space<semaphore_mem>>) src(%dma_wait3A_204 : memref<10000x128xf32, #tpu.memory_space<hbm>>) dst(%arg13 : memref<128x128xf32, #tpu.memory_space<vmem>>)
        %dma_start3A_205 = arith.constant 0 : i32
        %dma_start3A_206 = tpu.memref_slice %arg8[%min3A_196, %dma_start3A_205] : memref<16x128xi32, #tpu.memory_space<vmem>> -> memref<1x128xi32, #tpu.memory_space<vmem>>
        %dma_start3A_207 = tpu.memref_squeeze %dma_start3A_206 : memref<1x128xi32, #tpu.memory_space<vmem>> -> memref<128xi32, #tpu.memory_space<vmem>>
        %dma_start3A_208 = arith.constant 0 : i32
        %dma_start3A_209 = arith.constant 0 : i32
        %dma_start3A_210 = tpu.memref_slice %arg2[%dma_start3A_208, %dma_start3A_209] : memref<10000x128xf32, #tpu.memory_space<hbm>> -> memref<10000x128xf32, #tpu.memory_space<hbm>>
        tpu.enqueue_indirect_dma source(%dma_start3A_210 : memref<10000x128xf32, #tpu.memory_space<hbm>>) target(%arg12 : memref<128x128xf32, #tpu.memory_space<vmem>>) offsets(%dma_start3A_207 : memref<128xi32, #tpu.memory_space<vmem>>) semaphore(%arg14 : memref<!tpu.dma_semaphore, #tpu.memory_space<semaphore_mem>>)
        %add3A_211 = arith.constant 1 : i32
        %add3A_212 = arith.addi %mul3A_179, %add3A_211 : i32
        "tpu.region"() ({
          %run_scoped3A = tpu.sem_alloc : memref<!tpu.dma_semaphore, #tpu.memory_space<semaphore_mem>>
          %dma_start3A_213 = arith.constant 0 : i32
          %dma_start3A_214 = tpu.memref_slice %arg9[%add3A_212, %dma_start3A_213] : memref<16x128xi32, #tpu.memory_space<vmem>> -> memref<1x128xi32, #tpu.memory_space<vmem>>
          %dma_start3A_215 = tpu.memref_squeeze %dma_start3A_214 : memref<1x128xi32, #tpu.memory_space<vmem>> -> memref<128xi32, #tpu.memory_space<vmem>>
          %dma_start3A_216 = arith.constant 0 : i32
          %dma_start3A_217 = arith.constant 0 : i32
          %dma_start3A_218 = tpu.memref_slice %arg7[%dma_start3A_216, %dma_start3A_217] : memref<10112x128xf32, #tpu.memory_space<vmem_shared>> -> memref<10112x128xf32, #tpu.memory_space<vmem_shared>>
          tpu.enqueue_indirect_dma source(%arg13 : memref<128x128xf32, #tpu.memory_space<vmem>>) target(%dma_start3A_218 : memref<10112x128xf32, #tpu.memory_space<vmem_shared>>) offsets(%dma_start3A_215 : memref<128xi32, #tpu.memory_space<vmem>>) semaphore(%run_scoped3A : memref<!tpu.dma_semaphore, #tpu.memory_space<semaphore_mem>>) {add = true}
          %dma_wait3A_219 = arith.constant 0 : i32
          %dma_wait3A_220 = tpu.memref_slice %arg9[%add3A_212, %dma_wait3A_219] : memref<16x128xi32, #tpu.memory_space<vmem>> -> memref<1x128xi32, #tpu.memory_space<vmem>>
          %dma_wait3A_221 = tpu.memref_squeeze %dma_wait3A_220 : memref<1x128xi32, #tpu.memory_space<vmem>> -> memref<128xi32, #tpu.memory_space<vmem>>
          %dma_wait3A_222 = arith.constant 0 : i32
          %dma_wait3A_223 = arith.constant 0 : i32
          %dma_wait3A_224 = tpu.memref_slice %arg7[%dma_wait3A_222, %dma_wait3A_223] : memref<10112x128xf32, #tpu.memory_space<vmem_shared>> -> memref<10112x128xf32, #tpu.memory_space<vmem_shared>>
          tpu.wait_indirect_dma semaphore(%run_scoped3A : memref<!tpu.dma_semaphore, #tpu.memory_space<semaphore_mem>>) src(%arg13 : memref<128x128xf32, #tpu.memory_space<vmem>>) dst(%dma_wait3A_224 : memref<10112x128xf32, #tpu.memory_space<vmem_shared>>)
          tpu.yield
        }) : () -> ()
      }
      %scan3A_121 = arith.constant 8 : i32
      %dma_wait3A_122 = arith.constant 15 : i32
      %dma_wait3A_123 = arith.constant 0 : i32
      %dma_wait3A_124 = tpu.memref_slice %arg8[%dma_wait3A_122, %dma_wait3A_123] : memref<16x128xi32, #tpu.memory_space<vmem>> -> memref<1x128xi32, #tpu.memory_space<vmem>>
      %dma_wait3A_125 = tpu.memref_squeeze %dma_wait3A_124 : memref<1x128xi32, #tpu.memory_space<vmem>> -> memref<128xi32, #tpu.memory_space<vmem>>
      %dma_wait3A_126 = arith.constant 0 : i32
      %dma_wait3A_127 = arith.constant 0 : i32
      %dma_wait3A_128 = tpu.memref_slice %arg2[%dma_wait3A_126, %dma_wait3A_127] : memref<10000x128xf32, #tpu.memory_space<hbm>> -> memref<10000x128xf32, #tpu.memory_space<hbm>>
      tpu.wait_indirect_dma semaphore(%arg14 : memref<!tpu.dma_semaphore, #tpu.memory_space<semaphore_mem>>) src(%dma_wait3A_128 : memref<10000x128xf32, #tpu.memory_space<hbm>>) dst(%arg12 : memref<128x128xf32, #tpu.memory_space<vmem>>)
      %mul3A_129 = arith.constant 112 : i32
      %mul3A_130 = arith.muli %arg1, %mul3A_129 : i32
      %add3A_131 = arith.constant 80 : i32
      %add3A_132 = arith.addi %mul3A_130, %add3A_131 : i32
      "tpu.region"() ({
        %run_scoped3A = tpu.sem_alloc : memref<!tpu.dma_semaphore, #tpu.memory_space<semaphore_mem>>
        %dma_start3A_177 = arith.constant 0 : i32
        %dma_start3A_178 = tpu.memref_slice %arg3[%add3A_132, %dma_start3A_177] : memref<2560x128xi32, #tpu.memory_space<hbm>> -> memref<16x128xi32, #tpu.memory_space<hbm>>
        %dma_start3A_179 = arith.constant 0 : i32
        %dma_start3A_180 = tpu.memref_slice %arg3[%add3A_132, %dma_start3A_179] : memref<2560x128xi32, #tpu.memory_space<hbm>> -> memref<16x128xi32, #tpu.memory_space<hbm>>
        tpu.enqueue_dma source(%dma_start3A_180 : memref<16x128xi32, #tpu.memory_space<hbm>>) target(%arg8 : memref<16x128xi32, #tpu.memory_space<vmem>>) target_semaphore(%run_scoped3A : memref<!tpu.dma_semaphore, #tpu.memory_space<semaphore_mem>>)
        %dma_wait3A_181 = arith.constant 0 : i32
        %dma_wait3A_182 = tpu.memref_slice %arg3[%add3A_132, %dma_wait3A_181] : memref<2560x128xi32, #tpu.memory_space<hbm>> -> memref<16x128xi32, #tpu.memory_space<hbm>>
        %dma_wait3A_183 = arith.constant 0 : i32
        %dma_wait3A_184 = tpu.memref_slice %arg3[%add3A_132, %dma_wait3A_183] : memref<2560x128xi32, #tpu.memory_space<hbm>> -> memref<16x128xi32, #tpu.memory_space<hbm>>
        tpu.wait_dma2 semaphore(%run_scoped3A : memref<!tpu.dma_semaphore, #tpu.memory_space<semaphore_mem>>) src(%dma_wait3A_184 : memref<16x128xi32, #tpu.memory_space<hbm>>) dst(%arg8 : memref<16x128xi32, #tpu.memory_space<vmem>>)
        tpu.yield
      }) : () -> ()
      "tpu.region"() ({
        %run_scoped3A = tpu.sem_alloc : memref<!tpu.dma_semaphore, #tpu.memory_space<semaphore_mem>>
        %dma_start3A_177 = arith.constant 0 : i32
        %dma_start3A_178 = tpu.memref_slice %arg4[%add3A_132, %dma_start3A_177] : memref<2560x128xi32, #tpu.memory_space<hbm>> -> memref<16x128xi32, #tpu.memory_space<hbm>>
        %dma_start3A_179 = arith.constant 0 : i32
        %dma_start3A_180 = tpu.memref_slice %arg4[%add3A_132, %dma_start3A_179] : memref<2560x128xi32, #tpu.memory_space<hbm>> -> memref<16x128xi32, #tpu.memory_space<hbm>>
        tpu.enqueue_dma source(%dma_start3A_180 : memref<16x128xi32, #tpu.memory_space<hbm>>) target(%arg9 : memref<16x128xi32, #tpu.memory_space<vmem>>) target_semaphore(%run_scoped3A : memref<!tpu.dma_semaphore, #tpu.memory_space<semaphore_mem>>)
        %dma_wait3A_181 = arith.constant 0 : i32
        %dma_wait3A_182 = tpu.memref_slice %arg4[%add3A_132, %dma_wait3A_181] : memref<2560x128xi32, #tpu.memory_space<hbm>> -> memref<16x128xi32, #tpu.memory_space<hbm>>
        %dma_wait3A_183 = arith.constant 0 : i32
        %dma_wait3A_184 = tpu.memref_slice %arg4[%add3A_132, %dma_wait3A_183] : memref<2560x128xi32, #tpu.memory_space<hbm>> -> memref<16x128xi32, #tpu.memory_space<hbm>>
        tpu.wait_dma2 semaphore(%run_scoped3A : memref<!tpu.dma_semaphore, #tpu.memory_space<semaphore_mem>>) src(%dma_wait3A_184 : memref<16x128xi32, #tpu.memory_space<hbm>>) dst(%arg9 : memref<16x128xi32, #tpu.memory_space<vmem>>)
        tpu.yield
      }) : () -> ()
      %dma_start3A_133 = arith.constant 0 : i32
      %dma_start3A_134 = arith.constant 0 : i32
      %dma_start3A_135 = tpu.memref_slice %arg8[%dma_start3A_133, %dma_start3A_134] : memref<16x128xi32, #tpu.memory_space<vmem>> -> memref<1x128xi32, #tpu.memory_space<vmem>>
      %dma_start3A_136 = tpu.memref_squeeze %dma_start3A_135 : memref<1x128xi32, #tpu.memory_space<vmem>> -> memref<128xi32, #tpu.memory_space<vmem>>
      %dma_start3A_137 = arith.constant 0 : i32
      %dma_start3A_138 = arith.constant 0 : i32
      %dma_start3A_139 = tpu.memref_slice %arg2[%dma_start3A_137, %dma_start3A_138] : memref<10000x128xf32, #tpu.memory_space<hbm>> -> memref<10000x128xf32, #tpu.memory_space<hbm>>
      tpu.enqueue_indirect_dma source(%dma_start3A_139 : memref<10000x128xf32, #tpu.memory_space<hbm>>) target(%arg12 : memref<128x128xf32, #tpu.memory_space<vmem>>) offsets(%dma_start3A_136 : memref<128xi32, #tpu.memory_space<vmem>>) semaphore(%arg14 : memref<!tpu.dma_semaphore, #tpu.memory_space<semaphore_mem>>)
      %scan3A_140 = arith.constant 0 : i32
      %scan3A_141 = arith.constant 0 : i32
      %scan3A_142 = arith.constant 8 : i32
      %scan3A_143 = arith.addi %scan3A_141, %scan3A_142 : i32
      %scan3A_144 = arith.constant 1 : i32
      scf.for %scan3A_177 = %scan3A_141 to %scan3A_143 step %scan3A_144  : i32 {
        %mul3A_178 = arith.constant 2 : i32
        %mul3A_179 = arith.muli %mul3A_178, %scan3A_177 : i32
        %dma_wait3A_180 = arith.constant 0 : i32
        %dma_wait3A_181 = tpu.memref_slice %arg8[%mul3A_179, %dma_wait3A_180] : memref<16x128xi32, #tpu.memory_space<vmem>> -> memref<1x128xi32, #tpu.memory_space<vmem>>
        %dma_wait3A_182 = tpu.memref_squeeze %dma_wait3A_181 : memref<1x128xi32, #tpu.memory_space<vmem>> -> memref<128xi32, #tpu.memory_space<vmem>>
        %dma_wait3A_183 = arith.constant 0 : i32
        %dma_wait3A_184 = arith.constant 0 : i32
        %dma_wait3A_185 = tpu.memref_slice %arg2[%dma_wait3A_183, %dma_wait3A_184] : memref<10000x128xf32, #tpu.memory_space<hbm>> -> memref<10000x128xf32, #tpu.memory_space<hbm>>
        tpu.wait_indirect_dma semaphore(%arg14 : memref<!tpu.dma_semaphore, #tpu.memory_space<semaphore_mem>>) src(%dma_wait3A_185 : memref<10000x128xf32, #tpu.memory_space<hbm>>) dst(%arg12 : memref<128x128xf32, #tpu.memory_space<vmem>>)
        %add3A_186 = arith.constant 1 : i32
        %add3A_187 = arith.addi %mul3A_179, %add3A_186 : i32
        %dma_start3A_188 = arith.constant 0 : i32
        %dma_start3A_189 = tpu.memref_slice %arg8[%add3A_187, %dma_start3A_188] : memref<16x128xi32, #tpu.memory_space<vmem>> -> memref<1x128xi32, #tpu.memory_space<vmem>>
        %dma_start3A_190 = tpu.memref_squeeze %dma_start3A_189 : memref<1x128xi32, #tpu.memory_space<vmem>> -> memref<128xi32, #tpu.memory_space<vmem>>
        %dma_start3A_191 = arith.constant 0 : i32
        %dma_start3A_192 = arith.constant 0 : i32
        %dma_start3A_193 = tpu.memref_slice %arg2[%dma_start3A_191, %dma_start3A_192] : memref<10000x128xf32, #tpu.memory_space<hbm>> -> memref<10000x128xf32, #tpu.memory_space<hbm>>
        tpu.enqueue_indirect_dma source(%dma_start3A_193 : memref<10000x128xf32, #tpu.memory_space<hbm>>) target(%arg13 : memref<128x128xf32, #tpu.memory_space<vmem>>) offsets(%dma_start3A_190 : memref<128xi32, #tpu.memory_space<vmem>>) semaphore(%arg15 : memref<!tpu.dma_semaphore, #tpu.memory_space<semaphore_mem>>)
        "tpu.region"() ({
          %run_scoped3A = tpu.sem_alloc : memref<!tpu.dma_semaphore, #tpu.memory_space<semaphore_mem>>
          %dma_start3A_213 = arith.constant 0 : i32
          %dma_start3A_214 = tpu.memref_slice %arg9[%mul3A_179, %dma_start3A_213] : memref<16x128xi32, #tpu.memory_space<vmem>> -> memref<1x128xi32, #tpu.memory_space<vmem>>
          %dma_start3A_215 = tpu.memref_squeeze %dma_start3A_214 : memref<1x128xi32, #tpu.memory_space<vmem>> -> memref<128xi32, #tpu.memory_space<vmem>>
          %dma_start3A_216 = arith.constant 0 : i32
          %dma_start3A_217 = arith.constant 0 : i32
          %dma_start3A_218 = tpu.memref_slice %arg7[%dma_start3A_216, %dma_start3A_217] : memref<10112x128xf32, #tpu.memory_space<vmem_shared>> -> memref<10112x128xf32, #tpu.memory_space<vmem_shared>>
          tpu.enqueue_indirect_dma source(%arg12 : memref<128x128xf32, #tpu.memory_space<vmem>>) target(%dma_start3A_218 : memref<10112x128xf32, #tpu.memory_space<vmem_shared>>) offsets(%dma_start3A_215 : memref<128xi32, #tpu.memory_space<vmem>>) semaphore(%run_scoped3A : memref<!tpu.dma_semaphore, #tpu.memory_space<semaphore_mem>>) {add = true}
          %dma_wait3A_219 = arith.constant 0 : i32
          %dma_wait3A_220 = tpu.memref_slice %arg9[%mul3A_179, %dma_wait3A_219] : memref<16x128xi32, #tpu.memory_space<vmem>> -> memref<1x128xi32, #tpu.memory_space<vmem>>
          %dma_wait3A_221 = tpu.memref_squeeze %dma_wait3A_220 : memref<1x128xi32, #tpu.memory_space<vmem>> -> memref<128xi32, #tpu.memory_space<vmem>>
          %dma_wait3A_222 = arith.constant 0 : i32
          %dma_wait3A_223 = arith.constant 0 : i32
          %dma_wait3A_224 = tpu.memref_slice %arg7[%dma_wait3A_222, %dma_wait3A_223] : memref<10112x128xf32, #tpu.memory_space<vmem_shared>> -> memref<10112x128xf32, #tpu.memory_space<vmem_shared>>
          tpu.wait_indirect_dma semaphore(%run_scoped3A : memref<!tpu.dma_semaphore, #tpu.memory_space<semaphore_mem>>) src(%arg12 : memref<128x128xf32, #tpu.memory_space<vmem>>) dst(%dma_wait3A_224 : memref<10112x128xf32, #tpu.memory_space<vmem_shared>>)
          tpu.yield
        }) : () -> ()
        %add3A_194 = arith.constant 2 : i32
        %add3A_195 = arith.addi %mul3A_179, %add3A_194 : i32
        %min3A = arith.constant 15 : i32
        %min3A_196 = arith.minsi %add3A_195, %min3A : i32
        %add3A_197 = arith.constant 1 : i32
        %add3A_198 = arith.addi %mul3A_179, %add3A_197 : i32
        %dma_wait3A_199 = arith.constant 0 : i32
        %dma_wait3A_200 = tpu.memref_slice %arg8[%add3A_198, %dma_wait3A_199] : memref<16x128xi32, #tpu.memory_space<vmem>> -> memref<1x128xi32, #tpu.memory_space<vmem>>
        %dma_wait3A_201 = tpu.memref_squeeze %dma_wait3A_200 : memref<1x128xi32, #tpu.memory_space<vmem>> -> memref<128xi32, #tpu.memory_space<vmem>>
        %dma_wait3A_202 = arith.constant 0 : i32
        %dma_wait3A_203 = arith.constant 0 : i32
        %dma_wait3A_204 = tpu.memref_slice %arg2[%dma_wait3A_202, %dma_wait3A_203] : memref<10000x128xf32, #tpu.memory_space<hbm>> -> memref<10000x128xf32, #tpu.memory_space<hbm>>
        tpu.wait_indirect_dma semaphore(%arg15 : memref<!tpu.dma_semaphore, #tpu.memory_space<semaphore_mem>>) src(%dma_wait3A_204 : memref<10000x128xf32, #tpu.memory_space<hbm>>) dst(%arg13 : memref<128x128xf32, #tpu.memory_space<vmem>>)
        %dma_start3A_205 = arith.constant 0 : i32
        %dma_start3A_206 = tpu.memref_slice %arg8[%min3A_196, %dma_start3A_205] : memref<16x128xi32, #tpu.memory_space<vmem>> -> memref<1x128xi32, #tpu.memory_space<vmem>>
        %dma_start3A_207 = tpu.memref_squeeze %dma_start3A_206 : memref<1x128xi32, #tpu.memory_space<vmem>> -> memref<128xi32, #tpu.memory_space<vmem>>
        %dma_start3A_208 = arith.constant 0 : i32
        %dma_start3A_209 = arith.constant 0 : i32
        %dma_start3A_210 = tpu.memref_slice %arg2[%dma_start3A_208, %dma_start3A_209] : memref<10000x128xf32, #tpu.memory_space<hbm>> -> memref<10000x128xf32, #tpu.memory_space<hbm>>
        tpu.enqueue_indirect_dma source(%dma_start3A_210 : memref<10000x128xf32, #tpu.memory_space<hbm>>) target(%arg12 : memref<128x128xf32, #tpu.memory_space<vmem>>) offsets(%dma_start3A_207 : memref<128xi32, #tpu.memory_space<vmem>>) semaphore(%arg14 : memref<!tpu.dma_semaphore, #tpu.memory_space<semaphore_mem>>)
        %add3A_211 = arith.constant 1 : i32
        %add3A_212 = arith.addi %mul3A_179, %add3A_211 : i32
        "tpu.region"() ({
          %run_scoped3A = tpu.sem_alloc : memref<!tpu.dma_semaphore, #tpu.memory_space<semaphore_mem>>
          %dma_start3A_213 = arith.constant 0 : i32
          %dma_start3A_214 = tpu.memref_slice %arg9[%add3A_212, %dma_start3A_213] : memref<16x128xi32, #tpu.memory_space<vmem>> -> memref<1x128xi32, #tpu.memory_space<vmem>>
          %dma_start3A_215 = tpu.memref_squeeze %dma_start3A_214 : memref<1x128xi32, #tpu.memory_space<vmem>> -> memref<128xi32, #tpu.memory_space<vmem>>
          %dma_start3A_216 = arith.constant 0 : i32
          %dma_start3A_217 = arith.constant 0 : i32
          %dma_start3A_218 = tpu.memref_slice %arg7[%dma_start3A_216, %dma_start3A_217] : memref<10112x128xf32, #tpu.memory_space<vmem_shared>> -> memref<10112x128xf32, #tpu.memory_space<vmem_shared>>
          tpu.enqueue_indirect_dma source(%arg13 : memref<128x128xf32, #tpu.memory_space<vmem>>) target(%dma_start3A_218 : memref<10112x128xf32, #tpu.memory_space<vmem_shared>>) offsets(%dma_start3A_215 : memref<128xi32, #tpu.memory_space<vmem>>) semaphore(%run_scoped3A : memref<!tpu.dma_semaphore, #tpu.memory_space<semaphore_mem>>) {add = true}
          %dma_wait3A_219 = arith.constant 0 : i32
          %dma_wait3A_220 = tpu.memref_slice %arg9[%add3A_212, %dma_wait3A_219] : memref<16x128xi32, #tpu.memory_space<vmem>> -> memref<1x128xi32, #tpu.memory_space<vmem>>
          %dma_wait3A_221 = tpu.memref_squeeze %dma_wait3A_220 : memref<1x128xi32, #tpu.memory_space<vmem>> -> memref<128xi32, #tpu.memory_space<vmem>>
          %dma_wait3A_222 = arith.constant 0 : i32
          %dma_wait3A_223 = arith.constant 0 : i32
          %dma_wait3A_224 = tpu.memref_slice %arg7[%dma_wait3A_222, %dma_wait3A_223] : memref<10112x128xf32, #tpu.memory_space<vmem_shared>> -> memref<10112x128xf32, #tpu.memory_space<vmem_shared>>
          tpu.wait_indirect_dma semaphore(%run_scoped3A : memref<!tpu.dma_semaphore, #tpu.memory_space<semaphore_mem>>) src(%arg13 : memref<128x128xf32, #tpu.memory_space<vmem>>) dst(%dma_wait3A_224 : memref<10112x128xf32, #tpu.memory_space<vmem_shared>>)
          tpu.yield
        }) : () -> ()
      }
      %scan3A_145 = arith.constant 8 : i32
      %dma_wait3A_146 = arith.constant 15 : i32
      %dma_wait3A_147 = arith.constant 0 : i32
      %dma_wait3A_148 = tpu.memref_slice %arg8[%dma_wait3A_146, %dma_wait3A_147] : memref<16x128xi32, #tpu.memory_space<vmem>> -> memref<1x128xi32, #tpu.memory_space<vmem>>
      %dma_wait3A_149 = tpu.memref_squeeze %dma_wait3A_148 : memref<1x128xi32, #tpu.memory_space<vmem>> -> memref<128xi32, #tpu.memory_space<vmem>>
      %dma_wait3A_150 = arith.constant 0 : i32
      %dma_wait3A_151 = arith.constant 0 : i32
      %dma_wait3A_152 = tpu.memref_slice %arg2[%dma_wait3A_150, %dma_wait3A_151] : memref<10000x128xf32, #tpu.memory_space<hbm>> -> memref<10000x128xf32, #tpu.memory_space<hbm>>
      tpu.wait_indirect_dma semaphore(%arg14 : memref<!tpu.dma_semaphore, #tpu.memory_space<semaphore_mem>>) src(%dma_wait3A_152 : memref<10000x128xf32, #tpu.memory_space<hbm>>) dst(%arg12 : memref<128x128xf32, #tpu.memory_space<vmem>>)
      %mul3A_153 = arith.constant 112 : i32
      %mul3A_154 = arith.muli %arg1, %mul3A_153 : i32
      %add3A_155 = arith.constant 96 : i32
      %add3A_156 = arith.addi %mul3A_154, %add3A_155 : i32
      "tpu.region"() ({
        %run_scoped3A = tpu.sem_alloc : memref<!tpu.dma_semaphore, #tpu.memory_space<semaphore_mem>>
        %dma_start3A_177 = arith.constant 0 : i32
        %dma_start3A_178 = tpu.memref_slice %arg3[%add3A_156, %dma_start3A_177] : memref<2560x128xi32, #tpu.memory_space<hbm>> -> memref<16x128xi32, #tpu.memory_space<hbm>>
        %dma_start3A_179 = arith.constant 0 : i32
        %dma_start3A_180 = tpu.memref_slice %arg3[%add3A_156, %dma_start3A_179] : memref<2560x128xi32, #tpu.memory_space<hbm>> -> memref<16x128xi32, #tpu.memory_space<hbm>>
        tpu.enqueue_dma source(%dma_start3A_180 : memref<16x128xi32, #tpu.memory_space<hbm>>) target(%arg8 : memref<16x128xi32, #tpu.memory_space<vmem>>) target_semaphore(%run_scoped3A : memref<!tpu.dma_semaphore, #tpu.memory_space<semaphore_mem>>)
        %dma_wait3A_181 = arith.constant 0 : i32
        %dma_wait3A_182 = tpu.memref_slice %arg3[%add3A_156, %dma_wait3A_181] : memref<2560x128xi32, #tpu.memory_space<hbm>> -> memref<16x128xi32, #tpu.memory_space<hbm>>
        %dma_wait3A_183 = arith.constant 0 : i32
        %dma_wait3A_184 = tpu.memref_slice %arg3[%add3A_156, %dma_wait3A_183] : memref<2560x128xi32, #tpu.memory_space<hbm>> -> memref<16x128xi32, #tpu.memory_space<hbm>>
        tpu.wait_dma2 semaphore(%run_scoped3A : memref<!tpu.dma_semaphore, #tpu.memory_space<semaphore_mem>>) src(%dma_wait3A_184 : memref<16x128xi32, #tpu.memory_space<hbm>>) dst(%arg8 : memref<16x128xi32, #tpu.memory_space<vmem>>)
        tpu.yield
      }) : () -> ()
      "tpu.region"() ({
        %run_scoped3A = tpu.sem_alloc : memref<!tpu.dma_semaphore, #tpu.memory_space<semaphore_mem>>
        %dma_start3A_177 = arith.constant 0 : i32
        %dma_start3A_178 = tpu.memref_slice %arg4[%add3A_156, %dma_start3A_177] : memref<2560x128xi32, #tpu.memory_space<hbm>> -> memref<16x128xi32, #tpu.memory_space<hbm>>
        %dma_start3A_179 = arith.constant 0 : i32
        %dma_start3A_180 = tpu.memref_slice %arg4[%add3A_156, %dma_start3A_179] : memref<2560x128xi32, #tpu.memory_space<hbm>> -> memref<16x128xi32, #tpu.memory_space<hbm>>
        tpu.enqueue_dma source(%dma_start3A_180 : memref<16x128xi32, #tpu.memory_space<hbm>>) target(%arg9 : memref<16x128xi32, #tpu.memory_space<vmem>>) target_semaphore(%run_scoped3A : memref<!tpu.dma_semaphore, #tpu.memory_space<semaphore_mem>>)
        %dma_wait3A_181 = arith.constant 0 : i32
        %dma_wait3A_182 = tpu.memref_slice %arg4[%add3A_156, %dma_wait3A_181] : memref<2560x128xi32, #tpu.memory_space<hbm>> -> memref<16x128xi32, #tpu.memory_space<hbm>>
        %dma_wait3A_183 = arith.constant 0 : i32
        %dma_wait3A_184 = tpu.memref_slice %arg4[%add3A_156, %dma_wait3A_183] : memref<2560x128xi32, #tpu.memory_space<hbm>> -> memref<16x128xi32, #tpu.memory_space<hbm>>
        tpu.wait_dma2 semaphore(%run_scoped3A : memref<!tpu.dma_semaphore, #tpu.memory_space<semaphore_mem>>) src(%dma_wait3A_184 : memref<16x128xi32, #tpu.memory_space<hbm>>) dst(%arg9 : memref<16x128xi32, #tpu.memory_space<vmem>>)
        tpu.yield
      }) : () -> ()
      %dma_start3A_157 = arith.constant 0 : i32
      %dma_start3A_158 = arith.constant 0 : i32
      %dma_start3A_159 = tpu.memref_slice %arg8[%dma_start3A_157, %dma_start3A_158] : memref<16x128xi32, #tpu.memory_space<vmem>> -> memref<1x128xi32, #tpu.memory_space<vmem>>
      %dma_start3A_160 = tpu.memref_squeeze %dma_start3A_159 : memref<1x128xi32, #tpu.memory_space<vmem>> -> memref<128xi32, #tpu.memory_space<vmem>>
      %dma_start3A_161 = arith.constant 0 : i32
      %dma_start3A_162 = arith.constant 0 : i32
      %dma_start3A_163 = tpu.memref_slice %arg2[%dma_start3A_161, %dma_start3A_162] : memref<10000x128xf32, #tpu.memory_space<hbm>> -> memref<10000x128xf32, #tpu.memory_space<hbm>>
      tpu.enqueue_indirect_dma source(%dma_start3A_163 : memref<10000x128xf32, #tpu.memory_space<hbm>>) target(%arg12 : memref<128x128xf32, #tpu.memory_space<vmem>>) offsets(%dma_start3A_160 : memref<128xi32, #tpu.memory_space<vmem>>) semaphore(%arg14 : memref<!tpu.dma_semaphore, #tpu.memory_space<semaphore_mem>>)
      %scan3A_164 = arith.constant 0 : i32
      %scan3A_165 = arith.constant 0 : i32
      %scan3A_166 = arith.constant 8 : i32
      %scan3A_167 = arith.addi %scan3A_165, %scan3A_166 : i32
      %scan3A_168 = arith.constant 1 : i32
      scf.for %scan3A_177 = %scan3A_165 to %scan3A_167 step %scan3A_168  : i32 {
        %mul3A_178 = arith.constant 2 : i32
        %mul3A_179 = arith.muli %mul3A_178, %scan3A_177 : i32
        %dma_wait3A_180 = arith.constant 0 : i32
        %dma_wait3A_181 = tpu.memref_slice %arg8[%mul3A_179, %dma_wait3A_180] : memref<16x128xi32, #tpu.memory_space<vmem>> -> memref<1x128xi32, #tpu.memory_space<vmem>>
        %dma_wait3A_182 = tpu.memref_squeeze %dma_wait3A_181 : memref<1x128xi32, #tpu.memory_space<vmem>> -> memref<128xi32, #tpu.memory_space<vmem>>
        %dma_wait3A_183 = arith.constant 0 : i32
        %dma_wait3A_184 = arith.constant 0 : i32
        %dma_wait3A_185 = tpu.memref_slice %arg2[%dma_wait3A_183, %dma_wait3A_184] : memref<10000x128xf32, #tpu.memory_space<hbm>> -> memref<10000x128xf32, #tpu.memory_space<hbm>>
        tpu.wait_indirect_dma semaphore(%arg14 : memref<!tpu.dma_semaphore, #tpu.memory_space<semaphore_mem>>) src(%dma_wait3A_185 : memref<10000x128xf32, #tpu.memory_space<hbm>>) dst(%arg12 : memref<128x128xf32, #tpu.memory_space<vmem>>)
        %add3A_186 = arith.constant 1 : i32
        %add3A_187 = arith.addi %mul3A_179, %add3A_186 : i32
        %dma_start3A_188 = arith.constant 0 : i32
        %dma_start3A_189 = tpu.memref_slice %arg8[%add3A_187, %dma_start3A_188] : memref<16x128xi32, #tpu.memory_space<vmem>> -> memref<1x128xi32, #tpu.memory_space<vmem>>
        %dma_start3A_190 = tpu.memref_squeeze %dma_start3A_189 : memref<1x128xi32, #tpu.memory_space<vmem>> -> memref<128xi32, #tpu.memory_space<vmem>>
        %dma_start3A_191 = arith.constant 0 : i32
        %dma_start3A_192 = arith.constant 0 : i32
        %dma_start3A_193 = tpu.memref_slice %arg2[%dma_start3A_191, %dma_start3A_192] : memref<10000x128xf32, #tpu.memory_space<hbm>> -> memref<10000x128xf32, #tpu.memory_space<hbm>>
        tpu.enqueue_indirect_dma source(%dma_start3A_193 : memref<10000x128xf32, #tpu.memory_space<hbm>>) target(%arg13 : memref<128x128xf32, #tpu.memory_space<vmem>>) offsets(%dma_start3A_190 : memref<128xi32, #tpu.memory_space<vmem>>) semaphore(%arg15 : memref<!tpu.dma_semaphore, #tpu.memory_space<semaphore_mem>>)
        "tpu.region"() ({
          %run_scoped3A = tpu.sem_alloc : memref<!tpu.dma_semaphore, #tpu.memory_space<semaphore_mem>>
          %dma_start3A_213 = arith.constant 0 : i32
          %dma_start3A_214 = tpu.memref_slice %arg9[%mul3A_179, %dma_start3A_213] : memref<16x128xi32, #tpu.memory_space<vmem>> -> memref<1x128xi32, #tpu.memory_space<vmem>>
          %dma_start3A_215 = tpu.memref_squeeze %dma_start3A_214 : memref<1x128xi32, #tpu.memory_space<vmem>> -> memref<128xi32, #tpu.memory_space<vmem>>
          %dma_start3A_216 = arith.constant 0 : i32
          %dma_start3A_217 = arith.constant 0 : i32
          %dma_start3A_218 = tpu.memref_slice %arg7[%dma_start3A_216, %dma_start3A_217] : memref<10112x128xf32, #tpu.memory_space<vmem_shared>> -> memref<10112x128xf32, #tpu.memory_space<vmem_shared>>
          tpu.enqueue_indirect_dma source(%arg12 : memref<128x128xf32, #tpu.memory_space<vmem>>) target(%dma_start3A_218 : memref<10112x128xf32, #tpu.memory_space<vmem_shared>>) offsets(%dma_start3A_215 : memref<128xi32, #tpu.memory_space<vmem>>) semaphore(%run_scoped3A : memref<!tpu.dma_semaphore, #tpu.memory_space<semaphore_mem>>) {add = true}
          %dma_wait3A_219 = arith.constant 0 : i32
          %dma_wait3A_220 = tpu.memref_slice %arg9[%mul3A_179, %dma_wait3A_219] : memref<16x128xi32, #tpu.memory_space<vmem>> -> memref<1x128xi32, #tpu.memory_space<vmem>>
          %dma_wait3A_221 = tpu.memref_squeeze %dma_wait3A_220 : memref<1x128xi32, #tpu.memory_space<vmem>> -> memref<128xi32, #tpu.memory_space<vmem>>
          %dma_wait3A_222 = arith.constant 0 : i32
          %dma_wait3A_223 = arith.constant 0 : i32
          %dma_wait3A_224 = tpu.memref_slice %arg7[%dma_wait3A_222, %dma_wait3A_223] : memref<10112x128xf32, #tpu.memory_space<vmem_shared>> -> memref<10112x128xf32, #tpu.memory_space<vmem_shared>>
          tpu.wait_indirect_dma semaphore(%run_scoped3A : memref<!tpu.dma_semaphore, #tpu.memory_space<semaphore_mem>>) src(%arg12 : memref<128x128xf32, #tpu.memory_space<vmem>>) dst(%dma_wait3A_224 : memref<10112x128xf32, #tpu.memory_space<vmem_shared>>)
          tpu.yield
        }) : () -> ()
        %add3A_194 = arith.constant 2 : i32
        %add3A_195 = arith.addi %mul3A_179, %add3A_194 : i32
        %min3A = arith.constant 15 : i32
        %min3A_196 = arith.minsi %add3A_195, %min3A : i32
        %add3A_197 = arith.constant 1 : i32
        %add3A_198 = arith.addi %mul3A_179, %add3A_197 : i32
        %dma_wait3A_199 = arith.constant 0 : i32
        %dma_wait3A_200 = tpu.memref_slice %arg8[%add3A_198, %dma_wait3A_199] : memref<16x128xi32, #tpu.memory_space<vmem>> -> memref<1x128xi32, #tpu.memory_space<vmem>>
        %dma_wait3A_201 = tpu.memref_squeeze %dma_wait3A_200 : memref<1x128xi32, #tpu.memory_space<vmem>> -> memref<128xi32, #tpu.memory_space<vmem>>
        %dma_wait3A_202 = arith.constant 0 : i32
        %dma_wait3A_203 = arith.constant 0 : i32
        %dma_wait3A_204 = tpu.memref_slice %arg2[%dma_wait3A_202, %dma_wait3A_203] : memref<10000x128xf32, #tpu.memory_space<hbm>> -> memref<10000x128xf32, #tpu.memory_space<hbm>>
        tpu.wait_indirect_dma semaphore(%arg15 : memref<!tpu.dma_semaphore, #tpu.memory_space<semaphore_mem>>) src(%dma_wait3A_204 : memref<10000x128xf32, #tpu.memory_space<hbm>>) dst(%arg13 : memref<128x128xf32, #tpu.memory_space<vmem>>)
        %dma_start3A_205 = arith.constant 0 : i32
        %dma_start3A_206 = tpu.memref_slice %arg8[%min3A_196, %dma_start3A_205] : memref<16x128xi32, #tpu.memory_space<vmem>> -> memref<1x128xi32, #tpu.memory_space<vmem>>
        %dma_start3A_207 = tpu.memref_squeeze %dma_start3A_206 : memref<1x128xi32, #tpu.memory_space<vmem>> -> memref<128xi32, #tpu.memory_space<vmem>>
        %dma_start3A_208 = arith.constant 0 : i32
        %dma_start3A_209 = arith.constant 0 : i32
        %dma_start3A_210 = tpu.memref_slice %arg2[%dma_start3A_208, %dma_start3A_209] : memref<10000x128xf32, #tpu.memory_space<hbm>> -> memref<10000x128xf32, #tpu.memory_space<hbm>>
        tpu.enqueue_indirect_dma source(%dma_start3A_210 : memref<10000x128xf32, #tpu.memory_space<hbm>>) target(%arg12 : memref<128x128xf32, #tpu.memory_space<vmem>>) offsets(%dma_start3A_207 : memref<128xi32, #tpu.memory_space<vmem>>) semaphore(%arg14 : memref<!tpu.dma_semaphore, #tpu.memory_space<semaphore_mem>>)
        %add3A_211 = arith.constant 1 : i32
        %add3A_212 = arith.addi %mul3A_179, %add3A_211 : i32
        "tpu.region"() ({
          %run_scoped3A = tpu.sem_alloc : memref<!tpu.dma_semaphore, #tpu.memory_space<semaphore_mem>>
          %dma_start3A_213 = arith.constant 0 : i32
          %dma_start3A_214 = tpu.memref_slice %arg9[%add3A_212, %dma_start3A_213] : memref<16x128xi32, #tpu.memory_space<vmem>> -> memref<1x128xi32, #tpu.memory_space<vmem>>
          %dma_start3A_215 = tpu.memref_squeeze %dma_start3A_214 : memref<1x128xi32, #tpu.memory_space<vmem>> -> memref<128xi32, #tpu.memory_space<vmem>>
          %dma_start3A_216 = arith.constant 0 : i32
          %dma_start3A_217 = arith.constant 0 : i32
          %dma_start3A_218 = tpu.memref_slice %arg7[%dma_start3A_216, %dma_start3A_217] : memref<10112x128xf32, #tpu.memory_space<vmem_shared>> -> memref<10112x128xf32, #tpu.memory_space<vmem_shared>>
          tpu.enqueue_indirect_dma source(%arg13 : memref<128x128xf32, #tpu.memory_space<vmem>>) target(%dma_start3A_218 : memref<10112x128xf32, #tpu.memory_space<vmem_shared>>) offsets(%dma_start3A_215 : memref<128xi32, #tpu.memory_space<vmem>>) semaphore(%run_scoped3A : memref<!tpu.dma_semaphore, #tpu.memory_space<semaphore_mem>>) {add = true}
          %dma_wait3A_219 = arith.constant 0 : i32
          %dma_wait3A_220 = tpu.memref_slice %arg9[%add3A_212, %dma_wait3A_219] : memref<16x128xi32, #tpu.memory_space<vmem>> -> memref<1x128xi32, #tpu.memory_space<vmem>>
          %dma_wait3A_221 = tpu.memref_squeeze %dma_wait3A_220 : memref<1x128xi32, #tpu.memory_space<vmem>> -> memref<128xi32, #tpu.memory_space<vmem>>
          %dma_wait3A_222 = arith.constant 0 : i32
          %dma_wait3A_223 = arith.constant 0 : i32
          %dma_wait3A_224 = tpu.memref_slice %arg7[%dma_wait3A_222, %dma_wait3A_223] : memref<10112x128xf32, #tpu.memory_space<vmem_shared>> -> memref<10112x128xf32, #tpu.memory_space<vmem_shared>>
          tpu.wait_indirect_dma semaphore(%run_scoped3A : memref<!tpu.dma_semaphore, #tpu.memory_space<semaphore_mem>>) src(%arg13 : memref<128x128xf32, #tpu.memory_space<vmem>>) dst(%dma_wait3A_224 : memref<10112x128xf32, #tpu.memory_space<vmem_shared>>)
          tpu.yield
        }) : () -> ()
      }
      %scan3A_169 = arith.constant 8 : i32
      %dma_wait3A_170 = arith.constant 15 : i32
      %dma_wait3A_171 = arith.constant 0 : i32
      %dma_wait3A_172 = tpu.memref_slice %arg8[%dma_wait3A_170, %dma_wait3A_171] : memref<16x128xi32, #tpu.memory_space<vmem>> -> memref<1x128xi32, #tpu.memory_space<vmem>>
      %dma_wait3A_173 = tpu.memref_squeeze %dma_wait3A_172 : memref<1x128xi32, #tpu.memory_space<vmem>> -> memref<128xi32, #tpu.memory_space<vmem>>
      %dma_wait3A_174 = arith.constant 0 : i32
      %dma_wait3A_175 = arith.constant 0 : i32
      %dma_wait3A_176 = tpu.memref_slice %arg2[%dma_wait3A_174, %dma_wait3A_175] : memref<10000x128xf32, #tpu.memory_space<hbm>> -> memref<10000x128xf32, #tpu.memory_space<hbm>>
      tpu.wait_indirect_dma semaphore(%arg14 : memref<!tpu.dma_semaphore, #tpu.memory_space<semaphore_mem>>) src(%dma_wait3A_176 : memref<10000x128xf32, #tpu.memory_space<hbm>>) dst(%arg12 : memref<128x128xf32, #tpu.memory_space<vmem>>)
    } else {
    }
    %eq3A_3 = arith.constant 1 : i32
    %eq3A_4 = arith.cmpi eq, %arg0, %eq3A_3 : i32
    %convert_element_type3A_5 = arith.extui %eq3A_4 : i1 to i32
    %cond3A_6 = arith.constant 0 : i32
    %cond3A_7 = arith.cmpi ne, %convert_element_type3A_5, %cond3A_6 : i32
    scf.if %cond3A_7 {
      %mul3A_13 = arith.constant 48 : i32
      %mul3A_14 = arith.muli %arg1, %mul3A_13 : i32
      %add3A = arith.constant 1792 : i32
      %add3A_15 = arith.addi %add3A, %mul3A_14 : i32
      "tpu.region"() ({
        %run_scoped3A = tpu.sem_alloc : memref<!tpu.dma_semaphore, #tpu.memory_space<semaphore_mem>>
        %dma_start3A = arith.constant 0 : i32
        %dma_start3A_25 = tpu.memref_slice %arg3[%add3A_15, %dma_start3A] : memref<2560x128xi32, #tpu.memory_space<hbm>> -> memref<48x128xi32, #tpu.memory_space<hbm>>
        %dma_start3A_26 = arith.constant 0 : i32
        %dma_start3A_27 = tpu.memref_slice %arg3[%add3A_15, %dma_start3A_26] : memref<2560x128xi32, #tpu.memory_space<hbm>> -> memref<48x128xi32, #tpu.memory_space<hbm>>
        tpu.enqueue_dma source(%dma_start3A_27 : memref<48x128xi32, #tpu.memory_space<hbm>>) target(%arg10 : memref<48x128xi32, #tpu.memory_space<vmem>>) target_semaphore(%run_scoped3A : memref<!tpu.dma_semaphore, #tpu.memory_space<semaphore_mem>>)
        %dma_wait3A = arith.constant 0 : i32
        %dma_wait3A_28 = tpu.memref_slice %arg3[%add3A_15, %dma_wait3A] : memref<2560x128xi32, #tpu.memory_space<hbm>> -> memref<48x128xi32, #tpu.memory_space<hbm>>
        %dma_wait3A_29 = arith.constant 0 : i32
        %dma_wait3A_30 = tpu.memref_slice %arg3[%add3A_15, %dma_wait3A_29] : memref<2560x128xi32, #tpu.memory_space<hbm>> -> memref<48x128xi32, #tpu.memory_space<hbm>>
        tpu.wait_dma2 semaphore(%run_scoped3A : memref<!tpu.dma_semaphore, #tpu.memory_space<semaphore_mem>>) src(%dma_wait3A_30 : memref<48x128xi32, #tpu.memory_space<hbm>>) dst(%arg10 : memref<48x128xi32, #tpu.memory_space<vmem>>)
        tpu.yield
      }) : () -> ()
      %mul3A_16 = arith.constant 48 : i32
      %mul3A_17 = arith.muli %arg1, %mul3A_16 : i32
      %add3A_18 = arith.constant 1792 : i32
      %add3A_19 = arith.addi %add3A_18, %mul3A_17 : i32
      "tpu.region"() ({
        %run_scoped3A = tpu.sem_alloc : memref<!tpu.dma_semaphore, #tpu.memory_space<semaphore_mem>>
        %dma_start3A = arith.constant 0 : i32
        %dma_start3A_25 = tpu.memref_slice %arg4[%add3A_19, %dma_start3A] : memref<2560x128xi32, #tpu.memory_space<hbm>> -> memref<48x128xi32, #tpu.memory_space<hbm>>
        %dma_start3A_26 = arith.constant 0 : i32
        %dma_start3A_27 = tpu.memref_slice %arg4[%add3A_19, %dma_start3A_26] : memref<2560x128xi32, #tpu.memory_space<hbm>> -> memref<48x128xi32, #tpu.memory_space<hbm>>
        tpu.enqueue_dma source(%dma_start3A_27 : memref<48x128xi32, #tpu.memory_space<hbm>>) target(%arg11 : memref<48x128xi32, #tpu.memory_space<vmem>>) target_semaphore(%run_scoped3A : memref<!tpu.dma_semaphore, #tpu.memory_space<semaphore_mem>>)
        %dma_wait3A = arith.constant 0 : i32
        %dma_wait3A_28 = tpu.memref_slice %arg4[%add3A_19, %dma_wait3A] : memref<2560x128xi32, #tpu.memory_space<hbm>> -> memref<48x128xi32, #tpu.memory_space<hbm>>
        %dma_wait3A_29 = arith.constant 0 : i32
        %dma_wait3A_30 = tpu.memref_slice %arg4[%add3A_19, %dma_wait3A_29] : memref<2560x128xi32, #tpu.memory_space<hbm>> -> memref<48x128xi32, #tpu.memory_space<hbm>>
        tpu.wait_dma2 semaphore(%run_scoped3A : memref<!tpu.dma_semaphore, #tpu.memory_space<semaphore_mem>>) src(%dma_wait3A_30 : memref<48x128xi32, #tpu.memory_space<hbm>>) dst(%arg11 : memref<48x128xi32, #tpu.memory_space<vmem>>)
        tpu.yield
      }) : () -> ()
      %scan3A = arith.constant 0 : i32
      %scan3A_20 = arith.constant 0 : i32
      %scan3A_21 = arith.constant 48 : i32
      %scan3A_22 = arith.addi %scan3A_20, %scan3A_21 : i32
      %scan3A_23 = arith.constant 1 : i32
      scf.for %scan3A_25 = %scan3A_20 to %scan3A_22 step %scan3A_23  : i32 {
        "tpu.region"() ({
          %run_scoped3A = tpu.sem_alloc : memref<!tpu.dma_semaphore, #tpu.memory_space<semaphore_mem>>
          %dma_start3A = arith.constant 0 : i32
          %dma_start3A_26 = tpu.memref_slice %arg10[%scan3A_25, %dma_start3A] : memref<48x128xi32, #tpu.memory_space<vmem>> -> memref<1x128xi32, #tpu.memory_space<vmem>>
          %dma_start3A_27 = tpu.memref_squeeze %dma_start3A_26 : memref<1x128xi32, #tpu.memory_space<vmem>> -> memref<128xi32, #tpu.memory_space<vmem>>
          %dma_start3A_28 = arith.constant 0 : i32
          %dma_start3A_29 = arith.constant 0 : i32
          %dma_start3A_30 = tpu.memref_slice %arg2[%dma_start3A_28, %dma_start3A_29] : memref<10000x128xf32, #tpu.memory_space<hbm>> -> memref<10000x128xf32, #tpu.memory_space<hbm>>
          tpu.enqueue_indirect_dma source(%dma_start3A_30 : memref<10000x128xf32, #tpu.memory_space<hbm>>) target(%arg12 : memref<128x128xf32, #tpu.memory_space<vmem>>) offsets(%dma_start3A_27 : memref<128xi32, #tpu.memory_space<vmem>>) semaphore(%run_scoped3A : memref<!tpu.dma_semaphore, #tpu.memory_space<semaphore_mem>>)
          %dma_wait3A = arith.constant 0 : i32
          %dma_wait3A_31 = tpu.memref_slice %arg10[%scan3A_25, %dma_wait3A] : memref<48x128xi32, #tpu.memory_space<vmem>> -> memref<1x128xi32, #tpu.memory_space<vmem>>
          %dma_wait3A_32 = tpu.memref_squeeze %dma_wait3A_31 : memref<1x128xi32, #tpu.memory_space<vmem>> -> memref<128xi32, #tpu.memory_space<vmem>>
          %dma_wait3A_33 = arith.constant 0 : i32
          %dma_wait3A_34 = arith.constant 0 : i32
          %dma_wait3A_35 = tpu.memref_slice %arg2[%dma_wait3A_33, %dma_wait3A_34] : memref<10000x128xf32, #tpu.memory_space<hbm>> -> memref<10000x128xf32, #tpu.memory_space<hbm>>
          tpu.wait_indirect_dma semaphore(%run_scoped3A : memref<!tpu.dma_semaphore, #tpu.memory_space<semaphore_mem>>) src(%dma_wait3A_35 : memref<10000x128xf32, #tpu.memory_space<hbm>>) dst(%arg12 : memref<128x128xf32, #tpu.memory_space<vmem>>)
          tpu.yield
        }) : () -> ()
        "tpu.region"() ({
          %run_scoped3A = tpu.sem_alloc : memref<!tpu.dma_semaphore, #tpu.memory_space<semaphore_mem>>
          %dma_start3A = arith.constant 0 : i32
          %dma_start3A_26 = tpu.memref_slice %arg11[%scan3A_25, %dma_start3A] : memref<48x128xi32, #tpu.memory_space<vmem>> -> memref<1x128xi32, #tpu.memory_space<vmem>>
          %dma_start3A_27 = tpu.memref_squeeze %dma_start3A_26 : memref<1x128xi32, #tpu.memory_space<vmem>> -> memref<128xi32, #tpu.memory_space<vmem>>
          %dma_start3A_28 = arith.constant 0 : i32
          %dma_start3A_29 = arith.constant 0 : i32
          %dma_start3A_30 = tpu.memref_slice %arg7[%dma_start3A_28, %dma_start3A_29] : memref<10112x128xf32, #tpu.memory_space<vmem_shared>> -> memref<10112x128xf32, #tpu.memory_space<vmem_shared>>
          tpu.enqueue_indirect_dma source(%arg12 : memref<128x128xf32, #tpu.memory_space<vmem>>) target(%dma_start3A_30 : memref<10112x128xf32, #tpu.memory_space<vmem_shared>>) offsets(%dma_start3A_27 : memref<128xi32, #tpu.memory_space<vmem>>) semaphore(%run_scoped3A : memref<!tpu.dma_semaphore, #tpu.memory_space<semaphore_mem>>) {add = true}
          %dma_wait3A = arith.constant 0 : i32
          %dma_wait3A_31 = tpu.memref_slice %arg11[%scan3A_25, %dma_wait3A] : memref<48x128xi32, #tpu.memory_space<vmem>> -> memref<1x128xi32, #tpu.memory_space<vmem>>
          %dma_wait3A_32 = tpu.memref_squeeze %dma_wait3A_31 : memref<1x128xi32, #tpu.memory_space<vmem>> -> memref<128xi32, #tpu.memory_space<vmem>>
          %dma_wait3A_33 = arith.constant 0 : i32
          %dma_wait3A_34 = arith.constant 0 : i32
          %dma_wait3A_35 = tpu.memref_slice %arg7[%dma_wait3A_33, %dma_wait3A_34] : memref<10112x128xf32, #tpu.memory_space<vmem_shared>> -> memref<10112x128xf32, #tpu.memory_space<vmem_shared>>
          tpu.wait_indirect_dma semaphore(%run_scoped3A : memref<!tpu.dma_semaphore, #tpu.memory_space<semaphore_mem>>) src(%arg12 : memref<128x128xf32, #tpu.memory_space<vmem>>) dst(%dma_wait3A_35 : memref<10112x128xf32, #tpu.memory_space<vmem_shared>>)
          tpu.yield
        }) : () -> ()
      }
      %scan3A_24 = arith.constant 48 : i32
    } else {
    }
    %barrier3A_8 = arith.constant 0 : index
    tpu.barrier barrier_id(%barrier3A_8)
    %mul3A_9 = arith.constant 632 : i32
    %mul3A_10 = arith.muli %arg1, %mul3A_9 : i32
    %mul3A_11 = arith.constant 632 : i32
    %mul3A_12 = arith.muli %arg1, %mul3A_11 : i32
    "tpu.region"() ({
      %run_scoped3A = tpu.sem_alloc : memref<!tpu.dma_semaphore, #tpu.memory_space<semaphore_mem>>
      %dma_start3A = arith.constant 0 : i32
      %dma_start3A_13 = tpu.memref_slice %arg6[%arg0, %mul3A_12, %dma_start3A] : memref<2x10112x128xf32, #tpu.memory_space<hbm>> -> memref<1x632x128xf32, #tpu.memory_space<hbm>>
      %dma_start3A_14 = tpu.memref_squeeze %dma_start3A_13 : memref<1x632x128xf32, #tpu.memory_space<hbm>> -> memref<632x128xf32, #tpu.memory_space<hbm>>
      %dma_start3A_15 = arith.constant 0 : i32
      %dma_start3A_16 = tpu.memref_slice %arg7[%mul3A_10, %dma_start3A_15] : memref<10112x128xf32, #tpu.memory_space<vmem_shared>> -> memref<632x128xf32, #tpu.memory_space<vmem_shared>>
      tpu.enqueue_dma source(%dma_start3A_16 : memref<632x128xf32, #tpu.memory_space<vmem_shared>>) target(%dma_start3A_14 : memref<632x128xf32, #tpu.memory_space<hbm>>) target_semaphore(%run_scoped3A : memref<!tpu.dma_semaphore, #tpu.memory_space<semaphore_mem>>)
      %dma_wait3A = arith.constant 0 : i32
      %dma_wait3A_17 = tpu.memref_slice %arg6[%arg0, %mul3A_12, %dma_wait3A] : memref<2x10112x128xf32, #tpu.memory_space<hbm>> -> memref<1x632x128xf32, #tpu.memory_space<hbm>>
      %dma_wait3A_18 = tpu.memref_squeeze %dma_wait3A_17 : memref<1x632x128xf32, #tpu.memory_space<hbm>> -> memref<632x128xf32, #tpu.memory_space<hbm>>
      %dma_wait3A_19 = arith.constant 0 : i32
      %dma_wait3A_20 = tpu.memref_slice %arg7[%mul3A_10, %dma_wait3A_19] : memref<10112x128xf32, #tpu.memory_space<vmem_shared>> -> memref<632x128xf32, #tpu.memory_space<vmem_shared>>
      tpu.wait_dma2 semaphore(%run_scoped3A : memref<!tpu.dma_semaphore, #tpu.memory_space<semaphore_mem>>) src(%dma_wait3A_20 : memref<632x128xf32, #tpu.memory_space<vmem_shared>>) dst(%dma_wait3A_18 : memref<632x128xf32, #tpu.memory_space<hbm>>)
      tpu.yield
    }) : () -> ()
    return
  }
}

#map = affine_map<(d0, d1) -> (0, 0)>
#map1 = affine_map<(d0, d1) -> (0)>
#map2 = affine_map<(d0, d1) -> (0, 0, 0)>
module attributes {stable_mosaic.version = 14 : i64} {
  func.func @_deg_body(%arg0: i32, %arg1: i32, %arg2: memref<2560x128xi32, #tpu.memory_space<hbm>>, %arg3: memref<2560x128xi32, #tpu.memory_space<hbm>>, %arg4: memref<640xf32, #tpu.memory_space<hbm>>, %arg5: memref<128xf32, #tpu.memory_space<hbm>>, %arg6: memref<2x1x10240xf32, #tpu.memory_space<hbm>>, %arg7: memref<2x1x10240xf32, #tpu.memory_space<hbm>>, %arg8: memref<10240xf32, #tpu.memory_space<vmem_shared>>, %arg9: memref<10240xf32, #tpu.memory_space<vmem_shared>>, %arg10: memref<80x128xi32, #tpu.memory_space<vmem>>, %arg11: memref<80x128xi32, #tpu.memory_space<vmem>>, %arg12: memref<128xf32, #tpu.memory_space<vmem>>) attributes {dimension_semantics = [#tpu.dimension_semantics<core_parallel>, #tpu.dimension_semantics<subcore_parallel>], iteration_bounds = array<i64: 2, 16>, scalar_prefetch = 0 : i64, scratch_operands = 5 : i64, tpu.core_type = #tpu.core_type<sc_vector_subcore>, window_params = [{transform_indices = #map}, {transform_indices = #map}, {transform_indices = #map1}, {transform_indices = #map1}, {transform_indices = #map2}, {transform_indices = #map2}]} {
    %mul3A = arith.constant 2 : i32
    %mul3A_0 = arith.muli %arg1, %mul3A : i32
    %add3A = arith.addi %mul3A_0, %arg0 : i32
    %mul3A_1 = arith.constant 640 : i32
    %mul3A_2 = arith.muli %arg1, %mul3A_1 : i32
    "tpu.region"() ({
      %run_scoped3A_24 = tpu.sem_alloc : memref<!tpu.dma_semaphore, #tpu.memory_space<semaphore_mem>>
      %dma_start3A = tpu.memref_slice %arg8[%mul3A_2] : memref<10240xf32, #tpu.memory_space<vmem_shared>> -> memref<640xf32, #tpu.memory_space<vmem_shared>>
      tpu.enqueue_dma source(%arg4 : memref<640xf32, #tpu.memory_space<hbm>>) target(%dma_start3A : memref<640xf32, #tpu.memory_space<vmem_shared>>) target_semaphore(%run_scoped3A_24 : memref<!tpu.dma_semaphore, #tpu.memory_space<semaphore_mem>>)
      %dma_wait3A = tpu.memref_slice %arg8[%mul3A_2] : memref<10240xf32, #tpu.memory_space<vmem_shared>> -> memref<640xf32, #tpu.memory_space<vmem_shared>>
      tpu.wait_dma2 semaphore(%run_scoped3A_24 : memref<!tpu.dma_semaphore, #tpu.memory_space<semaphore_mem>>) src(%arg4 : memref<640xf32, #tpu.memory_space<hbm>>) dst(%dma_wait3A : memref<640xf32, #tpu.memory_space<vmem_shared>>)
      tpu.yield
    }) : () -> ()
    %mul3A_3 = arith.constant 640 : i32
    %mul3A_4 = arith.muli %arg1, %mul3A_3 : i32
    "tpu.region"() ({
      %run_scoped3A_24 = tpu.sem_alloc : memref<!tpu.dma_semaphore, #tpu.memory_space<semaphore_mem>>
      %dma_start3A = tpu.memref_slice %arg9[%mul3A_4] : memref<10240xf32, #tpu.memory_space<vmem_shared>> -> memref<640xf32, #tpu.memory_space<vmem_shared>>
      tpu.enqueue_dma source(%arg4 : memref<640xf32, #tpu.memory_space<hbm>>) target(%dma_start3A : memref<640xf32, #tpu.memory_space<vmem_shared>>) target_semaphore(%run_scoped3A_24 : memref<!tpu.dma_semaphore, #tpu.memory_space<semaphore_mem>>)
      %dma_wait3A = tpu.memref_slice %arg9[%mul3A_4] : memref<10240xf32, #tpu.memory_space<vmem_shared>> -> memref<640xf32, #tpu.memory_space<vmem_shared>>
      tpu.wait_dma2 semaphore(%run_scoped3A_24 : memref<!tpu.dma_semaphore, #tpu.memory_space<semaphore_mem>>) src(%arg4 : memref<640xf32, #tpu.memory_space<hbm>>) dst(%dma_wait3A : memref<640xf32, #tpu.memory_space<vmem_shared>>)
      tpu.yield
    }) : () -> ()
    "tpu.region"() ({
      %run_scoped3A_24 = tpu.sem_alloc : memref<!tpu.dma_semaphore, #tpu.memory_space<semaphore_mem>>
      tpu.enqueue_dma source(%arg5 : memref<128xf32, #tpu.memory_space<hbm>>) target(%arg12 : memref<128xf32, #tpu.memory_space<vmem>>) target_semaphore(%run_scoped3A_24 : memref<!tpu.dma_semaphore, #tpu.memory_space<semaphore_mem>>)
      tpu.wait_dma2 semaphore(%run_scoped3A_24 : memref<!tpu.dma_semaphore, #tpu.memory_space<semaphore_mem>>) src(%arg5 : memref<128xf32, #tpu.memory_space<hbm>>) dst(%arg12 : memref<128xf32, #tpu.memory_space<vmem>>)
      tpu.yield
    }) : () -> ()
    %mul3A_5 = arith.constant 80 : i32
    %mul3A_6 = arith.muli %add3A, %mul3A_5 : i32
    "tpu.region"() ({
      %run_scoped3A_24 = tpu.sem_alloc : memref<!tpu.dma_semaphore, #tpu.memory_space<semaphore_mem>>
      %dma_start3A = arith.constant 0 : i32
      %dma_start3A_25 = tpu.memref_slice %arg2[%mul3A_6, %dma_start3A] : memref<2560x128xi32, #tpu.memory_space<hbm>> -> memref<80x128xi32, #tpu.memory_space<hbm>>
      %dma_start3A_26 = arith.constant 0 : i32
      %dma_start3A_27 = tpu.memref_slice %arg2[%mul3A_6, %dma_start3A_26] : memref<2560x128xi32, #tpu.memory_space<hbm>> -> memref<80x128xi32, #tpu.memory_space<hbm>>
      tpu.enqueue_dma source(%dma_start3A_27 : memref<80x128xi32, #tpu.memory_space<hbm>>) target(%arg10 : memref<80x128xi32, #tpu.memory_space<vmem>>) target_semaphore(%run_scoped3A_24 : memref<!tpu.dma_semaphore, #tpu.memory_space<semaphore_mem>>)
      %dma_wait3A = arith.constant 0 : i32
      %dma_wait3A_28 = tpu.memref_slice %arg2[%mul3A_6, %dma_wait3A] : memref<2560x128xi32, #tpu.memory_space<hbm>> -> memref<80x128xi32, #tpu.memory_space<hbm>>
      %dma_wait3A_29 = arith.constant 0 : i32
      %dma_wait3A_30 = tpu.memref_slice %arg2[%mul3A_6, %dma_wait3A_29] : memref<2560x128xi32, #tpu.memory_space<hbm>> -> memref<80x128xi32, #tpu.memory_space<hbm>>
      tpu.wait_dma2 semaphore(%run_scoped3A_24 : memref<!tpu.dma_semaphore, #tpu.memory_space<semaphore_mem>>) src(%dma_wait3A_30 : memref<80x128xi32, #tpu.memory_space<hbm>>) dst(%arg10 : memref<80x128xi32, #tpu.memory_space<vmem>>)
      tpu.yield
    }) : () -> ()
    %mul3A_7 = arith.constant 80 : i32
    %mul3A_8 = arith.muli %add3A, %mul3A_7 : i32
    "tpu.region"() ({
      %run_scoped3A_24 = tpu.sem_alloc : memref<!tpu.dma_semaphore, #tpu.memory_space<semaphore_mem>>
      %dma_start3A = arith.constant 0 : i32
      %dma_start3A_25 = tpu.memref_slice %arg3[%mul3A_8, %dma_start3A] : memref<2560x128xi32, #tpu.memory_space<hbm>> -> memref<80x128xi32, #tpu.memory_space<hbm>>
      %dma_start3A_26 = arith.constant 0 : i32
      %dma_start3A_27 = tpu.memref_slice %arg3[%mul3A_8, %dma_start3A_26] : memref<2560x128xi32, #tpu.memory_space<hbm>> -> memref<80x128xi32, #tpu.memory_space<hbm>>
      tpu.enqueue_dma source(%dma_start3A_27 : memref<80x128xi32, #tpu.memory_space<hbm>>) target(%arg11 : memref<80x128xi32, #tpu.memory_space<vmem>>) target_semaphore(%run_scoped3A_24 : memref<!tpu.dma_semaphore, #tpu.memory_space<semaphore_mem>>)
      %dma_wait3A = arith.constant 0 : i32
      %dma_wait3A_28 = tpu.memref_slice %arg3[%mul3A_8, %dma_wait3A] : memref<2560x128xi32, #tpu.memory_space<hbm>> -> memref<80x128xi32, #tpu.memory_space<hbm>>
      %dma_wait3A_29 = arith.constant 0 : i32
      %dma_wait3A_30 = tpu.memref_slice %arg3[%mul3A_8, %dma_wait3A_29] : memref<2560x128xi32, #tpu.memory_space<hbm>> -> memref<80x128xi32, #tpu.memory_space<hbm>>
      tpu.wait_dma2 semaphore(%run_scoped3A_24 : memref<!tpu.dma_semaphore, #tpu.memory_space<semaphore_mem>>) src(%dma_wait3A_30 : memref<80x128xi32, #tpu.memory_space<hbm>>) dst(%arg11 : memref<80x128xi32, #tpu.memory_space<vmem>>)
      tpu.yield
    }) : () -> ()
    %barrier3A = arith.constant 0 : index
    tpu.barrier barrier_id(%barrier3A)
    %scan3A = arith.constant 0 : i32
    %scan3A_9 = arith.constant 0 : i32
    %scan3A_10 = arith.constant 80 : i32
    %scan3A_11 = arith.addi %scan3A_9, %scan3A_10 : i32
    %scan3A_12 = arith.constant 1 : i32
    scf.for %scan3A_24 = %scan3A_9 to %scan3A_11 step %scan3A_12  : i32 {
      "tpu.region"() ({
        %run_scoped3A_25 = tpu.sem_alloc : memref<!tpu.dma_semaphore, #tpu.memory_space<semaphore_mem>>
        %dma_start3A = arith.constant 0 : i32
        %dma_start3A_26 = tpu.memref_slice %arg10[%scan3A_24, %dma_start3A] : memref<80x128xi32, #tpu.memory_space<vmem>> -> memref<1x128xi32, #tpu.memory_space<vmem>>
        %dma_start3A_27 = tpu.memref_squeeze %dma_start3A_26 : memref<1x128xi32, #tpu.memory_space<vmem>> -> memref<128xi32, #tpu.memory_space<vmem>>
        %dma_start3A_28 = arith.constant 0 : i32
        %dma_start3A_29 = tpu.memref_slice %arg8[%dma_start3A_28] : memref<10240xf32, #tpu.memory_space<vmem_shared>> -> memref<10240xf32, #tpu.memory_space<vmem_shared>>
        tpu.enqueue_indirect_dma source(%arg12 : memref<128xf32, #tpu.memory_space<vmem>>) target(%dma_start3A_29 : memref<10240xf32, #tpu.memory_space<vmem_shared>>) offsets(%dma_start3A_27 : memref<128xi32, #tpu.memory_space<vmem>>) semaphore(%run_scoped3A_25 : memref<!tpu.dma_semaphore, #tpu.memory_space<semaphore_mem>>) {add = true}
        %dma_wait3A = arith.constant 0 : i32
        %dma_wait3A_30 = tpu.memref_slice %arg10[%scan3A_24, %dma_wait3A] : memref<80x128xi32, #tpu.memory_space<vmem>> -> memref<1x128xi32, #tpu.memory_space<vmem>>
        %dma_wait3A_31 = tpu.memref_squeeze %dma_wait3A_30 : memref<1x128xi32, #tpu.memory_space<vmem>> -> memref<128xi32, #tpu.memory_space<vmem>>
        %dma_wait3A_32 = arith.constant 0 : i32
        %dma_wait3A_33 = tpu.memref_slice %arg8[%dma_wait3A_32] : memref<10240xf32, #tpu.memory_space<vmem_shared>> -> memref<10240xf32, #tpu.memory_space<vmem_shared>>
        tpu.wait_indirect_dma semaphore(%run_scoped3A_25 : memref<!tpu.dma_semaphore, #tpu.memory_space<semaphore_mem>>) src(%arg12 : memref<128xf32, #tpu.memory_space<vmem>>) dst(%dma_wait3A_33 : memref<10240xf32, #tpu.memory_space<vmem_shared>>)
        tpu.yield
      }) : () -> ()
      "tpu.region"() ({
        %run_scoped3A_25 = tpu.sem_alloc : memref<!tpu.dma_semaphore, #tpu.memory_space<semaphore_mem>>
        %dma_start3A = arith.constant 0 : i32
        %dma_start3A_26 = tpu.memref_slice %arg11[%scan3A_24, %dma_start3A] : memref<80x128xi32, #tpu.memory_space<vmem>> -> memref<1x128xi32, #tpu.memory_space<vmem>>
        %dma_start3A_27 = tpu.memref_squeeze %dma_start3A_26 : memref<1x128xi32, #tpu.memory_space<vmem>> -> memref<128xi32, #tpu.memory_space<vmem>>
        %dma_start3A_28 = arith.constant 0 : i32
        %dma_start3A_29 = tpu.memref_slice %arg9[%dma_start3A_28] : memref<10240xf32, #tpu.memory_space<vmem_shared>> -> memref<10240xf32, #tpu.memory_space<vmem_shared>>
        tpu.enqueue_indirect_dma source(%arg12 : memref<128xf32, #tpu.memory_space<vmem>>) target(%dma_start3A_29 : memref<10240xf32, #tpu.memory_space<vmem_shared>>) offsets(%dma_start3A_27 : memref<128xi32, #tpu.memory_space<vmem>>) semaphore(%run_scoped3A_25 : memref<!tpu.dma_semaphore, #tpu.memory_space<semaphore_mem>>) {add = true}
        %dma_wait3A = arith.constant 0 : i32
        %dma_wait3A_30 = tpu.memref_slice %arg11[%scan3A_24, %dma_wait3A] : memref<80x128xi32, #tpu.memory_space<vmem>> -> memref<1x128xi32, #tpu.memory_space<vmem>>
        %dma_wait3A_31 = tpu.memref_squeeze %dma_wait3A_30 : memref<1x128xi32, #tpu.memory_space<vmem>> -> memref<128xi32, #tpu.memory_space<vmem>>
        %dma_wait3A_32 = arith.constant 0 : i32
        %dma_wait3A_33 = tpu.memref_slice %arg9[%dma_wait3A_32] : memref<10240xf32, #tpu.memory_space<vmem_shared>> -> memref<10240xf32, #tpu.memory_space<vmem_shared>>
        tpu.wait_indirect_dma semaphore(%run_scoped3A_25 : memref<!tpu.dma_semaphore, #tpu.memory_space<semaphore_mem>>) src(%arg12 : memref<128xf32, #tpu.memory_space<vmem>>) dst(%dma_wait3A_33 : memref<10240xf32, #tpu.memory_space<vmem_shared>>)
        tpu.yield
      }) : () -> ()
    }
    %scan3A_13 = arith.constant 80 : i32
    %barrier3A_14 = arith.constant 0 : index
    tpu.barrier barrier_id(%barrier3A_14)
    %mul3A_15 = arith.constant 640 : i32
    %mul3A_16 = arith.muli %arg1, %mul3A_15 : i32
    %mul3A_17 = arith.constant 640 : i32
    %mul3A_18 = arith.muli %arg1, %mul3A_17 : i32
    %run_scoped3A = arith.constant 0 : i32
    "tpu.region"() ({
      %run_scoped3A_24 = tpu.sem_alloc : memref<!tpu.dma_semaphore, #tpu.memory_space<semaphore_mem>>
      %dma_start3A = tpu.memref_slice %arg6[%arg0, %run_scoped3A, %mul3A_18] : memref<2x1x10240xf32, #tpu.memory_space<hbm>> -> memref<1x1x640xf32, #tpu.memory_space<hbm>>
      %dma_start3A_25 = tpu.memref_squeeze %dma_start3A : memref<1x1x640xf32, #tpu.memory_space<hbm>> -> memref<640xf32, #tpu.memory_space<hbm>>
      %dma_start3A_26 = tpu.memref_slice %arg8[%mul3A_16] : memref<10240xf32, #tpu.memory_space<vmem_shared>> -> memref<640xf32, #tpu.memory_space<vmem_shared>>
      tpu.enqueue_dma source(%dma_start3A_26 : memref<640xf32, #tpu.memory_space<vmem_shared>>) target(%dma_start3A_25 : memref<640xf32, #tpu.memory_space<hbm>>) target_semaphore(%run_scoped3A_24 : memref<!tpu.dma_semaphore, #tpu.memory_space<semaphore_mem>>)
      %dma_wait3A = tpu.memref_slice %arg6[%arg0, %run_scoped3A, %mul3A_18] : memref<2x1x10240xf32, #tpu.memory_space<hbm>> -> memref<1x1x640xf32, #tpu.memory_space<hbm>>
      %dma_wait3A_27 = tpu.memref_squeeze %dma_wait3A : memref<1x1x640xf32, #tpu.memory_space<hbm>> -> memref<640xf32, #tpu.memory_space<hbm>>
      %dma_wait3A_28 = tpu.memref_slice %arg8[%mul3A_16] : memref<10240xf32, #tpu.memory_space<vmem_shared>> -> memref<640xf32, #tpu.memory_space<vmem_shared>>
      tpu.wait_dma2 semaphore(%run_scoped3A_24 : memref<!tpu.dma_semaphore, #tpu.memory_space<semaphore_mem>>) src(%dma_wait3A_28 : memref<640xf32, #tpu.memory_space<vmem_shared>>) dst(%dma_wait3A_27 : memref<640xf32, #tpu.memory_space<hbm>>)
      tpu.yield
    }) : () -> ()
    %mul3A_19 = arith.constant 640 : i32
    %mul3A_20 = arith.muli %arg1, %mul3A_19 : i32
    %mul3A_21 = arith.constant 640 : i32
    %mul3A_22 = arith.muli %arg1, %mul3A_21 : i32
    %run_scoped3A_23 = arith.constant 0 : i32
    "tpu.region"() ({
      %run_scoped3A_24 = tpu.sem_alloc : memref<!tpu.dma_semaphore, #tpu.memory_space<semaphore_mem>>
      %dma_start3A = tpu.memref_slice %arg7[%arg0, %run_scoped3A_23, %mul3A_22] : memref<2x1x10240xf32, #tpu.memory_space<hbm>> -> memref<1x1x640xf32, #tpu.memory_space<hbm>>
      %dma_start3A_25 = tpu.memref_squeeze %dma_start3A : memref<1x1x640xf32, #tpu.memory_space<hbm>> -> memref<640xf32, #tpu.memory_space<hbm>>
      %dma_start3A_26 = tpu.memref_slice %arg9[%mul3A_20] : memref<10240xf32, #tpu.memory_space<vmem_shared>> -> memref<640xf32, #tpu.memory_space<vmem_shared>>
      tpu.enqueue_dma source(%dma_start3A_26 : memref<640xf32, #tpu.memory_space<vmem_shared>>) target(%dma_start3A_25 : memref<640xf32, #tpu.memory_space<hbm>>) target_semaphore(%run_scoped3A_24 : memref<!tpu.dma_semaphore, #tpu.memory_space<semaphore_mem>>)
      %dma_wait3A = tpu.memref_slice %arg7[%arg0, %run_scoped3A_23, %mul3A_22] : memref<2x1x10240xf32, #tpu.memory_space<hbm>> -> memref<1x1x640xf32, #tpu.memory_space<hbm>>
      %dma_wait3A_27 = tpu.memref_squeeze %dma_wait3A : memref<1x1x640xf32, #tpu.memory_space<hbm>> -> memref<640xf32, #tpu.memory_space<hbm>>
      %dma_wait3A_28 = tpu.memref_slice %arg9[%mul3A_20] : memref<10240xf32, #tpu.memory_space<vmem_shared>> -> memref<640xf32, #tpu.memory_space<vmem_shared>>
      tpu.wait_dma2 semaphore(%run_scoped3A_24 : memref<!tpu.dma_semaphore, #tpu.memory_space<semaphore_mem>>) src(%dma_wait3A_28 : memref<640xf32, #tpu.memory_space<vmem_shared>>) dst(%dma_wait3A_27 : memref<640xf32, #tpu.memory_space<hbm>>)
      tpu.yield
    }) : () -> ()
    return
  }
}

#map = affine_map<(d0, d1) -> (0, 0)>
#map1 = affine_map<(d0, d1) -> (0, 0, 0)>
module attributes {stable_mosaic.version = 14 : i64} {
  func.func @_scat_body(%arg0: i32, %arg1: i32, %arg2: memref<10000x128xf32, #tpu.memory_space<hbm>>, %arg3: memref<2560x128xi32, #tpu.memory_space<hbm>>, %arg4: memref<2560x128xi32, #tpu.memory_space<hbm>>, %arg5: memref<632x128xf32, #tpu.memory_space<hbm>>, %arg6: memref<2x10112x128xf32, #tpu.memory_space<hbm>>, %arg7: memref<10112x128xf32, #tpu.memory_space<vmem_shared>>, %arg8: memref<16x128xi32, #tpu.memory_space<vmem>>, %arg9: memref<16x128xi32, #tpu.memory_space<vmem>>, %arg10: memref<48x128xi32, #tpu.memory_space<vmem>>, %arg11: memref<48x128xi32, #tpu.memory_space<vmem>>, %arg12: memref<128x128xf32, #tpu.memory_space<vmem>>, %arg13: memref<128x128xf32, #tpu.memory_space<vmem>>, %arg14: memref<!tpu.dma_semaphore, #tpu.memory_space<semaphore_mem>>, %arg15: memref<!tpu.dma_semaphore, #tpu.memory_space<semaphore_mem>>) attributes {dimension_semantics = [#tpu.dimension_semantics<core_parallel>, #tpu.dimension_semantics<subcore_parallel>], iteration_bounds = array<i64: 2, 16>, scalar_prefetch = 0 : i64, scratch_operands = 9 : i64, tpu.core_type = #tpu.core_type<sc_vector_subcore>, window_params = [{transform_indices = #map}, {transform_indices = #map}, {transform_indices = #map}, {transform_indices = #map}, {transform_indices = #map1}]} {
    %mul3A = arith.constant 632 : i32
    %mul3A_0 = arith.muli %arg1, %mul3A : i32
    "tpu.region"() ({
      %run_scoped3A = tpu.sem_alloc : memref<!tpu.dma_semaphore, #tpu.memory_space<semaphore_mem>>
      %dma_start3A = arith.constant 0 : i32
      %dma_start3A_13 = tpu.memref_slice %arg7[%mul3A_0, %dma_start3A] : memref<10112x128xf32, #tpu.memory_space<vmem_shared>> -> memref<632x128xf32, #tpu.memory_space<vmem_shared>>
      tpu.enqueue_dma source(%arg5 : memref<632x128xf32, #tpu.memory_space<hbm>>) target(%dma_start3A_13 : memref<632x128xf32, #tpu.memory_space<vmem_shared>>) target_semaphore(%run_scoped3A : memref<!tpu.dma_semaphore, #tpu.memory_space<semaphore_mem>>)
      %dma_wait3A = arith.constant 0 : i32
      %dma_wait3A_14 = tpu.memref_slice %arg7[%mul3A_0, %dma_wait3A] : memref<10112x128xf32, #tpu.memory_space<vmem_shared>> -> memref<632x128xf32, #tpu.memory_space<vmem_shared>>
      tpu.wait_dma2 semaphore(%run_scoped3A : memref<!tpu.dma_semaphore, #tpu.memory_space<semaphore_mem>>) src(%arg5 : memref<632x128xf32, #tpu.memory_space<hbm>>) dst(%dma_wait3A_14 : memref<632x128xf32, #tpu.memory_space<vmem_shared>>)
      tpu.yield
    }) : () -> ()
    %barrier3A = arith.constant 0 : index
    tpu.barrier barrier_id(%barrier3A)
    %eq3A = arith.constant 0 : i32
    %eq3A_1 = arith.cmpi eq, %arg0, %eq3A : i32
    %convert_element_type3A = arith.extui %eq3A_1 : i1 to i32
    %cond3A = arith.constant 0 : i32
    %cond3A_2 = arith.cmpi ne, %convert_element_type3A, %cond3A : i32
    scf.if %cond3A_2 {
      %mul3A_13 = arith.constant 112 : i32
      %mul3A_14 = arith.muli %arg1, %mul3A_13 : i32
      %add3A = arith.constant 0 : i32
      %add3A_15 = arith.addi %mul3A_14, %add3A : i32
      "tpu.region"() ({
        %run_scoped3A = tpu.sem_alloc : memref<!tpu.dma_semaphore, #tpu.memory_space<semaphore_mem>>
        %dma_start3A_177 = arith.constant 0 : i32
        %dma_start3A_178 = tpu.memref_slice %arg3[%add3A_15, %dma_start3A_177] : memref<2560x128xi32, #tpu.memory_space<hbm>> -> memref<16x128xi32, #tpu.memory_space<hbm>>
        %dma_start3A_179 = arith.constant 0 : i32
        %dma_start3A_180 = tpu.memref_slice %arg3[%add3A_15, %dma_start3A_179] : memref<2560x128xi32, #tpu.memory_space<hbm>> -> memref<16x128xi32, #tpu.memory_space<hbm>>
        tpu.enqueue_dma source(%dma_start3A_180 : memref<16x128xi32, #tpu.memory_space<hbm>>) target(%arg8 : memref<16x128xi32, #tpu.memory_space<vmem>>) target_semaphore(%run_scoped3A : memref<!tpu.dma_semaphore, #tpu.memory_space<semaphore_mem>>)
        %dma_wait3A_181 = arith.constant 0 : i32
        %dma_wait3A_182 = tpu.memref_slice %arg3[%add3A_15, %dma_wait3A_181] : memref<2560x128xi32, #tpu.memory_space<hbm>> -> memref<16x128xi32, #tpu.memory_space<hbm>>
        %dma_wait3A_183 = arith.constant 0 : i32
        %dma_wait3A_184 = tpu.memref_slice %arg3[%add3A_15, %dma_wait3A_183] : memref<2560x128xi32, #tpu.memory_space<hbm>> -> memref<16x128xi32, #tpu.memory_space<hbm>>
        tpu.wait_dma2 semaphore(%run_scoped3A : memref<!tpu.dma_semaphore, #tpu.memory_space<semaphore_mem>>) src(%dma_wait3A_184 : memref<16x128xi32, #tpu.memory_space<hbm>>) dst(%arg8 : memref<16x128xi32, #tpu.memory_space<vmem>>)
        tpu.yield
      }) : () -> ()
      "tpu.region"() ({
        %run_scoped3A = tpu.sem_alloc : memref<!tpu.dma_semaphore, #tpu.memory_space<semaphore_mem>>
        %dma_start3A_177 = arith.constant 0 : i32
        %dma_start3A_178 = tpu.memref_slice %arg4[%add3A_15, %dma_start3A_177] : memref<2560x128xi32, #tpu.memory_space<hbm>> -> memref<16x128xi32, #tpu.memory_space<hbm>>
        %dma_start3A_179 = arith.constant 0 : i32
        %dma_start3A_180 = tpu.memref_slice %arg4[%add3A_15, %dma_start3A_179] : memref<2560x128xi32, #tpu.memory_space<hbm>> -> memref<16x128xi32, #tpu.memory_space<hbm>>
        tpu.enqueue_dma source(%dma_start3A_180 : memref<16x128xi32, #tpu.memory_space<hbm>>) target(%arg9 : memref<16x128xi32, #tpu.memory_space<vmem>>) target_semaphore(%run_scoped3A : memref<!tpu.dma_semaphore, #tpu.memory_space<semaphore_mem>>)
        %dma_wait3A_181 = arith.constant 0 : i32
        %dma_wait3A_182 = tpu.memref_slice %arg4[%add3A_15, %dma_wait3A_181] : memref<2560x128xi32, #tpu.memory_space<hbm>> -> memref<16x128xi32, #tpu.memory_space<hbm>>
        %dma_wait3A_183 = arith.constant 0 : i32
        %dma_wait3A_184 = tpu.memref_slice %arg4[%add3A_15, %dma_wait3A_183] : memref<2560x128xi32, #tpu.memory_space<hbm>> -> memref<16x128xi32, #tpu.memory_space<hbm>>
        tpu.wait_dma2 semaphore(%run_scoped3A : memref<!tpu.dma_semaphore, #tpu.memory_space<semaphore_mem>>) src(%dma_wait3A_184 : memref<16x128xi32, #tpu.memory_space<hbm>>) dst(%arg9 : memref<16x128xi32, #tpu.memory_space<vmem>>)
        tpu.yield
      }) : () -> ()
      %dma_start3A = arith.constant 0 : i32
      %dma_start3A_16 = arith.constant 0 : i32
      %dma_start3A_17 = tpu.memref_slice %arg8[%dma_start3A, %dma_start3A_16] : memref<16x128xi32, #tpu.memory_space<vmem>> -> memref<1x128xi32, #tpu.memory_space<vmem>>
      %dma_start3A_18 = tpu.memref_squeeze %dma_start3A_17 : memref<1x128xi32, #tpu.memory_space<vmem>> -> memref<128xi32, #tpu.memory_space<vmem>>
      %dma_start3A_19 = arith.constant 0 : i32
      %dma_start3A_20 = arith.constant 0 : i32
      %dma_start3A_21 = tpu.memref_slice %arg2[%dma_start3A_19, %dma_start3A_20] : memref<10000x128xf32, #tpu.memory_space<hbm>> -> memref<10000x128xf32, #tpu.memory_space<hbm>>
      tpu.enqueue_indirect_dma source(%dma_start3A_21 : memref<10000x128xf32, #tpu.memory_space<hbm>>) target(%arg12 : memref<128x128xf32, #tpu.memory_space<vmem>>) offsets(%dma_start3A_18 : memref<128xi32, #tpu.memory_space<vmem>>) semaphore(%arg14 : memref<!tpu.dma_semaphore, #tpu.memory_space<semaphore_mem>>)
      %scan3A = arith.constant 0 : i32
      %scan3A_22 = arith.constant 0 : i32
      %scan3A_23 = arith.constant 8 : i32
      %scan3A_24 = arith.addi %scan3A_22, %scan3A_23 : i32
      %scan3A_25 = arith.constant 1 : i32
      scf.for %scan3A_177 = %scan3A_22 to %scan3A_24 step %scan3A_25  : i32 {
        %mul3A_178 = arith.constant 2 : i32
        %mul3A_179 = arith.muli %mul3A_178, %scan3A_177 : i32
        %dma_wait3A_180 = arith.constant 0 : i32
        %dma_wait3A_181 = tpu.memref_slice %arg8[%mul3A_179, %dma_wait3A_180] : memref<16x128xi32, #tpu.memory_space<vmem>> -> memref<1x128xi32, #tpu.memory_space<vmem>>
        %dma_wait3A_182 = tpu.memref_squeeze %dma_wait3A_181 : memref<1x128xi32, #tpu.memory_space<vmem>> -> memref<128xi32, #tpu.memory_space<vmem>>
        %dma_wait3A_183 = arith.constant 0 : i32
        %dma_wait3A_184 = arith.constant 0 : i32
        %dma_wait3A_185 = tpu.memref_slice %arg2[%dma_wait3A_183, %dma_wait3A_184] : memref<10000x128xf32, #tpu.memory_space<hbm>> -> memref<10000x128xf32, #tpu.memory_space<hbm>>
        tpu.wait_indirect_dma semaphore(%arg14 : memref<!tpu.dma_semaphore, #tpu.memory_space<semaphore_mem>>) src(%dma_wait3A_185 : memref<10000x128xf32, #tpu.memory_space<hbm>>) dst(%arg12 : memref<128x128xf32, #tpu.memory_space<vmem>>)
        %add3A_186 = arith.constant 1 : i32
        %add3A_187 = arith.addi %mul3A_179, %add3A_186 : i32
        %dma_start3A_188 = arith.constant 0 : i32
        %dma_start3A_189 = tpu.memref_slice %arg8[%add3A_187, %dma_start3A_188] : memref<16x128xi32, #tpu.memory_space<vmem>> -> memref<1x128xi32, #tpu.memory_space<vmem>>
        %dma_start3A_190 = tpu.memref_squeeze %dma_start3A_189 : memref<1x128xi32, #tpu.memory_space<vmem>> -> memref<128xi32, #tpu.memory_space<vmem>>
        %dma_start3A_191 = arith.constant 0 : i32
        %dma_start3A_192 = arith.constant 0 : i32
        %dma_start3A_193 = tpu.memref_slice %arg2[%dma_start3A_191, %dma_start3A_192] : memref<10000x128xf32, #tpu.memory_space<hbm>> -> memref<10000x128xf32, #tpu.memory_space<hbm>>
        tpu.enqueue_indirect_dma source(%dma_start3A_193 : memref<10000x128xf32, #tpu.memory_space<hbm>>) target(%arg13 : memref<128x128xf32, #tpu.memory_space<vmem>>) offsets(%dma_start3A_190 : memref<128xi32, #tpu.memory_space<vmem>>) semaphore(%arg15 : memref<!tpu.dma_semaphore, #tpu.memory_space<semaphore_mem>>)
        "tpu.region"() ({
          %run_scoped3A = tpu.sem_alloc : memref<!tpu.dma_semaphore, #tpu.memory_space<semaphore_mem>>
          %dma_start3A_213 = arith.constant 0 : i32
          %dma_start3A_214 = tpu.memref_slice %arg9[%mul3A_179, %dma_start3A_213] : memref<16x128xi32, #tpu.memory_space<vmem>> -> memref<1x128xi32, #tpu.memory_space<vmem>>
          %dma_start3A_215 = tpu.memref_squeeze %dma_start3A_214 : memref<1x128xi32, #tpu.memory_space<vmem>> -> memref<128xi32, #tpu.memory_space<vmem>>
          %dma_start3A_216 = arith.constant 0 : i32
          %dma_start3A_217 = arith.constant 0 : i32
          %dma_start3A_218 = tpu.memref_slice %arg7[%dma_start3A_216, %dma_start3A_217] : memref<10112x128xf32, #tpu.memory_space<vmem_shared>> -> memref<10112x128xf32, #tpu.memory_space<vmem_shared>>
          tpu.enqueue_indirect_dma source(%arg12 : memref<128x128xf32, #tpu.memory_space<vmem>>) target(%dma_start3A_218 : memref<10112x128xf32, #tpu.memory_space<vmem_shared>>) offsets(%dma_start3A_215 : memref<128xi32, #tpu.memory_space<vmem>>) semaphore(%run_scoped3A : memref<!tpu.dma_semaphore, #tpu.memory_space<semaphore_mem>>) {add = true}
          %dma_wait3A_219 = arith.constant 0 : i32
          %dma_wait3A_220 = tpu.memref_slice %arg9[%mul3A_179, %dma_wait3A_219] : memref<16x128xi32, #tpu.memory_space<vmem>> -> memref<1x128xi32, #tpu.memory_space<vmem>>
          %dma_wait3A_221 = tpu.memref_squeeze %dma_wait3A_220 : memref<1x128xi32, #tpu.memory_space<vmem>> -> memref<128xi32, #tpu.memory_space<vmem>>
          %dma_wait3A_222 = arith.constant 0 : i32
          %dma_wait3A_223 = arith.constant 0 : i32
          %dma_wait3A_224 = tpu.memref_slice %arg7[%dma_wait3A_222, %dma_wait3A_223] : memref<10112x128xf32, #tpu.memory_space<vmem_shared>> -> memref<10112x128xf32, #tpu.memory_space<vmem_shared>>
          tpu.wait_indirect_dma semaphore(%run_scoped3A : memref<!tpu.dma_semaphore, #tpu.memory_space<semaphore_mem>>) src(%arg12 : memref<128x128xf32, #tpu.memory_space<vmem>>) dst(%dma_wait3A_224 : memref<10112x128xf32, #tpu.memory_space<vmem_shared>>)
          tpu.yield
        }) : () -> ()
        %add3A_194 = arith.constant 2 : i32
        %add3A_195 = arith.addi %mul3A_179, %add3A_194 : i32
        %min3A = arith.constant 15 : i32
        %min3A_196 = arith.minsi %add3A_195, %min3A : i32
        %add3A_197 = arith.constant 1 : i32
        %add3A_198 = arith.addi %mul3A_179, %add3A_197 : i32
        %dma_wait3A_199 = arith.constant 0 : i32
        %dma_wait3A_200 = tpu.memref_slice %arg8[%add3A_198, %dma_wait3A_199] : memref<16x128xi32, #tpu.memory_space<vmem>> -> memref<1x128xi32, #tpu.memory_space<vmem>>
        %dma_wait3A_201 = tpu.memref_squeeze %dma_wait3A_200 : memref<1x128xi32, #tpu.memory_space<vmem>> -> memref<128xi32, #tpu.memory_space<vmem>>
        %dma_wait3A_202 = arith.constant 0 : i32
        %dma_wait3A_203 = arith.constant 0 : i32
        %dma_wait3A_204 = tpu.memref_slice %arg2[%dma_wait3A_202, %dma_wait3A_203] : memref<10000x128xf32, #tpu.memory_space<hbm>> -> memref<10000x128xf32, #tpu.memory_space<hbm>>
        tpu.wait_indirect_dma semaphore(%arg15 : memref<!tpu.dma_semaphore, #tpu.memory_space<semaphore_mem>>) src(%dma_wait3A_204 : memref<10000x128xf32, #tpu.memory_space<hbm>>) dst(%arg13 : memref<128x128xf32, #tpu.memory_space<vmem>>)
        %dma_start3A_205 = arith.constant 0 : i32
        %dma_start3A_206 = tpu.memref_slice %arg8[%min3A_196, %dma_start3A_205] : memref<16x128xi32, #tpu.memory_space<vmem>> -> memref<1x128xi32, #tpu.memory_space<vmem>>
        %dma_start3A_207 = tpu.memref_squeeze %dma_start3A_206 : memref<1x128xi32, #tpu.memory_space<vmem>> -> memref<128xi32, #tpu.memory_space<vmem>>
        %dma_start3A_208 = arith.constant 0 : i32
        %dma_start3A_209 = arith.constant 0 : i32
        %dma_start3A_210 = tpu.memref_slice %arg2[%dma_start3A_208, %dma_start3A_209] : memref<10000x128xf32, #tpu.memory_space<hbm>> -> memref<10000x128xf32, #tpu.memory_space<hbm>>
        tpu.enqueue_indirect_dma source(%dma_start3A_210 : memref<10000x128xf32, #tpu.memory_space<hbm>>) target(%arg12 : memref<128x128xf32, #tpu.memory_space<vmem>>) offsets(%dma_start3A_207 : memref<128xi32, #tpu.memory_space<vmem>>) semaphore(%arg14 : memref<!tpu.dma_semaphore, #tpu.memory_space<semaphore_mem>>)
        %add3A_211 = arith.constant 1 : i32
        %add3A_212 = arith.addi %mul3A_179, %add3A_211 : i32
        "tpu.region"() ({
          %run_scoped3A = tpu.sem_alloc : memref<!tpu.dma_semaphore, #tpu.memory_space<semaphore_mem>>
          %dma_start3A_213 = arith.constant 0 : i32
          %dma_start3A_214 = tpu.memref_slice %arg9[%add3A_212, %dma_start3A_213] : memref<16x128xi32, #tpu.memory_space<vmem>> -> memref<1x128xi32, #tpu.memory_space<vmem>>
          %dma_start3A_215 = tpu.memref_squeeze %dma_start3A_214 : memref<1x128xi32, #tpu.memory_space<vmem>> -> memref<128xi32, #tpu.memory_space<vmem>>
          %dma_start3A_216 = arith.constant 0 : i32
          %dma_start3A_217 = arith.constant 0 : i32
          %dma_start3A_218 = tpu.memref_slice %arg7[%dma_start3A_216, %dma_start3A_217] : memref<10112x128xf32, #tpu.memory_space<vmem_shared>> -> memref<10112x128xf32, #tpu.memory_space<vmem_shared>>
          tpu.enqueue_indirect_dma source(%arg13 : memref<128x128xf32, #tpu.memory_space<vmem>>) target(%dma_start3A_218 : memref<10112x128xf32, #tpu.memory_space<vmem_shared>>) offsets(%dma_start3A_215 : memref<128xi32, #tpu.memory_space<vmem>>) semaphore(%run_scoped3A : memref<!tpu.dma_semaphore, #tpu.memory_space<semaphore_mem>>) {add = true}
          %dma_wait3A_219 = arith.constant 0 : i32
          %dma_wait3A_220 = tpu.memref_slice %arg9[%add3A_212, %dma_wait3A_219] : memref<16x128xi32, #tpu.memory_space<vmem>> -> memref<1x128xi32, #tpu.memory_space<vmem>>
          %dma_wait3A_221 = tpu.memref_squeeze %dma_wait3A_220 : memref<1x128xi32, #tpu.memory_space<vmem>> -> memref<128xi32, #tpu.memory_space<vmem>>
          %dma_wait3A_222 = arith.constant 0 : i32
          %dma_wait3A_223 = arith.constant 0 : i32
          %dma_wait3A_224 = tpu.memref_slice %arg7[%dma_wait3A_222, %dma_wait3A_223] : memref<10112x128xf32, #tpu.memory_space<vmem_shared>> -> memref<10112x128xf32, #tpu.memory_space<vmem_shared>>
          tpu.wait_indirect_dma semaphore(%run_scoped3A : memref<!tpu.dma_semaphore, #tpu.memory_space<semaphore_mem>>) src(%arg13 : memref<128x128xf32, #tpu.memory_space<vmem>>) dst(%dma_wait3A_224 : memref<10112x128xf32, #tpu.memory_space<vmem_shared>>)
          tpu.yield
        }) : () -> ()
      }
      %scan3A_26 = arith.constant 8 : i32
      %dma_wait3A = arith.constant 15 : i32
      %dma_wait3A_27 = arith.constant 0 : i32
      %dma_wait3A_28 = tpu.memref_slice %arg8[%dma_wait3A, %dma_wait3A_27] : memref<16x128xi32, #tpu.memory_space<vmem>> -> memref<1x128xi32, #tpu.memory_space<vmem>>
      %dma_wait3A_29 = tpu.memref_squeeze %dma_wait3A_28 : memref<1x128xi32, #tpu.memory_space<vmem>> -> memref<128xi32, #tpu.memory_space<vmem>>
      %dma_wait3A_30 = arith.constant 0 : i32
      %dma_wait3A_31 = arith.constant 0 : i32
      %dma_wait3A_32 = tpu.memref_slice %arg2[%dma_wait3A_30, %dma_wait3A_31] : memref<10000x128xf32, #tpu.memory_space<hbm>> -> memref<10000x128xf32, #tpu.memory_space<hbm>>
      tpu.wait_indirect_dma semaphore(%arg14 : memref<!tpu.dma_semaphore, #tpu.memory_space<semaphore_mem>>) src(%dma_wait3A_32 : memref<10000x128xf32, #tpu.memory_space<hbm>>) dst(%arg12 : memref<128x128xf32, #tpu.memory_space<vmem>>)
      %mul3A_33 = arith.constant 112 : i32
      %mul3A_34 = arith.muli %arg1, %mul3A_33 : i32
      %add3A_35 = arith.constant 16 : i32
      %add3A_36 = arith.addi %mul3A_34, %add3A_35 : i32
      "tpu.region"() ({
        %run_scoped3A = tpu.sem_alloc : memref<!tpu.dma_semaphore, #tpu.memory_space<semaphore_mem>>
        %dma_start3A_177 = arith.constant 0 : i32
        %dma_start3A_178 = tpu.memref_slice %arg3[%add3A_36, %dma_start3A_177] : memref<2560x128xi32, #tpu.memory_space<hbm>> -> memref<16x128xi32, #tpu.memory_space<hbm>>
        %dma_start3A_179 = arith.constant 0 : i32
        %dma_start3A_180 = tpu.memref_slice %arg3[%add3A_36, %dma_start3A_179] : memref<2560x128xi32, #tpu.memory_space<hbm>> -> memref<16x128xi32, #tpu.memory_space<hbm>>
        tpu.enqueue_dma source(%dma_start3A_180 : memref<16x128xi32, #tpu.memory_space<hbm>>) target(%arg8 : memref<16x128xi32, #tpu.memory_space<vmem>>) target_semaphore(%run_scoped3A : memref<!tpu.dma_semaphore, #tpu.memory_space<semaphore_mem>>)
        %dma_wait3A_181 = arith.constant 0 : i32
        %dma_wait3A_182 = tpu.memref_slice %arg3[%add3A_36, %dma_wait3A_181] : memref<2560x128xi32, #tpu.memory_space<hbm>> -> memref<16x128xi32, #tpu.memory_space<hbm>>
        %dma_wait3A_183 = arith.constant 0 : i32
        %dma_wait3A_184 = tpu.memref_slice %arg3[%add3A_36, %dma_wait3A_183] : memref<2560x128xi32, #tpu.memory_space<hbm>> -> memref<16x128xi32, #tpu.memory_space<hbm>>
        tpu.wait_dma2 semaphore(%run_scoped3A : memref<!tpu.dma_semaphore, #tpu.memory_space<semaphore_mem>>) src(%dma_wait3A_184 : memref<16x128xi32, #tpu.memory_space<hbm>>) dst(%arg8 : memref<16x128xi32, #tpu.memory_space<vmem>>)
        tpu.yield
      }) : () -> ()
      "tpu.region"() ({
        %run_scoped3A = tpu.sem_alloc : memref<!tpu.dma_semaphore, #tpu.memory_space<semaphore_mem>>
        %dma_start3A_177 = arith.constant 0 : i32
        %dma_start3A_178 = tpu.memref_slice %arg4[%add3A_36, %dma_start3A_177] : memref<2560x128xi32, #tpu.memory_space<hbm>> -> memref<16x128xi32, #tpu.memory_space<hbm>>
        %dma_start3A_179 = arith.constant 0 : i32
        %dma_start3A_180 = tpu.memref_slice %arg4[%add3A_36, %dma_start3A_179] : memref<2560x128xi32, #tpu.memory_space<hbm>> -> memref<16x128xi32, #tpu.memory_space<hbm>>
        tpu.enqueue_dma source(%dma_start3A_180 : memref<16x128xi32, #tpu.memory_space<hbm>>) target(%arg9 : memref<16x128xi32, #tpu.memory_space<vmem>>) target_semaphore(%run_scoped3A : memref<!tpu.dma_semaphore, #tpu.memory_space<semaphore_mem>>)
        %dma_wait3A_181 = arith.constant 0 : i32
        %dma_wait3A_182 = tpu.memref_slice %arg4[%add3A_36, %dma_wait3A_181] : memref<2560x128xi32, #tpu.memory_space<hbm>> -> memref<16x128xi32, #tpu.memory_space<hbm>>
        %dma_wait3A_183 = arith.constant 0 : i32
        %dma_wait3A_184 = tpu.memref_slice %arg4[%add3A_36, %dma_wait3A_183] : memref<2560x128xi32, #tpu.memory_space<hbm>> -> memref<16x128xi32, #tpu.memory_space<hbm>>
        tpu.wait_dma2 semaphore(%run_scoped3A : memref<!tpu.dma_semaphore, #tpu.memory_space<semaphore_mem>>) src(%dma_wait3A_184 : memref<16x128xi32, #tpu.memory_space<hbm>>) dst(%arg9 : memref<16x128xi32, #tpu.memory_space<vmem>>)
        tpu.yield
      }) : () -> ()
      %dma_start3A_37 = arith.constant 0 : i32
      %dma_start3A_38 = arith.constant 0 : i32
      %dma_start3A_39 = tpu.memref_slice %arg8[%dma_start3A_37, %dma_start3A_38] : memref<16x128xi32, #tpu.memory_space<vmem>> -> memref<1x128xi32, #tpu.memory_space<vmem>>
      %dma_start3A_40 = tpu.memref_squeeze %dma_start3A_39 : memref<1x128xi32, #tpu.memory_space<vmem>> -> memref<128xi32, #tpu.memory_space<vmem>>
      %dma_start3A_41 = arith.constant 0 : i32
      %dma_start3A_42 = arith.constant 0 : i32
      %dma_start3A_43 = tpu.memref_slice %arg2[%dma_start3A_41, %dma_start3A_42] : memref<10000x128xf32, #tpu.memory_space<hbm>> -> memref<10000x128xf32, #tpu.memory_space<hbm>>
      tpu.enqueue_indirect_dma source(%dma_start3A_43 : memref<10000x128xf32, #tpu.memory_space<hbm>>) target(%arg12 : memref<128x128xf32, #tpu.memory_space<vmem>>) offsets(%dma_start3A_40 : memref<128xi32, #tpu.memory_space<vmem>>) semaphore(%arg14 : memref<!tpu.dma_semaphore, #tpu.memory_space<semaphore_mem>>)
      %scan3A_44 = arith.constant 0 : i32
      %scan3A_45 = arith.constant 0 : i32
      %scan3A_46 = arith.constant 8 : i32
      %scan3A_47 = arith.addi %scan3A_45, %scan3A_46 : i32
      %scan3A_48 = arith.constant 1 : i32
      scf.for %scan3A_177 = %scan3A_45 to %scan3A_47 step %scan3A_48  : i32 {
        %mul3A_178 = arith.constant 2 : i32
        %mul3A_179 = arith.muli %mul3A_178, %scan3A_177 : i32
        %dma_wait3A_180 = arith.constant 0 : i32
        %dma_wait3A_181 = tpu.memref_slice %arg8[%mul3A_179, %dma_wait3A_180] : memref<16x128xi32, #tpu.memory_space<vmem>> -> memref<1x128xi32, #tpu.memory_space<vmem>>
        %dma_wait3A_182 = tpu.memref_squeeze %dma_wait3A_181 : memref<1x128xi32, #tpu.memory_space<vmem>> -> memref<128xi32, #tpu.memory_space<vmem>>
        %dma_wait3A_183 = arith.constant 0 : i32
        %dma_wait3A_184 = arith.constant 0 : i32
        %dma_wait3A_185 = tpu.memref_slice %arg2[%dma_wait3A_183, %dma_wait3A_184] : memref<10000x128xf32, #tpu.memory_space<hbm>> -> memref<10000x128xf32, #tpu.memory_space<hbm>>
        tpu.wait_indirect_dma semaphore(%arg14 : memref<!tpu.dma_semaphore, #tpu.memory_space<semaphore_mem>>) src(%dma_wait3A_185 : memref<10000x128xf32, #tpu.memory_space<hbm>>) dst(%arg12 : memref<128x128xf32, #tpu.memory_space<vmem>>)
        %add3A_186 = arith.constant 1 : i32
        %add3A_187 = arith.addi %mul3A_179, %add3A_186 : i32
        %dma_start3A_188 = arith.constant 0 : i32
        %dma_start3A_189 = tpu.memref_slice %arg8[%add3A_187, %dma_start3A_188] : memref<16x128xi32, #tpu.memory_space<vmem>> -> memref<1x128xi32, #tpu.memory_space<vmem>>
        %dma_start3A_190 = tpu.memref_squeeze %dma_start3A_189 : memref<1x128xi32, #tpu.memory_space<vmem>> -> memref<128xi32, #tpu.memory_space<vmem>>
        %dma_start3A_191 = arith.constant 0 : i32
        %dma_start3A_192 = arith.constant 0 : i32
        %dma_start3A_193 = tpu.memref_slice %arg2[%dma_start3A_191, %dma_start3A_192] : memref<10000x128xf32, #tpu.memory_space<hbm>> -> memref<10000x128xf32, #tpu.memory_space<hbm>>
        tpu.enqueue_indirect_dma source(%dma_start3A_193 : memref<10000x128xf32, #tpu.memory_space<hbm>>) target(%arg13 : memref<128x128xf32, #tpu.memory_space<vmem>>) offsets(%dma_start3A_190 : memref<128xi32, #tpu.memory_space<vmem>>) semaphore(%arg15 : memref<!tpu.dma_semaphore, #tpu.memory_space<semaphore_mem>>)
        "tpu.region"() ({
          %run_scoped3A = tpu.sem_alloc : memref<!tpu.dma_semaphore, #tpu.memory_space<semaphore_mem>>
          %dma_start3A_213 = arith.constant 0 : i32
          %dma_start3A_214 = tpu.memref_slice %arg9[%mul3A_179, %dma_start3A_213] : memref<16x128xi32, #tpu.memory_space<vmem>> -> memref<1x128xi32, #tpu.memory_space<vmem>>
          %dma_start3A_215 = tpu.memref_squeeze %dma_start3A_214 : memref<1x128xi32, #tpu.memory_space<vmem>> -> memref<128xi32, #tpu.memory_space<vmem>>
          %dma_start3A_216 = arith.constant 0 : i32
          %dma_start3A_217 = arith.constant 0 : i32
          %dma_start3A_218 = tpu.memref_slice %arg7[%dma_start3A_216, %dma_start3A_217] : memref<10112x128xf32, #tpu.memory_space<vmem_shared>> -> memref<10112x128xf32, #tpu.memory_space<vmem_shared>>
          tpu.enqueue_indirect_dma source(%arg12 : memref<128x128xf32, #tpu.memory_space<vmem>>) target(%dma_start3A_218 : memref<10112x128xf32, #tpu.memory_space<vmem_shared>>) offsets(%dma_start3A_215 : memref<128xi32, #tpu.memory_space<vmem>>) semaphore(%run_scoped3A : memref<!tpu.dma_semaphore, #tpu.memory_space<semaphore_mem>>) {add = true}
          %dma_wait3A_219 = arith.constant 0 : i32
          %dma_wait3A_220 = tpu.memref_slice %arg9[%mul3A_179, %dma_wait3A_219] : memref<16x128xi32, #tpu.memory_space<vmem>> -> memref<1x128xi32, #tpu.memory_space<vmem>>
          %dma_wait3A_221 = tpu.memref_squeeze %dma_wait3A_220 : memref<1x128xi32, #tpu.memory_space<vmem>> -> memref<128xi32, #tpu.memory_space<vmem>>
          %dma_wait3A_222 = arith.constant 0 : i32
          %dma_wait3A_223 = arith.constant 0 : i32
          %dma_wait3A_224 = tpu.memref_slice %arg7[%dma_wait3A_222, %dma_wait3A_223] : memref<10112x128xf32, #tpu.memory_space<vmem_shared>> -> memref<10112x128xf32, #tpu.memory_space<vmem_shared>>
          tpu.wait_indirect_dma semaphore(%run_scoped3A : memref<!tpu.dma_semaphore, #tpu.memory_space<semaphore_mem>>) src(%arg12 : memref<128x128xf32, #tpu.memory_space<vmem>>) dst(%dma_wait3A_224 : memref<10112x128xf32, #tpu.memory_space<vmem_shared>>)
          tpu.yield
        }) : () -> ()
        %add3A_194 = arith.constant 2 : i32
        %add3A_195 = arith.addi %mul3A_179, %add3A_194 : i32
        %min3A = arith.constant 15 : i32
        %min3A_196 = arith.minsi %add3A_195, %min3A : i32
        %add3A_197 = arith.constant 1 : i32
        %add3A_198 = arith.addi %mul3A_179, %add3A_197 : i32
        %dma_wait3A_199 = arith.constant 0 : i32
        %dma_wait3A_200 = tpu.memref_slice %arg8[%add3A_198, %dma_wait3A_199] : memref<16x128xi32, #tpu.memory_space<vmem>> -> memref<1x128xi32, #tpu.memory_space<vmem>>
        %dma_wait3A_201 = tpu.memref_squeeze %dma_wait3A_200 : memref<1x128xi32, #tpu.memory_space<vmem>> -> memref<128xi32, #tpu.memory_space<vmem>>
        %dma_wait3A_202 = arith.constant 0 : i32
        %dma_wait3A_203 = arith.constant 0 : i32
        %dma_wait3A_204 = tpu.memref_slice %arg2[%dma_wait3A_202, %dma_wait3A_203] : memref<10000x128xf32, #tpu.memory_space<hbm>> -> memref<10000x128xf32, #tpu.memory_space<hbm>>
        tpu.wait_indirect_dma semaphore(%arg15 : memref<!tpu.dma_semaphore, #tpu.memory_space<semaphore_mem>>) src(%dma_wait3A_204 : memref<10000x128xf32, #tpu.memory_space<hbm>>) dst(%arg13 : memref<128x128xf32, #tpu.memory_space<vmem>>)
        %dma_start3A_205 = arith.constant 0 : i32
        %dma_start3A_206 = tpu.memref_slice %arg8[%min3A_196, %dma_start3A_205] : memref<16x128xi32, #tpu.memory_space<vmem>> -> memref<1x128xi32, #tpu.memory_space<vmem>>
        %dma_start3A_207 = tpu.memref_squeeze %dma_start3A_206 : memref<1x128xi32, #tpu.memory_space<vmem>> -> memref<128xi32, #tpu.memory_space<vmem>>
        %dma_start3A_208 = arith.constant 0 : i32
        %dma_start3A_209 = arith.constant 0 : i32
        %dma_start3A_210 = tpu.memref_slice %arg2[%dma_start3A_208, %dma_start3A_209] : memref<10000x128xf32, #tpu.memory_space<hbm>> -> memref<10000x128xf32, #tpu.memory_space<hbm>>
        tpu.enqueue_indirect_dma source(%dma_start3A_210 : memref<10000x128xf32, #tpu.memory_space<hbm>>) target(%arg12 : memref<128x128xf32, #tpu.memory_space<vmem>>) offsets(%dma_start3A_207 : memref<128xi32, #tpu.memory_space<vmem>>) semaphore(%arg14 : memref<!tpu.dma_semaphore, #tpu.memory_space<semaphore_mem>>)
        %add3A_211 = arith.constant 1 : i32
        %add3A_212 = arith.addi %mul3A_179, %add3A_211 : i32
        "tpu.region"() ({
          %run_scoped3A = tpu.sem_alloc : memref<!tpu.dma_semaphore, #tpu.memory_space<semaphore_mem>>
          %dma_start3A_213 = arith.constant 0 : i32
          %dma_start3A_214 = tpu.memref_slice %arg9[%add3A_212, %dma_start3A_213] : memref<16x128xi32, #tpu.memory_space<vmem>> -> memref<1x128xi32, #tpu.memory_space<vmem>>
          %dma_start3A_215 = tpu.memref_squeeze %dma_start3A_214 : memref<1x128xi32, #tpu.memory_space<vmem>> -> memref<128xi32, #tpu.memory_space<vmem>>
          %dma_start3A_216 = arith.constant 0 : i32
          %dma_start3A_217 = arith.constant 0 : i32
          %dma_start3A_218 = tpu.memref_slice %arg7[%dma_start3A_216, %dma_start3A_217] : memref<10112x128xf32, #tpu.memory_space<vmem_shared>> -> memref<10112x128xf32, #tpu.memory_space<vmem_shared>>
          tpu.enqueue_indirect_dma source(%arg13 : memref<128x128xf32, #tpu.memory_space<vmem>>) target(%dma_start3A_218 : memref<10112x128xf32, #tpu.memory_space<vmem_shared>>) offsets(%dma_start3A_215 : memref<128xi32, #tpu.memory_space<vmem>>) semaphore(%run_scoped3A : memref<!tpu.dma_semaphore, #tpu.memory_space<semaphore_mem>>) {add = true}
          %dma_wait3A_219 = arith.constant 0 : i32
          %dma_wait3A_220 = tpu.memref_slice %arg9[%add3A_212, %dma_wait3A_219] : memref<16x128xi32, #tpu.memory_space<vmem>> -> memref<1x128xi32, #tpu.memory_space<vmem>>
          %dma_wait3A_221 = tpu.memref_squeeze %dma_wait3A_220 : memref<1x128xi32, #tpu.memory_space<vmem>> -> memref<128xi32, #tpu.memory_space<vmem>>
          %dma_wait3A_222 = arith.constant 0 : i32
          %dma_wait3A_223 = arith.constant 0 : i32
          %dma_wait3A_224 = tpu.memref_slice %arg7[%dma_wait3A_222, %dma_wait3A_223] : memref<10112x128xf32, #tpu.memory_space<vmem_shared>> -> memref<10112x128xf32, #tpu.memory_space<vmem_shared>>
          tpu.wait_indirect_dma semaphore(%run_scoped3A : memref<!tpu.dma_semaphore, #tpu.memory_space<semaphore_mem>>) src(%arg13 : memref<128x128xf32, #tpu.memory_space<vmem>>) dst(%dma_wait3A_224 : memref<10112x128xf32, #tpu.memory_space<vmem_shared>>)
          tpu.yield
        }) : () -> ()
      }
      %scan3A_49 = arith.constant 8 : i32
      %dma_wait3A_50 = arith.constant 15 : i32
      %dma_wait3A_51 = arith.constant 0 : i32
      %dma_wait3A_52 = tpu.memref_slice %arg8[%dma_wait3A_50, %dma_wait3A_51] : memref<16x128xi32, #tpu.memory_space<vmem>> -> memref<1x128xi32, #tpu.memory_space<vmem>>
      %dma_wait3A_53 = tpu.memref_squeeze %dma_wait3A_52 : memref<1x128xi32, #tpu.memory_space<vmem>> -> memref<128xi32, #tpu.memory_space<vmem>>
      %dma_wait3A_54 = arith.constant 0 : i32
      %dma_wait3A_55 = arith.constant 0 : i32
      %dma_wait3A_56 = tpu.memref_slice %arg2[%dma_wait3A_54, %dma_wait3A_55] : memref<10000x128xf32, #tpu.memory_space<hbm>> -> memref<10000x128xf32, #tpu.memory_space<hbm>>
      tpu.wait_indirect_dma semaphore(%arg14 : memref<!tpu.dma_semaphore, #tpu.memory_space<semaphore_mem>>) src(%dma_wait3A_56 : memref<10000x128xf32, #tpu.memory_space<hbm>>) dst(%arg12 : memref<128x128xf32, #tpu.memory_space<vmem>>)
      %mul3A_57 = arith.constant 112 : i32
      %mul3A_58 = arith.muli %arg1, %mul3A_57 : i32
      %add3A_59 = arith.constant 32 : i32
      %add3A_60 = arith.addi %mul3A_58, %add3A_59 : i32
      "tpu.region"() ({
        %run_scoped3A = tpu.sem_alloc : memref<!tpu.dma_semaphore, #tpu.memory_space<semaphore_mem>>
        %dma_start3A_177 = arith.constant 0 : i32
        %dma_start3A_178 = tpu.memref_slice %arg3[%add3A_60, %dma_start3A_177] : memref<2560x128xi32, #tpu.memory_space<hbm>> -> memref<16x128xi32, #tpu.memory_space<hbm>>
        %dma_start3A_179 = arith.constant 0 : i32
        %dma_start3A_180 = tpu.memref_slice %arg3[%add3A_60, %dma_start3A_179] : memref<2560x128xi32, #tpu.memory_space<hbm>> -> memref<16x128xi32, #tpu.memory_space<hbm>>
        tpu.enqueue_dma source(%dma_start3A_180 : memref<16x128xi32, #tpu.memory_space<hbm>>) target(%arg8 : memref<16x128xi32, #tpu.memory_space<vmem>>) target_semaphore(%run_scoped3A : memref<!tpu.dma_semaphore, #tpu.memory_space<semaphore_mem>>)
        %dma_wait3A_181 = arith.constant 0 : i32
        %dma_wait3A_182 = tpu.memref_slice %arg3[%add3A_60, %dma_wait3A_181] : memref<2560x128xi32, #tpu.memory_space<hbm>> -> memref<16x128xi32, #tpu.memory_space<hbm>>
        %dma_wait3A_183 = arith.constant 0 : i32
        %dma_wait3A_184 = tpu.memref_slice %arg3[%add3A_60, %dma_wait3A_183] : memref<2560x128xi32, #tpu.memory_space<hbm>> -> memref<16x128xi32, #tpu.memory_space<hbm>>
        tpu.wait_dma2 semaphore(%run_scoped3A : memref<!tpu.dma_semaphore, #tpu.memory_space<semaphore_mem>>) src(%dma_wait3A_184 : memref<16x128xi32, #tpu.memory_space<hbm>>) dst(%arg8 : memref<16x128xi32, #tpu.memory_space<vmem>>)
        tpu.yield
      }) : () -> ()
      "tpu.region"() ({
        %run_scoped3A = tpu.sem_alloc : memref<!tpu.dma_semaphore, #tpu.memory_space<semaphore_mem>>
        %dma_start3A_177 = arith.constant 0 : i32
        %dma_start3A_178 = tpu.memref_slice %arg4[%add3A_60, %dma_start3A_177] : memref<2560x128xi32, #tpu.memory_space<hbm>> -> memref<16x128xi32, #tpu.memory_space<hbm>>
        %dma_start3A_179 = arith.constant 0 : i32
        %dma_start3A_180 = tpu.memref_slice %arg4[%add3A_60, %dma_start3A_179] : memref<2560x128xi32, #tpu.memory_space<hbm>> -> memref<16x128xi32, #tpu.memory_space<hbm>>
        tpu.enqueue_dma source(%dma_start3A_180 : memref<16x128xi32, #tpu.memory_space<hbm>>) target(%arg9 : memref<16x128xi32, #tpu.memory_space<vmem>>) target_semaphore(%run_scoped3A : memref<!tpu.dma_semaphore, #tpu.memory_space<semaphore_mem>>)
        %dma_wait3A_181 = arith.constant 0 : i32
        %dma_wait3A_182 = tpu.memref_slice %arg4[%add3A_60, %dma_wait3A_181] : memref<2560x128xi32, #tpu.memory_space<hbm>> -> memref<16x128xi32, #tpu.memory_space<hbm>>
        %dma_wait3A_183 = arith.constant 0 : i32
        %dma_wait3A_184 = tpu.memref_slice %arg4[%add3A_60, %dma_wait3A_183] : memref<2560x128xi32, #tpu.memory_space<hbm>> -> memref<16x128xi32, #tpu.memory_space<hbm>>
        tpu.wait_dma2 semaphore(%run_scoped3A : memref<!tpu.dma_semaphore, #tpu.memory_space<semaphore_mem>>) src(%dma_wait3A_184 : memref<16x128xi32, #tpu.memory_space<hbm>>) dst(%arg9 : memref<16x128xi32, #tpu.memory_space<vmem>>)
        tpu.yield
      }) : () -> ()
      %dma_start3A_61 = arith.constant 0 : i32
      %dma_start3A_62 = arith.constant 0 : i32
      %dma_start3A_63 = tpu.memref_slice %arg8[%dma_start3A_61, %dma_start3A_62] : memref<16x128xi32, #tpu.memory_space<vmem>> -> memref<1x128xi32, #tpu.memory_space<vmem>>
      %dma_start3A_64 = tpu.memref_squeeze %dma_start3A_63 : memref<1x128xi32, #tpu.memory_space<vmem>> -> memref<128xi32, #tpu.memory_space<vmem>>
      %dma_start3A_65 = arith.constant 0 : i32
      %dma_start3A_66 = arith.constant 0 : i32
      %dma_start3A_67 = tpu.memref_slice %arg2[%dma_start3A_65, %dma_start3A_66] : memref<10000x128xf32, #tpu.memory_space<hbm>> -> memref<10000x128xf32, #tpu.memory_space<hbm>>
      tpu.enqueue_indirect_dma source(%dma_start3A_67 : memref<10000x128xf32, #tpu.memory_space<hbm>>) target(%arg12 : memref<128x128xf32, #tpu.memory_space<vmem>>) offsets(%dma_start3A_64 : memref<128xi32, #tpu.memory_space<vmem>>) semaphore(%arg14 : memref<!tpu.dma_semaphore, #tpu.memory_space<semaphore_mem>>)
      %scan3A_68 = arith.constant 0 : i32
      %scan3A_69 = arith.constant 0 : i32
      %scan3A_70 = arith.constant 8 : i32
      %scan3A_71 = arith.addi %scan3A_69, %scan3A_70 : i32
      %scan3A_72 = arith.constant 1 : i32
      scf.for %scan3A_177 = %scan3A_69 to %scan3A_71 step %scan3A_72  : i32 {
        %mul3A_178 = arith.constant 2 : i32
        %mul3A_179 = arith.muli %mul3A_178, %scan3A_177 : i32
        %dma_wait3A_180 = arith.constant 0 : i32
        %dma_wait3A_181 = tpu.memref_slice %arg8[%mul3A_179, %dma_wait3A_180] : memref<16x128xi32, #tpu.memory_space<vmem>> -> memref<1x128xi32, #tpu.memory_space<vmem>>
        %dma_wait3A_182 = tpu.memref_squeeze %dma_wait3A_181 : memref<1x128xi32, #tpu.memory_space<vmem>> -> memref<128xi32, #tpu.memory_space<vmem>>
        %dma_wait3A_183 = arith.constant 0 : i32
        %dma_wait3A_184 = arith.constant 0 : i32
        %dma_wait3A_185 = tpu.memref_slice %arg2[%dma_wait3A_183, %dma_wait3A_184] : memref<10000x128xf32, #tpu.memory_space<hbm>> -> memref<10000x128xf32, #tpu.memory_space<hbm>>
        tpu.wait_indirect_dma semaphore(%arg14 : memref<!tpu.dma_semaphore, #tpu.memory_space<semaphore_mem>>) src(%dma_wait3A_185 : memref<10000x128xf32, #tpu.memory_space<hbm>>) dst(%arg12 : memref<128x128xf32, #tpu.memory_space<vmem>>)
        %add3A_186 = arith.constant 1 : i32
        %add3A_187 = arith.addi %mul3A_179, %add3A_186 : i32
        %dma_start3A_188 = arith.constant 0 : i32
        %dma_start3A_189 = tpu.memref_slice %arg8[%add3A_187, %dma_start3A_188] : memref<16x128xi32, #tpu.memory_space<vmem>> -> memref<1x128xi32, #tpu.memory_space<vmem>>
        %dma_start3A_190 = tpu.memref_squeeze %dma_start3A_189 : memref<1x128xi32, #tpu.memory_space<vmem>> -> memref<128xi32, #tpu.memory_space<vmem>>
        %dma_start3A_191 = arith.constant 0 : i32
        %dma_start3A_192 = arith.constant 0 : i32
        %dma_start3A_193 = tpu.memref_slice %arg2[%dma_start3A_191, %dma_start3A_192] : memref<10000x128xf32, #tpu.memory_space<hbm>> -> memref<10000x128xf32, #tpu.memory_space<hbm>>
        tpu.enqueue_indirect_dma source(%dma_start3A_193 : memref<10000x128xf32, #tpu.memory_space<hbm>>) target(%arg13 : memref<128x128xf32, #tpu.memory_space<vmem>>) offsets(%dma_start3A_190 : memref<128xi32, #tpu.memory_space<vmem>>) semaphore(%arg15 : memref<!tpu.dma_semaphore, #tpu.memory_space<semaphore_mem>>)
        "tpu.region"() ({
          %run_scoped3A = tpu.sem_alloc : memref<!tpu.dma_semaphore, #tpu.memory_space<semaphore_mem>>
          %dma_start3A_213 = arith.constant 0 : i32
          %dma_start3A_214 = tpu.memref_slice %arg9[%mul3A_179, %dma_start3A_213] : memref<16x128xi32, #tpu.memory_space<vmem>> -> memref<1x128xi32, #tpu.memory_space<vmem>>
          %dma_start3A_215 = tpu.memref_squeeze %dma_start3A_214 : memref<1x128xi32, #tpu.memory_space<vmem>> -> memref<128xi32, #tpu.memory_space<vmem>>
          %dma_start3A_216 = arith.constant 0 : i32
          %dma_start3A_217 = arith.constant 0 : i32
          %dma_start3A_218 = tpu.memref_slice %arg7[%dma_start3A_216, %dma_start3A_217] : memref<10112x128xf32, #tpu.memory_space<vmem_shared>> -> memref<10112x128xf32, #tpu.memory_space<vmem_shared>>
          tpu.enqueue_indirect_dma source(%arg12 : memref<128x128xf32, #tpu.memory_space<vmem>>) target(%dma_start3A_218 : memref<10112x128xf32, #tpu.memory_space<vmem_shared>>) offsets(%dma_start3A_215 : memref<128xi32, #tpu.memory_space<vmem>>) semaphore(%run_scoped3A : memref<!tpu.dma_semaphore, #tpu.memory_space<semaphore_mem>>) {add = true}
          %dma_wait3A_219 = arith.constant 0 : i32
          %dma_wait3A_220 = tpu.memref_slice %arg9[%mul3A_179, %dma_wait3A_219] : memref<16x128xi32, #tpu.memory_space<vmem>> -> memref<1x128xi32, #tpu.memory_space<vmem>>
          %dma_wait3A_221 = tpu.memref_squeeze %dma_wait3A_220 : memref<1x128xi32, #tpu.memory_space<vmem>> -> memref<128xi32, #tpu.memory_space<vmem>>
          %dma_wait3A_222 = arith.constant 0 : i32
          %dma_wait3A_223 = arith.constant 0 : i32
          %dma_wait3A_224 = tpu.memref_slice %arg7[%dma_wait3A_222, %dma_wait3A_223] : memref<10112x128xf32, #tpu.memory_space<vmem_shared>> -> memref<10112x128xf32, #tpu.memory_space<vmem_shared>>
          tpu.wait_indirect_dma semaphore(%run_scoped3A : memref<!tpu.dma_semaphore, #tpu.memory_space<semaphore_mem>>) src(%arg12 : memref<128x128xf32, #tpu.memory_space<vmem>>) dst(%dma_wait3A_224 : memref<10112x128xf32, #tpu.memory_space<vmem_shared>>)
          tpu.yield
        }) : () -> ()
        %add3A_194 = arith.constant 2 : i32
        %add3A_195 = arith.addi %mul3A_179, %add3A_194 : i32
        %min3A = arith.constant 15 : i32
        %min3A_196 = arith.minsi %add3A_195, %min3A : i32
        %add3A_197 = arith.constant 1 : i32
        %add3A_198 = arith.addi %mul3A_179, %add3A_197 : i32
        %dma_wait3A_199 = arith.constant 0 : i32
        %dma_wait3A_200 = tpu.memref_slice %arg8[%add3A_198, %dma_wait3A_199] : memref<16x128xi32, #tpu.memory_space<vmem>> -> memref<1x128xi32, #tpu.memory_space<vmem>>
        %dma_wait3A_201 = tpu.memref_squeeze %dma_wait3A_200 : memref<1x128xi32, #tpu.memory_space<vmem>> -> memref<128xi32, #tpu.memory_space<vmem>>
        %dma_wait3A_202 = arith.constant 0 : i32
        %dma_wait3A_203 = arith.constant 0 : i32
        %dma_wait3A_204 = tpu.memref_slice %arg2[%dma_wait3A_202, %dma_wait3A_203] : memref<10000x128xf32, #tpu.memory_space<hbm>> -> memref<10000x128xf32, #tpu.memory_space<hbm>>
        tpu.wait_indirect_dma semaphore(%arg15 : memref<!tpu.dma_semaphore, #tpu.memory_space<semaphore_mem>>) src(%dma_wait3A_204 : memref<10000x128xf32, #tpu.memory_space<hbm>>) dst(%arg13 : memref<128x128xf32, #tpu.memory_space<vmem>>)
        %dma_start3A_205 = arith.constant 0 : i32
        %dma_start3A_206 = tpu.memref_slice %arg8[%min3A_196, %dma_start3A_205] : memref<16x128xi32, #tpu.memory_space<vmem>> -> memref<1x128xi32, #tpu.memory_space<vmem>>
        %dma_start3A_207 = tpu.memref_squeeze %dma_start3A_206 : memref<1x128xi32, #tpu.memory_space<vmem>> -> memref<128xi32, #tpu.memory_space<vmem>>
        %dma_start3A_208 = arith.constant 0 : i32
        %dma_start3A_209 = arith.constant 0 : i32
        %dma_start3A_210 = tpu.memref_slice %arg2[%dma_start3A_208, %dma_start3A_209] : memref<10000x128xf32, #tpu.memory_space<hbm>> -> memref<10000x128xf32, #tpu.memory_space<hbm>>
        tpu.enqueue_indirect_dma source(%dma_start3A_210 : memref<10000x128xf32, #tpu.memory_space<hbm>>) target(%arg12 : memref<128x128xf32, #tpu.memory_space<vmem>>) offsets(%dma_start3A_207 : memref<128xi32, #tpu.memory_space<vmem>>) semaphore(%arg14 : memref<!tpu.dma_semaphore, #tpu.memory_space<semaphore_mem>>)
        %add3A_211 = arith.constant 1 : i32
        %add3A_212 = arith.addi %mul3A_179, %add3A_211 : i32
        "tpu.region"() ({
          %run_scoped3A = tpu.sem_alloc : memref<!tpu.dma_semaphore, #tpu.memory_space<semaphore_mem>>
          %dma_start3A_213 = arith.constant 0 : i32
          %dma_start3A_214 = tpu.memref_slice %arg9[%add3A_212, %dma_start3A_213] : memref<16x128xi32, #tpu.memory_space<vmem>> -> memref<1x128xi32, #tpu.memory_space<vmem>>
          %dma_start3A_215 = tpu.memref_squeeze %dma_start3A_214 : memref<1x128xi32, #tpu.memory_space<vmem>> -> memref<128xi32, #tpu.memory_space<vmem>>
          %dma_start3A_216 = arith.constant 0 : i32
          %dma_start3A_217 = arith.constant 0 : i32
          %dma_start3A_218 = tpu.memref_slice %arg7[%dma_start3A_216, %dma_start3A_217] : memref<10112x128xf32, #tpu.memory_space<vmem_shared>> -> memref<10112x128xf32, #tpu.memory_space<vmem_shared>>
          tpu.enqueue_indirect_dma source(%arg13 : memref<128x128xf32, #tpu.memory_space<vmem>>) target(%dma_start3A_218 : memref<10112x128xf32, #tpu.memory_space<vmem_shared>>) offsets(%dma_start3A_215 : memref<128xi32, #tpu.memory_space<vmem>>) semaphore(%run_scoped3A : memref<!tpu.dma_semaphore, #tpu.memory_space<semaphore_mem>>) {add = true}
          %dma_wait3A_219 = arith.constant 0 : i32
          %dma_wait3A_220 = tpu.memref_slice %arg9[%add3A_212, %dma_wait3A_219] : memref<16x128xi32, #tpu.memory_space<vmem>> -> memref<1x128xi32, #tpu.memory_space<vmem>>
          %dma_wait3A_221 = tpu.memref_squeeze %dma_wait3A_220 : memref<1x128xi32, #tpu.memory_space<vmem>> -> memref<128xi32, #tpu.memory_space<vmem>>
          %dma_wait3A_222 = arith.constant 0 : i32
          %dma_wait3A_223 = arith.constant 0 : i32
          %dma_wait3A_224 = tpu.memref_slice %arg7[%dma_wait3A_222, %dma_wait3A_223] : memref<10112x128xf32, #tpu.memory_space<vmem_shared>> -> memref<10112x128xf32, #tpu.memory_space<vmem_shared>>
          tpu.wait_indirect_dma semaphore(%run_scoped3A : memref<!tpu.dma_semaphore, #tpu.memory_space<semaphore_mem>>) src(%arg13 : memref<128x128xf32, #tpu.memory_space<vmem>>) dst(%dma_wait3A_224 : memref<10112x128xf32, #tpu.memory_space<vmem_shared>>)
          tpu.yield
        }) : () -> ()
      }
      %scan3A_73 = arith.constant 8 : i32
      %dma_wait3A_74 = arith.constant 15 : i32
      %dma_wait3A_75 = arith.constant 0 : i32
      %dma_wait3A_76 = tpu.memref_slice %arg8[%dma_wait3A_74, %dma_wait3A_75] : memref<16x128xi32, #tpu.memory_space<vmem>> -> memref<1x128xi32, #tpu.memory_space<vmem>>
      %dma_wait3A_77 = tpu.memref_squeeze %dma_wait3A_76 : memref<1x128xi32, #tpu.memory_space<vmem>> -> memref<128xi32, #tpu.memory_space<vmem>>
      %dma_wait3A_78 = arith.constant 0 : i32
      %dma_wait3A_79 = arith.constant 0 : i32
      %dma_wait3A_80 = tpu.memref_slice %arg2[%dma_wait3A_78, %dma_wait3A_79] : memref<10000x128xf32, #tpu.memory_space<hbm>> -> memref<10000x128xf32, #tpu.memory_space<hbm>>
      tpu.wait_indirect_dma semaphore(%arg14 : memref<!tpu.dma_semaphore, #tpu.memory_space<semaphore_mem>>) src(%dma_wait3A_80 : memref<10000x128xf32, #tpu.memory_space<hbm>>) dst(%arg12 : memref<128x128xf32, #tpu.memory_space<vmem>>)
      %mul3A_81 = arith.constant 112 : i32
      %mul3A_82 = arith.muli %arg1, %mul3A_81 : i32
      %add3A_83 = arith.constant 48 : i32
      %add3A_84 = arith.addi %mul3A_82, %add3A_83 : i32
      "tpu.region"() ({
        %run_scoped3A = tpu.sem_alloc : memref<!tpu.dma_semaphore, #tpu.memory_space<semaphore_mem>>
        %dma_start3A_177 = arith.constant 0 : i32
        %dma_start3A_178 = tpu.memref_slice %arg3[%add3A_84, %dma_start3A_177] : memref<2560x128xi32, #tpu.memory_space<hbm>> -> memref<16x128xi32, #tpu.memory_space<hbm>>
        %dma_start3A_179 = arith.constant 0 : i32
        %dma_start3A_180 = tpu.memref_slice %arg3[%add3A_84, %dma_start3A_179] : memref<2560x128xi32, #tpu.memory_space<hbm>> -> memref<16x128xi32, #tpu.memory_space<hbm>>
        tpu.enqueue_dma source(%dma_start3A_180 : memref<16x128xi32, #tpu.memory_space<hbm>>) target(%arg8 : memref<16x128xi32, #tpu.memory_space<vmem>>) target_semaphore(%run_scoped3A : memref<!tpu.dma_semaphore, #tpu.memory_space<semaphore_mem>>)
        %dma_wait3A_181 = arith.constant 0 : i32
        %dma_wait3A_182 = tpu.memref_slice %arg3[%add3A_84, %dma_wait3A_181] : memref<2560x128xi32, #tpu.memory_space<hbm>> -> memref<16x128xi32, #tpu.memory_space<hbm>>
        %dma_wait3A_183 = arith.constant 0 : i32
        %dma_wait3A_184 = tpu.memref_slice %arg3[%add3A_84, %dma_wait3A_183] : memref<2560x128xi32, #tpu.memory_space<hbm>> -> memref<16x128xi32, #tpu.memory_space<hbm>>
        tpu.wait_dma2 semaphore(%run_scoped3A : memref<!tpu.dma_semaphore, #tpu.memory_space<semaphore_mem>>) src(%dma_wait3A_184 : memref<16x128xi32, #tpu.memory_space<hbm>>) dst(%arg8 : memref<16x128xi32, #tpu.memory_space<vmem>>)
        tpu.yield
      }) : () -> ()
      "tpu.region"() ({
        %run_scoped3A = tpu.sem_alloc : memref<!tpu.dma_semaphore, #tpu.memory_space<semaphore_mem>>
        %dma_start3A_177 = arith.constant 0 : i32
        %dma_start3A_178 = tpu.memref_slice %arg4[%add3A_84, %dma_start3A_177] : memref<2560x128xi32, #tpu.memory_space<hbm>> -> memref<16x128xi32, #tpu.memory_space<hbm>>
        %dma_start3A_179 = arith.constant 0 : i32
        %dma_start3A_180 = tpu.memref_slice %arg4[%add3A_84, %dma_start3A_179] : memref<2560x128xi32, #tpu.memory_space<hbm>> -> memref<16x128xi32, #tpu.memory_space<hbm>>
        tpu.enqueue_dma source(%dma_start3A_180 : memref<16x128xi32, #tpu.memory_space<hbm>>) target(%arg9 : memref<16x128xi32, #tpu.memory_space<vmem>>) target_semaphore(%run_scoped3A : memref<!tpu.dma_semaphore, #tpu.memory_space<semaphore_mem>>)
        %dma_wait3A_181 = arith.constant 0 : i32
        %dma_wait3A_182 = tpu.memref_slice %arg4[%add3A_84, %dma_wait3A_181] : memref<2560x128xi32, #tpu.memory_space<hbm>> -> memref<16x128xi32, #tpu.memory_space<hbm>>
        %dma_wait3A_183 = arith.constant 0 : i32
        %dma_wait3A_184 = tpu.memref_slice %arg4[%add3A_84, %dma_wait3A_183] : memref<2560x128xi32, #tpu.memory_space<hbm>> -> memref<16x128xi32, #tpu.memory_space<hbm>>
        tpu.wait_dma2 semaphore(%run_scoped3A : memref<!tpu.dma_semaphore, #tpu.memory_space<semaphore_mem>>) src(%dma_wait3A_184 : memref<16x128xi32, #tpu.memory_space<hbm>>) dst(%arg9 : memref<16x128xi32, #tpu.memory_space<vmem>>)
        tpu.yield
      }) : () -> ()
      %dma_start3A_85 = arith.constant 0 : i32
      %dma_start3A_86 = arith.constant 0 : i32
      %dma_start3A_87 = tpu.memref_slice %arg8[%dma_start3A_85, %dma_start3A_86] : memref<16x128xi32, #tpu.memory_space<vmem>> -> memref<1x128xi32, #tpu.memory_space<vmem>>
      %dma_start3A_88 = tpu.memref_squeeze %dma_start3A_87 : memref<1x128xi32, #tpu.memory_space<vmem>> -> memref<128xi32, #tpu.memory_space<vmem>>
      %dma_start3A_89 = arith.constant 0 : i32
      %dma_start3A_90 = arith.constant 0 : i32
      %dma_start3A_91 = tpu.memref_slice %arg2[%dma_start3A_89, %dma_start3A_90] : memref<10000x128xf32, #tpu.memory_space<hbm>> -> memref<10000x128xf32, #tpu.memory_space<hbm>>
      tpu.enqueue_indirect_dma source(%dma_start3A_91 : memref<10000x128xf32, #tpu.memory_space<hbm>>) target(%arg12 : memref<128x128xf32, #tpu.memory_space<vmem>>) offsets(%dma_start3A_88 : memref<128xi32, #tpu.memory_space<vmem>>) semaphore(%arg14 : memref<!tpu.dma_semaphore, #tpu.memory_space<semaphore_mem>>)
      %scan3A_92 = arith.constant 0 : i32
      %scan3A_93 = arith.constant 0 : i32
      %scan3A_94 = arith.constant 8 : i32
      %scan3A_95 = arith.addi %scan3A_93, %scan3A_94 : i32
      %scan3A_96 = arith.constant 1 : i32
      scf.for %scan3A_177 = %scan3A_93 to %scan3A_95 step %scan3A_96  : i32 {
        %mul3A_178 = arith.constant 2 : i32
        %mul3A_179 = arith.muli %mul3A_178, %scan3A_177 : i32
        %dma_wait3A_180 = arith.constant 0 : i32
        %dma_wait3A_181 = tpu.memref_slice %arg8[%mul3A_179, %dma_wait3A_180] : memref<16x128xi32, #tpu.memory_space<vmem>> -> memref<1x128xi32, #tpu.memory_space<vmem>>
        %dma_wait3A_182 = tpu.memref_squeeze %dma_wait3A_181 : memref<1x128xi32, #tpu.memory_space<vmem>> -> memref<128xi32, #tpu.memory_space<vmem>>
        %dma_wait3A_183 = arith.constant 0 : i32
        %dma_wait3A_184 = arith.constant 0 : i32
        %dma_wait3A_185 = tpu.memref_slice %arg2[%dma_wait3A_183, %dma_wait3A_184] : memref<10000x128xf32, #tpu.memory_space<hbm>> -> memref<10000x128xf32, #tpu.memory_space<hbm>>
        tpu.wait_indirect_dma semaphore(%arg14 : memref<!tpu.dma_semaphore, #tpu.memory_space<semaphore_mem>>) src(%dma_wait3A_185 : memref<10000x128xf32, #tpu.memory_space<hbm>>) dst(%arg12 : memref<128x128xf32, #tpu.memory_space<vmem>>)
        %add3A_186 = arith.constant 1 : i32
        %add3A_187 = arith.addi %mul3A_179, %add3A_186 : i32
        %dma_start3A_188 = arith.constant 0 : i32
        %dma_start3A_189 = tpu.memref_slice %arg8[%add3A_187, %dma_start3A_188] : memref<16x128xi32, #tpu.memory_space<vmem>> -> memref<1x128xi32, #tpu.memory_space<vmem>>
        %dma_start3A_190 = tpu.memref_squeeze %dma_start3A_189 : memref<1x128xi32, #tpu.memory_space<vmem>> -> memref<128xi32, #tpu.memory_space<vmem>>
        %dma_start3A_191 = arith.constant 0 : i32
        %dma_start3A_192 = arith.constant 0 : i32
        %dma_start3A_193 = tpu.memref_slice %arg2[%dma_start3A_191, %dma_start3A_192] : memref<10000x128xf32, #tpu.memory_space<hbm>> -> memref<10000x128xf32, #tpu.memory_space<hbm>>
        tpu.enqueue_indirect_dma source(%dma_start3A_193 : memref<10000x128xf32, #tpu.memory_space<hbm>>) target(%arg13 : memref<128x128xf32, #tpu.memory_space<vmem>>) offsets(%dma_start3A_190 : memref<128xi32, #tpu.memory_space<vmem>>) semaphore(%arg15 : memref<!tpu.dma_semaphore, #tpu.memory_space<semaphore_mem>>)
        "tpu.region"() ({
          %run_scoped3A = tpu.sem_alloc : memref<!tpu.dma_semaphore, #tpu.memory_space<semaphore_mem>>
          %dma_start3A_213 = arith.constant 0 : i32
          %dma_start3A_214 = tpu.memref_slice %arg9[%mul3A_179, %dma_start3A_213] : memref<16x128xi32, #tpu.memory_space<vmem>> -> memref<1x128xi32, #tpu.memory_space<vmem>>
          %dma_start3A_215 = tpu.memref_squeeze %dma_start3A_214 : memref<1x128xi32, #tpu.memory_space<vmem>> -> memref<128xi32, #tpu.memory_space<vmem>>
          %dma_start3A_216 = arith.constant 0 : i32
          %dma_start3A_217 = arith.constant 0 : i32
          %dma_start3A_218 = tpu.memref_slice %arg7[%dma_start3A_216, %dma_start3A_217] : memref<10112x128xf32, #tpu.memory_space<vmem_shared>> -> memref<10112x128xf32, #tpu.memory_space<vmem_shared>>
          tpu.enqueue_indirect_dma source(%arg12 : memref<128x128xf32, #tpu.memory_space<vmem>>) target(%dma_start3A_218 : memref<10112x128xf32, #tpu.memory_space<vmem_shared>>) offsets(%dma_start3A_215 : memref<128xi32, #tpu.memory_space<vmem>>) semaphore(%run_scoped3A : memref<!tpu.dma_semaphore, #tpu.memory_space<semaphore_mem>>) {add = true}
          %dma_wait3A_219 = arith.constant 0 : i32
          %dma_wait3A_220 = tpu.memref_slice %arg9[%mul3A_179, %dma_wait3A_219] : memref<16x128xi32, #tpu.memory_space<vmem>> -> memref<1x128xi32, #tpu.memory_space<vmem>>
          %dma_wait3A_221 = tpu.memref_squeeze %dma_wait3A_220 : memref<1x128xi32, #tpu.memory_space<vmem>> -> memref<128xi32, #tpu.memory_space<vmem>>
          %dma_wait3A_222 = arith.constant 0 : i32
          %dma_wait3A_223 = arith.constant 0 : i32
          %dma_wait3A_224 = tpu.memref_slice %arg7[%dma_wait3A_222, %dma_wait3A_223] : memref<10112x128xf32, #tpu.memory_space<vmem_shared>> -> memref<10112x128xf32, #tpu.memory_space<vmem_shared>>
          tpu.wait_indirect_dma semaphore(%run_scoped3A : memref<!tpu.dma_semaphore, #tpu.memory_space<semaphore_mem>>) src(%arg12 : memref<128x128xf32, #tpu.memory_space<vmem>>) dst(%dma_wait3A_224 : memref<10112x128xf32, #tpu.memory_space<vmem_shared>>)
          tpu.yield
        }) : () -> ()
        %add3A_194 = arith.constant 2 : i32
        %add3A_195 = arith.addi %mul3A_179, %add3A_194 : i32
        %min3A = arith.constant 15 : i32
        %min3A_196 = arith.minsi %add3A_195, %min3A : i32
        %add3A_197 = arith.constant 1 : i32
        %add3A_198 = arith.addi %mul3A_179, %add3A_197 : i32
        %dma_wait3A_199 = arith.constant 0 : i32
        %dma_wait3A_200 = tpu.memref_slice %arg8[%add3A_198, %dma_wait3A_199] : memref<16x128xi32, #tpu.memory_space<vmem>> -> memref<1x128xi32, #tpu.memory_space<vmem>>
        %dma_wait3A_201 = tpu.memref_squeeze %dma_wait3A_200 : memref<1x128xi32, #tpu.memory_space<vmem>> -> memref<128xi32, #tpu.memory_space<vmem>>
        %dma_wait3A_202 = arith.constant 0 : i32
        %dma_wait3A_203 = arith.constant 0 : i32
        %dma_wait3A_204 = tpu.memref_slice %arg2[%dma_wait3A_202, %dma_wait3A_203] : memref<10000x128xf32, #tpu.memory_space<hbm>> -> memref<10000x128xf32, #tpu.memory_space<hbm>>
        tpu.wait_indirect_dma semaphore(%arg15 : memref<!tpu.dma_semaphore, #tpu.memory_space<semaphore_mem>>) src(%dma_wait3A_204 : memref<10000x128xf32, #tpu.memory_space<hbm>>) dst(%arg13 : memref<128x128xf32, #tpu.memory_space<vmem>>)
        %dma_start3A_205 = arith.constant 0 : i32
        %dma_start3A_206 = tpu.memref_slice %arg8[%min3A_196, %dma_start3A_205] : memref<16x128xi32, #tpu.memory_space<vmem>> -> memref<1x128xi32, #tpu.memory_space<vmem>>
        %dma_start3A_207 = tpu.memref_squeeze %dma_start3A_206 : memref<1x128xi32, #tpu.memory_space<vmem>> -> memref<128xi32, #tpu.memory_space<vmem>>
        %dma_start3A_208 = arith.constant 0 : i32
        %dma_start3A_209 = arith.constant 0 : i32
        %dma_start3A_210 = tpu.memref_slice %arg2[%dma_start3A_208, %dma_start3A_209] : memref<10000x128xf32, #tpu.memory_space<hbm>> -> memref<10000x128xf32, #tpu.memory_space<hbm>>
        tpu.enqueue_indirect_dma source(%dma_start3A_210 : memref<10000x128xf32, #tpu.memory_space<hbm>>) target(%arg12 : memref<128x128xf32, #tpu.memory_space<vmem>>) offsets(%dma_start3A_207 : memref<128xi32, #tpu.memory_space<vmem>>) semaphore(%arg14 : memref<!tpu.dma_semaphore, #tpu.memory_space<semaphore_mem>>)
        %add3A_211 = arith.constant 1 : i32
        %add3A_212 = arith.addi %mul3A_179, %add3A_211 : i32
        "tpu.region"() ({
          %run_scoped3A = tpu.sem_alloc : memref<!tpu.dma_semaphore, #tpu.memory_space<semaphore_mem>>
          %dma_start3A_213 = arith.constant 0 : i32
          %dma_start3A_214 = tpu.memref_slice %arg9[%add3A_212, %dma_start3A_213] : memref<16x128xi32, #tpu.memory_space<vmem>> -> memref<1x128xi32, #tpu.memory_space<vmem>>
          %dma_start3A_215 = tpu.memref_squeeze %dma_start3A_214 : memref<1x128xi32, #tpu.memory_space<vmem>> -> memref<128xi32, #tpu.memory_space<vmem>>
          %dma_start3A_216 = arith.constant 0 : i32
          %dma_start3A_217 = arith.constant 0 : i32
          %dma_start3A_218 = tpu.memref_slice %arg7[%dma_start3A_216, %dma_start3A_217] : memref<10112x128xf32, #tpu.memory_space<vmem_shared>> -> memref<10112x128xf32, #tpu.memory_space<vmem_shared>>
          tpu.enqueue_indirect_dma source(%arg13 : memref<128x128xf32, #tpu.memory_space<vmem>>) target(%dma_start3A_218 : memref<10112x128xf32, #tpu.memory_space<vmem_shared>>) offsets(%dma_start3A_215 : memref<128xi32, #tpu.memory_space<vmem>>) semaphore(%run_scoped3A : memref<!tpu.dma_semaphore, #tpu.memory_space<semaphore_mem>>) {add = true}
          %dma_wait3A_219 = arith.constant 0 : i32
          %dma_wait3A_220 = tpu.memref_slice %arg9[%add3A_212, %dma_wait3A_219] : memref<16x128xi32, #tpu.memory_space<vmem>> -> memref<1x128xi32, #tpu.memory_space<vmem>>
          %dma_wait3A_221 = tpu.memref_squeeze %dma_wait3A_220 : memref<1x128xi32, #tpu.memory_space<vmem>> -> memref<128xi32, #tpu.memory_space<vmem>>
          %dma_wait3A_222 = arith.constant 0 : i32
          %dma_wait3A_223 = arith.constant 0 : i32
          %dma_wait3A_224 = tpu.memref_slice %arg7[%dma_wait3A_222, %dma_wait3A_223] : memref<10112x128xf32, #tpu.memory_space<vmem_shared>> -> memref<10112x128xf32, #tpu.memory_space<vmem_shared>>
          tpu.wait_indirect_dma semaphore(%run_scoped3A : memref<!tpu.dma_semaphore, #tpu.memory_space<semaphore_mem>>) src(%arg13 : memref<128x128xf32, #tpu.memory_space<vmem>>) dst(%dma_wait3A_224 : memref<10112x128xf32, #tpu.memory_space<vmem_shared>>)
          tpu.yield
        }) : () -> ()
      }
      %scan3A_97 = arith.constant 8 : i32
      %dma_wait3A_98 = arith.constant 15 : i32
      %dma_wait3A_99 = arith.constant 0 : i32
      %dma_wait3A_100 = tpu.memref_slice %arg8[%dma_wait3A_98, %dma_wait3A_99] : memref<16x128xi32, #tpu.memory_space<vmem>> -> memref<1x128xi32, #tpu.memory_space<vmem>>
      %dma_wait3A_101 = tpu.memref_squeeze %dma_wait3A_100 : memref<1x128xi32, #tpu.memory_space<vmem>> -> memref<128xi32, #tpu.memory_space<vmem>>
      %dma_wait3A_102 = arith.constant 0 : i32
      %dma_wait3A_103 = arith.constant 0 : i32
      %dma_wait3A_104 = tpu.memref_slice %arg2[%dma_wait3A_102, %dma_wait3A_103] : memref<10000x128xf32, #tpu.memory_space<hbm>> -> memref<10000x128xf32, #tpu.memory_space<hbm>>
      tpu.wait_indirect_dma semaphore(%arg14 : memref<!tpu.dma_semaphore, #tpu.memory_space<semaphore_mem>>) src(%dma_wait3A_104 : memref<10000x128xf32, #tpu.memory_space<hbm>>) dst(%arg12 : memref<128x128xf32, #tpu.memory_space<vmem>>)
      %mul3A_105 = arith.constant 112 : i32
      %mul3A_106 = arith.muli %arg1, %mul3A_105 : i32
      %add3A_107 = arith.constant 64 : i32
      %add3A_108 = arith.addi %mul3A_106, %add3A_107 : i32
      "tpu.region"() ({
        %run_scoped3A = tpu.sem_alloc : memref<!tpu.dma_semaphore, #tpu.memory_space<semaphore_mem>>
        %dma_start3A_177 = arith.constant 0 : i32
        %dma_start3A_178 = tpu.memref_slice %arg3[%add3A_108, %dma_start3A_177] : memref<2560x128xi32, #tpu.memory_space<hbm>> -> memref<16x128xi32, #tpu.memory_space<hbm>>
        %dma_start3A_179 = arith.constant 0 : i32
        %dma_start3A_180 = tpu.memref_slice %arg3[%add3A_108, %dma_start3A_179] : memref<2560x128xi32, #tpu.memory_space<hbm>> -> memref<16x128xi32, #tpu.memory_space<hbm>>
        tpu.enqueue_dma source(%dma_start3A_180 : memref<16x128xi32, #tpu.memory_space<hbm>>) target(%arg8 : memref<16x128xi32, #tpu.memory_space<vmem>>) target_semaphore(%run_scoped3A : memref<!tpu.dma_semaphore, #tpu.memory_space<semaphore_mem>>)
        %dma_wait3A_181 = arith.constant 0 : i32
        %dma_wait3A_182 = tpu.memref_slice %arg3[%add3A_108, %dma_wait3A_181] : memref<2560x128xi32, #tpu.memory_space<hbm>> -> memref<16x128xi32, #tpu.memory_space<hbm>>
        %dma_wait3A_183 = arith.constant 0 : i32
        %dma_wait3A_184 = tpu.memref_slice %arg3[%add3A_108, %dma_wait3A_183] : memref<2560x128xi32, #tpu.memory_space<hbm>> -> memref<16x128xi32, #tpu.memory_space<hbm>>
        tpu.wait_dma2 semaphore(%run_scoped3A : memref<!tpu.dma_semaphore, #tpu.memory_space<semaphore_mem>>) src(%dma_wait3A_184 : memref<16x128xi32, #tpu.memory_space<hbm>>) dst(%arg8 : memref<16x128xi32, #tpu.memory_space<vmem>>)
        tpu.yield
      }) : () -> ()
      "tpu.region"() ({
        %run_scoped3A = tpu.sem_alloc : memref<!tpu.dma_semaphore, #tpu.memory_space<semaphore_mem>>
        %dma_start3A_177 = arith.constant 0 : i32
        %dma_start3A_178 = tpu.memref_slice %arg4[%add3A_108, %dma_start3A_177] : memref<2560x128xi32, #tpu.memory_space<hbm>> -> memref<16x128xi32, #tpu.memory_space<hbm>>
        %dma_start3A_179 = arith.constant 0 : i32
        %dma_start3A_180 = tpu.memref_slice %arg4[%add3A_108, %dma_start3A_179] : memref<2560x128xi32, #tpu.memory_space<hbm>> -> memref<16x128xi32, #tpu.memory_space<hbm>>
        tpu.enqueue_dma source(%dma_start3A_180 : memref<16x128xi32, #tpu.memory_space<hbm>>) target(%arg9 : memref<16x128xi32, #tpu.memory_space<vmem>>) target_semaphore(%run_scoped3A : memref<!tpu.dma_semaphore, #tpu.memory_space<semaphore_mem>>)
        %dma_wait3A_181 = arith.constant 0 : i32
        %dma_wait3A_182 = tpu.memref_slice %arg4[%add3A_108, %dma_wait3A_181] : memref<2560x128xi32, #tpu.memory_space<hbm>> -> memref<16x128xi32, #tpu.memory_space<hbm>>
        %dma_wait3A_183 = arith.constant 0 : i32
        %dma_wait3A_184 = tpu.memref_slice %arg4[%add3A_108, %dma_wait3A_183] : memref<2560x128xi32, #tpu.memory_space<hbm>> -> memref<16x128xi32, #tpu.memory_space<hbm>>
        tpu.wait_dma2 semaphore(%run_scoped3A : memref<!tpu.dma_semaphore, #tpu.memory_space<semaphore_mem>>) src(%dma_wait3A_184 : memref<16x128xi32, #tpu.memory_space<hbm>>) dst(%arg9 : memref<16x128xi32, #tpu.memory_space<vmem>>)
        tpu.yield
      }) : () -> ()
      %dma_start3A_109 = arith.constant 0 : i32
      %dma_start3A_110 = arith.constant 0 : i32
      %dma_start3A_111 = tpu.memref_slice %arg8[%dma_start3A_109, %dma_start3A_110] : memref<16x128xi32, #tpu.memory_space<vmem>> -> memref<1x128xi32, #tpu.memory_space<vmem>>
      %dma_start3A_112 = tpu.memref_squeeze %dma_start3A_111 : memref<1x128xi32, #tpu.memory_space<vmem>> -> memref<128xi32, #tpu.memory_space<vmem>>
      %dma_start3A_113 = arith.constant 0 : i32
      %dma_start3A_114 = arith.constant 0 : i32
      %dma_start3A_115 = tpu.memref_slice %arg2[%dma_start3A_113, %dma_start3A_114] : memref<10000x128xf32, #tpu.memory_space<hbm>> -> memref<10000x128xf32, #tpu.memory_space<hbm>>
      tpu.enqueue_indirect_dma source(%dma_start3A_115 : memref<10000x128xf32, #tpu.memory_space<hbm>>) target(%arg12 : memref<128x128xf32, #tpu.memory_space<vmem>>) offsets(%dma_start3A_112 : memref<128xi32, #tpu.memory_space<vmem>>) semaphore(%arg14 : memref<!tpu.dma_semaphore, #tpu.memory_space<semaphore_mem>>)
      %scan3A_116 = arith.constant 0 : i32
      %scan3A_117 = arith.constant 0 : i32
      %scan3A_118 = arith.constant 8 : i32
      %scan3A_119 = arith.addi %scan3A_117, %scan3A_118 : i32
      %scan3A_120 = arith.constant 1 : i32
      scf.for %scan3A_177 = %scan3A_117 to %scan3A_119 step %scan3A_120  : i32 {
        %mul3A_178 = arith.constant 2 : i32
        %mul3A_179 = arith.muli %mul3A_178, %scan3A_177 : i32
        %dma_wait3A_180 = arith.constant 0 : i32
        %dma_wait3A_181 = tpu.memref_slice %arg8[%mul3A_179, %dma_wait3A_180] : memref<16x128xi32, #tpu.memory_space<vmem>> -> memref<1x128xi32, #tpu.memory_space<vmem>>
        %dma_wait3A_182 = tpu.memref_squeeze %dma_wait3A_181 : memref<1x128xi32, #tpu.memory_space<vmem>> -> memref<128xi32, #tpu.memory_space<vmem>>
        %dma_wait3A_183 = arith.constant 0 : i32
        %dma_wait3A_184 = arith.constant 0 : i32
        %dma_wait3A_185 = tpu.memref_slice %arg2[%dma_wait3A_183, %dma_wait3A_184] : memref<10000x128xf32, #tpu.memory_space<hbm>> -> memref<10000x128xf32, #tpu.memory_space<hbm>>
        tpu.wait_indirect_dma semaphore(%arg14 : memref<!tpu.dma_semaphore, #tpu.memory_space<semaphore_mem>>) src(%dma_wait3A_185 : memref<10000x128xf32, #tpu.memory_space<hbm>>) dst(%arg12 : memref<128x128xf32, #tpu.memory_space<vmem>>)
        %add3A_186 = arith.constant 1 : i32
        %add3A_187 = arith.addi %mul3A_179, %add3A_186 : i32
        %dma_start3A_188 = arith.constant 0 : i32
        %dma_start3A_189 = tpu.memref_slice %arg8[%add3A_187, %dma_start3A_188] : memref<16x128xi32, #tpu.memory_space<vmem>> -> memref<1x128xi32, #tpu.memory_space<vmem>>
        %dma_start3A_190 = tpu.memref_squeeze %dma_start3A_189 : memref<1x128xi32, #tpu.memory_space<vmem>> -> memref<128xi32, #tpu.memory_space<vmem>>
        %dma_start3A_191 = arith.constant 0 : i32
        %dma_start3A_192 = arith.constant 0 : i32
        %dma_start3A_193 = tpu.memref_slice %arg2[%dma_start3A_191, %dma_start3A_192] : memref<10000x128xf32, #tpu.memory_space<hbm>> -> memref<10000x128xf32, #tpu.memory_space<hbm>>
        tpu.enqueue_indirect_dma source(%dma_start3A_193 : memref<10000x128xf32, #tpu.memory_space<hbm>>) target(%arg13 : memref<128x128xf32, #tpu.memory_space<vmem>>) offsets(%dma_start3A_190 : memref<128xi32, #tpu.memory_space<vmem>>) semaphore(%arg15 : memref<!tpu.dma_semaphore, #tpu.memory_space<semaphore_mem>>)
        "tpu.region"() ({
          %run_scoped3A = tpu.sem_alloc : memref<!tpu.dma_semaphore, #tpu.memory_space<semaphore_mem>>
          %dma_start3A_213 = arith.constant 0 : i32
          %dma_start3A_214 = tpu.memref_slice %arg9[%mul3A_179, %dma_start3A_213] : memref<16x128xi32, #tpu.memory_space<vmem>> -> memref<1x128xi32, #tpu.memory_space<vmem>>
          %dma_start3A_215 = tpu.memref_squeeze %dma_start3A_214 : memref<1x128xi32, #tpu.memory_space<vmem>> -> memref<128xi32, #tpu.memory_space<vmem>>
          %dma_start3A_216 = arith.constant 0 : i32
          %dma_start3A_217 = arith.constant 0 : i32
          %dma_start3A_218 = tpu.memref_slice %arg7[%dma_start3A_216, %dma_start3A_217] : memref<10112x128xf32, #tpu.memory_space<vmem_shared>> -> memref<10112x128xf32, #tpu.memory_space<vmem_shared>>
          tpu.enqueue_indirect_dma source(%arg12 : memref<128x128xf32, #tpu.memory_space<vmem>>) target(%dma_start3A_218 : memref<10112x128xf32, #tpu.memory_space<vmem_shared>>) offsets(%dma_start3A_215 : memref<128xi32, #tpu.memory_space<vmem>>) semaphore(%run_scoped3A : memref<!tpu.dma_semaphore, #tpu.memory_space<semaphore_mem>>) {add = true}
          %dma_wait3A_219 = arith.constant 0 : i32
          %dma_wait3A_220 = tpu.memref_slice %arg9[%mul3A_179, %dma_wait3A_219] : memref<16x128xi32, #tpu.memory_space<vmem>> -> memref<1x128xi32, #tpu.memory_space<vmem>>
          %dma_wait3A_221 = tpu.memref_squeeze %dma_wait3A_220 : memref<1x128xi32, #tpu.memory_space<vmem>> -> memref<128xi32, #tpu.memory_space<vmem>>
          %dma_wait3A_222 = arith.constant 0 : i32
          %dma_wait3A_223 = arith.constant 0 : i32
          %dma_wait3A_224 = tpu.memref_slice %arg7[%dma_wait3A_222, %dma_wait3A_223] : memref<10112x128xf32, #tpu.memory_space<vmem_shared>> -> memref<10112x128xf32, #tpu.memory_space<vmem_shared>>
          tpu.wait_indirect_dma semaphore(%run_scoped3A : memref<!tpu.dma_semaphore, #tpu.memory_space<semaphore_mem>>) src(%arg12 : memref<128x128xf32, #tpu.memory_space<vmem>>) dst(%dma_wait3A_224 : memref<10112x128xf32, #tpu.memory_space<vmem_shared>>)
          tpu.yield
        }) : () -> ()
        %add3A_194 = arith.constant 2 : i32
        %add3A_195 = arith.addi %mul3A_179, %add3A_194 : i32
        %min3A = arith.constant 15 : i32
        %min3A_196 = arith.minsi %add3A_195, %min3A : i32
        %add3A_197 = arith.constant 1 : i32
        %add3A_198 = arith.addi %mul3A_179, %add3A_197 : i32
        %dma_wait3A_199 = arith.constant 0 : i32
        %dma_wait3A_200 = tpu.memref_slice %arg8[%add3A_198, %dma_wait3A_199] : memref<16x128xi32, #tpu.memory_space<vmem>> -> memref<1x128xi32, #tpu.memory_space<vmem>>
        %dma_wait3A_201 = tpu.memref_squeeze %dma_wait3A_200 : memref<1x128xi32, #tpu.memory_space<vmem>> -> memref<128xi32, #tpu.memory_space<vmem>>
        %dma_wait3A_202 = arith.constant 0 : i32
        %dma_wait3A_203 = arith.constant 0 : i32
        %dma_wait3A_204 = tpu.memref_slice %arg2[%dma_wait3A_202, %dma_wait3A_203] : memref<10000x128xf32, #tpu.memory_space<hbm>> -> memref<10000x128xf32, #tpu.memory_space<hbm>>
        tpu.wait_indirect_dma semaphore(%arg15 : memref<!tpu.dma_semaphore, #tpu.memory_space<semaphore_mem>>) src(%dma_wait3A_204 : memref<10000x128xf32, #tpu.memory_space<hbm>>) dst(%arg13 : memref<128x128xf32, #tpu.memory_space<vmem>>)
        %dma_start3A_205 = arith.constant 0 : i32
        %dma_start3A_206 = tpu.memref_slice %arg8[%min3A_196, %dma_start3A_205] : memref<16x128xi32, #tpu.memory_space<vmem>> -> memref<1x128xi32, #tpu.memory_space<vmem>>
        %dma_start3A_207 = tpu.memref_squeeze %dma_start3A_206 : memref<1x128xi32, #tpu.memory_space<vmem>> -> memref<128xi32, #tpu.memory_space<vmem>>
        %dma_start3A_208 = arith.constant 0 : i32
        %dma_start3A_209 = arith.constant 0 : i32
        %dma_start3A_210 = tpu.memref_slice %arg2[%dma_start3A_208, %dma_start3A_209] : memref<10000x128xf32, #tpu.memory_space<hbm>> -> memref<10000x128xf32, #tpu.memory_space<hbm>>
        tpu.enqueue_indirect_dma source(%dma_start3A_210 : memref<10000x128xf32, #tpu.memory_space<hbm>>) target(%arg12 : memref<128x128xf32, #tpu.memory_space<vmem>>) offsets(%dma_start3A_207 : memref<128xi32, #tpu.memory_space<vmem>>) semaphore(%arg14 : memref<!tpu.dma_semaphore, #tpu.memory_space<semaphore_mem>>)
        %add3A_211 = arith.constant 1 : i32
        %add3A_212 = arith.addi %mul3A_179, %add3A_211 : i32
        "tpu.region"() ({
          %run_scoped3A = tpu.sem_alloc : memref<!tpu.dma_semaphore, #tpu.memory_space<semaphore_mem>>
          %dma_start3A_213 = arith.constant 0 : i32
          %dma_start3A_214 = tpu.memref_slice %arg9[%add3A_212, %dma_start3A_213] : memref<16x128xi32, #tpu.memory_space<vmem>> -> memref<1x128xi32, #tpu.memory_space<vmem>>
          %dma_start3A_215 = tpu.memref_squeeze %dma_start3A_214 : memref<1x128xi32, #tpu.memory_space<vmem>> -> memref<128xi32, #tpu.memory_space<vmem>>
          %dma_start3A_216 = arith.constant 0 : i32
          %dma_start3A_217 = arith.constant 0 : i32
          %dma_start3A_218 = tpu.memref_slice %arg7[%dma_start3A_216, %dma_start3A_217] : memref<10112x128xf32, #tpu.memory_space<vmem_shared>> -> memref<10112x128xf32, #tpu.memory_space<vmem_shared>>
          tpu.enqueue_indirect_dma source(%arg13 : memref<128x128xf32, #tpu.memory_space<vmem>>) target(%dma_start3A_218 : memref<10112x128xf32, #tpu.memory_space<vmem_shared>>) offsets(%dma_start3A_215 : memref<128xi32, #tpu.memory_space<vmem>>) semaphore(%run_scoped3A : memref<!tpu.dma_semaphore, #tpu.memory_space<semaphore_mem>>) {add = true}
          %dma_wait3A_219 = arith.constant 0 : i32
          %dma_wait3A_220 = tpu.memref_slice %arg9[%add3A_212, %dma_wait3A_219] : memref<16x128xi32, #tpu.memory_space<vmem>> -> memref<1x128xi32, #tpu.memory_space<vmem>>
          %dma_wait3A_221 = tpu.memref_squeeze %dma_wait3A_220 : memref<1x128xi32, #tpu.memory_space<vmem>> -> memref<128xi32, #tpu.memory_space<vmem>>
          %dma_wait3A_222 = arith.constant 0 : i32
          %dma_wait3A_223 = arith.constant 0 : i32
          %dma_wait3A_224 = tpu.memref_slice %arg7[%dma_wait3A_222, %dma_wait3A_223] : memref<10112x128xf32, #tpu.memory_space<vmem_shared>> -> memref<10112x128xf32, #tpu.memory_space<vmem_shared>>
          tpu.wait_indirect_dma semaphore(%run_scoped3A : memref<!tpu.dma_semaphore, #tpu.memory_space<semaphore_mem>>) src(%arg13 : memref<128x128xf32, #tpu.memory_space<vmem>>) dst(%dma_wait3A_224 : memref<10112x128xf32, #tpu.memory_space<vmem_shared>>)
          tpu.yield
        }) : () -> ()
      }
      %scan3A_121 = arith.constant 8 : i32
      %dma_wait3A_122 = arith.constant 15 : i32
      %dma_wait3A_123 = arith.constant 0 : i32
      %dma_wait3A_124 = tpu.memref_slice %arg8[%dma_wait3A_122, %dma_wait3A_123] : memref<16x128xi32, #tpu.memory_space<vmem>> -> memref<1x128xi32, #tpu.memory_space<vmem>>
      %dma_wait3A_125 = tpu.memref_squeeze %dma_wait3A_124 : memref<1x128xi32, #tpu.memory_space<vmem>> -> memref<128xi32, #tpu.memory_space<vmem>>
      %dma_wait3A_126 = arith.constant 0 : i32
      %dma_wait3A_127 = arith.constant 0 : i32
      %dma_wait3A_128 = tpu.memref_slice %arg2[%dma_wait3A_126, %dma_wait3A_127] : memref<10000x128xf32, #tpu.memory_space<hbm>> -> memref<10000x128xf32, #tpu.memory_space<hbm>>
      tpu.wait_indirect_dma semaphore(%arg14 : memref<!tpu.dma_semaphore, #tpu.memory_space<semaphore_mem>>) src(%dma_wait3A_128 : memref<10000x128xf32, #tpu.memory_space<hbm>>) dst(%arg12 : memref<128x128xf32, #tpu.memory_space<vmem>>)
      %mul3A_129 = arith.constant 112 : i32
      %mul3A_130 = arith.muli %arg1, %mul3A_129 : i32
      %add3A_131 = arith.constant 80 : i32
      %add3A_132 = arith.addi %mul3A_130, %add3A_131 : i32
      "tpu.region"() ({
        %run_scoped3A = tpu.sem_alloc : memref<!tpu.dma_semaphore, #tpu.memory_space<semaphore_mem>>
        %dma_start3A_177 = arith.constant 0 : i32
        %dma_start3A_178 = tpu.memref_slice %arg3[%add3A_132, %dma_start3A_177] : memref<2560x128xi32, #tpu.memory_space<hbm>> -> memref<16x128xi32, #tpu.memory_space<hbm>>
        %dma_start3A_179 = arith.constant 0 : i32
        %dma_start3A_180 = tpu.memref_slice %arg3[%add3A_132, %dma_start3A_179] : memref<2560x128xi32, #tpu.memory_space<hbm>> -> memref<16x128xi32, #tpu.memory_space<hbm>>
        tpu.enqueue_dma source(%dma_start3A_180 : memref<16x128xi32, #tpu.memory_space<hbm>>) target(%arg8 : memref<16x128xi32, #tpu.memory_space<vmem>>) target_semaphore(%run_scoped3A : memref<!tpu.dma_semaphore, #tpu.memory_space<semaphore_mem>>)
        %dma_wait3A_181 = arith.constant 0 : i32
        %dma_wait3A_182 = tpu.memref_slice %arg3[%add3A_132, %dma_wait3A_181] : memref<2560x128xi32, #tpu.memory_space<hbm>> -> memref<16x128xi32, #tpu.memory_space<hbm>>
        %dma_wait3A_183 = arith.constant 0 : i32
        %dma_wait3A_184 = tpu.memref_slice %arg3[%add3A_132, %dma_wait3A_183] : memref<2560x128xi32, #tpu.memory_space<hbm>> -> memref<16x128xi32, #tpu.memory_space<hbm>>
        tpu.wait_dma2 semaphore(%run_scoped3A : memref<!tpu.dma_semaphore, #tpu.memory_space<semaphore_mem>>) src(%dma_wait3A_184 : memref<16x128xi32, #tpu.memory_space<hbm>>) dst(%arg8 : memref<16x128xi32, #tpu.memory_space<vmem>>)
        tpu.yield
      }) : () -> ()
      "tpu.region"() ({
        %run_scoped3A = tpu.sem_alloc : memref<!tpu.dma_semaphore, #tpu.memory_space<semaphore_mem>>
        %dma_start3A_177 = arith.constant 0 : i32
        %dma_start3A_178 = tpu.memref_slice %arg4[%add3A_132, %dma_start3A_177] : memref<2560x128xi32, #tpu.memory_space<hbm>> -> memref<16x128xi32, #tpu.memory_space<hbm>>
        %dma_start3A_179 = arith.constant 0 : i32
        %dma_start3A_180 = tpu.memref_slice %arg4[%add3A_132, %dma_start3A_179] : memref<2560x128xi32, #tpu.memory_space<hbm>> -> memref<16x128xi32, #tpu.memory_space<hbm>>
        tpu.enqueue_dma source(%dma_start3A_180 : memref<16x128xi32, #tpu.memory_space<hbm>>) target(%arg9 : memref<16x128xi32, #tpu.memory_space<vmem>>) target_semaphore(%run_scoped3A : memref<!tpu.dma_semaphore, #tpu.memory_space<semaphore_mem>>)
        %dma_wait3A_181 = arith.constant 0 : i32
        %dma_wait3A_182 = tpu.memref_slice %arg4[%add3A_132, %dma_wait3A_181] : memref<2560x128xi32, #tpu.memory_space<hbm>> -> memref<16x128xi32, #tpu.memory_space<hbm>>
        %dma_wait3A_183 = arith.constant 0 : i32
        %dma_wait3A_184 = tpu.memref_slice %arg4[%add3A_132, %dma_wait3A_183] : memref<2560x128xi32, #tpu.memory_space<hbm>> -> memref<16x128xi32, #tpu.memory_space<hbm>>
        tpu.wait_dma2 semaphore(%run_scoped3A : memref<!tpu.dma_semaphore, #tpu.memory_space<semaphore_mem>>) src(%dma_wait3A_184 : memref<16x128xi32, #tpu.memory_space<hbm>>) dst(%arg9 : memref<16x128xi32, #tpu.memory_space<vmem>>)
        tpu.yield
      }) : () -> ()
      %dma_start3A_133 = arith.constant 0 : i32
      %dma_start3A_134 = arith.constant 0 : i32
      %dma_start3A_135 = tpu.memref_slice %arg8[%dma_start3A_133, %dma_start3A_134] : memref<16x128xi32, #tpu.memory_space<vmem>> -> memref<1x128xi32, #tpu.memory_space<vmem>>
      %dma_start3A_136 = tpu.memref_squeeze %dma_start3A_135 : memref<1x128xi32, #tpu.memory_space<vmem>> -> memref<128xi32, #tpu.memory_space<vmem>>
      %dma_start3A_137 = arith.constant 0 : i32
      %dma_start3A_138 = arith.constant 0 : i32
      %dma_start3A_139 = tpu.memref_slice %arg2[%dma_start3A_137, %dma_start3A_138] : memref<10000x128xf32, #tpu.memory_space<hbm>> -> memref<10000x128xf32, #tpu.memory_space<hbm>>
      tpu.enqueue_indirect_dma source(%dma_start3A_139 : memref<10000x128xf32, #tpu.memory_space<hbm>>) target(%arg12 : memref<128x128xf32, #tpu.memory_space<vmem>>) offsets(%dma_start3A_136 : memref<128xi32, #tpu.memory_space<vmem>>) semaphore(%arg14 : memref<!tpu.dma_semaphore, #tpu.memory_space<semaphore_mem>>)
      %scan3A_140 = arith.constant 0 : i32
      %scan3A_141 = arith.constant 0 : i32
      %scan3A_142 = arith.constant 8 : i32
      %scan3A_143 = arith.addi %scan3A_141, %scan3A_142 : i32
      %scan3A_144 = arith.constant 1 : i32
      scf.for %scan3A_177 = %scan3A_141 to %scan3A_143 step %scan3A_144  : i32 {
        %mul3A_178 = arith.constant 2 : i32
        %mul3A_179 = arith.muli %mul3A_178, %scan3A_177 : i32
        %dma_wait3A_180 = arith.constant 0 : i32
        %dma_wait3A_181 = tpu.memref_slice %arg8[%mul3A_179, %dma_wait3A_180] : memref<16x128xi32, #tpu.memory_space<vmem>> -> memref<1x128xi32, #tpu.memory_space<vmem>>
        %dma_wait3A_182 = tpu.memref_squeeze %dma_wait3A_181 : memref<1x128xi32, #tpu.memory_space<vmem>> -> memref<128xi32, #tpu.memory_space<vmem>>
        %dma_wait3A_183 = arith.constant 0 : i32
        %dma_wait3A_184 = arith.constant 0 : i32
        %dma_wait3A_185 = tpu.memref_slice %arg2[%dma_wait3A_183, %dma_wait3A_184] : memref<10000x128xf32, #tpu.memory_space<hbm>> -> memref<10000x128xf32, #tpu.memory_space<hbm>>
        tpu.wait_indirect_dma semaphore(%arg14 : memref<!tpu.dma_semaphore, #tpu.memory_space<semaphore_mem>>) src(%dma_wait3A_185 : memref<10000x128xf32, #tpu.memory_space<hbm>>) dst(%arg12 : memref<128x128xf32, #tpu.memory_space<vmem>>)
        %add3A_186 = arith.constant 1 : i32
        %add3A_187 = arith.addi %mul3A_179, %add3A_186 : i32
        %dma_start3A_188 = arith.constant 0 : i32
        %dma_start3A_189 = tpu.memref_slice %arg8[%add3A_187, %dma_start3A_188] : memref<16x128xi32, #tpu.memory_space<vmem>> -> memref<1x128xi32, #tpu.memory_space<vmem>>
        %dma_start3A_190 = tpu.memref_squeeze %dma_start3A_189 : memref<1x128xi32, #tpu.memory_space<vmem>> -> memref<128xi32, #tpu.memory_space<vmem>>
        %dma_start3A_191 = arith.constant 0 : i32
        %dma_start3A_192 = arith.constant 0 : i32
        %dma_start3A_193 = tpu.memref_slice %arg2[%dma_start3A_191, %dma_start3A_192] : memref<10000x128xf32, #tpu.memory_space<hbm>> -> memref<10000x128xf32, #tpu.memory_space<hbm>>
        tpu.enqueue_indirect_dma source(%dma_start3A_193 : memref<10000x128xf32, #tpu.memory_space<hbm>>) target(%arg13 : memref<128x128xf32, #tpu.memory_space<vmem>>) offsets(%dma_start3A_190 : memref<128xi32, #tpu.memory_space<vmem>>) semaphore(%arg15 : memref<!tpu.dma_semaphore, #tpu.memory_space<semaphore_mem>>)
        "tpu.region"() ({
          %run_scoped3A = tpu.sem_alloc : memref<!tpu.dma_semaphore, #tpu.memory_space<semaphore_mem>>
          %dma_start3A_213 = arith.constant 0 : i32
          %dma_start3A_214 = tpu.memref_slice %arg9[%mul3A_179, %dma_start3A_213] : memref<16x128xi32, #tpu.memory_space<vmem>> -> memref<1x128xi32, #tpu.memory_space<vmem>>
          %dma_start3A_215 = tpu.memref_squeeze %dma_start3A_214 : memref<1x128xi32, #tpu.memory_space<vmem>> -> memref<128xi32, #tpu.memory_space<vmem>>
          %dma_start3A_216 = arith.constant 0 : i32
          %dma_start3A_217 = arith.constant 0 : i32
          %dma_start3A_218 = tpu.memref_slice %arg7[%dma_start3A_216, %dma_start3A_217] : memref<10112x128xf32, #tpu.memory_space<vmem_shared>> -> memref<10112x128xf32, #tpu.memory_space<vmem_shared>>
          tpu.enqueue_indirect_dma source(%arg12 : memref<128x128xf32, #tpu.memory_space<vmem>>) target(%dma_start3A_218 : memref<10112x128xf32, #tpu.memory_space<vmem_shared>>) offsets(%dma_start3A_215 : memref<128xi32, #tpu.memory_space<vmem>>) semaphore(%run_scoped3A : memref<!tpu.dma_semaphore, #tpu.memory_space<semaphore_mem>>) {add = true}
          %dma_wait3A_219 = arith.constant 0 : i32
          %dma_wait3A_220 = tpu.memref_slice %arg9[%mul3A_179, %dma_wait3A_219] : memref<16x128xi32, #tpu.memory_space<vmem>> -> memref<1x128xi32, #tpu.memory_space<vmem>>
          %dma_wait3A_221 = tpu.memref_squeeze %dma_wait3A_220 : memref<1x128xi32, #tpu.memory_space<vmem>> -> memref<128xi32, #tpu.memory_space<vmem>>
          %dma_wait3A_222 = arith.constant 0 : i32
          %dma_wait3A_223 = arith.constant 0 : i32
          %dma_wait3A_224 = tpu.memref_slice %arg7[%dma_wait3A_222, %dma_wait3A_223] : memref<10112x128xf32, #tpu.memory_space<vmem_shared>> -> memref<10112x128xf32, #tpu.memory_space<vmem_shared>>
          tpu.wait_indirect_dma semaphore(%run_scoped3A : memref<!tpu.dma_semaphore, #tpu.memory_space<semaphore_mem>>) src(%arg12 : memref<128x128xf32, #tpu.memory_space<vmem>>) dst(%dma_wait3A_224 : memref<10112x128xf32, #tpu.memory_space<vmem_shared>>)
          tpu.yield
        }) : () -> ()
        %add3A_194 = arith.constant 2 : i32
        %add3A_195 = arith.addi %mul3A_179, %add3A_194 : i32
        %min3A = arith.constant 15 : i32
        %min3A_196 = arith.minsi %add3A_195, %min3A : i32
        %add3A_197 = arith.constant 1 : i32
        %add3A_198 = arith.addi %mul3A_179, %add3A_197 : i32
        %dma_wait3A_199 = arith.constant 0 : i32
        %dma_wait3A_200 = tpu.memref_slice %arg8[%add3A_198, %dma_wait3A_199] : memref<16x128xi32, #tpu.memory_space<vmem>> -> memref<1x128xi32, #tpu.memory_space<vmem>>
        %dma_wait3A_201 = tpu.memref_squeeze %dma_wait3A_200 : memref<1x128xi32, #tpu.memory_space<vmem>> -> memref<128xi32, #tpu.memory_space<vmem>>
        %dma_wait3A_202 = arith.constant 0 : i32
        %dma_wait3A_203 = arith.constant 0 : i32
        %dma_wait3A_204 = tpu.memref_slice %arg2[%dma_wait3A_202, %dma_wait3A_203] : memref<10000x128xf32, #tpu.memory_space<hbm>> -> memref<10000x128xf32, #tpu.memory_space<hbm>>
        tpu.wait_indirect_dma semaphore(%arg15 : memref<!tpu.dma_semaphore, #tpu.memory_space<semaphore_mem>>) src(%dma_wait3A_204 : memref<10000x128xf32, #tpu.memory_space<hbm>>) dst(%arg13 : memref<128x128xf32, #tpu.memory_space<vmem>>)
        %dma_start3A_205 = arith.constant 0 : i32
        %dma_start3A_206 = tpu.memref_slice %arg8[%min3A_196, %dma_start3A_205] : memref<16x128xi32, #tpu.memory_space<vmem>> -> memref<1x128xi32, #tpu.memory_space<vmem>>
        %dma_start3A_207 = tpu.memref_squeeze %dma_start3A_206 : memref<1x128xi32, #tpu.memory_space<vmem>> -> memref<128xi32, #tpu.memory_space<vmem>>
        %dma_start3A_208 = arith.constant 0 : i32
        %dma_start3A_209 = arith.constant 0 : i32
        %dma_start3A_210 = tpu.memref_slice %arg2[%dma_start3A_208, %dma_start3A_209] : memref<10000x128xf32, #tpu.memory_space<hbm>> -> memref<10000x128xf32, #tpu.memory_space<hbm>>
        tpu.enqueue_indirect_dma source(%dma_start3A_210 : memref<10000x128xf32, #tpu.memory_space<hbm>>) target(%arg12 : memref<128x128xf32, #tpu.memory_space<vmem>>) offsets(%dma_start3A_207 : memref<128xi32, #tpu.memory_space<vmem>>) semaphore(%arg14 : memref<!tpu.dma_semaphore, #tpu.memory_space<semaphore_mem>>)
        %add3A_211 = arith.constant 1 : i32
        %add3A_212 = arith.addi %mul3A_179, %add3A_211 : i32
        "tpu.region"() ({
          %run_scoped3A = tpu.sem_alloc : memref<!tpu.dma_semaphore, #tpu.memory_space<semaphore_mem>>
          %dma_start3A_213 = arith.constant 0 : i32
          %dma_start3A_214 = tpu.memref_slice %arg9[%add3A_212, %dma_start3A_213] : memref<16x128xi32, #tpu.memory_space<vmem>> -> memref<1x128xi32, #tpu.memory_space<vmem>>
          %dma_start3A_215 = tpu.memref_squeeze %dma_start3A_214 : memref<1x128xi32, #tpu.memory_space<vmem>> -> memref<128xi32, #tpu.memory_space<vmem>>
          %dma_start3A_216 = arith.constant 0 : i32
          %dma_start3A_217 = arith.constant 0 : i32
          %dma_start3A_218 = tpu.memref_slice %arg7[%dma_start3A_216, %dma_start3A_217] : memref<10112x128xf32, #tpu.memory_space<vmem_shared>> -> memref<10112x128xf32, #tpu.memory_space<vmem_shared>>
          tpu.enqueue_indirect_dma source(%arg13 : memref<128x128xf32, #tpu.memory_space<vmem>>) target(%dma_start3A_218 : memref<10112x128xf32, #tpu.memory_space<vmem_shared>>) offsets(%dma_start3A_215 : memref<128xi32, #tpu.memory_space<vmem>>) semaphore(%run_scoped3A : memref<!tpu.dma_semaphore, #tpu.memory_space<semaphore_mem>>) {add = true}
          %dma_wait3A_219 = arith.constant 0 : i32
          %dma_wait3A_220 = tpu.memref_slice %arg9[%add3A_212, %dma_wait3A_219] : memref<16x128xi32, #tpu.memory_space<vmem>> -> memref<1x128xi32, #tpu.memory_space<vmem>>
          %dma_wait3A_221 = tpu.memref_squeeze %dma_wait3A_220 : memref<1x128xi32, #tpu.memory_space<vmem>> -> memref<128xi32, #tpu.memory_space<vmem>>
          %dma_wait3A_222 = arith.constant 0 : i32
          %dma_wait3A_223 = arith.constant 0 : i32
          %dma_wait3A_224 = tpu.memref_slice %arg7[%dma_wait3A_222, %dma_wait3A_223] : memref<10112x128xf32, #tpu.memory_space<vmem_shared>> -> memref<10112x128xf32, #tpu.memory_space<vmem_shared>>
          tpu.wait_indirect_dma semaphore(%run_scoped3A : memref<!tpu.dma_semaphore, #tpu.memory_space<semaphore_mem>>) src(%arg13 : memref<128x128xf32, #tpu.memory_space<vmem>>) dst(%dma_wait3A_224 : memref<10112x128xf32, #tpu.memory_space<vmem_shared>>)
          tpu.yield
        }) : () -> ()
      }
      %scan3A_145 = arith.constant 8 : i32
      %dma_wait3A_146 = arith.constant 15 : i32
      %dma_wait3A_147 = arith.constant 0 : i32
      %dma_wait3A_148 = tpu.memref_slice %arg8[%dma_wait3A_146, %dma_wait3A_147] : memref<16x128xi32, #tpu.memory_space<vmem>> -> memref<1x128xi32, #tpu.memory_space<vmem>>
      %dma_wait3A_149 = tpu.memref_squeeze %dma_wait3A_148 : memref<1x128xi32, #tpu.memory_space<vmem>> -> memref<128xi32, #tpu.memory_space<vmem>>
      %dma_wait3A_150 = arith.constant 0 : i32
      %dma_wait3A_151 = arith.constant 0 : i32
      %dma_wait3A_152 = tpu.memref_slice %arg2[%dma_wait3A_150, %dma_wait3A_151] : memref<10000x128xf32, #tpu.memory_space<hbm>> -> memref<10000x128xf32, #tpu.memory_space<hbm>>
      tpu.wait_indirect_dma semaphore(%arg14 : memref<!tpu.dma_semaphore, #tpu.memory_space<semaphore_mem>>) src(%dma_wait3A_152 : memref<10000x128xf32, #tpu.memory_space<hbm>>) dst(%arg12 : memref<128x128xf32, #tpu.memory_space<vmem>>)
      %mul3A_153 = arith.constant 112 : i32
      %mul3A_154 = arith.muli %arg1, %mul3A_153 : i32
      %add3A_155 = arith.constant 96 : i32
      %add3A_156 = arith.addi %mul3A_154, %add3A_155 : i32
      "tpu.region"() ({
        %run_scoped3A = tpu.sem_alloc : memref<!tpu.dma_semaphore, #tpu.memory_space<semaphore_mem>>
        %dma_start3A_177 = arith.constant 0 : i32
        %dma_start3A_178 = tpu.memref_slice %arg3[%add3A_156, %dma_start3A_177] : memref<2560x128xi32, #tpu.memory_space<hbm>> -> memref<16x128xi32, #tpu.memory_space<hbm>>
        %dma_start3A_179 = arith.constant 0 : i32
        %dma_start3A_180 = tpu.memref_slice %arg3[%add3A_156, %dma_start3A_179] : memref<2560x128xi32, #tpu.memory_space<hbm>> -> memref<16x128xi32, #tpu.memory_space<hbm>>
        tpu.enqueue_dma source(%dma_start3A_180 : memref<16x128xi32, #tpu.memory_space<hbm>>) target(%arg8 : memref<16x128xi32, #tpu.memory_space<vmem>>) target_semaphore(%run_scoped3A : memref<!tpu.dma_semaphore, #tpu.memory_space<semaphore_mem>>)
        %dma_wait3A_181 = arith.constant 0 : i32
        %dma_wait3A_182 = tpu.memref_slice %arg3[%add3A_156, %dma_wait3A_181] : memref<2560x128xi32, #tpu.memory_space<hbm>> -> memref<16x128xi32, #tpu.memory_space<hbm>>
        %dma_wait3A_183 = arith.constant 0 : i32
        %dma_wait3A_184 = tpu.memref_slice %arg3[%add3A_156, %dma_wait3A_183] : memref<2560x128xi32, #tpu.memory_space<hbm>> -> memref<16x128xi32, #tpu.memory_space<hbm>>
        tpu.wait_dma2 semaphore(%run_scoped3A : memref<!tpu.dma_semaphore, #tpu.memory_space<semaphore_mem>>) src(%dma_wait3A_184 : memref<16x128xi32, #tpu.memory_space<hbm>>) dst(%arg8 : memref<16x128xi32, #tpu.memory_space<vmem>>)
        tpu.yield
      }) : () -> ()
      "tpu.region"() ({
        %run_scoped3A = tpu.sem_alloc : memref<!tpu.dma_semaphore, #tpu.memory_space<semaphore_mem>>
        %dma_start3A_177 = arith.constant 0 : i32
        %dma_start3A_178 = tpu.memref_slice %arg4[%add3A_156, %dma_start3A_177] : memref<2560x128xi32, #tpu.memory_space<hbm>> -> memref<16x128xi32, #tpu.memory_space<hbm>>
        %dma_start3A_179 = arith.constant 0 : i32
        %dma_start3A_180 = tpu.memref_slice %arg4[%add3A_156, %dma_start3A_179] : memref<2560x128xi32, #tpu.memory_space<hbm>> -> memref<16x128xi32, #tpu.memory_space<hbm>>
        tpu.enqueue_dma source(%dma_start3A_180 : memref<16x128xi32, #tpu.memory_space<hbm>>) target(%arg9 : memref<16x128xi32, #tpu.memory_space<vmem>>) target_semaphore(%run_scoped3A : memref<!tpu.dma_semaphore, #tpu.memory_space<semaphore_mem>>)
        %dma_wait3A_181 = arith.constant 0 : i32
        %dma_wait3A_182 = tpu.memref_slice %arg4[%add3A_156, %dma_wait3A_181] : memref<2560x128xi32, #tpu.memory_space<hbm>> -> memref<16x128xi32, #tpu.memory_space<hbm>>
        %dma_wait3A_183 = arith.constant 0 : i32
        %dma_wait3A_184 = tpu.memref_slice %arg4[%add3A_156, %dma_wait3A_183] : memref<2560x128xi32, #tpu.memory_space<hbm>> -> memref<16x128xi32, #tpu.memory_space<hbm>>
        tpu.wait_dma2 semaphore(%run_scoped3A : memref<!tpu.dma_semaphore, #tpu.memory_space<semaphore_mem>>) src(%dma_wait3A_184 : memref<16x128xi32, #tpu.memory_space<hbm>>) dst(%arg9 : memref<16x128xi32, #tpu.memory_space<vmem>>)
        tpu.yield
      }) : () -> ()
      %dma_start3A_157 = arith.constant 0 : i32
      %dma_start3A_158 = arith.constant 0 : i32
      %dma_start3A_159 = tpu.memref_slice %arg8[%dma_start3A_157, %dma_start3A_158] : memref<16x128xi32, #tpu.memory_space<vmem>> -> memref<1x128xi32, #tpu.memory_space<vmem>>
      %dma_start3A_160 = tpu.memref_squeeze %dma_start3A_159 : memref<1x128xi32, #tpu.memory_space<vmem>> -> memref<128xi32, #tpu.memory_space<vmem>>
      %dma_start3A_161 = arith.constant 0 : i32
      %dma_start3A_162 = arith.constant 0 : i32
      %dma_start3A_163 = tpu.memref_slice %arg2[%dma_start3A_161, %dma_start3A_162] : memref<10000x128xf32, #tpu.memory_space<hbm>> -> memref<10000x128xf32, #tpu.memory_space<hbm>>
      tpu.enqueue_indirect_dma source(%dma_start3A_163 : memref<10000x128xf32, #tpu.memory_space<hbm>>) target(%arg12 : memref<128x128xf32, #tpu.memory_space<vmem>>) offsets(%dma_start3A_160 : memref<128xi32, #tpu.memory_space<vmem>>) semaphore(%arg14 : memref<!tpu.dma_semaphore, #tpu.memory_space<semaphore_mem>>)
      %scan3A_164 = arith.constant 0 : i32
      %scan3A_165 = arith.constant 0 : i32
      %scan3A_166 = arith.constant 8 : i32
      %scan3A_167 = arith.addi %scan3A_165, %scan3A_166 : i32
      %scan3A_168 = arith.constant 1 : i32
      scf.for %scan3A_177 = %scan3A_165 to %scan3A_167 step %scan3A_168  : i32 {
        %mul3A_178 = arith.constant 2 : i32
        %mul3A_179 = arith.muli %mul3A_178, %scan3A_177 : i32
        %dma_wait3A_180 = arith.constant 0 : i32
        %dma_wait3A_181 = tpu.memref_slice %arg8[%mul3A_179, %dma_wait3A_180] : memref<16x128xi32, #tpu.memory_space<vmem>> -> memref<1x128xi32, #tpu.memory_space<vmem>>
        %dma_wait3A_182 = tpu.memref_squeeze %dma_wait3A_181 : memref<1x128xi32, #tpu.memory_space<vmem>> -> memref<128xi32, #tpu.memory_space<vmem>>
        %dma_wait3A_183 = arith.constant 0 : i32
        %dma_wait3A_184 = arith.constant 0 : i32
        %dma_wait3A_185 = tpu.memref_slice %arg2[%dma_wait3A_183, %dma_wait3A_184] : memref<10000x128xf32, #tpu.memory_space<hbm>> -> memref<10000x128xf32, #tpu.memory_space<hbm>>
        tpu.wait_indirect_dma semaphore(%arg14 : memref<!tpu.dma_semaphore, #tpu.memory_space<semaphore_mem>>) src(%dma_wait3A_185 : memref<10000x128xf32, #tpu.memory_space<hbm>>) dst(%arg12 : memref<128x128xf32, #tpu.memory_space<vmem>>)
        %add3A_186 = arith.constant 1 : i32
        %add3A_187 = arith.addi %mul3A_179, %add3A_186 : i32
        %dma_start3A_188 = arith.constant 0 : i32
        %dma_start3A_189 = tpu.memref_slice %arg8[%add3A_187, %dma_start3A_188] : memref<16x128xi32, #tpu.memory_space<vmem>> -> memref<1x128xi32, #tpu.memory_space<vmem>>
        %dma_start3A_190 = tpu.memref_squeeze %dma_start3A_189 : memref<1x128xi32, #tpu.memory_space<vmem>> -> memref<128xi32, #tpu.memory_space<vmem>>
        %dma_start3A_191 = arith.constant 0 : i32
        %dma_start3A_192 = arith.constant 0 : i32
        %dma_start3A_193 = tpu.memref_slice %arg2[%dma_start3A_191, %dma_start3A_192] : memref<10000x128xf32, #tpu.memory_space<hbm>> -> memref<10000x128xf32, #tpu.memory_space<hbm>>
        tpu.enqueue_indirect_dma source(%dma_start3A_193 : memref<10000x128xf32, #tpu.memory_space<hbm>>) target(%arg13 : memref<128x128xf32, #tpu.memory_space<vmem>>) offsets(%dma_start3A_190 : memref<128xi32, #tpu.memory_space<vmem>>) semaphore(%arg15 : memref<!tpu.dma_semaphore, #tpu.memory_space<semaphore_mem>>)
        "tpu.region"() ({
          %run_scoped3A = tpu.sem_alloc : memref<!tpu.dma_semaphore, #tpu.memory_space<semaphore_mem>>
          %dma_start3A_213 = arith.constant 0 : i32
          %dma_start3A_214 = tpu.memref_slice %arg9[%mul3A_179, %dma_start3A_213] : memref<16x128xi32, #tpu.memory_space<vmem>> -> memref<1x128xi32, #tpu.memory_space<vmem>>
          %dma_start3A_215 = tpu.memref_squeeze %dma_start3A_214 : memref<1x128xi32, #tpu.memory_space<vmem>> -> memref<128xi32, #tpu.memory_space<vmem>>
          %dma_start3A_216 = arith.constant 0 : i32
          %dma_start3A_217 = arith.constant 0 : i32
          %dma_start3A_218 = tpu.memref_slice %arg7[%dma_start3A_216, %dma_start3A_217] : memref<10112x128xf32, #tpu.memory_space<vmem_shared>> -> memref<10112x128xf32, #tpu.memory_space<vmem_shared>>
          tpu.enqueue_indirect_dma source(%arg12 : memref<128x128xf32, #tpu.memory_space<vmem>>) target(%dma_start3A_218 : memref<10112x128xf32, #tpu.memory_space<vmem_shared>>) offsets(%dma_start3A_215 : memref<128xi32, #tpu.memory_space<vmem>>) semaphore(%run_scoped3A : memref<!tpu.dma_semaphore, #tpu.memory_space<semaphore_mem>>) {add = true}
          %dma_wait3A_219 = arith.constant 0 : i32
          %dma_wait3A_220 = tpu.memref_slice %arg9[%mul3A_179, %dma_wait3A_219] : memref<16x128xi32, #tpu.memory_space<vmem>> -> memref<1x128xi32, #tpu.memory_space<vmem>>
          %dma_wait3A_221 = tpu.memref_squeeze %dma_wait3A_220 : memref<1x128xi32, #tpu.memory_space<vmem>> -> memref<128xi32, #tpu.memory_space<vmem>>
          %dma_wait3A_222 = arith.constant 0 : i32
          %dma_wait3A_223 = arith.constant 0 : i32
          %dma_wait3A_224 = tpu.memref_slice %arg7[%dma_wait3A_222, %dma_wait3A_223] : memref<10112x128xf32, #tpu.memory_space<vmem_shared>> -> memref<10112x128xf32, #tpu.memory_space<vmem_shared>>
          tpu.wait_indirect_dma semaphore(%run_scoped3A : memref<!tpu.dma_semaphore, #tpu.memory_space<semaphore_mem>>) src(%arg12 : memref<128x128xf32, #tpu.memory_space<vmem>>) dst(%dma_wait3A_224 : memref<10112x128xf32, #tpu.memory_space<vmem_shared>>)
          tpu.yield
        }) : () -> ()
        %add3A_194 = arith.constant 2 : i32
        %add3A_195 = arith.addi %mul3A_179, %add3A_194 : i32
        %min3A = arith.constant 15 : i32
        %min3A_196 = arith.minsi %add3A_195, %min3A : i32
        %add3A_197 = arith.constant 1 : i32
        %add3A_198 = arith.addi %mul3A_179, %add3A_197 : i32
        %dma_wait3A_199 = arith.constant 0 : i32
        %dma_wait3A_200 = tpu.memref_slice %arg8[%add3A_198, %dma_wait3A_199] : memref<16x128xi32, #tpu.memory_space<vmem>> -> memref<1x128xi32, #tpu.memory_space<vmem>>
        %dma_wait3A_201 = tpu.memref_squeeze %dma_wait3A_200 : memref<1x128xi32, #tpu.memory_space<vmem>> -> memref<128xi32, #tpu.memory_space<vmem>>
        %dma_wait3A_202 = arith.constant 0 : i32
        %dma_wait3A_203 = arith.constant 0 : i32
        %dma_wait3A_204 = tpu.memref_slice %arg2[%dma_wait3A_202, %dma_wait3A_203] : memref<10000x128xf32, #tpu.memory_space<hbm>> -> memref<10000x128xf32, #tpu.memory_space<hbm>>
        tpu.wait_indirect_dma semaphore(%arg15 : memref<!tpu.dma_semaphore, #tpu.memory_space<semaphore_mem>>) src(%dma_wait3A_204 : memref<10000x128xf32, #tpu.memory_space<hbm>>) dst(%arg13 : memref<128x128xf32, #tpu.memory_space<vmem>>)
        %dma_start3A_205 = arith.constant 0 : i32
        %dma_start3A_206 = tpu.memref_slice %arg8[%min3A_196, %dma_start3A_205] : memref<16x128xi32, #tpu.memory_space<vmem>> -> memref<1x128xi32, #tpu.memory_space<vmem>>
        %dma_start3A_207 = tpu.memref_squeeze %dma_start3A_206 : memref<1x128xi32, #tpu.memory_space<vmem>> -> memref<128xi32, #tpu.memory_space<vmem>>
        %dma_start3A_208 = arith.constant 0 : i32
        %dma_start3A_209 = arith.constant 0 : i32
        %dma_start3A_210 = tpu.memref_slice %arg2[%dma_start3A_208, %dma_start3A_209] : memref<10000x128xf32, #tpu.memory_space<hbm>> -> memref<10000x128xf32, #tpu.memory_space<hbm>>
        tpu.enqueue_indirect_dma source(%dma_start3A_210 : memref<10000x128xf32, #tpu.memory_space<hbm>>) target(%arg12 : memref<128x128xf32, #tpu.memory_space<vmem>>) offsets(%dma_start3A_207 : memref<128xi32, #tpu.memory_space<vmem>>) semaphore(%arg14 : memref<!tpu.dma_semaphore, #tpu.memory_space<semaphore_mem>>)
        %add3A_211 = arith.constant 1 : i32
        %add3A_212 = arith.addi %mul3A_179, %add3A_211 : i32
        "tpu.region"() ({
          %run_scoped3A = tpu.sem_alloc : memref<!tpu.dma_semaphore, #tpu.memory_space<semaphore_mem>>
          %dma_start3A_213 = arith.constant 0 : i32
          %dma_start3A_214 = tpu.memref_slice %arg9[%add3A_212, %dma_start3A_213] : memref<16x128xi32, #tpu.memory_space<vmem>> -> memref<1x128xi32, #tpu.memory_space<vmem>>
          %dma_start3A_215 = tpu.memref_squeeze %dma_start3A_214 : memref<1x128xi32, #tpu.memory_space<vmem>> -> memref<128xi32, #tpu.memory_space<vmem>>
          %dma_start3A_216 = arith.constant 0 : i32
          %dma_start3A_217 = arith.constant 0 : i32
          %dma_start3A_218 = tpu.memref_slice %arg7[%dma_start3A_216, %dma_start3A_217] : memref<10112x128xf32, #tpu.memory_space<vmem_shared>> -> memref<10112x128xf32, #tpu.memory_space<vmem_shared>>
          tpu.enqueue_indirect_dma source(%arg13 : memref<128x128xf32, #tpu.memory_space<vmem>>) target(%dma_start3A_218 : memref<10112x128xf32, #tpu.memory_space<vmem_shared>>) offsets(%dma_start3A_215 : memref<128xi32, #tpu.memory_space<vmem>>) semaphore(%run_scoped3A : memref<!tpu.dma_semaphore, #tpu.memory_space<semaphore_mem>>) {add = true}
          %dma_wait3A_219 = arith.constant 0 : i32
          %dma_wait3A_220 = tpu.memref_slice %arg9[%add3A_212, %dma_wait3A_219] : memref<16x128xi32, #tpu.memory_space<vmem>> -> memref<1x128xi32, #tpu.memory_space<vmem>>
          %dma_wait3A_221 = tpu.memref_squeeze %dma_wait3A_220 : memref<1x128xi32, #tpu.memory_space<vmem>> -> memref<128xi32, #tpu.memory_space<vmem>>
          %dma_wait3A_222 = arith.constant 0 : i32
          %dma_wait3A_223 = arith.constant 0 : i32
          %dma_wait3A_224 = tpu.memref_slice %arg7[%dma_wait3A_222, %dma_wait3A_223] : memref<10112x128xf32, #tpu.memory_space<vmem_shared>> -> memref<10112x128xf32, #tpu.memory_space<vmem_shared>>
          tpu.wait_indirect_dma semaphore(%run_scoped3A : memref<!tpu.dma_semaphore, #tpu.memory_space<semaphore_mem>>) src(%arg13 : memref<128x128xf32, #tpu.memory_space<vmem>>) dst(%dma_wait3A_224 : memref<10112x128xf32, #tpu.memory_space<vmem_shared>>)
          tpu.yield
        }) : () -> ()
      }
      %scan3A_169 = arith.constant 8 : i32
      %dma_wait3A_170 = arith.constant 15 : i32
      %dma_wait3A_171 = arith.constant 0 : i32
      %dma_wait3A_172 = tpu.memref_slice %arg8[%dma_wait3A_170, %dma_wait3A_171] : memref<16x128xi32, #tpu.memory_space<vmem>> -> memref<1x128xi32, #tpu.memory_space<vmem>>
      %dma_wait3A_173 = tpu.memref_squeeze %dma_wait3A_172 : memref<1x128xi32, #tpu.memory_space<vmem>> -> memref<128xi32, #tpu.memory_space<vmem>>
      %dma_wait3A_174 = arith.constant 0 : i32
      %dma_wait3A_175 = arith.constant 0 : i32
      %dma_wait3A_176 = tpu.memref_slice %arg2[%dma_wait3A_174, %dma_wait3A_175] : memref<10000x128xf32, #tpu.memory_space<hbm>> -> memref<10000x128xf32, #tpu.memory_space<hbm>>
      tpu.wait_indirect_dma semaphore(%arg14 : memref<!tpu.dma_semaphore, #tpu.memory_space<semaphore_mem>>) src(%dma_wait3A_176 : memref<10000x128xf32, #tpu.memory_space<hbm>>) dst(%arg12 : memref<128x128xf32, #tpu.memory_space<vmem>>)
    } else {
    }
    %eq3A_3 = arith.constant 1 : i32
    %eq3A_4 = arith.cmpi eq, %arg0, %eq3A_3 : i32
    %convert_element_type3A_5 = arith.extui %eq3A_4 : i1 to i32
    %cond3A_6 = arith.constant 0 : i32
    %cond3A_7 = arith.cmpi ne, %convert_element_type3A_5, %cond3A_6 : i32
    scf.if %cond3A_7 {
      %mul3A_13 = arith.constant 48 : i32
      %mul3A_14 = arith.muli %arg1, %mul3A_13 : i32
      %add3A = arith.constant 1792 : i32
      %add3A_15 = arith.addi %add3A, %mul3A_14 : i32
      "tpu.region"() ({
        %run_scoped3A = tpu.sem_alloc : memref<!tpu.dma_semaphore, #tpu.memory_space<semaphore_mem>>
        %dma_start3A = arith.constant 0 : i32
        %dma_start3A_25 = tpu.memref_slice %arg3[%add3A_15, %dma_start3A] : memref<2560x128xi32, #tpu.memory_space<hbm>> -> memref<48x128xi32, #tpu.memory_space<hbm>>
        %dma_start3A_26 = arith.constant 0 : i32
        %dma_start3A_27 = tpu.memref_slice %arg3[%add3A_15, %dma_start3A_26] : memref<2560x128xi32, #tpu.memory_space<hbm>> -> memref<48x128xi32, #tpu.memory_space<hbm>>
        tpu.enqueue_dma source(%dma_start3A_27 : memref<48x128xi32, #tpu.memory_space<hbm>>) target(%arg10 : memref<48x128xi32, #tpu.memory_space<vmem>>) target_semaphore(%run_scoped3A : memref<!tpu.dma_semaphore, #tpu.memory_space<semaphore_mem>>)
        %dma_wait3A = arith.constant 0 : i32
        %dma_wait3A_28 = tpu.memref_slice %arg3[%add3A_15, %dma_wait3A] : memref<2560x128xi32, #tpu.memory_space<hbm>> -> memref<48x128xi32, #tpu.memory_space<hbm>>
        %dma_wait3A_29 = arith.constant 0 : i32
        %dma_wait3A_30 = tpu.memref_slice %arg3[%add3A_15, %dma_wait3A_29] : memref<2560x128xi32, #tpu.memory_space<hbm>> -> memref<48x128xi32, #tpu.memory_space<hbm>>
        tpu.wait_dma2 semaphore(%run_scoped3A : memref<!tpu.dma_semaphore, #tpu.memory_space<semaphore_mem>>) src(%dma_wait3A_30 : memref<48x128xi32, #tpu.memory_space<hbm>>) dst(%arg10 : memref<48x128xi32, #tpu.memory_space<vmem>>)
        tpu.yield
      }) : () -> ()
      %mul3A_16 = arith.constant 48 : i32
      %mul3A_17 = arith.muli %arg1, %mul3A_16 : i32
      %add3A_18 = arith.constant 1792 : i32
      %add3A_19 = arith.addi %add3A_18, %mul3A_17 : i32
      "tpu.region"() ({
        %run_scoped3A = tpu.sem_alloc : memref<!tpu.dma_semaphore, #tpu.memory_space<semaphore_mem>>
        %dma_start3A = arith.constant 0 : i32
        %dma_start3A_25 = tpu.memref_slice %arg4[%add3A_19, %dma_start3A] : memref<2560x128xi32, #tpu.memory_space<hbm>> -> memref<48x128xi32, #tpu.memory_space<hbm>>
        %dma_start3A_26 = arith.constant 0 : i32
        %dma_start3A_27 = tpu.memref_slice %arg4[%add3A_19, %dma_start3A_26] : memref<2560x128xi32, #tpu.memory_space<hbm>> -> memref<48x128xi32, #tpu.memory_space<hbm>>
        tpu.enqueue_dma source(%dma_start3A_27 : memref<48x128xi32, #tpu.memory_space<hbm>>) target(%arg11 : memref<48x128xi32, #tpu.memory_space<vmem>>) target_semaphore(%run_scoped3A : memref<!tpu.dma_semaphore, #tpu.memory_space<semaphore_mem>>)
        %dma_wait3A = arith.constant 0 : i32
        %dma_wait3A_28 = tpu.memref_slice %arg4[%add3A_19, %dma_wait3A] : memref<2560x128xi32, #tpu.memory_space<hbm>> -> memref<48x128xi32, #tpu.memory_space<hbm>>
        %dma_wait3A_29 = arith.constant 0 : i32
        %dma_wait3A_30 = tpu.memref_slice %arg4[%add3A_19, %dma_wait3A_29] : memref<2560x128xi32, #tpu.memory_space<hbm>> -> memref<48x128xi32, #tpu.memory_space<hbm>>
        tpu.wait_dma2 semaphore(%run_scoped3A : memref<!tpu.dma_semaphore, #tpu.memory_space<semaphore_mem>>) src(%dma_wait3A_30 : memref<48x128xi32, #tpu.memory_space<hbm>>) dst(%arg11 : memref<48x128xi32, #tpu.memory_space<vmem>>)
        tpu.yield
      }) : () -> ()
      %scan3A = arith.constant 0 : i32
      %scan3A_20 = arith.constant 0 : i32
      %scan3A_21 = arith.constant 48 : i32
      %scan3A_22 = arith.addi %scan3A_20, %scan3A_21 : i32
      %scan3A_23 = arith.constant 1 : i32
      scf.for %scan3A_25 = %scan3A_20 to %scan3A_22 step %scan3A_23  : i32 {
        "tpu.region"() ({
          %run_scoped3A = tpu.sem_alloc : memref<!tpu.dma_semaphore, #tpu.memory_space<semaphore_mem>>
          %dma_start3A = arith.constant 0 : i32
          %dma_start3A_26 = tpu.memref_slice %arg10[%scan3A_25, %dma_start3A] : memref<48x128xi32, #tpu.memory_space<vmem>> -> memref<1x128xi32, #tpu.memory_space<vmem>>
          %dma_start3A_27 = tpu.memref_squeeze %dma_start3A_26 : memref<1x128xi32, #tpu.memory_space<vmem>> -> memref<128xi32, #tpu.memory_space<vmem>>
          %dma_start3A_28 = arith.constant 0 : i32
          %dma_start3A_29 = arith.constant 0 : i32
          %dma_start3A_30 = tpu.memref_slice %arg2[%dma_start3A_28, %dma_start3A_29] : memref<10000x128xf32, #tpu.memory_space<hbm>> -> memref<10000x128xf32, #tpu.memory_space<hbm>>
          tpu.enqueue_indirect_dma source(%dma_start3A_30 : memref<10000x128xf32, #tpu.memory_space<hbm>>) target(%arg12 : memref<128x128xf32, #tpu.memory_space<vmem>>) offsets(%dma_start3A_27 : memref<128xi32, #tpu.memory_space<vmem>>) semaphore(%run_scoped3A : memref<!tpu.dma_semaphore, #tpu.memory_space<semaphore_mem>>)
          %dma_wait3A = arith.constant 0 : i32
          %dma_wait3A_31 = tpu.memref_slice %arg10[%scan3A_25, %dma_wait3A] : memref<48x128xi32, #tpu.memory_space<vmem>> -> memref<1x128xi32, #tpu.memory_space<vmem>>
          %dma_wait3A_32 = tpu.memref_squeeze %dma_wait3A_31 : memref<1x128xi32, #tpu.memory_space<vmem>> -> memref<128xi32, #tpu.memory_space<vmem>>
          %dma_wait3A_33 = arith.constant 0 : i32
          %dma_wait3A_34 = arith.constant 0 : i32
          %dma_wait3A_35 = tpu.memref_slice %arg2[%dma_wait3A_33, %dma_wait3A_34] : memref<10000x128xf32, #tpu.memory_space<hbm>> -> memref<10000x128xf32, #tpu.memory_space<hbm>>
          tpu.wait_indirect_dma semaphore(%run_scoped3A : memref<!tpu.dma_semaphore, #tpu.memory_space<semaphore_mem>>) src(%dma_wait3A_35 : memref<10000x128xf32, #tpu.memory_space<hbm>>) dst(%arg12 : memref<128x128xf32, #tpu.memory_space<vmem>>)
          tpu.yield
        }) : () -> ()
        "tpu.region"() ({
          %run_scoped3A = tpu.sem_alloc : memref<!tpu.dma_semaphore, #tpu.memory_space<semaphore_mem>>
          %dma_start3A = arith.constant 0 : i32
          %dma_start3A_26 = tpu.memref_slice %arg11[%scan3A_25, %dma_start3A] : memref<48x128xi32, #tpu.memory_space<vmem>> -> memref<1x128xi32, #tpu.memory_space<vmem>>
          %dma_start3A_27 = tpu.memref_squeeze %dma_start3A_26 : memref<1x128xi32, #tpu.memory_space<vmem>> -> memref<128xi32, #tpu.memory_space<vmem>>
          %dma_start3A_28 = arith.constant 0 : i32
          %dma_start3A_29 = arith.constant 0 : i32
          %dma_start3A_30 = tpu.memref_slice %arg7[%dma_start3A_28, %dma_start3A_29] : memref<10112x128xf32, #tpu.memory_space<vmem_shared>> -> memref<10112x128xf32, #tpu.memory_space<vmem_shared>>
          tpu.enqueue_indirect_dma source(%arg12 : memref<128x128xf32, #tpu.memory_space<vmem>>) target(%dma_start3A_30 : memref<10112x128xf32, #tpu.memory_space<vmem_shared>>) offsets(%dma_start3A_27 : memref<128xi32, #tpu.memory_space<vmem>>) semaphore(%run_scoped3A : memref<!tpu.dma_semaphore, #tpu.memory_space<semaphore_mem>>) {add = true}
          %dma_wait3A = arith.constant 0 : i32
          %dma_wait3A_31 = tpu.memref_slice %arg11[%scan3A_25, %dma_wait3A] : memref<48x128xi32, #tpu.memory_space<vmem>> -> memref<1x128xi32, #tpu.memory_space<vmem>>
          %dma_wait3A_32 = tpu.memref_squeeze %dma_wait3A_31 : memref<1x128xi32, #tpu.memory_space<vmem>> -> memref<128xi32, #tpu.memory_space<vmem>>
          %dma_wait3A_33 = arith.constant 0 : i32
          %dma_wait3A_34 = arith.constant 0 : i32
          %dma_wait3A_35 = tpu.memref_slice %arg7[%dma_wait3A_33, %dma_wait3A_34] : memref<10112x128xf32, #tpu.memory_space<vmem_shared>> -> memref<10112x128xf32, #tpu.memory_space<vmem_shared>>
          tpu.wait_indirect_dma semaphore(%run_scoped3A : memref<!tpu.dma_semaphore, #tpu.memory_space<semaphore_mem>>) src(%arg12 : memref<128x128xf32, #tpu.memory_space<vmem>>) dst(%dma_wait3A_35 : memref<10112x128xf32, #tpu.memory_space<vmem_shared>>)
          tpu.yield
        }) : () -> ()
      }
      %scan3A_24 = arith.constant 48 : i32
    } else {
    }
    %barrier3A_8 = arith.constant 0 : index
    tpu.barrier barrier_id(%barrier3A_8)
    %mul3A_9 = arith.constant 632 : i32
    %mul3A_10 = arith.muli %arg1, %mul3A_9 : i32
    %mul3A_11 = arith.constant 632 : i32
    %mul3A_12 = arith.muli %arg1, %mul3A_11 : i32
    "tpu.region"() ({
      %run_scoped3A = tpu.sem_alloc : memref<!tpu.dma_semaphore, #tpu.memory_space<semaphore_mem>>
      %dma_start3A = arith.constant 0 : i32
      %dma_start3A_13 = tpu.memref_slice %arg6[%arg0, %mul3A_12, %dma_start3A] : memref<2x10112x128xf32, #tpu.memory_space<hbm>> -> memref<1x632x128xf32, #tpu.memory_space<hbm>>
      %dma_start3A_14 = tpu.memref_squeeze %dma_start3A_13 : memref<1x632x128xf32, #tpu.memory_space<hbm>> -> memref<632x128xf32, #tpu.memory_space<hbm>>
      %dma_start3A_15 = arith.constant 0 : i32
      %dma_start3A_16 = tpu.memref_slice %arg7[%mul3A_10, %dma_start3A_15] : memref<10112x128xf32, #tpu.memory_space<vmem_shared>> -> memref<632x128xf32, #tpu.memory_space<vmem_shared>>
      tpu.enqueue_dma source(%dma_start3A_16 : memref<632x128xf32, #tpu.memory_space<vmem_shared>>) target(%dma_start3A_14 : memref<632x128xf32, #tpu.memory_space<hbm>>) target_semaphore(%run_scoped3A : memref<!tpu.dma_semaphore, #tpu.memory_space<semaphore_mem>>)
      %dma_wait3A = arith.constant 0 : i32
      %dma_wait3A_17 = tpu.memref_slice %arg6[%arg0, %mul3A_12, %dma_wait3A] : memref<2x10112x128xf32, #tpu.memory_space<hbm>> -> memref<1x632x128xf32, #tpu.memory_space<hbm>>
      %dma_wait3A_18 = tpu.memref_squeeze %dma_wait3A_17 : memref<1x632x128xf32, #tpu.memory_space<hbm>> -> memref<632x128xf32, #tpu.memory_space<hbm>>
      %dma_wait3A_19 = arith.constant 0 : i32
      %dma_wait3A_20 = tpu.memref_slice %arg7[%mul3A_10, %dma_wait3A_19] : memref<10112x128xf32, #tpu.memory_space<vmem_shared>> -> memref<632x128xf32, #tpu.memory_space<vmem_shared>>
      tpu.wait_dma2 semaphore(%run_scoped3A : memref<!tpu.dma_semaphore, #tpu.memory_space<semaphore_mem>>) src(%dma_wait3A_20 : memref<632x128xf32, #tpu.memory_space<vmem_shared>>) dst(%dma_wait3A_18 : memref<632x128xf32, #tpu.memory_space<hbm>>)
      tpu.yield
    }) : () -> ()
    return
  }
}

module attributes {stable_mosaic.version = 14 : i64} {
  func.func @_tc_body(%arg0: i32, %arg1: memref<2000x128xf32, #tpu.memory_space<vmem>>, %arg2: memref<1x2000x128xf32, #tpu.memory_space<vmem>>, %arg3: memref<1x2000x128xf32, #tpu.memory_space<vmem>>, %arg4: memref<2000x128xf32, #tpu.memory_space<vmem>>, %arg5: memref<2000x128xf32, #tpu.memory_space<vmem>>, %arg6: memref<128x128xf32, #tpu.memory_space<vmem>>, %arg7: memref<128x128xf32, #tpu.memory_space<vmem>>, %arg8: memref<1x128xf32, #tpu.memory_space<vmem>>, %arg9: memref<2000x128xf32, #tpu.memory_space<vmem>>) attributes {dimension_semantics = [#tpu.dimension_semantics<arbitrary>], iteration_bounds = array<i64: 5>, scalar_prefetch = 0 : i64, scratch_operands = 0 : i64, tpu.core_type = #tpu.core_type<tc>, window_params = [{transform_indices = @transform_0, window_bounds = array<i64: 2000, 128>}, {transform_indices = @transform_1, window_bounds = array<i64: 1, 2000, 128>}, {transform_indices = @transform_2, window_bounds = array<i64: 1, 2000, 128>}, {transform_indices = @transform_3, window_bounds = array<i64: 2000, 128>}, {transform_indices = @transform_4, window_bounds = array<i64: 2000, 128>}, {pipeline_mode = #tpu.pipeline_mode<synchronous>, transform_indices = @transform_5, window_bounds = array<i64: 128, 128>}, {pipeline_mode = #tpu.pipeline_mode<synchronous>, transform_indices = @transform_6, window_bounds = array<i64: 128, 128>}, {pipeline_mode = #tpu.pipeline_mode<synchronous>, transform_indices = @transform_7, window_bounds = array<i64: 1, 128>}, {transform_indices = @transform_8, window_bounds = array<i64: 2000, 128>}]} {
    %get3A = arith.constant 0 : index
    %get3A_0 = arith.constant 0 : index
    %get3A_1 = arith.constant 0 : index
    %get3A_2 = vector.load %arg2[%get3A, %get3A_0, %get3A_1] : memref<1x2000x128xf32, #tpu.memory_space<vmem>>, vector<1x2000x128xf32>
    %reshape3A = vector.shape_cast %get3A_2 : vector<1x2000x128xf32> to vector<2000x128xf32>
    %get3A_3 = arith.constant 0 : index
    %get3A_4 = arith.constant 0 : index
    %get3A_5 = arith.constant 0 : index
    %get3A_6 = vector.load %arg3[%get3A_3, %get3A_4, %get3A_5] : memref<1x2000x128xf32, #tpu.memory_space<vmem>>, vector<1x2000x128xf32>
    %reshape3A_7 = vector.shape_cast %get3A_6 : vector<1x2000x128xf32> to vector<2000x128xf32>
    %add3A = arith.addf %reshape3A, %reshape3A_7 : vector<2000x128xf32>
    %get3A_8 = arith.constant 0 : index
    %get3A_9 = arith.constant 0 : index
    %get3A_10 = vector.load %arg4[%get3A_8, %get3A_9] : memref<2000x128xf32, #tpu.memory_space<vmem>>, vector<2000x128xf32>
    %add3A_11 = arith.addf %add3A, %get3A_10 : vector<2000x128xf32>
    %get3A_12 = arith.constant 0 : index
    %get3A_13 = arith.constant 0 : index
    %get3A_14 = vector.load %arg5[%get3A_12, %get3A_13] : memref<2000x128xf32, #tpu.memory_space<vmem>>, vector<2000x128xf32>
    %mul3A = arith.mulf %add3A_11, %get3A_14 : vector<2000x128xf32>
    %get3A_15 = arith.constant 0 : index
    %get3A_16 = arith.constant 0 : index
    %get3A_17 = vector.load %arg1[%get3A_15, %get3A_16] : memref<2000x128xf32, #tpu.memory_space<vmem>>, vector<2000x128xf32>
    %get3A_18 = arith.constant 0 : index
    %get3A_19 = arith.constant 0 : index
    %get3A_20 = vector.load %arg6[%get3A_18, %get3A_19] : memref<128x128xf32, #tpu.memory_space<vmem>>, vector<128x128xf32>
    %dot_general3A = arith.constant dense<0.000000e+00> : vector<2000x128xf32>
    %dot_general3A_21 = tpu.matmul %get3A_17, %get3A_20, %dot_general3A {dimension_numbers = #tpu.dot_dimension_numbers<[1], [0], [0], [1], [0, 0, 1, 1], [], []>, precision = #tpu.contract_precision<fp32>, transpose_lhs_hint = false} : vector<2000x128xf32>, vector<128x128xf32>, vector<2000x128xf32> -> vector<2000x128xf32>
    %get3A_22 = arith.constant 0 : index
    %get3A_23 = arith.constant 0 : index
    %get3A_24 = vector.load %arg7[%get3A_22, %get3A_23] : memref<128x128xf32, #tpu.memory_space<vmem>>, vector<128x128xf32>
    %dot_general3A_25 = arith.constant dense<0.000000e+00> : vector<2000x128xf32>
    %dot_general3A_26 = tpu.matmul %mul3A, %get3A_24, %dot_general3A_25 {dimension_numbers = #tpu.dot_dimension_numbers<[1], [0], [0], [1], [0, 0, 1, 1], [], []>, precision = #tpu.contract_precision<fp32>, transpose_lhs_hint = false} : vector<2000x128xf32>, vector<128x128xf32>, vector<2000x128xf32> -> vector<2000x128xf32>
    %add3A_27 = arith.addf %dot_general3A_21, %dot_general3A_26 : vector<2000x128xf32>
    %get3A_28 = arith.constant 0 : index
    %get3A_29 = arith.constant 0 : index
    %get3A_30 = vector.load %arg8[%get3A_28, %get3A_29] : memref<1x128xf32, #tpu.memory_space<vmem>>, vector<1x128xf32>
    %add3A_31 = vector.broadcast %get3A_30 : vector<1x128xf32> to vector<2000x128xf32>
    %add3A_32 = arith.addf %add3A_27, %add3A_31 : vector<2000x128xf32>
    %max3A = arith.constant 0.000000e+00 : f32
    %max3A_33 = vector.broadcast %max3A : f32 to vector<2000x128xf32>
    %max3A_34 = arith.maximumf %add3A_32, %max3A_33 : vector<2000x128xf32>
    %swap3A = arith.constant 0 : index
    %swap3A_35 = arith.constant 0 : index
    %swap3A_36 = vector.load %arg9[%swap3A, %swap3A_35] : memref<2000x128xf32, #tpu.memory_space<vmem>>, vector<2000x128xf32>
    tpu.vector_store %arg9[%swap3A, %swap3A_35], %max3A_34 {strides = array<i32>} : memref<2000x128xf32, #tpu.memory_space<vmem>>, vector<2000x128xf32>,
    return
  }
  func.func @transform_0(%arg0: i32) -> (i32, i32) {
    %c0_i32 = arith.constant 0 : i32
    %c0_i32_0 = arith.constant 0 : i32
    return %arg0, %c0_i32 : i32, i32
  }
  func.func @transform_1(%arg0: i32) -> (i32, i32, i32) {
    %c0_i32 = arith.constant 0 : i32
    %c0_i32_0 = arith.constant 0 : i32
    %c0_i32_1 = arith.constant 0 : i32
    return %c0_i32, %arg0, %c0_i32_0 : i32, i32, i32
  }
  func.func @transform_2(%arg0: i32) -> (i32, i32, i32) {
    %c1_i32 = arith.constant 1 : i32
    %c0_i32 = arith.constant 0 : i32
    %c0_i32_0 = arith.constant 0 : i32
    return %c1_i32, %arg0, %c0_i32 : i32, i32, i32
  }
  func.func @transform_3(%arg0: i32) -> (i32, i32) {
    %c0_i32 = arith.constant 0 : i32
    %c0_i32_0 = arith.constant 0 : i32
    return %arg0, %c0_i32 : i32, i32
  }
  func.func @transform_4(%arg0: i32) -> (i32, i32) {
    %c0_i32 = arith.constant 0 : i32
    %c0_i32_0 = arith.constant 0 : i32
    return %arg0, %c0_i32 : i32, i32
  }
  func.func @transform_5(%arg0: i32) -> (i32, i32) {
    %c0_i32 = arith.constant 0 : i32
    %c0_i32_0 = arith.constant 0 : i32
    %c0_i32_1 = arith.constant 0 : i32
    return %c0_i32, %c0_i32_0 : i32, i32
  }
  func.func @transform_6(%arg0: i32) -> (i32, i32) {
    %c0_i32 = arith.constant 0 : i32
    %c0_i32_0 = arith.constant 0 : i32
    %c0_i32_1 = arith.constant 0 : i32
    return %c0_i32, %c0_i32_0 : i32, i32
  }
  func.func @transform_7(%arg0: i32) -> (i32, i32) {
    %c0_i32 = arith.constant 0 : i32
    %c0_i32_0 = arith.constant 0 : i32
    %c0_i32_1 = arith.constant 0 : i32
    return %c0_i32, %c0_i32_0 : i32, i32
  }
  func.func @transform_8(%arg0: i32) -> (i32, i32) {
    %c0_i32 = arith.constant 0 : i32
    %c0_i32_0 = arith.constant 0 : i32
    return %arg0, %c0_i32 : i32, i32
  }
}

module attributes {stable_mosaic.version = 14 : i64} {
  func.func @_tc_body(%arg0: i32, %arg1: memref<2000x128xf32, #tpu.memory_space<vmem>>, %arg2: memref<1x2000x128xf32, #tpu.memory_space<vmem>>, %arg3: memref<1x2000x128xf32, #tpu.memory_space<vmem>>, %arg4: memref<2000x128xf32, #tpu.memory_space<vmem>>, %arg5: memref<2000x128xf32, #tpu.memory_space<vmem>>, %arg6: memref<128x128xf32, #tpu.memory_space<vmem>>, %arg7: memref<128x128xf32, #tpu.memory_space<vmem>>, %arg8: memref<1x128xf32, #tpu.memory_space<vmem>>, %arg9: memref<2000x128xf32, #tpu.memory_space<vmem>>) attributes {dimension_semantics = [#tpu.dimension_semantics<arbitrary>], iteration_bounds = array<i64: 5>, scalar_prefetch = 0 : i64, scratch_operands = 0 : i64, tpu.core_type = #tpu.core_type<tc>, window_params = [{transform_indices = @transform_0, window_bounds = array<i64: 2000, 128>}, {transform_indices = @transform_1, window_bounds = array<i64: 1, 2000, 128>}, {transform_indices = @transform_2, window_bounds = array<i64: 1, 2000, 128>}, {transform_indices = @transform_3, window_bounds = array<i64: 2000, 128>}, {transform_indices = @transform_4, window_bounds = array<i64: 2000, 128>}, {pipeline_mode = #tpu.pipeline_mode<synchronous>, transform_indices = @transform_5, window_bounds = array<i64: 128, 128>}, {pipeline_mode = #tpu.pipeline_mode<synchronous>, transform_indices = @transform_6, window_bounds = array<i64: 128, 128>}, {pipeline_mode = #tpu.pipeline_mode<synchronous>, transform_indices = @transform_7, window_bounds = array<i64: 1, 128>}, {transform_indices = @transform_8, window_bounds = array<i64: 2000, 128>}]} {
    %get3A = arith.constant 0 : index
    %get3A_0 = arith.constant 0 : index
    %get3A_1 = arith.constant 0 : index
    %get3A_2 = vector.load %arg2[%get3A, %get3A_0, %get3A_1] : memref<1x2000x128xf32, #tpu.memory_space<vmem>>, vector<1x2000x128xf32>
    %reshape3A = vector.shape_cast %get3A_2 : vector<1x2000x128xf32> to vector<2000x128xf32>
    %get3A_3 = arith.constant 0 : index
    %get3A_4 = arith.constant 0 : index
    %get3A_5 = arith.constant 0 : index
    %get3A_6 = vector.load %arg3[%get3A_3, %get3A_4, %get3A_5] : memref<1x2000x128xf32, #tpu.memory_space<vmem>>, vector<1x2000x128xf32>
    %reshape3A_7 = vector.shape_cast %get3A_6 : vector<1x2000x128xf32> to vector<2000x128xf32>
    %add3A = arith.addf %reshape3A, %reshape3A_7 : vector<2000x128xf32>
    %get3A_8 = arith.constant 0 : index
    %get3A_9 = arith.constant 0 : index
    %get3A_10 = vector.load %arg4[%get3A_8, %get3A_9] : memref<2000x128xf32, #tpu.memory_space<vmem>>, vector<2000x128xf32>
    %add3A_11 = arith.addf %add3A, %get3A_10 : vector<2000x128xf32>
    %get3A_12 = arith.constant 0 : index
    %get3A_13 = arith.constant 0 : index
    %get3A_14 = vector.load %arg5[%get3A_12, %get3A_13] : memref<2000x128xf32, #tpu.memory_space<vmem>>, vector<2000x128xf32>
    %mul3A = arith.mulf %add3A_11, %get3A_14 : vector<2000x128xf32>
    %get3A_15 = arith.constant 0 : index
    %get3A_16 = arith.constant 0 : index
    %get3A_17 = vector.load %arg1[%get3A_15, %get3A_16] : memref<2000x128xf32, #tpu.memory_space<vmem>>, vector<2000x128xf32>
    %get3A_18 = arith.constant 0 : index
    %get3A_19 = arith.constant 0 : index
    %get3A_20 = vector.load %arg6[%get3A_18, %get3A_19] : memref<128x128xf32, #tpu.memory_space<vmem>>, vector<128x128xf32>
    %dot_general3A = arith.constant dense<0.000000e+00> : vector<2000x128xf32>
    %dot_general3A_21 = tpu.matmul %get3A_17, %get3A_20, %dot_general3A {dimension_numbers = #tpu.dot_dimension_numbers<[1], [0], [0], [1], [0, 0, 1, 1], [], []>, precision = #tpu.contract_precision<fp32>, transpose_lhs_hint = false} : vector<2000x128xf32>, vector<128x128xf32>, vector<2000x128xf32> -> vector<2000x128xf32>
    %get3A_22 = arith.constant 0 : index
    %get3A_23 = arith.constant 0 : index
    %get3A_24 = vector.load %arg7[%get3A_22, %get3A_23] : memref<128x128xf32, #tpu.memory_space<vmem>>, vector<128x128xf32>
    %dot_general3A_25 = arith.constant dense<0.000000e+00> : vector<2000x128xf32>
    %dot_general3A_26 = tpu.matmul %mul3A, %get3A_24, %dot_general3A_25 {dimension_numbers = #tpu.dot_dimension_numbers<[1], [0], [0], [1], [0, 0, 1, 1], [], []>, precision = #tpu.contract_precision<fp32>, transpose_lhs_hint = false} : vector<2000x128xf32>, vector<128x128xf32>, vector<2000x128xf32> -> vector<2000x128xf32>
    %add3A_27 = arith.addf %dot_general3A_21, %dot_general3A_26 : vector<2000x128xf32>
    %get3A_28 = arith.constant 0 : index
    %get3A_29 = arith.constant 0 : index
    %get3A_30 = vector.load %arg8[%get3A_28, %get3A_29] : memref<1x128xf32, #tpu.memory_space<vmem>>, vector<1x128xf32>
    %add3A_31 = vector.broadcast %get3A_30 : vector<1x128xf32> to vector<2000x128xf32>
    %add3A_32 = arith.addf %add3A_27, %add3A_31 : vector<2000x128xf32>
    %swap3A = arith.constant 0 : index
    %swap3A_33 = arith.constant 0 : index
    %swap3A_34 = vector.load %arg9[%swap3A, %swap3A_33] : memref<2000x128xf32, #tpu.memory_space<vmem>>, vector<2000x128xf32>
    tpu.vector_store %arg9[%swap3A, %swap3A_33], %add3A_32 {strides = array<i32>} : memref<2000x128xf32, #tpu.memory_space<vmem>>, vector<2000x128xf32>,
    return
  }
  func.func @transform_0(%arg0: i32) -> (i32, i32) {
    %c0_i32 = arith.constant 0 : i32
    %c0_i32_0 = arith.constant 0 : i32
    return %arg0, %c0_i32 : i32, i32
  }
  func.func @transform_1(%arg0: i32) -> (i32, i32, i32) {
    %c0_i32 = arith.constant 0 : i32
    %c0_i32_0 = arith.constant 0 : i32
    %c0_i32_1 = arith.constant 0 : i32
    return %c0_i32, %arg0, %c0_i32_0 : i32, i32, i32
  }
  func.func @transform_2(%arg0: i32) -> (i32, i32, i32) {
    %c1_i32 = arith.constant 1 : i32
    %c0_i32 = arith.constant 0 : i32
    %c0_i32_0 = arith.constant 0 : i32
    return %c1_i32, %arg0, %c0_i32 : i32, i32, i32
  }
  func.func @transform_3(%arg0: i32) -> (i32, i32) {
    %c0_i32 = arith.constant 0 : i32
    %c0_i32_0 = arith.constant 0 : i32
    return %arg0, %c0_i32 : i32, i32
  }
  func.func @transform_4(%arg0: i32) -> (i32, i32) {
    %c0_i32 = arith.constant 0 : i32
    %c0_i32_0 = arith.constant 0 : i32
    return %arg0, %c0_i32 : i32, i32
  }
  func.func @transform_5(%arg0: i32) -> (i32, i32) {
    %c0_i32 = arith.constant 0 : i32
    %c0_i32_0 = arith.constant 0 : i32
    %c0_i32_1 = arith.constant 0 : i32
    return %c0_i32, %c0_i32_0 : i32, i32
  }
  func.func @transform_6(%arg0: i32) -> (i32, i32) {
    %c0_i32 = arith.constant 0 : i32
    %c0_i32_0 = arith.constant 0 : i32
    %c0_i32_1 = arith.constant 0 : i32
    return %c0_i32, %c0_i32_0 : i32, i32
  }
  func.func @transform_7(%arg0: i32) -> (i32, i32) {
    %c0_i32 = arith.constant 0 : i32
    %c0_i32_0 = arith.constant 0 : i32
    %c0_i32_1 = arith.constant 0 : i32
    return %c0_i32, %c0_i32_0 : i32, i32
  }
  func.func @transform_8(%arg0: i32) -> (i32, i32) {
    %c0_i32 = arith.constant 0 : i32
    %c0_i32_0 = arith.constant 0 : i32
    return %arg0, %c0_i32 : i32, i32
  }
}

</mosaic_0001>

<sc_bundles>
// kernel: gather_offload_async_start
scs
__scs_entry_jumppad:
0x0: {  	(pc) =	sbr.rel $0x88, $3  }
0x1: {  	(tag) =	ssettag $0x0;
	lr =	simm.s32 $0x1  }
0x2: {  	[smem:$0x3F99] =	sst lr;
	_ =	strace $0xD0000000  }
0x3: {  	_ = 	snop  }
0x4: {  	_ = 	snop  }
0x5: {  	_ = 	snop  }
0x6: {  	_ = 	snop  }
0x7: {  	_ = 	snop  }
__scs_overlays_trampoline_lowered:
0x8: {  	[smem:$0x3FA8] =	sst s0  }
0x9: {  	[smem:$0x3FA9] =	sst s1  }
0xa: {  	[smem:$0x3FAA] =	sst s2  }
0xb: {  	[smem:$0x3FAB] =	sst s3  }
0xc: {  	[smem:$0x3FAC] =	sst s4  }
0xd: {  	[smem:$0x3FAD] =	sst s5  }
0xe: {  	[smem:$0x3FAE] =	sst s6  }
0xf: {  	[smem:$0x3FAF] =	sst s7  }
0x10: {  	[smem:$0x3FB0] =	sst s8  }
0x11: {  	[smem:$0x3FB1] =	sst s9;
	s0 =	simm.s32 @!p0 $0x0  }
0x12: {  	s1 =	sld [smem:$0x3F97];
	s0 =	simm.s32 @p0 $0x1  }
0x13: {  	[smem:$0x3FB2] =	sst s0;
	s0 =	simm.s32 @!p1 $0x0  }
0x14: {  	s2 =	sld [smem:$0x3F96];
	s0 =	simm.s32 @p1 $0x1  }
0x15: {  	[smem:$0x3FB3] =	sst s0;
	s0 =	simm.s32 @!p2 $0x0  }
0x16: {  	s3 =	sld [smem:$0x3FDB];
	s0 =	simm.s32 @p2 $0x1  }
0x17: {  	s4 =	simm.s32 $0x1BF5;
	[smem:$0x3FB5] =	sst s0  }
0x18: {  	s0 =	sld [smem:$0x3F98];
	_ =	swait.ge [sflag:s4], $0x0  }
0x19: {  	s7 =	sld [smem:$0x3F99]  }
0x1a: {  	s8 =	sadd.s32 $0xFFFFE003, lr  }
0x1b: {  	s9 =	sadd.s32 $0xFFFFFEF7, lr;
	s5 =	simm.s32 $0xFFFFFFFF;
	p2 =	slt.u32 s8, $0xFFFFF086  }
0x1c: {  	p1 =	slt.u32 s9, $0xF7A;
	s5 =	simm.s32 @!p2 $0x0  }
0x1d: {  	s5 =	simm.s32 @p1 $0x1;
	p0 =	seq.s32 s7, s2  }
0x1e: {  	s7 =	smul.u32 @!p0 $0xF7A, s2;
	p2 =	seq.s32 @!p0 s5, $0x0  }
0x1f: {  	s9 =	smul.u32 $0xF7A, s1;
	s8 =	simm.s32 @!p0 $0x1BF5;
	p2 =	por !p2, p0  }
0x20: {  	[sflag:s8] =	ssyncset.s32 @!p0 $0xFFFFF086;
	s6 =	sadd.s32 @!p0 s3, s7;
	s7 =	simm.s32 @!p0 $0x108  }
0x21: {  	s3 =	sadd.s32 s3, s9;
	s6 =	sadd.s32 @!p0 $0x88, s6;
	s7 =	simm.s32 @p2 $0x1082  }
0x22: {  	[simem:s7], [sflag:s8] =	dma.local @!p0 [hbm:s6], $0xF7A  }
0x23: {  	s9 =	sor.u32 $0xD0000000, s2;
	s6 =	simm.s32 $0x108;
	_ =	swait.ge @!p0 [sflag:s8], $0x0  }
0x24: {  	s3 =	sadd.s32 $0x88, s3;
	s6 =	simm.s32 @!p1 $0x1082;
	[sflag:s4] =	ssyncset.s32 $0xFFFFF086  }
0x25: {  	[simem:s6], [sflag:s4] =	dma.local [hbm:s3], $0xF7A  }
0x26: {  	[smem:$0x3F99] =	sst s1;
	(tag) =	ssettag s2;
	_ =	strace s9  }
0x27: {  	s1 =	sld [smem:$0x3FA9]  }
0x28: {  	s2 =	sld [smem:$0x3FAA]  }
0x29: {  	s4 =	sld [smem:$0x3FAC]  }
0x2a: {  	p0 =	seq.s32 s5, $0x0;
	s5 =	sld [smem:$0x3FAD]  }
0x2b: {  	s6 =	sld [smem:$0x3FAE]  }
0x2c: {  	s7 =	sld [smem:$0x3FAF]  }
0x2d: {  	s3 =	simm.s32 $0x108;
	s8 =	sld [smem:$0x3FB0]  }
0x2e: {  	s3 =	simm.s32 @!p0 $0x1082;
	s9 =	sld [smem:$0x3FB1]  }
0x2f: {  	lr =	sadd.s32 s0, s3;
	s0 =	sld [smem:$0x3FA8]  }
0x30: {  	s3 =	sld [smem:$0x3FAB]  }
0x31: {  	[smem:$0x3FB4] =	sst s10  }
0x32: {  	s10 =	sld [smem:$0x3FB2];
	_ =	sdelay $0x3  }
0x33: {  	p0 =	seq.s32 s10, $0x1;
	s10 =	sld [smem:$0x3FB4];
	_ =	sdelay $0x3  }
0x34: {  	[smem:$0x3FB4] =	sst s10  }
0x35: {  	s10 =	sld [smem:$0x3FB3];
	_ =	sdelay $0x3  }
0x36: {  	p1 =	seq.s32 s10, $0x1;
	s10 =	sld [smem:$0x3FB4];
	_ =	sdelay $0x3  }
0x37: {  	[smem:$0x3FB4] =	sst s10  }
0x38: {  	s10 =	sld [smem:$0x3FB5]  }
0x39: {  	_ = 	snop;
	(pc) =	sbr.ind lr, $3  }
0x3a: {  	_ = 	snop  }
0x3b: {  	_ = 	snop  }
0x3c: {  	p2 =	seq.s32 s10, $0x1;
	s10 =	sld [smem:$0x3FB4]  }
0x3d: {  	_ =	shalt  }
0x3e: {  	_ =	shalt  }
0x3f: {  	_ =	shalt  }
0x40: {  	_ =	shalt  }
0x41: {  	_ =	shalt  }
0x42: {  	_ =	shalt  }
0x43: {  	_ =	shalt  }
0x44: {  	_ =	shalt  }
0x45: {  	_ =	shalt  }
0x46: {  	_ =	shalt  }
0x47: {  	_ =	shalt  }
0x48: {  	_ =	shalt  }
0x49: {  	_ =	shalt  }
0x4a: {  	_ =	shalt  }
0x4b: {  	_ =	shalt  }
0x4c: {  	_ =	shalt  }
0x4d: {  	_ =	shalt  }
0x4e: {  	_ =	shalt  }
0x4f: {  	_ =	shalt  }
0x50: {  	_ =	shalt  }
0x51: {  	_ =	shalt  }
0x52: {  	_ =	shalt  }
0x53: {  	_ =	shalt  }
0x54: {  	_ =	shalt  }
0x55: {  	_ =	shalt  }
0x56: {  	_ =	shalt  }
0x57: {  	_ =	shalt  }
0x58: {  	_ =	shalt  }
0x59: {  	_ =	shalt  }
0x5a: {  	_ =	shalt  }
0x5b: {  	_ =	shalt  }
0x5c: {  	_ =	shalt  }
0x5d: {  	_ =	shalt  }
0x5e: {  	_ =	shalt  }
0x5f: {  	_ =	shalt  }
0x60: {  	_ =	shalt  }
0x61: {  	_ =	shalt  }
0x62: {  	_ =	shalt  }
0x63: {  	_ =	shalt  }
0x64: {  	_ =	shalt  }
0x65: {  	_ =	shalt  }
0x66: {  	_ =	shalt  }
0x67: {  	_ =	shalt  }
0x68: {  	_ =	shalt  }
0x69: {  	_ =	shalt  }
0x6a: {  	_ =	shalt  }
0x6b: {  	_ =	shalt  }
0x6c: {  	_ =	shalt  }
0x6d: {  	_ =	shalt  }
0x6e: {  	_ =	shalt  }
0x6f: {  	_ =	shalt  }
0x70: {  	_ =	shalt  }
0x71: {  	_ =	shalt  }
0x72: {  	_ =	shalt  }
0x73: {  	_ =	shalt  }
0x74: {  	_ =	shalt  }
0x75: {  	_ =	shalt  }
0x76: {  	_ =	shalt  }
0x77: {  	_ =	shalt  }
0x78: {  	_ =	shalt  }
0x79: {  	_ =	shalt  }
0x7a: {  	_ =	shalt  }
0x7b: {  	_ =	shalt  }
0x7c: {  	_ =	shalt  }
0x7d: {  	_ =	shalt  }
0x7e: {  	_ =	shalt  }
0x7f: {  	_ =	shalt  }
0x80: {  	_ =	shalt  }
0x81: {  	_ =	shalt  }
0x82: {  	_ =	shalt  }
0x83: {  	_ =	shalt  }
0x84: {  	_ =	shalt  }
0x85: {  	_ =	shalt  }
0x86: {  	_ =	shalt  }
0x87: {  	_ =	shalt  }
.Lfunc_end0:
.L_simem_size_0:
called_computation_lowered:
.L_overlay_start_0:
0x88: {  	s0 =	sld [smem:$0x3FD9]  }
0x89: {  	s1 =	sld [smem:$0x3FFE];
	_ =	sdelay $0x3  }
0x8a: {  	s0 =	sadd.s32 s1, s0  }
0x8b: {  	[smem:$0x3FC0] =	sst s0  }
0x8c: {  	_ = 	snop  }
0x8d: {  	s0 =	sld [smem:$0x3FC6]  }
0x8e: {  	s16 =	sld [smem:$0x3FD0];
	(tm) =	ssettm $0x1  }
0x8f: {  	s2 =	sld [smem:$0x3FFB];
	_ =	sdelay $0x3  }
0x90: {  	_ =	strace s2  }
0x91: {  	s2 =	sld [smem:$0x3FFC];
	_ =	sdelay $0x3  }
0x92: {  	_ =	strace s2  }
0x93: {  	s2 =	sld [smem:$0x3FFD];
	_ =	sdelay $0x3  }
0x94: {  	_ =	strace s2  }
0x95: {  	_ =	strace $0x8FFFFFFF  }
0x96: {  	s17 =	sld [smem:$0x3FDB];
	_ =	sdelay $0x1  }
0x97: {  	s3 =	simm.s32 $_scs_section_size  }
0x98: {  	s4 =	simm.s32 $_size__tile_overlayer_lowered;
	s5 =	simm.s32 $_tile_overlayer_lowered  }
0x99: {  	s20 =	simm.s32 $0x1BFF;
	s19 =	sshll.u32 s5, $0x1;
	s2 =	sadd.s32 s3, s17  }
0x9a: {  	s6 =	simm.s32 $0x0;
	s18 =	sshll.u32 s4, $0x1;
	s4 =	sadd.s32 s19, s2  }
0x9b: {  	[timem:s6], [sflag:s20] =	dma.local [hbm:s4], s18  }
0x9c: {  	_ =	swait.ge [sflag:s20], s18  }
0x9d: {  	s3 =	ssub.s32 $0x0, s18;
	[sflag:s20] =	ssyncset.done $0x0  }
0x9e: {  	[sflag:s20] =	ssyncadd.s32 s3;
	_ =	sdelay $0x1  }
0x9f: {  	s21 =	simm.s32 $0x1B8B  }
0xa0: {  	_ =	swait.ge [sflag:s21], $0x1  }
0xa1: {  	[sflag:s21] =	ssyncset.done $0x0  }
0xa2: {  	s23 =	simm.s32 $0x1B8E;
	s22 =	sld [smem:$0x3FFE];
	[sflag:s21] =	ssyncadd.s32 $0xFFFFFFFF  }
0xa3: {  	s24 =	simm.s32 $execute0_lowered;
	[smem:$0x3FD2] =	sst s23  }
0xa4: {  	s4 =	sshll.u32 s24, $0x1;
	_ =	strace $0x80000049;
	[dreg:$0x1] =	wrdreg $0xFFFFFFFF  }
0xa5: {  	s25 =	simm.s32 $_size_execute0_lowered;
	s2 =	sadd.s32 s2, s4;
	[dreg:$0x0] =	wrdreg $0x0  }
0xa6: {  	s4 =	sshll.u32 s25, $0x1;
	[dreg:$0x2] =	wrdreg s2  }
0xa7: {  	[dreg:$0x3] =	wrdreg s4  }
0xa8: {  	[dreg:$0x4] =	wrdreg $0xC0  }
0xa9: {  	_ =	task [dreg:s6], $0x5FFFF  }
0xaa: {  	[dreg:$0x1] =	wrdreg $0xFFFFFFFF  }
0xab: {  	[dreg:$0x0] =	wrdreg $0x60  }
0xac: {  	[dreg:$0x2] =	wrdreg s0  }
0xad: {  	[dreg:$0x3] =	wrdreg s22  }
0xae: {  	[dreg:$0x4] =	wrdreg s16  }
0xaf: {  	[dreg:$0x5] =	wrdreg $0x9  }
0xb0: {  	_ =	task.clear_ibuf [dreg:s6], $0x6FFFF;
	_ =	strace $0x90000049  }
0xb1: {  	s26 =	simm.s32 $0x9;
	_ =	strace $0x8000004B  }
0xb2: {  	_ =	swait.ge [sflag:s26], $0x1  }
0xb3: {  	[sflag:s26] =	ssyncadd.s32 $0xFFFFFFFF  }
0xb4: {  	_ =	strace $0x9000004B  }
0xb5: {  	_ =	sfence  }
0xb6: {  	s28 =	sld [smem:$0x0];
	_ =	sdelay $0x1  }
0xb7: {  	s29 =	srdreg.scid  }
0xb8: {  	s30 =	sshll.u32 s29, $0xD;
	s31 =	sshrl.u32 s29, $0x2  }
0xb9: {  	s1 =	sand.u32 $0x1, s29;
	s2 =	sand.u32 $0x4000, s30;
	s0 =	sadd.s32 s31, s28  }
0xba: {  	s1 =	sor.u32 s2, s1;
	s0 =	sshll.u32 s0, $0x11  }
0xbb: {  	s0 =	sor.u32 s0, s1  }
0xbc: {  	s0 =	sadd.s32 $0x8F2B, s0  }
0xbd: {  	[sflag:s0] =	ssyncadd.remote.s32 $0x1  }
0xbe: {  	_ =	sfence.sel $0xFFFF  }
0xbf: {  	[dreg:$0x0] =	wrdreg $0xFFFFFFFF;
	(pc) =	sbr.abs _section_cstart, $3  }
0xc0: {  	[dreg:$0x1] =	wrdreg $0xFFFFFFFF  }
0xc1: {  	_ =	task.clear_ibuf [dreg:s6], $0x2FFFF;
	_ =	strace $0x9FFFFFFF  }
0xc2: {  	(tm) =	ssettm $0x7FFFFFFF  }
0xc3: {  	_ =	shalt  }
tec
execute0_lowered:
.L_overlay_start_1:
0x0: {  	(tag) =	ssettag $0x1  }
0x1: {  	s0 =	stileid.u32  }
0x2: {  	s1 =	smin.u32 s0, $0x9  }
0x3: {  	s1 =	sadd.s32 s0, s1  }
0x4: {  	s2 =	simm.s32 $0x320;
	p0 =	slt.u32 s0, $0x9;
	s1 =	smul.u32 $0x190, s1  }
0x5: {  	s2 =	simm.s32 @!p0 $0x190  }
0x6: {  	s2 =	sadd.s32 s2, s1  }
0x7: {  	s3 =	smin.u32 s2, $0x2710  }
0x8: {  	s7 =	ssub.s32 s3, s1  }
0x9: {  	p0 =	sgt.s32 s7, $0x0  }
0xa: {  	s7 =	simm.s32 @!p0 $0x0  }
0xb: {  	s31 =	sand.u32 $0xFFF0, s7  }
0xc: {  	s4 =	rddreg [dreg:$0x0];
	s2 =	sshrl.u32 s31, $0x4  }
0xd: {  	s9 =	rddreg [dreg:$0x1];
	s2 =	smul.u32 $0xA3E, s2  }
0xe: {  	s5 =	rddreg [dreg:$0x2]  }
0xf: {  	s6 =	simm.s32 $0x1;
	s11 =	simm.s32 $0x3;
	s8 =	sshrl.u32 s2, $0x10  }
0x10: {  	s13 =	simm.s32 $0x0;
	s12 =	simm.s32 $0x0;
	s10 =	smul.u32 $0x190, s8  }
.Ltmp0:
0x11: {  	s9 =	sadd.s32 $0x22000, s9;
	s2 =	rddreg [dreg:$0x3];
	(pc) =	sbr.rel .LBB2_1-.Ltmp0, $4  }
0x12: {  	_ =	strace $0x8000004A;
	p0 =	sne.s32 s7, s10;
	s10 =	simm.s32 $0x1  }
0x13: {  	[sflag:s6] =	ssyncpa.u1 $0x0;
	s7 =	simm.s32 $0x2;
	s10 =	simm.s32 @!p0 $0x0  }
0x14: {  	[sflag:s7] =	ssyncpa.u1 $0x0;
	p0 =	por $0x0, $0x0;
	s8 =	sadd.s32 s8, s10  }
0x15: {  	vm0 =	vmmov $0xff;
	vm1 =	vcmask $0x3F20;
	[sflag:s11] =	ssyncpa.u1 $0x0;
	s11 =	smov.u32 s1;
	s10 =	sadd.s32 $0x1, s8  }
.LBB2_6:
0x16: {  	[hbm:s17] =	stream.linear.scatter [tilespmem:s14], [sflag:$0x3], $0x400, $0x38;
	[tilespmem:$0x19320] =	vst v63  }
.LBB2_7:
0x17: {  	s13 =	sadd.s32 $0x190, s11  }
0x18: {  	s15 =	smov.u32 s1;
	p2 =	slt.s32 s13, s3  }
0x19: {  	s15 =	smov.u32 @p2 s13;
	p2 =	sne.s32 s12, s10  }
.Ltmp1:
0x1a: {  	p1 =	slt.u32 s12, $0x2;
	(pc) =	sbr.rel @!p2 .LBB2_8-.Ltmp1, $4  }
0x1b: {  	s14 =	simm.s32 @!p1 $0x3  }
0x1c: {  	s16 =	sadd.s32 $0x1, s12;
	_ =	swait.ge @!p1 [sflag:s14], $0xC800  }
0x1d: {  	p0 =	por !p0, !p0;
	s13 =	smov.u32 s11;
	[sflag:s14] =	ssyncset.done @!p1 $0x0  }
0x1e: {  	s12 =	smov.u32 s16;
	s11 =	smov.u32 s15;
	[sflag:s14] =	ssyncadd.s32 @!p1 $0xFFFF3800  }
.LBB2_1:
0x1f: {  	p1 =	sge.u32 s12, s8  }
0x20: {  	s14 =	sxor.u32 @!p1 $0xFFFFFFFF, s12  }
0x21: {  	s14 =	sand.u32 @!p1 $0x1, s14  }
0x22: {  	s14 =	smul.u32 @!p1 $0x640, s14  }
0x23: {  	s31 =	sadd.s32 $0xFFFFFFFF, s12;
	s15 =	sshrl.u32 @!p1 s11, $0x3  }
0x24: {  	s16 =	sand.u32 @!p1 $0x7, s11;
	s15 =	sadd.s32 @!p1 s9, s15;
	s14 =	sshrl.u32 @!p1 s14, $0x2  }
0x25: {  	[tilespmem:s14], [sflag:$0x2] =	stream.linear.gather @!p1 [hbm4b:s15+s16], $0x190, $0x38;
	[tilespmem:$0x19320] =	vst v63  }
0x26: {  	p1 =	sge.u32 s31, s8  }
.Ltmp2:
0x27: {  	_ = 	snop;
	(pc) =	sbr.rel @p1 .LBB2_7-.Ltmp2, $1  }
0x28: {  	_ =	sdelay $0x3  }
0x29: {  	s14 =	simm.s32 $0x1  }
0x2a: {  	s14 =	simm.s32 @!p0 $0x0  }
0x2b: {  	s15 =	smul.u32 $0x640, s14  }
0x2c: {  	_ =	swait.ge [sflag:s7], $0x190  }
0x2d: {  	[sflag:s7] =	ssyncset.done $0x0;
	s16 =	sshrl.u32 s15, $0x2  }
0x2e: {  	[sflag:s7] =	ssyncadd.s32 $0xFFFFFE70;
	s15 =	sadd.s32 $0x0, s16  }
0x2f: {  	v0 =	vld.msk [tilespmem:s15+$0x0 ss:$0x1], $0xffff;
	_ =	sdelay $0x4  }
0x30: {  	vm2 =	vgt.s32 v0, $0x0  }
0x31: {  	v0 =	vnsel vm2, $0x0, v0  }
0x32: {  	v0 =	vmin.u32 v0, $0x270F  }
0x33: {  	v0 =	vshll.u32 v0, $0x4  }
0x34: {  	s14 =	smul.u32 $0x32000, s14;
	_ =	sdelay $0x1  }
0x35: {  	s14 =	sshrl.u32 s14, $0x2  }
0x36: {  	s14 =	sor.u32 $0x320, s14  }
0x37: {  	[tilespmem:s14], [sflag:$0x1] =	stream.indirect_vreg.gather [hbm:s4], $0x80, v0, vm0, $0x38;
	[tilespmem:$0x19320] =	vst v63  }
0x38: {  	s17 =	sadd.s32 $0x10, s16;
	s15 =	sadd.s32 $0x400, s14  }
0x39: {  	[tilespmem:s15], [sflag:$0x1] =	stream.indirect_vreg.gather [hbm:s4], $0x80, v0, vm1, $0x38;
	[tilespmem:$0x19320] =	vst v63  }
0x3a: {  	s18 =	simm.s32 $0x80;
	v0 =	vld.msk [tilespmem:s17+$0x0 ss:$0x1], $0xffff;
	s17 =	smov.u32 s14  }
.LBB2_3:
0x3b: {  	p1 =	sne.s32 s18, $0x600;
	_ =	sdelay $0x4  }
0x3c: {  	vm2 =	vgt.s32 v0, $0x0  }
0x3d: {  	v0 =	vnsel vm2, $0x0, v0  }
0x3e: {  	v0 =	vmin.u32 v0, $0x270F  }
0x3f: {  	v0 =	vshll.u32 v0, $0x4;
	_ =	sdelay $0x3  }
.Ltmp3:
0x40: {  	s19 =	sshra.s32 s18, $0x2;
	s17 =	sadd.s32 $0x800, s17;
	(pc) =	sbr.rel @p1 .LBB2_3-.Ltmp3, $4  }
0x41: {  	[tilespmem:s17], [sflag:$0x1] =	stream.indirect_vreg.gather [hbm:s4], $0x80, v0, vm0, $0x38;
	[tilespmem:$0x19320] =	vst v63  }
0x42: {  	s19 =	sadd.s32 s19, s16;
	s20 =	sadd.s32 $0x400, s17  }
0x43: {  	[tilespmem:s20], [sflag:$0x1] =	stream.indirect_vreg.gather [hbm:s4], $0x80, v0, vm1, $0x38;
	[tilespmem:$0x19320] =	vst v63  }
0x44: {  	s18 =	sadd.s32 $0x40, s18;
	v0 =	vld.msk [tilespmem:s19+$0x0 ss:$0x1], $0xffff  }
0x45: {  	_ =	sdelay $0x3  }
0x46: {  	vm2 =	vgt.s32 v0, $0x0  }
0x47: {  	v0 =	vnsel vm2, $0x0, v0  }
0x48: {  	v0 =	vmin.u32 v0, $0x270F  }
0x49: {  	v0 =	vshll.u32 v0, $0x4;
	_ =	sdelay $0x3  }
0x4a: {  	s16 =	sadd.s32 $0x800, s17  }
0x4b: {  	[tilespmem:s16], [sflag:$0x1] =	stream.indirect_vreg.gather [hbm:s4], $0x80, v0, vm0, $0x38;
	[tilespmem:$0x19320] =	vst v63  }
0x4c: {  	s16 =	sadd.s32 $0x400, s16  }
0x4d: {  	[tilespmem:s16], [sflag:$0x1] =	stream.indirect_vreg.gather [hbm:s4], $0x80, v0, vm1, $0x38;
	[tilespmem:$0x19320] =	vst v63  }
0x4e: {  	s13 =	sshll.u32 s13, $0x4;
	_ =	swait.ge [sflag:s6], $0xC800  }
0x4f: {  	s13 =	sadd.s32 s13, s5;
	[sflag:s6] =	ssyncset.done $0x0  }
0x50: {  	s17 =	sadd.s32 $0x0, s13;
	s16 =	simm.s32 $0x80;
	[sflag:s6] =	ssyncadd.s32 $0xFFFF3800  }
.LBB2_5:
0x51: {  	[hbm:s17] =	stream.linear.scatter [tilespmem:s14], [sflag:$0x3], $0x400, $0x38;
	[tilespmem:$0x19320] =	vst v63  }
0x52: {  	s17 =	smov.u32 s16;
	s14 =	smov.u32 s15;
	p1 =	sne.s32 s16, $0x1880  }
.Ltmp4:
0x53: {  	s16 =	sadd.s32 $0x80, s16;
	(pc) =	sbr.rel @p1 .LBB2_5-.Ltmp4, $2  }
0x54: {  	_ =	sdelay $0x2  }
0x55: {  	s15 =	sadd.s32 $0x400, s15;
	s17 =	sadd.s32 s17, s13  }
.Ltmp5:
0x56: {  	_ = 	snop;
	(pc) =	sbr.rel .LBB2_6-.Ltmp5, $1  }
0x57: {  	_ =	sdelay $0x3  }
.LBB2_8:
0x58: {  	_ =	sfence.sel $0x180000  }
0x59: {  	s1 =	simm.s32 $0x2;
	[bflag:$0x0] =	sbarrier.arrive $0xFFFF  }
0x5a: {  	s30 =	simm.s32 $0x3;
	[sflag:s1] =	ssyncpa.u1 $0x1  }
0x5b: {  	s31 =	simm.s32 $0x1;
	[sflag:s30] =	ssyncpa.u1 $0x1  }
0x5c: {  	[sflag:s31] =	ssyncpa.u1 $0x1  }
0x5d: {  	p0 =	sne.s32 s0, $0x0;
	_ =	strace $0x9000004A  }
0x5e: {  	s0 =	sadd.s32 @!p0 $0x100000, s2;
	[bflag:$0x2] =	sbarrier.arrive $0xFFFF  }
0x5f: {  	[sflag:s0] =	ssyncadd.tile.s32 @!p0 $0x1;
	_ =	shalt  }
.Lfunc_end2:
_tile_overlayer_lowered:
.L_overlay_start_2:
0x60: {  	(tag) =	ssettag $0x2  }
0x61: {  	s0 =	rddreg [dreg:$0x0];
	s2 =	stileid.u32  }
0x62: {  	s1 =	rddreg [dreg:$0x1];
	p0 =	sne.s32 s2, $0x0  }
0x63: {  	s3 =	rddreg [dreg:$0x2];
	[bflag:$0x3] =	sbarrier.arrive $0xFFFF;
	s2 =	simm.s32 @!p0 $0x1C01  }
0x64: {  	[timem:s3], [sflag:s2] =	dma.local @!p0 [hbm:s0], s1  }
0x65: {  	s0 =	simm.s32 @!p0 $0x1  }
0x66: {  	_ =	swait.ge @!p0 [sflag:s0], s1  }
0x67: {  	s1 =	ssub.s32 @!p0 $0x0, s1;
	[sflag:s0] =	ssyncset.done @!p0 $0x0  }
0x68: {  	[sflag:s0] =	ssyncadd.s32 @!p0 s1  }
0x69: {  	[bflag:$0x3] =	sbarrier.arrive $0xFFFF  }
0x6a: {  	_ =	shalt  }

// kernel: kernel.10.cloned.1.call-start
scs
__scs_entry_jumppad:
0x0: {  	(pc) =	sbr.rel $0x88, $3  }
0x1: {  	(tag) =	ssettag $0x0;
	lr =	simm.s32 $0x1  }
0x2: {  	[smem:$0x3F99] =	sst lr;
	_ =	strace $0xD0000000  }
0x3: {  	_ = 	snop  }
0x4: {  	_ = 	snop  }
0x5: {  	_ = 	snop  }
0x6: {  	_ = 	snop  }
0x7: {  	_ = 	snop  }
__scs_overlays_trampoline_lowered:
0x8: {  	[smem:$0x3FA8] =	sst s0  }
0x9: {  	[smem:$0x3FA9] =	sst s1  }
0xa: {  	[smem:$0x3FAA] =	sst s2  }
0xb: {  	[smem:$0x3FAB] =	sst s3  }
0xc: {  	[smem:$0x3FAC] =	sst s4  }
0xd: {  	[smem:$0x3FAD] =	sst s5  }
0xe: {  	[smem:$0x3FAE] =	sst s6  }
0xf: {  	[smem:$0x3FAF] =	sst s7  }
0x10: {  	[smem:$0x3FB0] =	sst s8  }
0x11: {  	[smem:$0x3FB1] =	sst s9;
	s0 =	simm.s32 @!p0 $0x0  }
0x12: {  	s1 =	sld [smem:$0x3F97];
	s0 =	simm.s32 @p0 $0x1  }
0x13: {  	[smem:$0x3FB2] =	sst s0;
	s0 =	simm.s32 @!p1 $0x0  }
0x14: {  	s2 =	sld [smem:$0x3F96];
	s0 =	simm.s32 @p1 $0x1  }
0x15: {  	[smem:$0x3FB3] =	sst s0;
	s0 =	simm.s32 @!p2 $0x0  }
0x16: {  	s3 =	sld [smem:$0x3FDB];
	s0 =	simm.s32 @p2 $0x1  }
0x17: {  	s4 =	simm.s32 $0x1BF5;
	[smem:$0x3FB5] =	sst s0  }
0x18: {  	s0 =	sld [smem:$0x3F98];
	_ =	swait.ge [sflag:s4], $0x0  }
0x19: {  	s7 =	sld [smem:$0x3F99]  }
0x1a: {  	s8 =	sadd.s32 $0xFFFFE003, lr  }
0x1b: {  	s9 =	sadd.s32 $0xFFFFFEF7, lr;
	s5 =	simm.s32 $0xFFFFFFFF;
	p2 =	slt.u32 s8, $0xFFFFF086  }
0x1c: {  	p1 =	slt.u32 s9, $0xF7A;
	s5 =	simm.s32 @!p2 $0x0  }
0x1d: {  	s5 =	simm.s32 @p1 $0x1;
	p0 =	seq.s32 s7, s2  }
0x1e: {  	s7 =	smul.u32 @!p0 $0xF7A, s2;
	p2 =	seq.s32 @!p0 s5, $0x0  }
0x1f: {  	s9 =	smul.u32 $0xF7A, s1;
	s8 =	simm.s32 @!p0 $0x1BF5;
	p2 =	por !p2, p0  }
0x20: {  	[sflag:s8] =	ssyncset.s32 @!p0 $0xFFFFF086;
	s6 =	sadd.s32 @!p0 s3, s7;
	s7 =	simm.s32 @!p0 $0x108  }
0x21: {  	s3 =	sadd.s32 s3, s9;
	s6 =	sadd.s32 @!p0 $0x88, s6;
	s7 =	simm.s32 @p2 $0x1082  }
0x22: {  	[simem:s7], [sflag:s8] =	dma.local @!p0 [hbm:s6], $0xF7A  }
0x23: {  	s9 =	sor.u32 $0xD0000000, s2;
	s6 =	simm.s32 $0x108;
	_ =	swait.ge @!p0 [sflag:s8], $0x0  }
0x24: {  	s3 =	sadd.s32 $0x88, s3;
	s6 =	simm.s32 @!p1 $0x1082;
	[sflag:s4] =	ssyncset.s32 $0xFFFFF086  }
0x25: {  	[simem:s6], [sflag:s4] =	dma.local [hbm:s3], $0xF7A  }
0x26: {  	[smem:$0x3F99] =	sst s1;
	(tag) =	ssettag s2;
	_ =	strace s9  }
0x27: {  	s1 =	sld [smem:$0x3FA9]  }
0x28: {  	s2 =	sld [smem:$0x3FAA]  }
0x29: {  	s4 =	sld [smem:$0x3FAC]  }
0x2a: {  	p0 =	seq.s32 s5, $0x0;
	s5 =	sld [smem:$0x3FAD]  }
0x2b: {  	s6 =	sld [smem:$0x3FAE]  }
0x2c: {  	s7 =	sld [smem:$0x3FAF]  }
0x2d: {  	s3 =	simm.s32 $0x108;
	s8 =	sld [smem:$0x3FB0]  }
0x2e: {  	s3 =	simm.s32 @!p0 $0x1082;
	s9 =	sld [smem:$0x3FB1]  }
0x2f: {  	lr =	sadd.s32 s0, s3;
	s0 =	sld [smem:$0x3FA8]  }
0x30: {  	s3 =	sld [smem:$0x3FAB]  }
0x31: {  	[smem:$0x3FB4] =	sst s10  }
0x32: {  	s10 =	sld [smem:$0x3FB2];
	_ =	sdelay $0x3  }
0x33: {  	p0 =	seq.s32 s10, $0x1;
	s10 =	sld [smem:$0x3FB4];
	_ =	sdelay $0x3  }
0x34: {  	[smem:$0x3FB4] =	sst s10  }
0x35: {  	s10 =	sld [smem:$0x3FB3];
	_ =	sdelay $0x3  }
0x36: {  	p1 =	seq.s32 s10, $0x1;
	s10 =	sld [smem:$0x3FB4];
	_ =	sdelay $0x3  }
0x37: {  	[smem:$0x3FB4] =	sst s10  }
0x38: {  	s10 =	sld [smem:$0x3FB5]  }
0x39: {  	_ = 	snop;
	(pc) =	sbr.ind lr, $3  }
0x3a: {  	_ = 	snop  }
0x3b: {  	_ = 	snop  }
0x3c: {  	p2 =	seq.s32 s10, $0x1;
	s10 =	sld [smem:$0x3FB4]  }
0x3d: {  	_ =	shalt  }
0x3e: {  	_ =	shalt  }
0x3f: {  	_ =	shalt  }
0x40: {  	_ =	shalt  }
0x41: {  	_ =	shalt  }
0x42: {  	_ =	shalt  }
0x43: {  	_ =	shalt  }
0x44: {  	_ =	shalt  }
0x45: {  	_ =	shalt  }
0x46: {  	_ =	shalt  }
0x47: {  	_ =	shalt  }
0x48: {  	_ =	shalt  }
0x49: {  	_ =	shalt  }
0x4a: {  	_ =	shalt  }
0x4b: {  	_ =	shalt  }
0x4c: {  	_ =	shalt  }
0x4d: {  	_ =	shalt  }
0x4e: {  	_ =	shalt  }
0x4f: {  	_ =	shalt  }
0x50: {  	_ =	shalt  }
0x51: {  	_ =	shalt  }
0x52: {  	_ =	shalt  }
0x53: {  	_ =	shalt  }
0x54: {  	_ =	shalt  }
0x55: {  	_ =	shalt  }
0x56: {  	_ =	shalt  }
0x57: {  	_ =	shalt  }
0x58: {  	_ =	shalt  }
0x59: {  	_ =	shalt  }
0x5a: {  	_ =	shalt  }
0x5b: {  	_ =	shalt  }
0x5c: {  	_ =	shalt  }
0x5d: {  	_ =	shalt  }
0x5e: {  	_ =	shalt  }
0x5f: {  	_ =	shalt  }
0x60: {  	_ =	shalt  }
0x61: {  	_ =	shalt  }
0x62: {  	_ =	shalt  }
0x63: {  	_ =	shalt  }
0x64: {  	_ =	shalt  }
0x65: {  	_ =	shalt  }
0x66: {  	_ =	shalt  }
0x67: {  	_ =	shalt  }
0x68: {  	_ =	shalt  }
0x69: {  	_ =	shalt  }
0x6a: {  	_ =	shalt  }
0x6b: {  	_ =	shalt  }
0x6c: {  	_ =	shalt  }
0x6d: {  	_ =	shalt  }
0x6e: {  	_ =	shalt  }
0x6f: {  	_ =	shalt  }
0x70: {  	_ =	shalt  }
0x71: {  	_ =	shalt  }
0x72: {  	_ =	shalt  }
0x73: {  	_ =	shalt  }
0x74: {  	_ =	shalt  }
0x75: {  	_ =	shalt  }
0x76: {  	_ =	shalt  }
0x77: {  	_ =	shalt  }
0x78: {  	_ =	shalt  }
0x79: {  	_ =	shalt  }
0x7a: {  	_ =	shalt  }
0x7b: {  	_ =	shalt  }
0x7c: {  	_ =	shalt  }
0x7d: {  	_ =	shalt  }
0x7e: {  	_ =	shalt  }
0x7f: {  	_ =	shalt  }
0x80: {  	_ =	shalt  }
0x81: {  	_ =	shalt  }
0x82: {  	_ =	shalt  }
0x83: {  	_ =	shalt  }
0x84: {  	_ =	shalt  }
0x85: {  	_ =	shalt  }
0x86: {  	_ =	shalt  }
0x87: {  	_ =	shalt  }
.Lfunc_end0:
.L_simem_size_0:
called_computation.2_lowered:
.L_overlay_start_0:
0x88: {  	s2 =	sld [smem:$0x3FD9]  }
0x89: {  	s3 =	sld [smem:$0x3FFE];
	_ =	sdelay $0x1  }
0x8a: {  	s1 =	srdreg.scid  }
0x8b: {  	s0 =	sand.u32 $0x1, s1  }
0x8c: {  	s17 =	sshll.u32 s0, $0xA;
	s2 =	sadd.s32 s3, s2  }
0x8d: {  	s2 =	sadd.s32 s2, s17  }
0x8e: {  	[smem:$0x3FC0] =	sst s2  }
0x8f: {  	_ = 	snop  }
0x90: {  	s2 =	sld [smem:$0x3FD0];
	(tm) =	ssettm $0x1  }
0x91: {  	s18 =	sld [smem:$0x3FFB];
	_ =	sdelay $0x3  }
0x92: {  	_ =	strace s18  }
0x93: {  	s3 =	sld [smem:$0x3FFC];
	_ =	sdelay $0x3  }
0x94: {  	_ =	strace s3  }
0x95: {  	s3 =	sld [smem:$0x3FFD];
	_ =	sdelay $0x3  }
0x96: {  	_ =	strace s3  }
0x97: {  	_ =	strace $0x8FFFFFFF  }
0x98: {  	s19 =	sld [smem:$0x3FDB];
	_ =	sdelay $0x1  }
0x99: {  	s4 =	simm.s32 $_scs_section_size  }
0x9a: {  	s5 =	simm.s32 $_size__tile_overlayer_lowered;
	s6 =	simm.s32 $_tile_overlayer_lowered  }
0x9b: {  	s22 =	simm.s32 $0x1BFF;
	s21 =	sshll.u32 s6, $0x1;
	s3 =	sadd.s32 s4, s19  }
0x9c: {  	s7 =	simm.s32 $0x0;
	s20 =	sshll.u32 s5, $0x1;
	s5 =	sadd.s32 s21, s3  }
0x9d: {  	[timem:s7], [sflag:s22] =	dma.local [hbm:s5], s20  }
0x9e: {  	_ =	swait.ge [sflag:s22], s20  }
0x9f: {  	s4 =	ssub.s32 $0x0, s20;
	[sflag:s22] =	ssyncset.done $0x0  }
0xa0: {  	[sflag:s22] =	ssyncadd.s32 s4;
	_ =	sdelay $0x1  }
0xa1: {  	s23 =	simm.s32 $0x1B8B  }
0xa2: {  	_ =	swait.ge [sflag:s23], $0x1  }
0xa3: {  	[sflag:s23] =	ssyncset.done $0x0  }
0xa4: {  	s25 =	simm.s32 $0x1B8E;
	s24 =	sld [smem:$0x3FFE];
	[sflag:s23] =	ssyncadd.s32 $0xFFFFFFFF  }
0xa5: {  	s26 =	simm.s32 $execute0_lowered;
	[smem:$0x3FD2] =	sst s25  }
0xa6: {  	s5 =	sshll.u32 s26, $0x1;
	_ =	strace $0x8000004C;
	[dreg:$0x1] =	wrdreg $0xFFFFFFFF  }
0xa7: {  	s28 =	simm.s32 $_size_execute0_lowered;
	s3 =	sadd.s32 s3, s5;
	[dreg:$0x0] =	wrdreg $0x0  }
0xa8: {  	s5 =	sshll.u32 s28, $0x1;
	[dreg:$0x2] =	wrdreg s3  }
0xa9: {  	[dreg:$0x3] =	wrdreg s5  }
0xaa: {  	[dreg:$0x4] =	wrdreg $0xC0  }
0xab: {  	_ =	task [dreg:s7], $0x5FFFF  }
0xac: {  	[dreg:$0x1] =	wrdreg $0xFFFFFFFF  }
0xad: {  	[dreg:$0x0] =	wrdreg $0x60  }
0xae: {  	[dreg:$0x2] =	wrdreg s2  }
0xaf: {  	[dreg:$0x3] =	wrdreg s24  }
0xb0: {  	[dreg:$0x4] =	wrdreg $0x0  }
0xb1: {  	[dreg:$0x5] =	wrdreg $0x9  }
0xb2: {  	_ =	task.clear_ibuf [dreg:s7], $0x6FFFF;
	_ =	strace $0x9000004C  }
0xb3: {  	s29 =	simm.s32 $0x9;
	_ =	strace $0x8000004E  }
0xb4: {  	_ =	swait.ge [sflag:s29], $0x1  }
0xb5: {  	[sflag:s29] =	ssyncadd.s32 $0xFFFFFFFF  }
0xb6: {  	_ =	strace $0x9000004E  }
0xb7: {  	_ =	sfence  }
0xb8: {  	s30 =	sld [smem:$0x0];
	_ =	sdelay $0x2  }
0xb9: {  	s31 =	sshll.u32 s1, $0xD;
	s1 =	sshrl.u32 s1, $0x2  }
0xba: {  	s3 =	sand.u32 $0x4000, s31;
	s1 =	sadd.s32 s1, s30  }
0xbb: {  	s0 =	sor.u32 s3, s0;
	s1 =	sshll.u32 s1, $0x11  }
0xbc: {  	s0 =	sor.u32 s1, s0  }
0xbd: {  	s0 =	sadd.s32 $0x8F2B, s0  }
0xbe: {  	[sflag:s0] =	ssyncadd.remote.s32 $0x1  }
0xbf: {  	_ =	sfence.sel $0xFFFF  }
0xc0: {  	[dreg:$0x0] =	wrdreg $0xFFFFFFFF;
	(pc) =	sbr.abs _section_cstart, $3  }
0xc1: {  	[dreg:$0x1] =	wrdreg $0xFFFFFFFF  }
0xc2: {  	_ =	task.clear_ibuf [dreg:s7], $0x2FFFF;
	_ =	strace $0x9FFFFFFF  }
0xc3: {  	(tm) =	ssettm $0x7FFFFFFF  }
tec
execute0_lowered:
.L_overlay_start_1:
0x0: {  	(tag) =	ssettag $0x1  }
0x1: {  	s1 =	rddreg [dreg:$0x0]  }
0x2: {  	s0 =	rddreg [dreg:$0x1];
	s12 =	stileid.u32  }
0x3: {  	s2 =	rddreg [dreg:$0x2];
	s6 =	smul.u32 $0x13C00, s12  }
0x4: {  	s3 =	srdreg.scid;
	s4 =	simm.s32 $0x0;
	s20 =	smul.u32 $0x4F000, s12  }
0x5: {  	s30 =	simm.s32 $0x80;
	s31 =	simm.s32 $0x17C00;
	s10 =	smul.u32 $0x3800, s12  }
0x6: {  	s28 =	simm.s32 $0x1;
	s3 =	sand.u32 $0x1, s3;
	s11 =	smul.u32 $0x700, s12  }
0x7: {  	[smem:$0x7FF] =	sst s4;
	s7 =	sadd.s32 $0xC800, s0;
	s18 =	smul.u32 $0x1800, s12  }
0x8: {  	s8 =	sadd.s32 $0x16800, s0;
	s25 =	sadd.s32 $0x2800, s0;
	s5 =	smul.u32 $0x13C000, s3  }
0x9: {  	_ =	strace $0x8000004D;
	s9 =	ssub.s32 $0x2, s3;
	p0 =	seq.s32 s3, $0x1  }
0xa: {  	[dreg:$0x15] =	wrdreg s25;
	s22 =	sshrl.u32 s10, $0x3;
	s23 =	sadd.s32 s7, s11  }
0xb: {  	s26 =	sadd.s32 s8, s11;
	[dreg:$0x4] =	wrdreg s23;
	s24 =	sadd.s32 $0x100, s22  }
0xc: {  	s21 =	sshrl.u32 s9, $0x1;
	[dreg:$0x5] =	wrdreg s26;
	s4 =	sadd.s32 s7, s24  }
0xd: {  	s11 =	sadd.s32 $0x200, s22;
	s3 =	sadd.s32 s8, s24;
	[dreg:$0x6] =	wrdreg s4  }
0xe: {  	s5 =	sadd.s32 s6, s5;
	s13 =	sadd.s32 s7, s11;
	[dreg:$0x7] =	wrdreg s3  }
0xf: {  	s14 =	sadd.s32 $0x300, s22;
	s10 =	sadd.s32 s8, s11;
	[dreg:$0x8] =	wrdreg s13  }
0x10: {  	s17 =	sadd.s32 $0x500, s22;
	s15 =	sadd.s32 s7, s14;
	[dreg:$0x9] =	wrdreg s10  }
0x11: {  	s6 =	sshrl.u32 s20, $0x2;
	s19 =	sadd.s32 s7, s17;
	[dreg:$0xa] =	wrdreg s15  }
0x12: {  	s16 =	sadd.s32 $0x400, s22;
	s20 =	sadd.s32 s8, s17;
	[dreg:$0xe] =	wrdreg s19  }
0x13: {  	s26 =	sshll.u32 s12, $0x6;
	s29 =	sadd.s32 s6, s2;
	[dreg:$0xf] =	wrdreg s20  }
0x14: {  	s5 =	sshrl.u32 s5, $0x3;
	s3 =	sadd.s32 s8, s14;
	[dreg:$0x16] =	wrdreg s29  }
0x15: {  	s0 =	sadd.s32 s5, s0;
	s13 =	sadd.s32 s7, s16;
	[dreg:$0xb] =	wrdreg s3  }
0x16: {  	s5 =	ssub.s32 s9, s21;
	s10 =	sor.u32 $0x1C03, s26;
	[dreg:$0xc] =	wrdreg s13  }
0x17: {  	s21 =	sadd.s32 $0x600, s22;
	s3 =	sadd.s32 s8, s16;
	[dreg:$0x14] =	wrdreg s10  }
0x18: {  	s22 =	sshrl.u32 s18, $0x3;
	s23 =	sadd.s32 s7, s21;
	[dreg:$0xd] =	wrdreg s3  }
0x19: {  	s24 =	sadd.s32 $0x7000, s22;
	s9 =	smax.u32 s5, $0x1;
	[dreg:$0x10] =	wrdreg s23  }
.Ltmp0:
0x1a: {  	s3 =	sadd.s32 s8, s21;
	[dreg:$0x18] =	wrdreg s9;
	(pc) =	sbr.rel .LBB2_1-.Ltmp0, $4  }
0x1b: {  	s6 =	simm.s32 $0x1BC00;
	s7 =	sadd.s32 s7, s24;
	[dreg:$0x11] =	wrdreg s3  }
0x1c: {  	s26 =	simm.s32 $0x3;
	[dreg:$0x12] =	wrdreg s7;
	s3 =	sadd.s32 s8, s24  }
0x1d: {  	s18 =	simm.s32 $0x0;
	s8 =	sadd.s32 $0x20800, s0;
	[dreg:$0x13] =	wrdreg s3  }
0x1e: {  	s15 =	simm.s32 $0x0;
	s7 =	simm.s32 $0x2;
	[dreg:$0x17] =	wrdreg s8  }
.LBB2_2:
0x1f: {  	s5 =	rddreg [dreg:$0x4];
	s20 =	simm.s32 $0x13C00  }
0x20: {  	[tilespmem:s20], [sflag:$0x3] =	stream.linear.gather [hbm4b:s5+s15], $0x800, $0x38;
	[tilespmem:$0x1FC00] =	vst v63  }
0x21: {  	_ =	swait.ge [sflag:s26], $0x800  }
0x22: {  	[sflag:s26] =	ssyncset.done $0x0  }
0x23: {  	s22 =	simm.s32 $0x14400;
	s24 =	rddreg [dreg:$0x5];
	[sflag:s26] =	ssyncadd.s32 $0xFFFFF800  }
0x24: {  	[tilespmem:s22], [sflag:$0x3] =	stream.linear.gather [hbm4b:s24+s15], $0x800, $0x38;
	[tilespmem:$0x1FC00] =	vst v63  }
0x25: {  	_ =	swait.ge [sflag:s26], $0x800  }
0x26: {  	[sflag:s26] =	ssyncset.done $0x0  }
0x27: {  	[sflag:s26] =	ssyncadd.s32 $0xFFFFF800  }
0x28: {  	[tilespmem:s31], [sflag:$0x1] =	stream.indirect.gather [hbm4b:s1+s30], $0x80, s20, s30, $0xb8;
	[tilespmem:$0x1FC00] =	vst v63  }
0x29: {  	_ =	swait.ge [sflag:s28], $0x4000  }
0x2a: {  	[sflag:s28] =	ssyncset.done $0x0  }
0x2b: {  	s4 =	simm.s32 $0x13C80;
	[sflag:s28] =	ssyncadd.s32 $0xFFFFC000  }
0x2c: {  	[tilespmem:s6], [sflag:$0x2] =	stream.indirect.gather [hbm4b:s1+s30], $0x80, s4, s30, $0xb8;
	[tilespmem:$0x1FC00] =	vst v63  }
0x2d: {  	_ = 	snop  }
0x2e: {  	[spmem:s2] =	stream.indirect.scatter.add.f32 [tilespmem:s31], [sflag:$0x3], $0x80, s22, s30, $0xb8;
	[tilespmem:$0x1FC00] =	vst v63  }
0x2f: {  	_ =	swait.ge [sflag:s26], $0x4000  }
0x30: {  	[sflag:s26] =	ssyncset.done $0x0  }
0x31: {  	[sflag:s26] =	ssyncadd.s32 $0xFFFFC000  }
0x32: {  	_ =	swait.ge [sflag:s7], $0x4000  }
0x33: {  	[sflag:s7] =	ssyncset.done $0x0  }
0x34: {  	s25 =	simm.s32 $0x13D00;
	[sflag:s7] =	ssyncadd.s32 $0xFFFFC000  }
0x35: {  	[tilespmem:s31], [sflag:$0x1] =	stream.indirect.gather [hbm4b:s1+s30], $0x80, s25, s30, $0xb8;
	[tilespmem:$0x1FC00] =	vst v63  }
0x36: {  	s0 =	simm.s32 $0x14480  }
0x37: {  	[spmem:s2] =	stream.indirect.scatter.add.f32 [tilespmem:s6], [sflag:$0x3], $0x80, s0, s30, $0xb8;
	[tilespmem:$0x1FC00] =	vst v63  }
0x38: {  	_ =	swait.ge [sflag:s26], $0x4000  }
0x39: {  	[sflag:s26] =	ssyncset.done $0x0  }
0x3a: {  	[sflag:s26] =	ssyncadd.s32 $0xFFFFC000  }
0x3b: {  	_ =	swait.ge [sflag:s28], $0x4000  }
0x3c: {  	[sflag:s28] =	ssyncset.done $0x0  }
0x3d: {  	s3 =	simm.s32 $0x13D80;
	[sflag:s28] =	ssyncadd.s32 $0xFFFFC000  }
0x3e: {  	[tilespmem:s6], [sflag:$0x2] =	stream.indirect.gather [hbm4b:s1+s30], $0x80, s3, s30, $0xb8;
	[tilespmem:$0x1FC00] =	vst v63  }
0x3f: {  	s5 =	simm.s32 $0x14500  }
0x40: {  	[spmem:s2] =	stream.indirect.scatter.add.f32 [tilespmem:s31], [sflag:$0x3], $0x80, s5, s30, $0xb8;
	[tilespmem:$0x1FC00] =	vst v63  }
0x41: {  	_ =	swait.ge [sflag:s26], $0x4000  }
0x42: {  	[sflag:s26] =	ssyncset.done $0x0  }
0x43: {  	[sflag:s26] =	ssyncadd.s32 $0xFFFFC000  }
0x44: {  	_ =	swait.ge [sflag:s7], $0x4000  }
0x45: {  	[sflag:s7] =	ssyncset.done $0x0  }
0x46: {  	s8 =	simm.s32 $0x13E00;
	[sflag:s7] =	ssyncadd.s32 $0xFFFFC000  }
0x47: {  	[tilespmem:s31], [sflag:$0x1] =	stream.indirect.gather [hbm4b:s1+s30], $0x80, s8, s30, $0xb8;
	[tilespmem:$0x1FC00] =	vst v63  }
0x48: {  	s9 =	simm.s32 $0x14580  }
0x49: {  	[spmem:s2] =	stream.indirect.scatter.add.f32 [tilespmem:s6], [sflag:$0x3], $0x80, s9, s30, $0xb8;
	[tilespmem:$0x1FC00] =	vst v63  }
0x4a: {  	_ =	swait.ge [sflag:s26], $0x4000  }
0x4b: {  	[sflag:s26] =	ssyncset.done $0x0  }
0x4c: {  	[sflag:s26] =	ssyncadd.s32 $0xFFFFC000  }
0x4d: {  	_ =	swait.ge [sflag:s28], $0x4000  }
0x4e: {  	[sflag:s28] =	ssyncset.done $0x0  }
0x4f: {  	s10 =	simm.s32 $0x13E80;
	[sflag:s28] =	ssyncadd.s32 $0xFFFFC000  }
0x50: {  	[tilespmem:s6], [sflag:$0x2] =	stream.indirect.gather [hbm4b:s1+s30], $0x80, s10, s30, $0xb8;
	[tilespmem:$0x1FC00] =	vst v63  }
0x51: {  	s12 =	simm.s32 $0x14600  }
0x52: {  	[spmem:s2] =	stream.indirect.scatter.add.f32 [tilespmem:s31], [sflag:$0x3], $0x80, s12, s30, $0xb8;
	[tilespmem:$0x1FC00] =	vst v63  }
0x53: {  	_ =	swait.ge [sflag:s26], $0x4000  }
0x54: {  	[sflag:s26] =	ssyncset.done $0x0  }
0x55: {  	[sflag:s26] =	ssyncadd.s32 $0xFFFFC000  }
0x56: {  	_ =	swait.ge [sflag:s7], $0x4000  }
0x57: {  	[sflag:s7] =	ssyncset.done $0x0  }
0x58: {  	s14 =	simm.s32 $0x13F00;
	[sflag:s7] =	ssyncadd.s32 $0xFFFFC000  }
0x59: {  	[tilespmem:s31], [sflag:$0x1] =	stream.indirect.gather [hbm4b:s1+s30], $0x80, s14, s30, $0xb8;
	[tilespmem:$0x1FC00] =	vst v63  }
0x5a: {  	s17 =	simm.s32 $0x14680  }
0x5b: {  	[spmem:s2] =	stream.indirect.scatter.add.f32 [tilespmem:s6], [sflag:$0x3], $0x80, s17, s30, $0xb8;
	[tilespmem:$0x1FC00] =	vst v63  }
0x5c: {  	_ =	swait.ge [sflag:s26], $0x4000  }
0x5d: {  	[sflag:s26] =	ssyncset.done $0x0  }
0x5e: {  	[sflag:s26] =	ssyncadd.s32 $0xFFFFC000  }
0x5f: {  	_ =	swait.ge [sflag:s28], $0x4000  }
0x60: {  	[sflag:s28] =	ssyncset.done $0x0  }
0x61: {  	s19 =	simm.s32 $0x13F80;
	[sflag:s28] =	ssyncadd.s32 $0xFFFFC000  }
0x62: {  	[tilespmem:s6], [sflag:$0x2] =	stream.indirect.gather [hbm4b:s1+s30], $0x80, s19, s30, $0xb8;
	[tilespmem:$0x1FC00] =	vst v63  }
0x63: {  	s21 =	simm.s32 $0x14700  }
0x64: {  	[spmem:s2] =	stream.indirect.scatter.add.f32 [tilespmem:s31], [sflag:$0x3], $0x80, s21, s30, $0xb8;
	[tilespmem:$0x1FC00] =	vst v63  }
0x65: {  	_ =	swait.ge [sflag:s26], $0x4000  }
0x66: {  	[sflag:s26] =	ssyncset.done $0x0  }
0x67: {  	[sflag:s26] =	ssyncadd.s32 $0xFFFFC000  }
0x68: {  	_ =	swait.ge [sflag:s7], $0x4000  }
0x69: {  	[sflag:s7] =	ssyncset.done $0x0  }
0x6a: {  	s24 =	simm.s32 $0x14000;
	[sflag:s7] =	ssyncadd.s32 $0xFFFFC000  }
0x6b: {  	[tilespmem:s31], [sflag:$0x1] =	stream.indirect.gather [hbm4b:s1+s30], $0x80, s24, s30, $0xb8;
	[tilespmem:$0x1FC00] =	vst v63  }
0x6c: {  	s25 =	simm.s32 $0x14780  }
0x6d: {  	[spmem:s2] =	stream.indirect.scatter.add.f32 [tilespmem:s6], [sflag:$0x3], $0x80, s25, s30, $0xb8;
	[tilespmem:$0x1FC00] =	vst v63  }
0x6e: {  	_ =	swait.ge [sflag:s26], $0x4000  }
0x6f: {  	[sflag:s26] =	ssyncset.done $0x0  }
0x70: {  	[sflag:s26] =	ssyncadd.s32 $0xFFFFC000  }
0x71: {  	_ =	swait.ge [sflag:s28], $0x4000  }
0x72: {  	[sflag:s28] =	ssyncset.done $0x0  }
0x73: {  	s3 =	simm.s32 $0x14080;
	[sflag:s28] =	ssyncadd.s32 $0xFFFFC000  }
0x74: {  	[tilespmem:s6], [sflag:$0x2] =	stream.indirect.gather [hbm4b:s1+s30], $0x80, s3, s30, $0xb8;
	[tilespmem:$0x1FC00] =	vst v63  }
0x75: {  	s4 =	simm.s32 $0x14800  }
0x76: {  	[spmem:s2] =	stream.indirect.scatter.add.f32 [tilespmem:s31], [sflag:$0x3], $0x80, s4, s30, $0xb8;
	[tilespmem:$0x1FC00] =	vst v63  }
0x77: {  	_ =	swait.ge [sflag:s26], $0x4000  }
0x78: {  	[sflag:s26] =	ssyncset.done $0x0  }
0x79: {  	[sflag:s26] =	ssyncadd.s32 $0xFFFFC000  }
0x7a: {  	_ =	swait.ge [sflag:s7], $0x4000  }
0x7b: {  	[sflag:s7] =	ssyncset.done $0x0  }
0x7c: {  	s8 =	simm.s32 $0x14100;
	[sflag:s7] =	ssyncadd.s32 $0xFFFFC000  }
0x7d: {  	[tilespmem:s31], [sflag:$0x1] =	stream.indirect.gather [hbm4b:s1+s30], $0x80, s8, s30, $0xb8;
	[tilespmem:$0x1FC00] =	vst v63  }
0x7e: {  	s9 =	simm.s32 $0x14880  }
0x7f: {  	[spmem:s2] =	stream.indirect.scatter.add.f32 [tilespmem:s6], [sflag:$0x3], $0x80, s9, s30, $0xb8;
	[tilespmem:$0x1FC00] =	vst v63  }
0x80: {  	_ =	swait.ge [sflag:s26], $0x4000  }
0x81: {  	[sflag:s26] =	ssyncset.done $0x0  }
0x82: {  	[sflag:s26] =	ssyncadd.s32 $0xFFFFC000  }
0x83: {  	_ =	swait.ge [sflag:s28], $0x4000  }
0x84: {  	[sflag:s28] =	ssyncset.done $0x0  }
0x85: {  	s10 =	simm.s32 $0x14180;
	[sflag:s28] =	ssyncadd.s32 $0xFFFFC000  }
0x86: {  	[tilespmem:s6], [sflag:$0x2] =	stream.indirect.gather [hbm4b:s1+s30], $0x80, s10, s30, $0xb8;
	[tilespmem:$0x1FC00] =	vst v63  }
0x87: {  	[dreg:$0x19] =	wrdreg s11;
	s11 =	simm.s32 $0x14900  }
0x88: {  	[spmem:s2] =	stream.indirect.scatter.add.f32 [tilespmem:s31], [sflag:$0x3], $0x80, s11, s30, $0xb8;
	[tilespmem:$0x1FC00] =	vst v63  }
0x89: {  	_ =	swait.ge [sflag:s26], $0x4000  }
0x8a: {  	[sflag:s26] =	ssyncset.done $0x0  }
0x8b: {  	[sflag:s26] =	ssyncadd.s32 $0xFFFFC000  }
0x8c: {  	_ =	swait.ge [sflag:s7], $0x4000  }
0x8d: {  	[sflag:s7] =	ssyncset.done $0x0  }
0x8e: {  	s17 =	simm.s32 $0x14200;
	[sflag:s7] =	ssyncadd.s32 $0xFFFFC000  }
0x8f: {  	[tilespmem:s31], [sflag:$0x1] =	stream.indirect.gather [hbm4b:s1+s30], $0x80, s17, s30, $0xb8;
	[tilespmem:$0x1FC00] =	vst v63  }
0x90: {  	s19 =	simm.s32 $0x14980  }
0x91: {  	[spmem:s2] =	stream.indirect.scatter.add.f32 [tilespmem:s6], [sflag:$0x3], $0x80, s19, s30, $0xb8;
	[tilespmem:$0x1FC00] =	vst v63  }
0x92: {  	_ =	swait.ge [sflag:s26], $0x4000  }
0x93: {  	[sflag:s26] =	ssyncset.done $0x0  }
0x94: {  	[sflag:s26] =	ssyncadd.s32 $0xFFFFC000  }
0x95: {  	_ =	swait.ge [sflag:s28], $0x4000  }
0x96: {  	[sflag:s28] =	ssyncset.done $0x0  }
0x97: {  	s21 =	simm.s32 $0x14280;
	[sflag:s28] =	ssyncadd.s32 $0xFFFFC000  }
0x98: {  	[tilespmem:s6], [sflag:$0x2] =	stream.indirect.gather [hbm4b:s1+s30], $0x80, s21, s30, $0xb8;
	[tilespmem:$0x1FC00] =	vst v63  }
0x99: {  	s24 =	simm.s32 $0x14A00  }
0x9a: {  	[spmem:s2] =	stream.indirect.scatter.add.f32 [tilespmem:s31], [sflag:$0x3], $0x80, s24, s30, $0xb8;
	[tilespmem:$0x1FC00] =	vst v63  }
0x9b: {  	_ =	swait.ge [sflag:s26], $0x4000  }
0x9c: {  	[sflag:s26] =	ssyncset.done $0x0  }
0x9d: {  	[sflag:s26] =	ssyncadd.s32 $0xFFFFC000  }
0x9e: {  	_ =	swait.ge [sflag:s7], $0x4000  }
0x9f: {  	[sflag:s7] =	ssyncset.done $0x0  }
0xa0: {  	s25 =	simm.s32 $0x14300;
	[sflag:s7] =	ssyncadd.s32 $0xFFFFC000  }
0xa1: {  	[tilespmem:s31], [sflag:$0x1] =	stream.indirect.gather [hbm4b:s1+s30], $0x80, s25, s30, $0xb8;
	[tilespmem:$0x1FC00] =	vst v63  }
0xa2: {  	s3 =	simm.s32 $0x14A80  }
0xa3: {  	[spmem:s2] =	stream.indirect.scatter.add.f32 [tilespmem:s6], [sflag:$0x3], $0x80, s3, s30, $0xb8;
	[tilespmem:$0x1FC00] =	vst v63  }
0xa4: {  	_ =	swait.ge [sflag:s26], $0x4000  }
0xa5: {  	[sflag:s26] =	ssyncset.done $0x0  }
0xa6: {  	[sflag:s26] =	ssyncadd.s32 $0xFFFFC000  }
0xa7: {  	_ =	swait.ge [sflag:s28], $0x4000  }
0xa8: {  	[sflag:s28] =	ssyncset.done $0x0  }
0xa9: {  	s21 =	simm.s32 $0x14380;
	[sflag:s28] =	ssyncadd.s32 $0xFFFFC000  }
0xaa: {  	[tilespmem:s6], [sflag:$0x2] =	stream.indirect.gather [hbm4b:s1+s30], $0x80, s21, s30, $0xb8;
	[tilespmem:$0x1FC00] =	vst v63  }
0xab: {  	s4 =	simm.s32 $0x14B00  }
0xac: {  	[spmem:s2] =	stream.indirect.scatter.add.f32 [tilespmem:s31], [sflag:$0x3], $0x80, s4, s30, $0xb8;
	[tilespmem:$0x1FC00] =	vst v63  }
0xad: {  	_ =	swait.ge [sflag:s26], $0x4000  }
0xae: {  	[sflag:s26] =	ssyncset.done $0x0  }
0xaf: {  	[sflag:s26] =	ssyncadd.s32 $0xFFFFC000  }
0xb0: {  	_ =	swait.ge [sflag:s7], $0x4000  }
0xb1: {  	[sflag:s7] =	ssyncset.done $0x0  }
0xb2: {  	[sflag:s7] =	ssyncadd.s32 $0xFFFFC000  }
0xb3: {  	[tilespmem:s31], [sflag:$0x1] =	stream.indirect.gather [hbm4b:s1+s30], $0x80, s21, s30, $0xb8;
	[tilespmem:$0x1FC00] =	vst v63  }
0xb4: {  	s8 =	simm.s32 $0x14B80  }
0xb5: {  	[spmem:s2] =	stream.indirect.scatter.add.f32 [tilespmem:s6], [sflag:$0x3], $0x80, s8, s30, $0xb8;
	[tilespmem:$0x1FC00] =	vst v63  }
0xb6: {  	_ =	swait.ge [sflag:s26], $0x4000  }
0xb7: {  	[sflag:s26] =	ssyncset.done $0x0  }
0xb8: {  	[sflag:s26] =	ssyncadd.s32 $0xFFFFC000  }
0xb9: {  	_ =	swait.ge [sflag:s28], $0x4000  }
0xba: {  	[sflag:s28] =	ssyncset.done $0x0  }
0xbb: {  	s9 =	rddreg [dreg:$0x6];
	[sflag:s28] =	ssyncadd.s32 $0xFFFFC000  }
0xbc: {  	[tilespmem:s20], [sflag:$0x3] =	stream.linear.gather [hbm4b:s9+s15], $0x800, $0x38;
	[tilespmem:$0x1FC00] =	vst v63  }
0xbd: {  	_ =	swait.ge [sflag:s26], $0x800  }
0xbe: {  	[sflag:s26] =	ssyncset.done $0x0  }
0xbf: {  	s10 =	rddreg [dreg:$0x7];
	[sflag:s26] =	ssyncadd.s32 $0xFFFFF800  }
0xc0: {  	[tilespmem:s22], [sflag:$0x3] =	stream.linear.gather [hbm4b:s10+s15], $0x800, $0x38;
	[tilespmem:$0x1FC00] =	vst v63  }
0xc1: {  	_ =	swait.ge [sflag:s26], $0x800  }
0xc2: {  	[sflag:s26] =	ssyncset.done $0x0  }
0xc3: {  	[sflag:s26] =	ssyncadd.s32 $0xFFFFF800  }
0xc4: {  	[tilespmem:s31], [sflag:$0x1] =	stream.indirect.gather [hbm4b:s1+s30], $0x80, s20, s30, $0xb8;
	[tilespmem:$0x1FC00] =	vst v63  }
0xc5: {  	_ =	swait.ge [sflag:s28], $0x4000  }
0xc6: {  	[sflag:s28] =	ssyncset.done $0x0  }
0xc7: {  	s8 =	simm.s32 $0x13C80;
	[sflag:s28] =	ssyncadd.s32 $0xFFFFC000  }
0xc8: {  	[tilespmem:s6], [sflag:$0x2] =	stream.indirect.gather [hbm4b:s1+s30], $0x80, s8, s30, $0xb8;
	[tilespmem:$0x1FC00] =	vst v63  }
0xc9: {  	_ = 	snop  }
0xca: {  	[spmem:s2] =	stream.indirect.scatter.add.f32 [tilespmem:s31], [sflag:$0x3], $0x80, s22, s30, $0xb8;
	[tilespmem:$0x1FC00] =	vst v63  }
0xcb: {  	_ =	swait.ge [sflag:s26], $0x4000  }
0xcc: {  	[sflag:s26] =	ssyncset.done $0x0  }
0xcd: {  	[sflag:s26] =	ssyncadd.s32 $0xFFFFC000  }
0xce: {  	_ =	swait.ge [sflag:s7], $0x4000  }
0xcf: {  	[sflag:s7] =	ssyncset.done $0x0  }
0xd0: {  	s9 =	simm.s32 $0x13D00;
	[sflag:s7] =	ssyncadd.s32 $0xFFFFC000  }
0xd1: {  	[tilespmem:s31], [sflag:$0x1] =	stream.indirect.gather [hbm4b:s1+s30], $0x80, s9, s30, $0xb8;
	[tilespmem:$0x1FC00] =	vst v63  }
0xd2: {  	s10 =	simm.s32 $0x14480  }
0xd3: {  	[spmem:s2] =	stream.indirect.scatter.add.f32 [tilespmem:s6], [sflag:$0x3], $0x80, s10, s30, $0xb8;
	[tilespmem:$0x1FC00] =	vst v63  }
0xd4: {  	_ =	swait.ge [sflag:s26], $0x4000  }
0xd5: {  	[sflag:s26] =	ssyncset.done $0x0  }
0xd6: {  	[sflag:s26] =	ssyncadd.s32 $0xFFFFC000  }
0xd7: {  	_ =	swait.ge [sflag:s28], $0x4000  }
0xd8: {  	[sflag:s28] =	ssyncset.done $0x0  }
0xd9: {  	s0 =	simm.s32 $0x13D80;
	[sflag:s28] =	ssyncadd.s32 $0xFFFFC000  }
0xda: {  	[tilespmem:s6], [sflag:$0x2] =	stream.indirect.gather [hbm4b:s1+s30], $0x80, s0, s30, $0xb8;
	[tilespmem:$0x1FC00] =	vst v63  }
0xdb: {  	s16 =	simm.s32 $0x14500  }
0xdc: {  	[spmem:s2] =	stream.indirect.scatter.add.f32 [tilespmem:s31], [sflag:$0x3], $0x80, s16, s30, $0xb8;
	[tilespmem:$0x1FC00] =	vst v63  }
0xdd: {  	_ =	swait.ge [sflag:s26], $0x4000  }
0xde: {  	[sflag:s26] =	ssyncset.done $0x0  }
0xdf: {  	[sflag:s26] =	ssyncadd.s32 $0xFFFFC000  }
0xe0: {  	_ =	swait.ge [sflag:s7], $0x4000  }
0xe1: {  	[sflag:s7] =	ssyncset.done $0x0  }
0xe2: {  	s16 =	simm.s32 $0x13E00;
	[sflag:s7] =	ssyncadd.s32 $0xFFFFC000  }
0xe3: {  	[tilespmem:s31], [sflag:$0x1] =	stream.indirect.gather [hbm4b:s1+s30], $0x80, s16, s30, $0xb8;
	[tilespmem:$0x1FC00] =	vst v63  }
0xe4: {  	s13 =	simm.s32 $0x14580  }
0xe5: {  	[spmem:s2] =	stream.indirect.scatter.add.f32 [tilespmem:s6], [sflag:$0x3], $0x80, s13, s30, $0xb8;
	[tilespmem:$0x1FC00] =	vst v63  }
0xe6: {  	_ =	swait.ge [sflag:s26], $0x4000  }
0xe7: {  	[sflag:s26] =	ssyncset.done $0x0  }
0xe8: {  	[sflag:s26] =	ssyncadd.s32 $0xFFFFC000  }
0xe9: {  	_ =	swait.ge [sflag:s28], $0x4000  }
0xea: {  	[sflag:s28] =	ssyncset.done $0x0  }
0xeb: {  	s17 =	simm.s32 $0x13E80;
	[sflag:s28] =	ssyncadd.s32 $0xFFFFC000  }
0xec: {  	[tilespmem:s6], [sflag:$0x2] =	stream.indirect.gather [hbm4b:s1+s30], $0x80, s17, s30, $0xb8;
	[tilespmem:$0x1FC00] =	vst v63  }
0xed: {  	s23 =	simm.s32 $0x14600  }
0xee: {  	[spmem:s2] =	stream.indirect.scatter.add.f32 [tilespmem:s31], [sflag:$0x3], $0x80, s23, s30, $0xb8;
	[tilespmem:$0x1FC00] =	vst v63  }
0xef: {  	_ =	swait.ge [sflag:s26], $0x4000  }
0xf0: {  	[sflag:s26] =	ssyncset.done $0x0  }
0xf1: {  	[sflag:s26] =	ssyncadd.s32 $0xFFFFC000  }
0xf2: {  	_ =	swait.ge [sflag:s7], $0x4000  }
0xf3: {  	[sflag:s7] =	ssyncset.done $0x0  }
0xf4: {  	s23 =	simm.s32 $0x13F00;
	[sflag:s7] =	ssyncadd.s32 $0xFFFFC000  }
0xf5: {  	[tilespmem:s31], [sflag:$0x1] =	stream.indirect.gather [hbm4b:s1+s30], $0x80, s23, s30, $0xb8;
	[tilespmem:$0x1FC00] =	vst v63  }
0xf6: {  	s19 =	simm.s32 $0x14680  }
0xf7: {  	[spmem:s2] =	stream.indirect.scatter.add.f32 [tilespmem:s6], [sflag:$0x3], $0x80, s19, s30, $0xb8;
	[tilespmem:$0x1FC00] =	vst v63  }
0xf8: {  	_ =	swait.ge [sflag:s26], $0x4000  }
0xf9: {  	[sflag:s26] =	ssyncset.done $0x0  }
0xfa: {  	[sflag:s26] =	ssyncadd.s32 $0xFFFFC000  }
0xfb: {  	_ =	swait.ge [sflag:s28], $0x4000  }
0xfc: {  	[sflag:s28] =	ssyncset.done $0x0  }
0xfd: {  	s4 =	simm.s32 $0x13F80;
	[sflag:s28] =	ssyncadd.s32 $0xFFFFC000  }
0xfe: {  	[tilespmem:s6], [sflag:$0x2] =	stream.indirect.gather [hbm4b:s1+s30], $0x80, s4, s30, $0xb8;
	[tilespmem:$0x1FC00] =	vst v63  }
0xff: {  	s3 =	simm.s32 $0x14700  }
0x100: {  	[spmem:s2] =	stream.indirect.scatter.add.f32 [tilespmem:s31], [sflag:$0x3], $0x80, s3, s30, $0xb8;
	[tilespmem:$0x1FC00] =	vst v63  }
0x101: {  	_ =	swait.ge [sflag:s26], $0x4000  }
0x102: {  	[sflag:s26] =	ssyncset.done $0x0  }
0x103: {  	[sflag:s26] =	ssyncadd.s32 $0xFFFFC000  }
0x104: {  	_ =	swait.ge [sflag:s7], $0x4000  }
0x105: {  	[sflag:s7] =	ssyncset.done $0x0  }
0x106: {  	s12 =	simm.s32 $0x14000;
	[sflag:s7] =	ssyncadd.s32 $0xFFFFC000  }
0x107: {  	[tilespmem:s31], [sflag:$0x1] =	stream.indirect.gather [hbm4b:s1+s30], $0x80, s12, s30, $0xb8;
	[tilespmem:$0x1FC00] =	vst v63  }
0x108: {  	s0 =	simm.s32 $0x14780  }
0x109: {  	[spmem:s2] =	stream.indirect.scatter.add.f32 [tilespmem:s6], [sflag:$0x3], $0x80, s0, s30, $0xb8;
	[tilespmem:$0x1FC00] =	vst v63  }
0x10a: {  	_ =	swait.ge [sflag:s26], $0x4000  }
0x10b: {  	[sflag:s26] =	ssyncset.done $0x0  }
0x10c: {  	[sflag:s26] =	ssyncadd.s32 $0xFFFFC000  }
0x10d: {  	_ =	swait.ge [sflag:s28], $0x4000  }
0x10e: {  	[sflag:s28] =	ssyncset.done $0x0  }
0x10f: {  	s12 =	simm.s32 $0x14080;
	[sflag:s28] =	ssyncadd.s32 $0xFFFFC000  }
0x110: {  	[tilespmem:s6], [sflag:$0x2] =	stream.indirect.gather [hbm4b:s1+s30], $0x80, s12, s30, $0xb8;
	[tilespmem:$0x1FC00] =	vst v63  }
0x111: {  	s13 =	simm.s32 $0x14800  }
0x112: {  	[spmem:s2] =	stream.indirect.scatter.add.f32 [tilespmem:s31], [sflag:$0x3], $0x80, s13, s30, $0xb8;
	[tilespmem:$0x1FC00] =	vst v63  }
0x113: {  	_ =	swait.ge [sflag:s26], $0x4000  }
0x114: {  	[sflag:s26] =	ssyncset.done $0x0  }
0x115: {  	[sflag:s26] =	ssyncadd.s32 $0xFFFFC000  }
0x116: {  	_ =	swait.ge [sflag:s7], $0x4000  }
0x117: {  	[sflag:s7] =	ssyncset.done $0x0  }
0x118: {  	s14 =	simm.s32 $0x14100;
	[sflag:s7] =	ssyncadd.s32 $0xFFFFC000  }
0x119: {  	[tilespmem:s31], [sflag:$0x1] =	stream.indirect.gather [hbm4b:s1+s30], $0x80, s14, s30, $0xb8;
	[tilespmem:$0x1FC00] =	vst v63  }
0x11a: {  	s14 =	simm.s32 $0x14880  }
0x11b: {  	[spmem:s2] =	stream.indirect.scatter.add.f32 [tilespmem:s6], [sflag:$0x3], $0x80, s14, s30, $0xb8;
	[tilespmem:$0x1FC00] =	vst v63  }
0x11c: {  	_ =	swait.ge [sflag:s26], $0x4000  }
0x11d: {  	[sflag:s26] =	ssyncset.done $0x0  }
0x11e: {  	[sflag:s26] =	ssyncadd.s32 $0xFFFFC000  }
0x11f: {  	_ =	swait.ge [sflag:s28], $0x4000  }
0x120: {  	[sflag:s28] =	ssyncset.done $0x0  }
0x121: {  	s5 =	simm.s32 $0x14180;
	[sflag:s28] =	ssyncadd.s32 $0xFFFFC000  }
0x122: {  	[tilespmem:s6], [sflag:$0x2] =	stream.indirect.gather [hbm4b:s1+s30], $0x80, s5, s30, $0xb8;
	[tilespmem:$0x1FC00] =	vst v63  }
0x123: {  	s11 =	simm.s32 $0x14900  }
0x124: {  	[spmem:s2] =	stream.indirect.scatter.add.f32 [tilespmem:s31], [sflag:$0x3], $0x80, s11, s30, $0xb8;
	[tilespmem:$0x1FC00] =	vst v63  }
0x125: {  	_ =	swait.ge [sflag:s26], $0x4000  }
0x126: {  	[sflag:s26] =	ssyncset.done $0x0  }
0x127: {  	[sflag:s26] =	ssyncadd.s32 $0xFFFFC000  }
0x128: {  	_ =	swait.ge [sflag:s7], $0x4000  }
0x129: {  	[sflag:s7] =	ssyncset.done $0x0  }
0x12a: {  	s11 =	simm.s32 $0x14200;
	[sflag:s7] =	ssyncadd.s32 $0xFFFFC000  }
0x12b: {  	[tilespmem:s31], [sflag:$0x1] =	stream.indirect.gather [hbm4b:s1+s30], $0x80, s11, s30, $0xb8;
	[tilespmem:$0x1FC00] =	vst v63  }
0x12c: {  	s29 =	simm.s32 $0x14980  }
0x12d: {  	[spmem:s2] =	stream.indirect.scatter.add.f32 [tilespmem:s6], [sflag:$0x3], $0x80, s29, s30, $0xb8;
	[tilespmem:$0x1FC00] =	vst v63  }
0x12e: {  	_ =	swait.ge [sflag:s26], $0x4000  }
0x12f: {  	[sflag:s26] =	ssyncset.done $0x0  }
0x130: {  	[sflag:s26] =	ssyncadd.s32 $0xFFFFC000  }
0x131: {  	_ =	swait.ge [sflag:s28], $0x4000  }
0x132: {  	[sflag:s28] =	ssyncset.done $0x0  }
0x133: {  	s5 =	simm.s32 $0x14280;
	[sflag:s28] =	ssyncadd.s32 $0xFFFFC000  }
0x134: {  	[tilespmem:s6], [sflag:$0x2] =	stream.indirect.gather [hbm4b:s1+s30], $0x80, s5, s30, $0xb8;
	[tilespmem:$0x1FC00] =	vst v63  }
0x135: {  	s5 =	simm.s32 $0x14A00  }
0x136: {  	[spmem:s2] =	stream.indirect.scatter.add.f32 [tilespmem:s31], [sflag:$0x3], $0x80, s5, s30, $0xb8;
	[tilespmem:$0x1FC00] =	vst v63  }
0x137: {  	_ =	swait.ge [sflag:s26], $0x4000  }
0x138: {  	[sflag:s26] =	ssyncset.done $0x0  }
0x139: {  	[sflag:s26] =	ssyncadd.s32 $0xFFFFC000  }
0x13a: {  	_ =	swait.ge [sflag:s7], $0x4000  }
0x13b: {  	[sflag:s7] =	ssyncset.done $0x0  }
0x13c: {  	s5 =	simm.s32 $0x14300;
	[sflag:s7] =	ssyncadd.s32 $0xFFFFC000  }
0x13d: {  	[tilespmem:s31], [sflag:$0x1] =	stream.indirect.gather [hbm4b:s1+s30], $0x80, s5, s30, $0xb8;
	[tilespmem:$0x1FC00] =	vst v63  }
0x13e: {  	s5 =	simm.s32 $0x14A80  }
0x13f: {  	[spmem:s2] =	stream.indirect.scatter.add.f32 [tilespmem:s6], [sflag:$0x3], $0x80, s5, s30, $0xb8;
	[tilespmem:$0x1FC00] =	vst v63  }
0x140: {  	_ =	swait.ge [sflag:s26], $0x4000  }
0x141: {  	[sflag:s26] =	ssyncset.done $0x0  }
0x142: {  	[sflag:s26] =	ssyncadd.s32 $0xFFFFC000  }
0x143: {  	_ =	swait.ge [sflag:s28], $0x4000  }
0x144: {  	[sflag:s28] =	ssyncset.done $0x0  }
0x145: {  	[sflag:s28] =	ssyncadd.s32 $0xFFFFC000  }
0x146: {  	[tilespmem:s6], [sflag:$0x2] =	stream.indirect.gather [hbm4b:s1+s30], $0x80, s21, s30, $0xb8;
	[tilespmem:$0x1FC00] =	vst v63  }
0x147: {  	s25 =	simm.s32 $0x14B00  }
0x148: {  	[spmem:s2] =	stream.indirect.scatter.add.f32 [tilespmem:s31], [sflag:$0x3], $0x80, s25, s30, $0xb8;
	[tilespmem:$0x1FC00] =	vst v63  }
0x149: {  	_ =	swait.ge [sflag:s26], $0x4000  }
0x14a: {  	[sflag:s26] =	ssyncset.done $0x0  }
0x14b: {  	[sflag:s26] =	ssyncadd.s32 $0xFFFFC000  }
0x14c: {  	_ =	swait.ge [sflag:s7], $0x4000  }
0x14d: {  	[sflag:s7] =	ssyncset.done $0x0  }
0x14e: {  	[sflag:s7] =	ssyncadd.s32 $0xFFFFC000  }
0x14f: {  	[tilespmem:s31], [sflag:$0x1] =	stream.indirect.gather [hbm4b:s1+s30], $0x80, s21, s30, $0xb8;
	[tilespmem:$0x1FC00] =	vst v63  }
0x150: {  	s24 =	simm.s32 $0x14B80  }
0x151: {  	[spmem:s2] =	stream.indirect.scatter.add.f32 [tilespmem:s6], [sflag:$0x3], $0x80, s24, s30, $0xb8;
	[tilespmem:$0x1FC00] =	vst v63  }
0x152: {  	_ =	swait.ge [sflag:s26], $0x4000  }
0x153: {  	[sflag:s26] =	ssyncset.done $0x0  }
0x154: {  	[sflag:s26] =	ssyncadd.s32 $0xFFFFC000  }
0x155: {  	_ =	swait.ge [sflag:s28], $0x4000  }
0x156: {  	[sflag:s28] =	ssyncset.done $0x0  }
0x157: {  	s5 =	rddreg [dreg:$0x8];
	[sflag:s28] =	ssyncadd.s32 $0xFFFFC000  }
0x158: {  	[tilespmem:s20], [sflag:$0x3] =	stream.linear.gather [hbm4b:s5+s15], $0x800, $0x38;
	[tilespmem:$0x1FC00] =	vst v63  }
0x159: {  	_ =	swait.ge [sflag:s26], $0x800  }
0x15a: {  	[sflag:s26] =	ssyncset.done $0x0  }
0x15b: {  	s5 =	rddreg [dreg:$0x9];
	[sflag:s26] =	ssyncadd.s32 $0xFFFFF800  }
0x15c: {  	[tilespmem:s22], [sflag:$0x3] =	stream.linear.gather [hbm4b:s5+s15], $0x800, $0x38;
	[tilespmem:$0x1FC00] =	vst v63  }
0x15d: {  	_ =	swait.ge [sflag:s26], $0x800  }
0x15e: {  	[sflag:s26] =	ssyncset.done $0x0  }
0x15f: {  	[sflag:s26] =	ssyncadd.s32 $0xFFFFF800  }
0x160: {  	[tilespmem:s31], [sflag:$0x1] =	stream.indirect.gather [hbm4b:s1+s30], $0x80, s20, s30, $0xb8;
	[tilespmem:$0x1FC00] =	vst v63  }
0x161: {  	_ =	swait.ge [sflag:s28], $0x4000  }
0x162: {  	[sflag:s28] =	ssyncset.done $0x0  }
0x163: {  	[sflag:s28] =	ssyncadd.s32 $0xFFFFC000  }
0x164: {  	[tilespmem:s6], [sflag:$0x2] =	stream.indirect.gather [hbm4b:s1+s30], $0x80, s8, s30, $0xb8;
	[tilespmem:$0x1FC00] =	vst v63  }
0x165: {  	_ = 	snop  }
0x166: {  	[spmem:s2] =	stream.indirect.scatter.add.f32 [tilespmem:s31], [sflag:$0x3], $0x80, s22, s30, $0xb8;
	[tilespmem:$0x1FC00] =	vst v63  }
0x167: {  	_ =	swait.ge [sflag:s26], $0x4000  }
0x168: {  	[sflag:s26] =	ssyncset.done $0x0  }
0x169: {  	[sflag:s26] =	ssyncadd.s32 $0xFFFFC000  }
0x16a: {  	_ =	swait.ge [sflag:s7], $0x4000  }
0x16b: {  	[sflag:s7] =	ssyncset.done $0x0  }
0x16c: {  	[sflag:s7] =	ssyncadd.s32 $0xFFFFC000  }
0x16d: {  	[tilespmem:s31], [sflag:$0x1] =	stream.indirect.gather [hbm4b:s1+s30], $0x80, s9, s30, $0xb8;
	[tilespmem:$0x1FC00] =	vst v63  }
0x16e: {  	_ = 	snop  }
0x16f: {  	[spmem:s2] =	stream.indirect.scatter.add.f32 [tilespmem:s6], [sflag:$0x3], $0x80, s10, s30, $0xb8;
	[tilespmem:$0x1FC00] =	vst v63  }
0x170: {  	_ =	swait.ge [sflag:s26], $0x4000  }
0x171: {  	[sflag:s26] =	ssyncset.done $0x0  }
0x172: {  	[sflag:s26] =	ssyncadd.s32 $0xFFFFC000  }
0x173: {  	_ =	swait.ge [sflag:s28], $0x4000  }
0x174: {  	[sflag:s28] =	ssyncset.done $0x0  }
0x175: {  	s9 =	simm.s32 $0x13D80;
	[sflag:s28] =	ssyncadd.s32 $0xFFFFC000  }
0x176: {  	[tilespmem:s6], [sflag:$0x2] =	stream.indirect.gather [hbm4b:s1+s30], $0x80, s9, s30, $0xb8;
	[tilespmem:$0x1FC00] =	vst v63  }
0x177: {  	s10 =	simm.s32 $0x14500  }
0x178: {  	[spmem:s2] =	stream.indirect.scatter.add.f32 [tilespmem:s31], [sflag:$0x3], $0x80, s10, s30, $0xb8;
	[tilespmem:$0x1FC00] =	vst v63  }
0x179: {  	_ =	swait.ge [sflag:s26], $0x4000  }
0x17a: {  	[sflag:s26] =	ssyncset.done $0x0  }
0x17b: {  	[sflag:s26] =	ssyncadd.s32 $0xFFFFC000  }
0x17c: {  	_ =	swait.ge [sflag:s7], $0x4000  }
0x17d: {  	[sflag:s7] =	ssyncset.done $0x0  }
0x17e: {  	[sflag:s7] =	ssyncadd.s32 $0xFFFFC000  }
0x17f: {  	[tilespmem:s31], [sflag:$0x1] =	stream.indirect.gather [hbm4b:s1+s30], $0x80, s16, s30, $0xb8;
	[tilespmem:$0x1FC00] =	vst v63  }
0x180: {  	s9 =	simm.s32 $0x14580  }
0x181: {  	[spmem:s2] =	stream.indirect.scatter.add.f32 [tilespmem:s6], [sflag:$0x3], $0x80, s9, s30, $0xb8;
	[tilespmem:$0x1FC00] =	vst v63  }
0x182: {  	_ =	swait.ge [sflag:s26], $0x4000  }
0x183: {  	[sflag:s26] =	ssyncset.done $0x0  }
0x184: {  	[sflag:s26] =	ssyncadd.s32 $0xFFFFC000  }
0x185: {  	_ =	swait.ge [sflag:s28], $0x4000  }
0x186: {  	[sflag:s28] =	ssyncset.done $0x0  }
0x187: {  	[sflag:s28] =	ssyncadd.s32 $0xFFFFC000  }
0x188: {  	[tilespmem:s6], [sflag:$0x2] =	stream.indirect.gather [hbm4b:s1+s30], $0x80, s17, s30, $0xb8;
	[tilespmem:$0x1FC00] =	vst v63  }
0x189: {  	s16 =	simm.s32 $0x14600  }
0x18a: {  	[spmem:s2] =	stream.indirect.scatter.add.f32 [tilespmem:s31], [sflag:$0x3], $0x80, s16, s30, $0xb8;
	[tilespmem:$0x1FC00] =	vst v63  }
0x18b: {  	_ =	swait.ge [sflag:s26], $0x4000  }
0x18c: {  	[sflag:s26] =	ssyncset.done $0x0  }
0x18d: {  	[sflag:s26] =	ssyncadd.s32 $0xFFFFC000  }
0x18e: {  	_ =	swait.ge [sflag:s7], $0x4000  }
0x18f: {  	[sflag:s7] =	ssyncset.done $0x0  }
0x190: {  	[sflag:s7] =	ssyncadd.s32 $0xFFFFC000  }
0x191: {  	[tilespmem:s31], [sflag:$0x1] =	stream.indirect.gather [hbm4b:s1+s30], $0x80, s23, s30, $0xb8;
	[tilespmem:$0x1FC00] =	vst v63  }
0x192: {  	_ = 	snop  }
0x193: {  	[spmem:s2] =	stream.indirect.scatter.add.f32 [tilespmem:s6], [sflag:$0x3], $0x80, s19, s30, $0xb8;
	[tilespmem:$0x1FC00] =	vst v63  }
0x194: {  	_ =	swait.ge [sflag:s26], $0x4000  }
0x195: {  	[sflag:s26] =	ssyncset.done $0x0  }
0x196: {  	[sflag:s26] =	ssyncadd.s32 $0xFFFFC000  }
0x197: {  	_ =	swait.ge [sflag:s28], $0x4000  }
0x198: {  	[sflag:s28] =	ssyncset.done $0x0  }
0x199: {  	[sflag:s28] =	ssyncadd.s32 $0xFFFFC000  }
0x19a: {  	[tilespmem:s6], [sflag:$0x2] =	stream.indirect.gather [hbm4b:s1+s30], $0x80, s4, s30, $0xb8;
	[tilespmem:$0x1FC00] =	vst v63  }
0x19b: {  	_ = 	snop  }
0x19c: {  	[spmem:s2] =	stream.indirect.scatter.add.f32 [tilespmem:s31], [sflag:$0x3], $0x80, s3, s30, $0xb8;
	[tilespmem:$0x1FC00] =	vst v63  }
0x19d: {  	_ =	swait.ge [sflag:s26], $0x4000  }
0x19e: {  	[sflag:s26] =	ssyncset.done $0x0  }
0x19f: {  	[sflag:s26] =	ssyncadd.s32 $0xFFFFC000  }
0x1a0: {  	_ =	swait.ge [sflag:s7], $0x4000  }
0x1a1: {  	[sflag:s7] =	ssyncset.done $0x0  }
0x1a2: {  	s4 =	simm.s32 $0x14000;
	[sflag:s7] =	ssyncadd.s32 $0xFFFFC000  }
0x1a3: {  	[tilespmem:s31], [sflag:$0x1] =	stream.indirect.gather [hbm4b:s1+s30], $0x80, s4, s30, $0xb8;
	[tilespmem:$0x1FC00] =	vst v63  }
0x1a4: {  	_ = 	snop  }
0x1a5: {  	[spmem:s2] =	stream.indirect.scatter.add.f32 [tilespmem:s6], [sflag:$0x3], $0x80, s0, s30, $0xb8;
	[tilespmem:$0x1FC00] =	vst v63  }
0x1a6: {  	_ =	swait.ge [sflag:s26], $0x4000  }
0x1a7: {  	[sflag:s26] =	ssyncset.done $0x0  }
0x1a8: {  	[sflag:s26] =	ssyncadd.s32 $0xFFFFC000  }
0x1a9: {  	_ =	swait.ge [sflag:s28], $0x4000  }
0x1aa: {  	[sflag:s28] =	ssyncset.done $0x0  }
0x1ab: {  	[sflag:s28] =	ssyncadd.s32 $0xFFFFC000  }
0x1ac: {  	[tilespmem:s6], [sflag:$0x2] =	stream.indirect.gather [hbm4b:s1+s30], $0x80, s12, s30, $0xb8;
	[tilespmem:$0x1FC00] =	vst v63  }
0x1ad: {  	_ = 	snop  }
0x1ae: {  	[spmem:s2] =	stream.indirect.scatter.add.f32 [tilespmem:s31], [sflag:$0x3], $0x80, s13, s30, $0xb8;
	[tilespmem:$0x1FC00] =	vst v63  }
0x1af: {  	_ =	swait.ge [sflag:s26], $0x4000  }
0x1b0: {  	[sflag:s26] =	ssyncset.done $0x0  }
0x1b1: {  	[sflag:s26] =	ssyncadd.s32 $0xFFFFC000  }
0x1b2: {  	_ =	swait.ge [sflag:s7], $0x4000  }
0x1b3: {  	[sflag:s7] =	ssyncset.done $0x0  }
0x1b4: {  	s5 =	simm.s32 $0x14100;
	[sflag:s7] =	ssyncadd.s32 $0xFFFFC000  }
0x1b5: {  	[tilespmem:s31], [sflag:$0x1] =	stream.indirect.gather [hbm4b:s1+s30], $0x80, s5, s30, $0xb8;
	[tilespmem:$0x1FC00] =	vst v63  }
0x1b6: {  	_ = 	snop  }
0x1b7: {  	[spmem:s2] =	stream.indirect.scatter.add.f32 [tilespmem:s6], [sflag:$0x3], $0x80, s14, s30, $0xb8;
	[tilespmem:$0x1FC00] =	vst v63  }
0x1b8: {  	_ =	swait.ge [sflag:s26], $0x4000  }
0x1b9: {  	[sflag:s26] =	ssyncset.done $0x0  }
0x1ba: {  	[sflag:s26] =	ssyncadd.s32 $0xFFFFC000  }
0x1bb: {  	_ =	swait.ge [sflag:s28], $0x4000  }
0x1bc: {  	[sflag:s28] =	ssyncset.done $0x0  }
0x1bd: {  	s16 =	simm.s32 $0x14180;
	[sflag:s28] =	ssyncadd.s32 $0xFFFFC000  }
0x1be: {  	[tilespmem:s6], [sflag:$0x2] =	stream.indirect.gather [hbm4b:s1+s30], $0x80, s16, s30, $0xb8;
	[tilespmem:$0x1FC00] =	vst v63  }
0x1bf: {  	s5 =	simm.s32 $0x14900  }
0x1c0: {  	[spmem:s2] =	stream.indirect.scatter.add.f32 [tilespmem:s31], [sflag:$0x3], $0x80, s5, s30, $0xb8;
	[tilespmem:$0x1FC00] =	vst v63  }
0x1c1: {  	_ =	swait.ge [sflag:s26], $0x4000  }
0x1c2: {  	[sflag:s26] =	ssyncset.done $0x0  }
0x1c3: {  	[sflag:s26] =	ssyncadd.s32 $0xFFFFC000  }
0x1c4: {  	_ =	swait.ge [sflag:s7], $0x4000  }
0x1c5: {  	[sflag:s7] =	ssyncset.done $0x0  }
0x1c6: {  	s11 =	simm.s32 $0x14200;
	[sflag:s7] =	ssyncadd.s32 $0xFFFFC000  }
0x1c7: {  	[tilespmem:s31], [sflag:$0x1] =	stream.indirect.gather [hbm4b:s1+s30], $0x80, s11, s30, $0xb8;
	[tilespmem:$0x1FC00] =	vst v63  }
0x1c8: {  	s11 =	simm.s32 $0x14980  }
0x1c9: {  	[spmem:s2] =	stream.indirect.scatter.add.f32 [tilespmem:s6], [sflag:$0x3], $0x80, s11, s30, $0xb8;
	[tilespmem:$0x1FC00] =	vst v63  }
0x1ca: {  	_ =	swait.ge [sflag:s26], $0x4000  }
0x1cb: {  	[sflag:s26] =	ssyncset.done $0x0  }
0x1cc: {  	[sflag:s26] =	ssyncadd.s32 $0xFFFFC000  }
0x1cd: {  	_ =	swait.ge [sflag:s28], $0x4000  }
0x1ce: {  	[sflag:s28] =	ssyncset.done $0x0  }
0x1cf: {  	s29 =	simm.s32 $0x14280;
	[sflag:s28] =	ssyncadd.s32 $0xFFFFC000  }
0x1d0: {  	[tilespmem:s6], [sflag:$0x2] =	stream.indirect.gather [hbm4b:s1+s30], $0x80, s29, s30, $0xb8;
	[tilespmem:$0x1FC00] =	vst v63  }
0x1d1: {  	s5 =	simm.s32 $0x14A00  }
0x1d2: {  	[spmem:s2] =	stream.indirect.scatter.add.f32 [tilespmem:s31], [sflag:$0x3], $0x80, s5, s30, $0xb8;
	[tilespmem:$0x1FC00] =	vst v63  }
0x1d3: {  	_ =	swait.ge [sflag:s26], $0x4000  }
0x1d4: {  	[sflag:s26] =	ssyncset.done $0x0  }
0x1d5: {  	[sflag:s26] =	ssyncadd.s32 $0xFFFFC000  }
0x1d6: {  	_ =	swait.ge [sflag:s7], $0x4000  }
0x1d7: {  	[sflag:s7] =	ssyncset.done $0x0  }
0x1d8: {  	s5 =	simm.s32 $0x14300;
	[sflag:s7] =	ssyncadd.s32 $0xFFFFC000  }
0x1d9: {  	[tilespmem:s31], [sflag:$0x1] =	stream.indirect.gather [hbm4b:s1+s30], $0x80, s5, s30, $0xb8;
	[tilespmem:$0x1FC00] =	vst v63  }
0x1da: {  	s5 =	simm.s32 $0x14A80  }
0x1db: {  	[spmem:s2] =	stream.indirect.scatter.add.f32 [tilespmem:s6], [sflag:$0x3], $0x80, s5, s30, $0xb8;
	[tilespmem:$0x1FC00] =	vst v63  }
0x1dc: {  	_ =	swait.ge [sflag:s26], $0x4000  }
0x1dd: {  	[sflag:s26] =	ssyncset.done $0x0  }
0x1de: {  	[sflag:s26] =	ssyncadd.s32 $0xFFFFC000  }
0x1df: {  	_ =	swait.ge [sflag:s28], $0x4000  }
0x1e0: {  	[sflag:s28] =	ssyncset.done $0x0  }
0x1e1: {  	[sflag:s28] =	ssyncadd.s32 $0xFFFFC000  }
0x1e2: {  	[tilespmem:s6], [sflag:$0x2] =	stream.indirect.gather [hbm4b:s1+s30], $0x80, s21, s30, $0xb8;
	[tilespmem:$0x1FC00] =	vst v63  }
0x1e3: {  	s25 =	simm.s32 $0x14B00  }
0x1e4: {  	[spmem:s2] =	stream.indirect.scatter.add.f32 [tilespmem:s31], [sflag:$0x3], $0x80, s25, s30, $0xb8;
	[tilespmem:$0x1FC00] =	vst v63  }
0x1e5: {  	_ =	swait.ge [sflag:s26], $0x4000  }
0x1e6: {  	[sflag:s26] =	ssyncset.done $0x0  }
0x1e7: {  	[sflag:s26] =	ssyncadd.s32 $0xFFFFC000  }
0x1e8: {  	_ =	swait.ge [sflag:s7], $0x4000  }
0x1e9: {  	[sflag:s7] =	ssyncset.done $0x0  }
0x1ea: {  	[sflag:s7] =	ssyncadd.s32 $0xFFFFC000  }
0x1eb: {  	[tilespmem:s31], [sflag:$0x1] =	stream.indirect.gather [hbm4b:s1+s30], $0x80, s21, s30, $0xb8;
	[tilespmem:$0x1FC00] =	vst v63  }
0x1ec: {  	s24 =	simm.s32 $0x14B80  }
0x1ed: {  	[spmem:s2] =	stream.indirect.scatter.add.f32 [tilespmem:s6], [sflag:$0x3], $0x80, s24, s30, $0xb8;
	[tilespmem:$0x1FC00] =	vst v63  }
0x1ee: {  	_ =	swait.ge [sflag:s26], $0x4000  }
0x1ef: {  	[sflag:s26] =	ssyncset.done $0x0  }
0x1f0: {  	[sflag:s26] =	ssyncadd.s32 $0xFFFFC000  }
0x1f1: {  	_ =	swait.ge [sflag:s28], $0x4000  }
0x1f2: {  	[sflag:s28] =	ssyncset.done $0x0  }
0x1f3: {  	s5 =	rddreg [dreg:$0xa];
	[sflag:s28] =	ssyncadd.s32 $0xFFFFC000  }
0x1f4: {  	[tilespmem:s20], [sflag:$0x3] =	stream.linear.gather [hbm4b:s5+s15], $0x800, $0x38;
	[tilespmem:$0x1FC00] =	vst v63  }
0x1f5: {  	_ =	swait.ge [sflag:s26], $0x800  }
0x1f6: {  	[sflag:s26] =	ssyncset.done $0x0  }
0x1f7: {  	s5 =	rddreg [dreg:$0xb];
	[sflag:s26] =	ssyncadd.s32 $0xFFFFF800  }
0x1f8: {  	[tilespmem:s22], [sflag:$0x3] =	stream.linear.gather [hbm4b:s5+s15], $0x800, $0x38;
	[tilespmem:$0x1FC00] =	vst v63  }
0x1f9: {  	_ =	swait.ge [sflag:s26], $0x800  }
0x1fa: {  	[sflag:s26] =	ssyncset.done $0x0  }
0x1fb: {  	[sflag:s26] =	ssyncadd.s32 $0xFFFFF800  }
0x1fc: {  	[tilespmem:s31], [sflag:$0x1] =	stream.indirect.gather [hbm4b:s1+s30], $0x80, s20, s30, $0xb8;
	[tilespmem:$0x1FC00] =	vst v63  }
0x1fd: {  	_ =	swait.ge [sflag:s28], $0x4000  }
0x1fe: {  	[sflag:s28] =	ssyncset.done $0x0  }
0x1ff: {  	s8 =	simm.s32 $0x13C80;
	[sflag:s28] =	ssyncadd.s32 $0xFFFFC000  }
0x200: {  	[tilespmem:s6], [sflag:$0x2] =	stream.indirect.gather [hbm4b:s1+s30], $0x80, s8, s30, $0xb8;
	[tilespmem:$0x1FC00] =	vst v63  }
0x201: {  	_ = 	snop  }
0x202: {  	[spmem:s2] =	stream.indirect.scatter.add.f32 [tilespmem:s31], [sflag:$0x3], $0x80, s22, s30, $0xb8;
	[tilespmem:$0x1FC00] =	vst v63  }
0x203: {  	_ =	swait.ge [sflag:s26], $0x4000  }
0x204: {  	[sflag:s26] =	ssyncset.done $0x0  }
0x205: {  	[sflag:s26] =	ssyncadd.s32 $0xFFFFC000  }
0x206: {  	_ =	swait.ge [sflag:s7], $0x4000  }
0x207: {  	[sflag:s7] =	ssyncset.done $0x0  }
0x208: {  	s5 =	simm.s32 $0x13D00;
	[sflag:s7] =	ssyncadd.s32 $0xFFFFC000  }
0x209: {  	[tilespmem:s31], [sflag:$0x1] =	stream.indirect.gather [hbm4b:s1+s30], $0x80, s5, s30, $0xb8;
	[tilespmem:$0x1FC00] =	vst v63  }
0x20a: {  	s5 =	simm.s32 $0x14480  }
0x20b: {  	[spmem:s2] =	stream.indirect.scatter.add.f32 [tilespmem:s6], [sflag:$0x3], $0x80, s5, s30, $0xb8;
	[tilespmem:$0x1FC00] =	vst v63  }
0x20c: {  	_ =	swait.ge [sflag:s26], $0x4000  }
0x20d: {  	[sflag:s26] =	ssyncset.done $0x0  }
0x20e: {  	[sflag:s26] =	ssyncadd.s32 $0xFFFFC000  }
0x20f: {  	_ =	swait.ge [sflag:s28], $0x4000  }
0x210: {  	[sflag:s28] =	ssyncset.done $0x0  }
0x211: {  	s5 =	simm.s32 $0x13D80;
	[sflag:s28] =	ssyncadd.s32 $0xFFFFC000  }
0x212: {  	[tilespmem:s6], [sflag:$0x2] =	stream.indirect.gather [hbm4b:s1+s30], $0x80, s5, s30, $0xb8;
	[tilespmem:$0x1FC00] =	vst v63  }
0x213: {  	s5 =	simm.s32 $0x14500  }
0x214: {  	[spmem:s2] =	stream.indirect.scatter.add.f32 [tilespmem:s31], [sflag:$0x3], $0x80, s5, s30, $0xb8;
	[tilespmem:$0x1FC00] =	vst v63  }
0x215: {  	_ =	swait.ge [sflag:s26], $0x4000  }
0x216: {  	[sflag:s26] =	ssyncset.done $0x0  }
0x217: {  	[sflag:s26] =	ssyncadd.s32 $0xFFFFC000  }
0x218: {  	_ =	swait.ge [sflag:s7], $0x4000  }
0x219: {  	[sflag:s7] =	ssyncset.done $0x0  }
0x21a: {  	s10 =	simm.s32 $0x13E00;
	[sflag:s7] =	ssyncadd.s32 $0xFFFFC000  }
0x21b: {  	[tilespmem:s31], [sflag:$0x1] =	stream.indirect.gather [hbm4b:s1+s30], $0x80, s10, s30, $0xb8;
	[tilespmem:$0x1FC00] =	vst v63  }
0x21c: {  	s5 =	simm.s32 $0x14580  }
0x21d: {  	[spmem:s2] =	stream.indirect.scatter.add.f32 [tilespmem:s6], [sflag:$0x3], $0x80, s5, s30, $0xb8;
	[tilespmem:$0x1FC00] =	vst v63  }
0x21e: {  	_ =	swait.ge [sflag:s26], $0x4000  }
0x21f: {  	[sflag:s26] =	ssyncset.done $0x0  }
0x220: {  	[sflag:s26] =	ssyncadd.s32 $0xFFFFC000  }
0x221: {  	_ =	swait.ge [sflag:s28], $0x4000  }
0x222: {  	[sflag:s28] =	ssyncset.done $0x0  }
0x223: {  	s17 =	simm.s32 $0x13E80;
	[sflag:s28] =	ssyncadd.s32 $0xFFFFC000  }
0x224: {  	[tilespmem:s6], [sflag:$0x2] =	stream.indirect.gather [hbm4b:s1+s30], $0x80, s17, s30, $0xb8;
	[tilespmem:$0x1FC00] =	vst v63  }
0x225: {  	s17 =	simm.s32 $0x14600  }
0x226: {  	[spmem:s2] =	stream.indirect.scatter.add.f32 [tilespmem:s31], [sflag:$0x3], $0x80, s17, s30, $0xb8;
	[tilespmem:$0x1FC00] =	vst v63  }
0x227: {  	_ =	swait.ge [sflag:s26], $0x4000  }
0x228: {  	[sflag:s26] =	ssyncset.done $0x0  }
0x229: {  	[sflag:s26] =	ssyncadd.s32 $0xFFFFC000  }
0x22a: {  	_ =	swait.ge [sflag:s7], $0x4000  }
0x22b: {  	[sflag:s7] =	ssyncset.done $0x0  }
0x22c: {  	s23 =	simm.s32 $0x13F00;
	[sflag:s7] =	ssyncadd.s32 $0xFFFFC000  }
0x22d: {  	[tilespmem:s31], [sflag:$0x1] =	stream.indirect.gather [hbm4b:s1+s30], $0x80, s23, s30, $0xb8;
	[tilespmem:$0x1FC00] =	vst v63  }
0x22e: {  	s9 =	simm.s32 $0x14680  }
0x22f: {  	[spmem:s2] =	stream.indirect.scatter.add.f32 [tilespmem:s6], [sflag:$0x3], $0x80, s9, s30, $0xb8;
	[tilespmem:$0x1FC00] =	vst v63  }
0x230: {  	_ =	swait.ge [sflag:s26], $0x4000  }
0x231: {  	[sflag:s26] =	ssyncset.done $0x0  }
0x232: {  	[sflag:s26] =	ssyncadd.s32 $0xFFFFC000  }
0x233: {  	_ =	swait.ge [sflag:s28], $0x4000  }
0x234: {  	[sflag:s28] =	ssyncset.done $0x0  }
0x235: {  	s19 =	simm.s32 $0x13F80;
	[sflag:s28] =	ssyncadd.s32 $0xFFFFC000  }
0x236: {  	[tilespmem:s6], [sflag:$0x2] =	stream.indirect.gather [hbm4b:s1+s30], $0x80, s19, s30, $0xb8;
	[tilespmem:$0x1FC00] =	vst v63  }
0x237: {  	s19 =	simm.s32 $0x14700  }
0x238: {  	[spmem:s2] =	stream.indirect.scatter.add.f32 [tilespmem:s31], [sflag:$0x3], $0x80, s19, s30, $0xb8;
	[tilespmem:$0x1FC00] =	vst v63  }
0x239: {  	_ =	swait.ge [sflag:s26], $0x4000  }
0x23a: {  	[sflag:s26] =	ssyncset.done $0x0  }
0x23b: {  	[sflag:s26] =	ssyncadd.s32 $0xFFFFC000  }
0x23c: {  	_ =	swait.ge [sflag:s7], $0x4000  }
0x23d: {  	[sflag:s7] =	ssyncset.done $0x0  }
0x23e: {  	s19 =	simm.s32 $0x14000;
	[sflag:s7] =	ssyncadd.s32 $0xFFFFC000  }
0x23f: {  	[tilespmem:s31], [sflag:$0x1] =	stream.indirect.gather [hbm4b:s1+s30], $0x80, s19, s30, $0xb8;
	[tilespmem:$0x1FC00] =	vst v63  }
0x240: {  	s4 =	simm.s32 $0x14780  }
0x241: {  	[spmem:s2] =	stream.indirect.scatter.add.f32 [tilespmem:s6], [sflag:$0x3], $0x80, s4, s30, $0xb8;
	[tilespmem:$0x1FC00] =	vst v63  }
0x242: {  	_ =	swait.ge [sflag:s26], $0x4000  }
0x243: {  	[sflag:s26] =	ssyncset.done $0x0  }
0x244: {  	[sflag:s26] =	ssyncadd.s32 $0xFFFFC000  }
0x245: {  	_ =	swait.ge [sflag:s28], $0x4000  }
0x246: {  	[sflag:s28] =	ssyncset.done $0x0  }
0x247: {  	s12 =	simm.s32 $0x14080;
	[sflag:s28] =	ssyncadd.s32 $0xFFFFC000  }
0x248: {  	[tilespmem:s6], [sflag:$0x2] =	stream.indirect.gather [hbm4b:s1+s30], $0x80, s12, s30, $0xb8;
	[tilespmem:$0x1FC00] =	vst v63  }
0x249: {  	s13 =	simm.s32 $0x14800  }
0x24a: {  	[spmem:s2] =	stream.indirect.scatter.add.f32 [tilespmem:s31], [sflag:$0x3], $0x80, s13, s30, $0xb8;
	[tilespmem:$0x1FC00] =	vst v63  }
0x24b: {  	_ =	swait.ge [sflag:s26], $0x4000  }
0x24c: {  	[sflag:s26] =	ssyncset.done $0x0  }
0x24d: {  	[sflag:s26] =	ssyncadd.s32 $0xFFFFC000  }
0x24e: {  	_ =	swait.ge [sflag:s7], $0x4000  }
0x24f: {  	[sflag:s7] =	ssyncset.done $0x0  }
0x250: {  	s3 =	simm.s32 $0x14100;
	[sflag:s7] =	ssyncadd.s32 $0xFFFFC000  }
0x251: {  	[tilespmem:s31], [sflag:$0x1] =	stream.indirect.gather [hbm4b:s1+s30], $0x80, s3, s30, $0xb8;
	[tilespmem:$0x1FC00] =	vst v63  }
0x252: {  	s14 =	simm.s32 $0x14880  }
0x253: {  	[spmem:s2] =	stream.indirect.scatter.add.f32 [tilespmem:s6], [sflag:$0x3], $0x80, s14, s30, $0xb8;
	[tilespmem:$0x1FC00] =	vst v63  }
0x254: {  	_ =	swait.ge [sflag:s26], $0x4000  }
0x255: {  	[sflag:s26] =	ssyncset.done $0x0  }
0x256: {  	[sflag:s26] =	ssyncadd.s32 $0xFFFFC000  }
0x257: {  	_ =	swait.ge [sflag:s28], $0x4000  }
0x258: {  	[sflag:s28] =	ssyncset.done $0x0  }
0x259: {  	s16 =	simm.s32 $0x14180;
	[sflag:s28] =	ssyncadd.s32 $0xFFFFC000  }
0x25a: {  	[tilespmem:s6], [sflag:$0x2] =	stream.indirect.gather [hbm4b:s1+s30], $0x80, s16, s30, $0xb8;
	[tilespmem:$0x1FC00] =	vst v63  }
0x25b: {  	s16 =	simm.s32 $0x14900  }
0x25c: {  	[spmem:s2] =	stream.indirect.scatter.add.f32 [tilespmem:s31], [sflag:$0x3], $0x80, s16, s30, $0xb8;
	[tilespmem:$0x1FC00] =	vst v63  }
0x25d: {  	_ =	swait.ge [sflag:s26], $0x4000  }
0x25e: {  	[sflag:s26] =	ssyncset.done $0x0  }
0x25f: {  	[sflag:s26] =	ssyncadd.s32 $0xFFFFC000  }
0x260: {  	_ =	swait.ge [sflag:s7], $0x4000  }
0x261: {  	[sflag:s7] =	ssyncset.done $0x0  }
0x262: {  	s0 =	simm.s32 $0x14200;
	[sflag:s7] =	ssyncadd.s32 $0xFFFFC000  }
0x263: {  	[tilespmem:s31], [sflag:$0x1] =	stream.indirect.gather [hbm4b:s1+s30], $0x80, s0, s30, $0xb8;
	[tilespmem:$0x1FC00] =	vst v63  }
0x264: {  	s16 =	simm.s32 $0x14980  }
0x265: {  	[spmem:s2] =	stream.indirect.scatter.add.f32 [tilespmem:s6], [sflag:$0x3], $0x80, s16, s30, $0xb8;
	[tilespmem:$0x1FC00] =	vst v63  }
0x266: {  	_ =	swait.ge [sflag:s26], $0x4000  }
0x267: {  	[sflag:s26] =	ssyncset.done $0x0  }
0x268: {  	[sflag:s26] =	ssyncadd.s32 $0xFFFFC000  }
0x269: {  	_ =	swait.ge [sflag:s28], $0x4000  }
0x26a: {  	[sflag:s28] =	ssyncset.done $0x0  }
0x26b: {  	s11 =	simm.s32 $0x14280;
	[sflag:s28] =	ssyncadd.s32 $0xFFFFC000  }
0x26c: {  	[tilespmem:s6], [sflag:$0x2] =	stream.indirect.gather [hbm4b:s1+s30], $0x80, s11, s30, $0xb8;
	[tilespmem:$0x1FC00] =	vst v63  }
0x26d: {  	s16 =	simm.s32 $0x14A00  }
0x26e: {  	[spmem:s2] =	stream.indirect.scatter.add.f32 [tilespmem:s31], [sflag:$0x3], $0x80, s16, s30, $0xb8;
	[tilespmem:$0x1FC00] =	vst v63  }
0x26f: {  	_ =	swait.ge [sflag:s26], $0x4000  }
0x270: {  	[sflag:s26] =	ssyncset.done $0x0  }
0x271: {  	[sflag:s26] =	ssyncadd.s32 $0xFFFFC000  }
0x272: {  	_ =	swait.ge [sflag:s7], $0x4000  }
0x273: {  	[sflag:s7] =	ssyncset.done $0x0  }
0x274: {  	s29 =	simm.s32 $0x14300;
	[sflag:s7] =	ssyncadd.s32 $0xFFFFC000  }
0x275: {  	[tilespmem:s31], [sflag:$0x1] =	stream.indirect.gather [hbm4b:s1+s30], $0x80, s29, s30, $0xb8;
	[tilespmem:$0x1FC00] =	vst v63  }
0x276: {  	s5 =	simm.s32 $0x14A80  }
0x277: {  	[spmem:s2] =	stream.indirect.scatter.add.f32 [tilespmem:s6], [sflag:$0x3], $0x80, s5, s30, $0xb8;
	[tilespmem:$0x1FC00] =	vst v63  }
0x278: {  	_ =	swait.ge [sflag:s26], $0x4000  }
0x279: {  	[sflag:s26] =	ssyncset.done $0x0  }
0x27a: {  	[sflag:s26] =	ssyncadd.s32 $0xFFFFC000  }
0x27b: {  	_ =	swait.ge [sflag:s28], $0x4000  }
0x27c: {  	[sflag:s28] =	ssyncset.done $0x0  }
0x27d: {  	[sflag:s28] =	ssyncadd.s32 $0xFFFFC000  }
0x27e: {  	[tilespmem:s6], [sflag:$0x2] =	stream.indirect.gather [hbm4b:s1+s30], $0x80, s21, s30, $0xb8;
	[tilespmem:$0x1FC00] =	vst v63  }
0x27f: {  	s25 =	simm.s32 $0x14B00  }
0x280: {  	[spmem:s2] =	stream.indirect.scatter.add.f32 [tilespmem:s31], [sflag:$0x3], $0x80, s25, s30, $0xb8;
	[tilespmem:$0x1FC00] =	vst v63  }
0x281: {  	_ =	swait.ge [sflag:s26], $0x4000  }
0x282: {  	[sflag:s26] =	ssyncset.done $0x0  }
0x283: {  	[sflag:s26] =	ssyncadd.s32 $0xFFFFC000  }
0x284: {  	_ =	swait.ge [sflag:s7], $0x4000  }
0x285: {  	[sflag:s7] =	ssyncset.done $0x0  }
0x286: {  	[sflag:s7] =	ssyncadd.s32 $0xFFFFC000  }
0x287: {  	[tilespmem:s31], [sflag:$0x1] =	stream.indirect.gather [hbm4b:s1+s30], $0x80, s21, s30, $0xb8;
	[tilespmem:$0x1FC00] =	vst v63  }
0x288: {  	s24 =	simm.s32 $0x14B80  }
0x289: {  	[spmem:s2] =	stream.indirect.scatter.add.f32 [tilespmem:s6], [sflag:$0x3], $0x80, s24, s30, $0xb8;
	[tilespmem:$0x1FC00] =	vst v63  }
0x28a: {  	_ =	swait.ge [sflag:s26], $0x4000  }
0x28b: {  	[sflag:s26] =	ssyncset.done $0x0  }
0x28c: {  	[sflag:s26] =	ssyncadd.s32 $0xFFFFC000  }
0x28d: {  	_ =	swait.ge [sflag:s28], $0x4000  }
0x28e: {  	[sflag:s28] =	ssyncset.done $0x0  }
0x28f: {  	s5 =	rddreg [dreg:$0xc];
	[sflag:s28] =	ssyncadd.s32 $0xFFFFC000  }
0x290: {  	[tilespmem:s20], [sflag:$0x3] =	stream.linear.gather [hbm4b:s5+s15], $0x800, $0x38;
	[tilespmem:$0x1FC00] =	vst v63  }
0x291: {  	_ =	swait.ge [sflag:s26], $0x800  }
0x292: {  	[sflag:s26] =	ssyncset.done $0x0  }
0x293: {  	s5 =	rddreg [dreg:$0xd];
	[sflag:s26] =	ssyncadd.s32 $0xFFFFF800  }
0x294: {  	[tilespmem:s22], [sflag:$0x3] =	stream.linear.gather [hbm4b:s5+s15], $0x800, $0x38;
	[tilespmem:$0x1FC00] =	vst v63  }
0x295: {  	_ =	swait.ge [sflag:s26], $0x800  }
0x296: {  	[sflag:s26] =	ssyncset.done $0x0  }
0x297: {  	[sflag:s26] =	ssyncadd.s32 $0xFFFFF800  }
0x298: {  	[tilespmem:s31], [sflag:$0x1] =	stream.indirect.gather [hbm4b:s1+s30], $0x80, s20, s30, $0xb8;
	[tilespmem:$0x1FC00] =	vst v63  }
0x299: {  	_ =	swait.ge [sflag:s28], $0x4000  }
0x29a: {  	[sflag:s28] =	ssyncset.done $0x0  }
0x29b: {  	s8 =	simm.s32 $0x13C80;
	[sflag:s28] =	ssyncadd.s32 $0xFFFFC000  }
0x29c: {  	[tilespmem:s6], [sflag:$0x2] =	stream.indirect.gather [hbm4b:s1+s30], $0x80, s8, s30, $0xb8;
	[tilespmem:$0x1FC00] =	vst v63  }
0x29d: {  	_ = 	snop  }
0x29e: {  	[spmem:s2] =	stream.indirect.scatter.add.f32 [tilespmem:s31], [sflag:$0x3], $0x80, s22, s30, $0xb8;
	[tilespmem:$0x1FC00] =	vst v63  }
0x29f: {  	_ =	swait.ge [sflag:s26], $0x4000  }
0x2a0: {  	[sflag:s26] =	ssyncset.done $0x0  }
0x2a1: {  	[sflag:s26] =	ssyncadd.s32 $0xFFFFC000  }
0x2a2: {  	_ =	swait.ge [sflag:s7], $0x4000  }
0x2a3: {  	[sflag:s7] =	ssyncset.done $0x0  }
0x2a4: {  	s5 =	simm.s32 $0x13D00;
	[sflag:s7] =	ssyncadd.s32 $0xFFFFC000  }
0x2a5: {  	[tilespmem:s31], [sflag:$0x1] =	stream.indirect.gather [hbm4b:s1+s30], $0x80, s5, s30, $0xb8;
	[tilespmem:$0x1FC00] =	vst v63  }
0x2a6: {  	s5 =	simm.s32 $0x14480  }
0x2a7: {  	[spmem:s2] =	stream.indirect.scatter.add.f32 [tilespmem:s6], [sflag:$0x3], $0x80, s5, s30, $0xb8;
	[tilespmem:$0x1FC00] =	vst v63  }
0x2a8: {  	_ =	swait.ge [sflag:s26], $0x4000  }
0x2a9: {  	[sflag:s26] =	ssyncset.done $0x0  }
0x2aa: {  	[sflag:s26] =	ssyncadd.s32 $0xFFFFC000  }
0x2ab: {  	_ =	swait.ge [sflag:s28], $0x4000  }
0x2ac: {  	[sflag:s28] =	ssyncset.done $0x0  }
0x2ad: {  	s5 =	simm.s32 $0x13D80;
	[sflag:s28] =	ssyncadd.s32 $0xFFFFC000  }
0x2ae: {  	[tilespmem:s6], [sflag:$0x2] =	stream.indirect.gather [hbm4b:s1+s30], $0x80, s5, s30, $0xb8;
	[tilespmem:$0x1FC00] =	vst v63  }
0x2af: {  	s5 =	simm.s32 $0x14500  }
0x2b0: {  	[spmem:s2] =	stream.indirect.scatter.add.f32 [tilespmem:s31], [sflag:$0x3], $0x80, s5, s30, $0xb8;
	[tilespmem:$0x1FC00] =	vst v63  }
0x2b1: {  	_ =	swait.ge [sflag:s26], $0x4000  }
0x2b2: {  	[sflag:s26] =	ssyncset.done $0x0  }
0x2b3: {  	[sflag:s26] =	ssyncadd.s32 $0xFFFFC000  }
0x2b4: {  	_ =	swait.ge [sflag:s7], $0x4000  }
0x2b5: {  	[sflag:s7] =	ssyncset.done $0x0  }
0x2b6: {  	s10 =	simm.s32 $0x13E00;
	[sflag:s7] =	ssyncadd.s32 $0xFFFFC000  }
0x2b7: {  	[tilespmem:s31], [sflag:$0x1] =	stream.indirect.gather [hbm4b:s1+s30], $0x80, s10, s30, $0xb8;
	[tilespmem:$0x1FC00] =	vst v63  }
0x2b8: {  	s10 =	simm.s32 $0x14580  }
0x2b9: {  	[spmem:s2] =	stream.indirect.scatter.add.f32 [tilespmem:s6], [sflag:$0x3], $0x80, s10, s30, $0xb8;
	[tilespmem:$0x1FC00] =	vst v63  }
0x2ba: {  	_ =	swait.ge [sflag:s26], $0x4000  }
0x2bb: {  	[sflag:s26] =	ssyncset.done $0x0  }
0x2bc: {  	[sflag:s26] =	ssyncadd.s32 $0xFFFFC000  }
0x2bd: {  	_ =	swait.ge [sflag:s28], $0x4000  }
0x2be: {  	[sflag:s28] =	ssyncset.done $0x0  }
0x2bf: {  	s10 =	simm.s32 $0x13E80;
	[sflag:s28] =	ssyncadd.s32 $0xFFFFC000  }
0x2c0: {  	[tilespmem:s6], [sflag:$0x2] =	stream.indirect.gather [hbm4b:s1+s30], $0x80, s10, s30, $0xb8;
	[tilespmem:$0x1FC00] =	vst v63  }
0x2c1: {  	s10 =	simm.s32 $0x14600  }
0x2c2: {  	[spmem:s2] =	stream.indirect.scatter.add.f32 [tilespmem:s31], [sflag:$0x3], $0x80, s10, s30, $0xb8;
	[tilespmem:$0x1FC00] =	vst v63  }
0x2c3: {  	_ =	swait.ge [sflag:s26], $0x4000  }
0x2c4: {  	[sflag:s26] =	ssyncset.done $0x0  }
0x2c5: {  	[sflag:s26] =	ssyncadd.s32 $0xFFFFC000  }
0x2c6: {  	_ =	swait.ge [sflag:s7], $0x4000  }
0x2c7: {  	[sflag:s7] =	ssyncset.done $0x0  }
0x2c8: {  	s17 =	simm.s32 $0x13F00;
	[sflag:s7] =	ssyncadd.s32 $0xFFFFC000  }
0x2c9: {  	[tilespmem:s31], [sflag:$0x1] =	stream.indirect.gather [hbm4b:s1+s30], $0x80, s17, s30, $0xb8;
	[tilespmem:$0x1FC00] =	vst v63  }
0x2ca: {  	s9 =	simm.s32 $0x14680  }
0x2cb: {  	[spmem:s2] =	stream.indirect.scatter.add.f32 [tilespmem:s6], [sflag:$0x3], $0x80, s9, s30, $0xb8;
	[tilespmem:$0x1FC00] =	vst v63  }
0x2cc: {  	_ =	swait.ge [sflag:s26], $0x4000  }
0x2cd: {  	[sflag:s26] =	ssyncset.done $0x0  }
0x2ce: {  	[sflag:s26] =	ssyncadd.s32 $0xFFFFC000  }
0x2cf: {  	_ =	swait.ge [sflag:s28], $0x4000  }
0x2d0: {  	[sflag:s28] =	ssyncset.done $0x0  }
0x2d1: {  	s23 =	simm.s32 $0x13F80;
	[sflag:s28] =	ssyncadd.s32 $0xFFFFC000  }
0x2d2: {  	[tilespmem:s6], [sflag:$0x2] =	stream.indirect.gather [hbm4b:s1+s30], $0x80, s23, s30, $0xb8;
	[tilespmem:$0x1FC00] =	vst v63  }
0x2d3: {  	s10 =	simm.s32 $0x14700  }
0x2d4: {  	[spmem:s2] =	stream.indirect.scatter.add.f32 [tilespmem:s31], [sflag:$0x3], $0x80, s10, s30, $0xb8;
	[tilespmem:$0x1FC00] =	vst v63  }
0x2d5: {  	_ =	swait.ge [sflag:s26], $0x4000  }
0x2d6: {  	[sflag:s26] =	ssyncset.done $0x0  }
0x2d7: {  	[sflag:s26] =	ssyncadd.s32 $0xFFFFC000  }
0x2d8: {  	_ =	swait.ge [sflag:s7], $0x4000  }
0x2d9: {  	[sflag:s7] =	ssyncset.done $0x0  }
0x2da: {  	s23 =	simm.s32 $0x14000;
	[sflag:s7] =	ssyncadd.s32 $0xFFFFC000  }
0x2db: {  	[tilespmem:s31], [sflag:$0x1] =	stream.indirect.gather [hbm4b:s1+s30], $0x80, s23, s30, $0xb8;
	[tilespmem:$0x1FC00] =	vst v63  }
0x2dc: {  	s19 =	simm.s32 $0x14780  }
0x2dd: {  	[spmem:s2] =	stream.indirect.scatter.add.f32 [tilespmem:s6], [sflag:$0x3], $0x80, s19, s30, $0xb8;
	[tilespmem:$0x1FC00] =	vst v63  }
0x2de: {  	_ =	swait.ge [sflag:s26], $0x4000  }
0x2df: {  	[sflag:s26] =	ssyncset.done $0x0  }
0x2e0: {  	[sflag:s26] =	ssyncadd.s32 $0xFFFFC000  }
0x2e1: {  	_ =	swait.ge [sflag:s28], $0x4000  }
0x2e2: {  	[sflag:s28] =	ssyncset.done $0x0  }
0x2e3: {  	s12 =	simm.s32 $0x14080;
	[sflag:s28] =	ssyncadd.s32 $0xFFFFC000  }
0x2e4: {  	[tilespmem:s6], [sflag:$0x2] =	stream.indirect.gather [hbm4b:s1+s30], $0x80, s12, s30, $0xb8;
	[tilespmem:$0x1FC00] =	vst v63  }
0x2e5: {  	s13 =	simm.s32 $0x14800  }
0x2e6: {  	[spmem:s2] =	stream.indirect.scatter.add.f32 [tilespmem:s31], [sflag:$0x3], $0x80, s13, s30, $0xb8;
	[tilespmem:$0x1FC00] =	vst v63  }
0x2e7: {  	_ =	swait.ge [sflag:s26], $0x4000  }
0x2e8: {  	[sflag:s26] =	ssyncset.done $0x0  }
0x2e9: {  	[sflag:s26] =	ssyncadd.s32 $0xFFFFC000  }
0x2ea: {  	_ =	swait.ge [sflag:s7], $0x4000  }
0x2eb: {  	[sflag:s7] =	ssyncset.done $0x0  }
0x2ec: {  	s4 =	simm.s32 $0x14100;
	[sflag:s7] =	ssyncadd.s32 $0xFFFFC000  }
0x2ed: {  	[tilespmem:s31], [sflag:$0x1] =	stream.indirect.gather [hbm4b:s1+s30], $0x80, s4, s30, $0xb8;
	[tilespmem:$0x1FC00] =	vst v63  }
0x2ee: {  	s3 =	simm.s32 $0x14880  }
0x2ef: {  	[spmem:s2] =	stream.indirect.scatter.add.f32 [tilespmem:s6], [sflag:$0x3], $0x80, s3, s30, $0xb8;
	[tilespmem:$0x1FC00] =	vst v63  }
0x2f0: {  	_ =	swait.ge [sflag:s26], $0x4000  }
0x2f1: {  	[sflag:s26] =	ssyncset.done $0x0  }
0x2f2: {  	[sflag:s26] =	ssyncadd.s32 $0xFFFFC000  }
0x2f3: {  	_ =	swait.ge [sflag:s28], $0x4000  }
0x2f4: {  	[sflag:s28] =	ssyncset.done $0x0  }
0x2f5: {  	s14 =	simm.s32 $0x14180;
	[sflag:s28] =	ssyncadd.s32 $0xFFFFC000  }
0x2f6: {  	[tilespmem:s6], [sflag:$0x2] =	stream.indirect.gather [hbm4b:s1+s30], $0x80, s14, s30, $0xb8;
	[tilespmem:$0x1FC00] =	vst v63  }
0x2f7: {  	s5 =	simm.s32 $0x14900  }
0x2f8: {  	[spmem:s2] =	stream.indirect.scatter.add.f32 [tilespmem:s31], [sflag:$0x3], $0x80, s5, s30, $0xb8;
	[tilespmem:$0x1FC00] =	vst v63  }
0x2f9: {  	_ =	swait.ge [sflag:s26], $0x4000  }
0x2fa: {  	[sflag:s26] =	ssyncset.done $0x0  }
0x2fb: {  	[sflag:s26] =	ssyncadd.s32 $0xFFFFC000  }
0x2fc: {  	_ =	swait.ge [sflag:s7], $0x4000  }
0x2fd: {  	[sflag:s7] =	ssyncset.done $0x0  }
0x2fe: {  	s0 =	simm.s32 $0x14200;
	[sflag:s7] =	ssyncadd.s32 $0xFFFFC000  }
0x2ff: {  	[tilespmem:s31], [sflag:$0x1] =	stream.indirect.gather [hbm4b:s1+s30], $0x80, s0, s30, $0xb8;
	[tilespmem:$0x1FC00] =	vst v63  }
0x300: {  	s10 =	simm.s32 $0x14980  }
0x301: {  	[spmem:s2] =	stream.indirect.scatter.add.f32 [tilespmem:s6], [sflag:$0x3], $0x80, s10, s30, $0xb8;
	[tilespmem:$0x1FC00] =	vst v63  }
0x302: {  	_ =	swait.ge [sflag:s26], $0x4000  }
0x303: {  	[sflag:s26] =	ssyncset.done $0x0  }
0x304: {  	[sflag:s26] =	ssyncadd.s32 $0xFFFFC000  }
0x305: {  	_ =	swait.ge [sflag:s28], $0x4000  }
0x306: {  	[sflag:s28] =	ssyncset.done $0x0  }
0x307: {  	s11 =	simm.s32 $0x14280;
	[sflag:s28] =	ssyncadd.s32 $0xFFFFC000  }
0x308: {  	[tilespmem:s6], [sflag:$0x2] =	stream.indirect.gather [hbm4b:s1+s30], $0x80, s11, s30, $0xb8;
	[tilespmem:$0x1FC00] =	vst v63  }
0x309: {  	s14 =	simm.s32 $0x14A00  }
0x30a: {  	[spmem:s2] =	stream.indirect.scatter.add.f32 [tilespmem:s31], [sflag:$0x3], $0x80, s14, s30, $0xb8;
	[tilespmem:$0x1FC00] =	vst v63  }
0x30b: {  	_ =	swait.ge [sflag:s26], $0x4000  }
0x30c: {  	[sflag:s26] =	ssyncset.done $0x0  }
0x30d: {  	[sflag:s26] =	ssyncadd.s32 $0xFFFFC000  }
0x30e: {  	_ =	swait.ge [sflag:s7], $0x4000  }
0x30f: {  	[sflag:s7] =	ssyncset.done $0x0  }
0x310: {  	s16 =	simm.s32 $0x14300;
	[sflag:s7] =	ssyncadd.s32 $0xFFFFC000  }
0x311: {  	[tilespmem:s31], [sflag:$0x1] =	stream.indirect.gather [hbm4b:s1+s30], $0x80, s16, s30, $0xb8;
	[tilespmem:$0x1FC00] =	vst v63  }
0x312: {  	s29 =	simm.s32 $0x14A80  }
0x313: {  	[spmem:s2] =	stream.indirect.scatter.add.f32 [tilespmem:s6], [sflag:$0x3], $0x80, s29, s30, $0xb8;
	[tilespmem:$0x1FC00] =	vst v63  }
0x314: {  	_ =	swait.ge [sflag:s26], $0x4000  }
0x315: {  	[sflag:s26] =	ssyncset.done $0x0  }
0x316: {  	[sflag:s26] =	ssyncadd.s32 $0xFFFFC000  }
0x317: {  	_ =	swait.ge [sflag:s28], $0x4000  }
0x318: {  	[sflag:s28] =	ssyncset.done $0x0  }
0x319: {  	[sflag:s28] =	ssyncadd.s32 $0xFFFFC000  }
0x31a: {  	[tilespmem:s6], [sflag:$0x2] =	stream.indirect.gather [hbm4b:s1+s30], $0x80, s21, s30, $0xb8;
	[tilespmem:$0x1FC00] =	vst v63  }
0x31b: {  	s25 =	simm.s32 $0x14B00  }
0x31c: {  	[spmem:s2] =	stream.indirect.scatter.add.f32 [tilespmem:s31], [sflag:$0x3], $0x80, s25, s30, $0xb8;
	[tilespmem:$0x1FC00] =	vst v63  }
0x31d: {  	_ =	swait.ge [sflag:s26], $0x4000  }
0x31e: {  	[sflag:s26] =	ssyncset.done $0x0  }
0x31f: {  	[sflag:s26] =	ssyncadd.s32 $0xFFFFC000  }
0x320: {  	_ =	swait.ge [sflag:s7], $0x4000  }
0x321: {  	[sflag:s7] =	ssyncset.done $0x0  }
0x322: {  	[sflag:s7] =	ssyncadd.s32 $0xFFFFC000  }
0x323: {  	[tilespmem:s31], [sflag:$0x1] =	stream.indirect.gather [hbm4b:s1+s30], $0x80, s21, s30, $0xb8;
	[tilespmem:$0x1FC00] =	vst v63  }
0x324: {  	s24 =	simm.s32 $0x14B80  }
0x325: {  	[spmem:s2] =	stream.indirect.scatter.add.f32 [tilespmem:s6], [sflag:$0x3], $0x80, s24, s30, $0xb8;
	[tilespmem:$0x1FC00] =	vst v63  }
0x326: {  	_ =	swait.ge [sflag:s26], $0x4000  }
0x327: {  	[sflag:s26] =	ssyncset.done $0x0  }
0x328: {  	[sflag:s26] =	ssyncadd.s32 $0xFFFFC000  }
0x329: {  	_ =	swait.ge [sflag:s28], $0x4000  }
0x32a: {  	[sflag:s28] =	ssyncset.done $0x0  }
0x32b: {  	s0 =	rddreg [dreg:$0xe];
	[sflag:s28] =	ssyncadd.s32 $0xFFFFC000  }
0x32c: {  	[tilespmem:s20], [sflag:$0x3] =	stream.linear.gather [hbm4b:s0+s15], $0x800, $0x38;
	[tilespmem:$0x1FC00] =	vst v63  }
0x32d: {  	_ =	swait.ge [sflag:s26], $0x800  }
0x32e: {  	[sflag:s26] =	ssyncset.done $0x0  }
0x32f: {  	s10 =	rddreg [dreg:$0xf];
	[sflag:s26] =	ssyncadd.s32 $0xFFFFF800  }
0x330: {  	[tilespmem:s22], [sflag:$0x3] =	stream.linear.gather [hbm4b:s10+s15], $0x800, $0x38;
	[tilespmem:$0x1FC00] =	vst v63  }
0x331: {  	_ =	swait.ge [sflag:s26], $0x800  }
0x332: {  	[sflag:s26] =	ssyncset.done $0x0  }
0x333: {  	[sflag:s26] =	ssyncadd.s32 $0xFFFFF800  }
0x334: {  	[tilespmem:s31], [sflag:$0x1] =	stream.indirect.gather [hbm4b:s1+s30], $0x80, s20, s30, $0xb8;
	[tilespmem:$0x1FC00] =	vst v63  }
0x335: {  	_ =	swait.ge [sflag:s28], $0x4000  }
0x336: {  	[sflag:s28] =	ssyncset.done $0x0  }
0x337: {  	s8 =	simm.s32 $0x13C80;
	[sflag:s28] =	ssyncadd.s32 $0xFFFFC000  }
0x338: {  	[tilespmem:s6], [sflag:$0x2] =	stream.indirect.gather [hbm4b:s1+s30], $0x80, s8, s30, $0xb8;
	[tilespmem:$0x1FC00] =	vst v63  }
0x339: {  	_ = 	snop  }
0x33a: {  	[spmem:s2] =	stream.indirect.scatter.add.f32 [tilespmem:s31], [sflag:$0x3], $0x80, s22, s30, $0xb8;
	[tilespmem:$0x1FC00] =	vst v63  }
0x33b: {  	_ =	swait.ge [sflag:s26], $0x4000  }
0x33c: {  	[sflag:s26] =	ssyncset.done $0x0  }
0x33d: {  	[sflag:s26] =	ssyncadd.s32 $0xFFFFC000  }
0x33e: {  	_ =	swait.ge [sflag:s7], $0x4000  }
0x33f: {  	[sflag:s7] =	ssyncset.done $0x0  }
0x340: {  	s11 =	simm.s32 $0x13D00;
	[sflag:s7] =	ssyncadd.s32 $0xFFFFC000  }
0x341: {  	[tilespmem:s31], [sflag:$0x1] =	stream.indirect.gather [hbm4b:s1+s30], $0x80, s11, s30, $0xb8;
	[tilespmem:$0x1FC00] =	vst v63  }
0x342: {  	s14 =	simm.s32 $0x14480  }
0x343: {  	[spmem:s2] =	stream.indirect.scatter.add.f32 [tilespmem:s6], [sflag:$0x3], $0x80, s14, s30, $0xb8;
	[tilespmem:$0x1FC00] =	vst v63  }
0x344: {  	_ =	swait.ge [sflag:s26], $0x4000  }
0x345: {  	[sflag:s26] =	ssyncset.done $0x0  }
0x346: {  	[sflag:s26] =	ssyncadd.s32 $0xFFFFC000  }
0x347: {  	_ =	swait.ge [sflag:s28], $0x4000  }
0x348: {  	[sflag:s28] =	ssyncset.done $0x0  }
0x349: {  	s16 =	simm.s32 $0x13D80;
	[sflag:s28] =	ssyncadd.s32 $0xFFFFC000  }
0x34a: {  	[tilespmem:s6], [sflag:$0x2] =	stream.indirect.gather [hbm4b:s1+s30], $0x80, s16, s30, $0xb8;
	[tilespmem:$0x1FC00] =	vst v63  }
0x34b: {  	s5 =	simm.s32 $0x14500  }
0x34c: {  	[spmem:s2] =	stream.indirect.scatter.add.f32 [tilespmem:s31], [sflag:$0x3], $0x80, s5, s30, $0xb8;
	[tilespmem:$0x1FC00] =	vst v63  }
0x34d: {  	_ =	swait.ge [sflag:s26], $0x4000  }
0x34e: {  	[sflag:s26] =	ssyncset.done $0x0  }
0x34f: {  	[sflag:s26] =	ssyncadd.s32 $0xFFFFC000  }
0x350: {  	_ =	swait.ge [sflag:s7], $0x4000  }
0x351: {  	[sflag:s7] =	ssyncset.done $0x0  }
0x352: {  	s8 =	simm.s32 $0x13E00;
	[sflag:s7] =	ssyncadd.s32 $0xFFFFC000  }
0x353: {  	[tilespmem:s31], [sflag:$0x1] =	stream.indirect.gather [hbm4b:s1+s30], $0x80, s8, s30, $0xb8;
	[tilespmem:$0x1FC00] =	vst v63  }
0x354: {  	s11 =	simm.s32 $0x14580  }
0x355: {  	[spmem:s2] =	stream.indirect.scatter.add.f32 [tilespmem:s6], [sflag:$0x3], $0x80, s11, s30, $0xb8;
	[tilespmem:$0x1FC00] =	vst v63  }
0x356: {  	_ =	swait.ge [sflag:s26], $0x4000  }
0x357: {  	[sflag:s26] =	ssyncset.done $0x0  }
0x358: {  	[sflag:s26] =	ssyncadd.s32 $0xFFFFC000  }
0x359: {  	_ =	swait.ge [sflag:s28], $0x4000  }
0x35a: {  	[sflag:s28] =	ssyncset.done $0x0  }
0x35b: {  	s14 =	simm.s32 $0x13E80;
	[sflag:s28] =	ssyncadd.s32 $0xFFFFC000  }
0x35c: {  	[tilespmem:s6], [sflag:$0x2] =	stream.indirect.gather [hbm4b:s1+s30], $0x80, s14, s30, $0xb8;
	[tilespmem:$0x1FC00] =	vst v63  }
0x35d: {  	s16 =	simm.s32 $0x14600  }
0x35e: {  	[spmem:s2] =	stream.indirect.scatter.add.f32 [tilespmem:s31], [sflag:$0x3], $0x80, s16, s30, $0xb8;
	[tilespmem:$0x1FC00] =	vst v63  }
0x35f: {  	_ =	swait.ge [sflag:s26], $0x4000  }
0x360: {  	[sflag:s26] =	ssyncset.done $0x0  }
0x361: {  	[sflag:s26] =	ssyncadd.s32 $0xFFFFC000  }
0x362: {  	_ =	swait.ge [sflag:s7], $0x4000  }
0x363: {  	[sflag:s7] =	ssyncset.done $0x0  }
0x364: {  	s17 =	simm.s32 $0x13F00;
	[sflag:s7] =	ssyncadd.s32 $0xFFFFC000  }
0x365: {  	[tilespmem:s31], [sflag:$0x1] =	stream.indirect.gather [hbm4b:s1+s30], $0x80, s17, s30, $0xb8;
	[tilespmem:$0x1FC00] =	vst v63  }
0x366: {  	s9 =	simm.s32 $0x14680  }
0x367: {  	[spmem:s2] =	stream.indirect.scatter.add.f32 [tilespmem:s6], [sflag:$0x3], $0x80, s9, s30, $0xb8;
	[tilespmem:$0x1FC00] =	vst v63  }
0x368: {  	_ =	swait.ge [sflag:s26], $0x4000  }
0x369: {  	[sflag:s26] =	ssyncset.done $0x0  }
0x36a: {  	[sflag:s26] =	ssyncadd.s32 $0xFFFFC000  }
0x36b: {  	_ =	swait.ge [sflag:s28], $0x4000  }
0x36c: {  	[sflag:s28] =	ssyncset.done $0x0  }
0x36d: {  	s17 =	simm.s32 $0x13F80;
	[sflag:s28] =	ssyncadd.s32 $0xFFFFC000  }
0x36e: {  	[tilespmem:s6], [sflag:$0x2] =	stream.indirect.gather [hbm4b:s1+s30], $0x80, s17, s30, $0xb8;
	[tilespmem:$0x1FC00] =	vst v63  }
0x36f: {  	s9 =	simm.s32 $0x14700  }
0x370: {  	[spmem:s2] =	stream.indirect.scatter.add.f32 [tilespmem:s31], [sflag:$0x3], $0x80, s9, s30, $0xb8;
	[tilespmem:$0x1FC00] =	vst v63  }
0x371: {  	_ =	swait.ge [sflag:s26], $0x4000  }
0x372: {  	[sflag:s26] =	ssyncset.done $0x0  }
0x373: {  	[sflag:s26] =	ssyncadd.s32 $0xFFFFC000  }
0x374: {  	_ =	swait.ge [sflag:s7], $0x4000  }
0x375: {  	[sflag:s7] =	ssyncset.done $0x0  }
0x376: {  	s14 =	simm.s32 $0x14000;
	[sflag:s7] =	ssyncadd.s32 $0xFFFFC000  }
0x377: {  	[tilespmem:s31], [sflag:$0x1] =	stream.indirect.gather [hbm4b:s1+s30], $0x80, s14, s30, $0xb8;
	[tilespmem:$0x1FC00] =	vst v63  }
0x378: {  	s16 =	simm.s32 $0x14780  }
0x379: {  	[spmem:s2] =	stream.indirect.scatter.add.f32 [tilespmem:s6], [sflag:$0x3], $0x80, s16, s30, $0xb8;
	[tilespmem:$0x1FC00] =	vst v63  }
0x37a: {  	_ =	swait.ge [sflag:s26], $0x4000  }
0x37b: {  	[sflag:s26] =	ssyncset.done $0x0  }
0x37c: {  	[sflag:s26] =	ssyncadd.s32 $0xFFFFC000  }
0x37d: {  	_ =	swait.ge [sflag:s28], $0x4000  }
0x37e: {  	[sflag:s28] =	ssyncset.done $0x0  }
0x37f: {  	s23 =	simm.s32 $0x14080;
	[sflag:s28] =	ssyncadd.s32 $0xFFFFC000  }
0x380: {  	[tilespmem:s6], [sflag:$0x2] =	stream.indirect.gather [hbm4b:s1+s30], $0x80, s23, s30, $0xb8;
	[tilespmem:$0x1FC00] =	vst v63  }
0x381: {  	s13 =	simm.s32 $0x14800  }
0x382: {  	[spmem:s2] =	stream.indirect.scatter.add.f32 [tilespmem:s31], [sflag:$0x3], $0x80, s13, s30, $0xb8;
	[tilespmem:$0x1FC00] =	vst v63  }
0x383: {  	_ =	swait.ge [sflag:s26], $0x4000  }
0x384: {  	[sflag:s26] =	ssyncset.done $0x0  }
0x385: {  	[sflag:s26] =	ssyncadd.s32 $0xFFFFC000  }
0x386: {  	_ =	swait.ge [sflag:s7], $0x4000  }
0x387: {  	[sflag:s7] =	ssyncset.done $0x0  }
0x388: {  	s12 =	simm.s32 $0x14100;
	[sflag:s7] =	ssyncadd.s32 $0xFFFFC000  }
0x389: {  	[tilespmem:s31], [sflag:$0x1] =	stream.indirect.gather [hbm4b:s1+s30], $0x80, s12, s30, $0xb8;
	[tilespmem:$0x1FC00] =	vst v63  }
0x38a: {  	s19 =	simm.s32 $0x14880  }
0x38b: {  	[spmem:s2] =	stream.indirect.scatter.add.f32 [tilespmem:s6], [sflag:$0x3], $0x80, s19, s30, $0xb8;
	[tilespmem:$0x1FC00] =	vst v63  }
0x38c: {  	_ =	swait.ge [sflag:s26], $0x4000  }
0x38d: {  	[sflag:s26] =	ssyncset.done $0x0  }
0x38e: {  	[sflag:s26] =	ssyncadd.s32 $0xFFFFC000  }
0x38f: {  	_ =	swait.ge [sflag:s28], $0x4000  }
0x390: {  	[sflag:s28] =	ssyncset.done $0x0  }
0x391: {  	s4 =	simm.s32 $0x14180;
	[sflag:s28] =	ssyncadd.s32 $0xFFFFC000  }
0x392: {  	[tilespmem:s6], [sflag:$0x2] =	stream.indirect.gather [hbm4b:s1+s30], $0x80, s4, s30, $0xb8;
	[tilespmem:$0x1FC00] =	vst v63  }
0x393: {  	s17 =	simm.s32 $0x14900  }
0x394: {  	[spmem:s2] =	stream.indirect.scatter.add.f32 [tilespmem:s31], [sflag:$0x3], $0x80, s17, s30, $0xb8;
	[tilespmem:$0x1FC00] =	vst v63  }
0x395: {  	_ =	swait.ge [sflag:s26], $0x4000  }
0x396: {  	[sflag:s26] =	ssyncset.done $0x0  }
0x397: {  	[sflag:s26] =	ssyncadd.s32 $0xFFFFC000  }
0x398: {  	_ =	swait.ge [sflag:s7], $0x4000  }
0x399: {  	[sflag:s7] =	ssyncset.done $0x0  }
0x39a: {  	s3 =	simm.s32 $0x14200;
	[sflag:s7] =	ssyncadd.s32 $0xFFFFC000  }
0x39b: {  	[tilespmem:s31], [sflag:$0x1] =	stream.indirect.gather [hbm4b:s1+s30], $0x80, s3, s30, $0xb8;
	[tilespmem:$0x1FC00] =	vst v63  }
0x39c: {  	s19 =	simm.s32 $0x14980  }
0x39d: {  	[spmem:s2] =	stream.indirect.scatter.add.f32 [tilespmem:s6], [sflag:$0x3], $0x80, s19, s30, $0xb8;
	[tilespmem:$0x1FC00] =	vst v63  }
0x39e: {  	_ =	swait.ge [sflag:s26], $0x4000  }
0x39f: {  	[sflag:s26] =	ssyncset.done $0x0  }
0x3a0: {  	[sflag:s26] =	ssyncadd.s32 $0xFFFFC000  }
0x3a1: {  	_ =	swait.ge [sflag:s28], $0x4000  }
0x3a2: {  	[sflag:s28] =	ssyncset.done $0x0  }
0x3a3: {  	s5 =	simm.s32 $0x14280;
	[sflag:s28] =	ssyncadd.s32 $0xFFFFC000  }
0x3a4: {  	[tilespmem:s6], [sflag:$0x2] =	stream.indirect.gather [hbm4b:s1+s30], $0x80, s5, s30, $0xb8;
	[tilespmem:$0x1FC00] =	vst v63  }
0x3a5: {  	s9 =	simm.s32 $0x14A00  }
0x3a6: {  	[spmem:s2] =	stream.indirect.scatter.add.f32 [tilespmem:s31], [sflag:$0x3], $0x80, s9, s30, $0xb8;
	[tilespmem:$0x1FC00] =	vst v63  }
0x3a7: {  	_ =	swait.ge [sflag:s26], $0x4000  }
0x3a8: {  	[sflag:s26] =	ssyncset.done $0x0  }
0x3a9: {  	[sflag:s26] =	ssyncadd.s32 $0xFFFFC000  }
0x3aa: {  	_ =	swait.ge [sflag:s7], $0x4000  }
0x3ab: {  	[sflag:s7] =	ssyncset.done $0x0  }
0x3ac: {  	s19 =	simm.s32 $0x14300;
	[sflag:s7] =	ssyncadd.s32 $0xFFFFC000  }
0x3ad: {  	[tilespmem:s31], [sflag:$0x1] =	stream.indirect.gather [hbm4b:s1+s30], $0x80, s19, s30, $0xb8;
	[tilespmem:$0x1FC00] =	vst v63  }
0x3ae: {  	s29 =	simm.s32 $0x14A80  }
0x3af: {  	[spmem:s2] =	stream.indirect.scatter.add.f32 [tilespmem:s6], [sflag:$0x3], $0x80, s29, s30, $0xb8;
	[tilespmem:$0x1FC00] =	vst v63  }
0x3b0: {  	_ =	swait.ge [sflag:s26], $0x4000  }
0x3b1: {  	[sflag:s26] =	ssyncset.done $0x0  }
0x3b2: {  	[sflag:s26] =	ssyncadd.s32 $0xFFFFC000  }
0x3b3: {  	_ =	swait.ge [sflag:s28], $0x4000  }
0x3b4: {  	[sflag:s28] =	ssyncset.done $0x0  }
0x3b5: {  	[sflag:s28] =	ssyncadd.s32 $0xFFFFC000  }
0x3b6: {  	[tilespmem:s6], [sflag:$0x2] =	stream.indirect.gather [hbm4b:s1+s30], $0x80, s21, s30, $0xb8;
	[tilespmem:$0x1FC00] =	vst v63  }
0x3b7: {  	s9 =	simm.s32 $0x14B00  }
0x3b8: {  	[spmem:s2] =	stream.indirect.scatter.add.f32 [tilespmem:s31], [sflag:$0x3], $0x80, s9, s30, $0xb8;
	[tilespmem:$0x1FC00] =	vst v63  }
0x3b9: {  	_ =	swait.ge [sflag:s26], $0x4000  }
0x3ba: {  	[sflag:s26] =	ssyncset.done $0x0  }
0x3bb: {  	[sflag:s26] =	ssyncadd.s32 $0xFFFFC000  }
0x3bc: {  	_ =	swait.ge [sflag:s7], $0x4000  }
0x3bd: {  	[sflag:s7] =	ssyncset.done $0x0  }
0x3be: {  	[sflag:s7] =	ssyncadd.s32 $0xFFFFC000  }
0x3bf: {  	[tilespmem:s31], [sflag:$0x1] =	stream.indirect.gather [hbm4b:s1+s30], $0x80, s21, s30, $0xb8;
	[tilespmem:$0x1FC00] =	vst v63  }
0x3c0: {  	s9 =	simm.s32 $0x14B80  }
0x3c1: {  	[spmem:s2] =	stream.indirect.scatter.add.f32 [tilespmem:s6], [sflag:$0x3], $0x80, s9, s30, $0xb8;
	[tilespmem:$0x1FC00] =	vst v63  }
0x3c2: {  	_ =	swait.ge [sflag:s26], $0x4000  }
0x3c3: {  	[sflag:s26] =	ssyncset.done $0x0  }
0x3c4: {  	[sflag:s26] =	ssyncadd.s32 $0xFFFFC000  }
0x3c5: {  	_ =	swait.ge [sflag:s28], $0x4000  }
0x3c6: {  	[sflag:s28] =	ssyncset.done $0x0  }
0x3c7: {  	s9 =	rddreg [dreg:$0x10];
	[sflag:s28] =	ssyncadd.s32 $0xFFFFC000  }
0x3c8: {  	[tilespmem:s20], [sflag:$0x3] =	stream.linear.gather [hbm4b:s9+s15], $0x800, $0x38;
	[tilespmem:$0x1FC00] =	vst v63  }
0x3c9: {  	_ =	swait.ge [sflag:s26], $0x800  }
0x3ca: {  	[sflag:s26] =	ssyncset.done $0x0  }
0x3cb: {  	s9 =	rddreg [dreg:$0x11];
	[sflag:s26] =	ssyncadd.s32 $0xFFFFF800  }
0x3cc: {  	[tilespmem:s22], [sflag:$0x3] =	stream.linear.gather [hbm4b:s9+s15], $0x800, $0x38;
	[tilespmem:$0x1FC00] =	vst v63  }
0x3cd: {  	_ =	swait.ge [sflag:s26], $0x800  }
0x3ce: {  	[sflag:s26] =	ssyncset.done $0x0  }
0x3cf: {  	[sflag:s26] =	ssyncadd.s32 $0xFFFFF800  }
0x3d0: {  	[tilespmem:s31], [sflag:$0x1] =	stream.indirect.gather [hbm4b:s1+s30], $0x80, s20, s30, $0xb8;
	[tilespmem:$0x1FC00] =	vst v63  }
0x3d1: {  	_ =	swait.ge [sflag:s28], $0x4000  }
0x3d2: {  	[sflag:s28] =	ssyncset.done $0x0  }
0x3d3: {  	s10 =	simm.s32 $0x13C80;
	[sflag:s28] =	ssyncadd.s32 $0xFFFFC000  }
0x3d4: {  	[tilespmem:s6], [sflag:$0x2] =	stream.indirect.gather [hbm4b:s1+s30], $0x80, s10, s30, $0xb8;
	[tilespmem:$0x1FC00] =	vst v63  }
0x3d5: {  	_ = 	snop  }
0x3d6: {  	[spmem:s2] =	stream.indirect.scatter.add.f32 [tilespmem:s31], [sflag:$0x3], $0x80, s22, s30, $0xb8;
	[tilespmem:$0x1FC00] =	vst v63  }
0x3d7: {  	s9 =	rddreg [dreg:$0x18];
	_ =	swait.ge [sflag:s26], $0x4000  }
0x3d8: {  	[sflag:s26] =	ssyncset.done $0x0  }
0x3d9: {  	[sflag:s26] =	ssyncadd.s32 $0xFFFFC000  }
0x3da: {  	_ =	swait.ge [sflag:s7], $0x4000  }
0x3db: {  	[sflag:s7] =	ssyncset.done $0x0  }
0x3dc: {  	s24 =	simm.s32 $0x13D00;
	[sflag:s7] =	ssyncadd.s32 $0xFFFFC000  }
0x3dd: {  	[tilespmem:s31], [sflag:$0x1] =	stream.indirect.gather [hbm4b:s1+s30], $0x80, s24, s30, $0xb8;
	[tilespmem:$0x1FC00] =	vst v63  }
0x3de: {  	s25 =	simm.s32 $0x14480  }
0x3df: {  	[spmem:s2] =	stream.indirect.scatter.add.f32 [tilespmem:s6], [sflag:$0x3], $0x80, s25, s30, $0xb8;
	[tilespmem:$0x1FC00] =	vst v63  }
0x3e0: {  	s25 =	rddreg [dreg:$0x15];
	_ =	swait.ge [sflag:s26], $0x4000  }
0x3e1: {  	[sflag:s26] =	ssyncset.done $0x0  }
0x3e2: {  	[sflag:s26] =	ssyncadd.s32 $0xFFFFC000  }
0x3e3: {  	_ =	swait.ge [sflag:s28], $0x4000  }
0x3e4: {  	[sflag:s28] =	ssyncset.done $0x0  }
0x3e5: {  	s22 =	simm.s32 $0x13D80;
	[sflag:s28] =	ssyncadd.s32 $0xFFFFC000  }
0x3e6: {  	[tilespmem:s6], [sflag:$0x2] =	stream.indirect.gather [hbm4b:s1+s30], $0x80, s22, s30, $0xb8;
	[tilespmem:$0x1FC00] =	vst v63  }
0x3e7: {  	s24 =	simm.s32 $0x14500;
	s29 =	rddreg [dreg:$0x16]  }
0x3e8: {  	[spmem:s2] =	stream.indirect.scatter.add.f32 [tilespmem:s31], [sflag:$0x3], $0x80, s24, s30, $0xb8;
	[tilespmem:$0x1FC00] =	vst v63  }
0x3e9: {  	s10 =	rddreg [dreg:$0x14];
	_ =	swait.ge [sflag:s26], $0x4000  }
0x3ea: {  	[sflag:s26] =	ssyncset.done $0x0  }
0x3eb: {  	[sflag:s26] =	ssyncadd.s32 $0xFFFFC000  }
0x3ec: {  	_ =	swait.ge [sflag:s7], $0x4000  }
0x3ed: {  	[sflag:s7] =	ssyncset.done $0x0  }
0x3ee: {  	s8 =	simm.s32 $0x13E00;
	[sflag:s7] =	ssyncadd.s32 $0xFFFFC000  }
0x3ef: {  	[tilespmem:s31], [sflag:$0x1] =	stream.indirect.gather [hbm4b:s1+s30], $0x80, s8, s30, $0xb8;
	[tilespmem:$0x1FC00] =	vst v63  }
0x3f0: {  	s8 =	simm.s32 $0x14580  }
0x3f1: {  	[spmem:s2] =	stream.indirect.scatter.add.f32 [tilespmem:s6], [sflag:$0x3], $0x80, s8, s30, $0xb8;
	[tilespmem:$0x1FC00] =	vst v63  }
0x3f2: {  	_ =	swait.ge [sflag:s26], $0x4000  }
0x3f3: {  	[sflag:s26] =	ssyncset.done $0x0  }
0x3f4: {  	[sflag:s26] =	ssyncadd.s32 $0xFFFFC000  }
0x3f5: {  	_ =	swait.ge [sflag:s28], $0x4000  }
0x3f6: {  	[sflag:s28] =	ssyncset.done $0x0  }
0x3f7: {  	s20 =	simm.s32 $0x13E80;
	[sflag:s28] =	ssyncadd.s32 $0xFFFFC000  }
0x3f8: {  	[tilespmem:s6], [sflag:$0x2] =	stream.indirect.gather [hbm4b:s1+s30], $0x80, s20, s30, $0xb8;
	[tilespmem:$0x1FC00] =	vst v63  }
0x3f9: {  	s22 =	simm.s32 $0x14600  }
0x3fa: {  	[spmem:s2] =	stream.indirect.scatter.add.f32 [tilespmem:s31], [sflag:$0x3], $0x80, s22, s30, $0xb8;
	[tilespmem:$0x1FC00] =	vst v63  }
0x3fb: {  	_ =	swait.ge [sflag:s26], $0x4000  }
0x3fc: {  	[sflag:s26] =	ssyncset.done $0x0  }
0x3fd: {  	[sflag:s26] =	ssyncadd.s32 $0xFFFFC000  }
0x3fe: {  	_ =	swait.ge [sflag:s7], $0x4000  }
0x3ff: {  	[sflag:s7] =	ssyncset.done $0x0  }
0x400: {  	s0 =	simm.s32 $0x13F00;
	[sflag:s7] =	ssyncadd.s32 $0xFFFFC000  }
0x401: {  	[tilespmem:s31], [sflag:$0x1] =	stream.indirect.gather [hbm4b:s1+s30], $0x80, s0, s30, $0xb8;
	[tilespmem:$0x1FC00] =	vst v63  }
0x402: {  	s11 =	simm.s32 $0x14680  }
0x403: {  	[spmem:s2] =	stream.indirect.scatter.add.f32 [tilespmem:s6], [sflag:$0x3], $0x80, s11, s30, $0xb8;
	[tilespmem:$0x1FC00] =	vst v63  }
0x404: {  	_ =	swait.ge [sflag:s26], $0x4000  }
0x405: {  	[sflag:s26] =	ssyncset.done $0x0  }
0x406: {  	[sflag:s26] =	ssyncadd.s32 $0xFFFFC000  }
0x407: {  	_ =	swait.ge [sflag:s28], $0x4000  }
0x408: {  	[sflag:s28] =	ssyncset.done $0x0  }
0x409: {  	s24 =	simm.s32 $0x13F80;
	[sflag:s28] =	ssyncadd.s32 $0xFFFFC000  }
0x40a: {  	[tilespmem:s6], [sflag:$0x2] =	stream.indirect.gather [hbm4b:s1+s30], $0x80, s24, s30, $0xb8;
	[tilespmem:$0x1FC00] =	vst v63  }
0x40b: {  	s5 =	simm.s32 $0x14700  }
0x40c: {  	[spmem:s2] =	stream.indirect.scatter.add.f32 [tilespmem:s31], [sflag:$0x3], $0x80, s5, s30, $0xb8;
	[tilespmem:$0x1FC00] =	vst v63  }
0x40d: {  	_ =	swait.ge [sflag:s26], $0x4000  }
0x40e: {  	[sflag:s26] =	ssyncset.done $0x0  }
0x40f: {  	[sflag:s26] =	ssyncadd.s32 $0xFFFFC000  }
0x410: {  	_ =	swait.ge [sflag:s7], $0x4000  }
0x411: {  	[sflag:s7] =	ssyncset.done $0x0  }
0x412: {  	s8 =	simm.s32 $0x14000;
	[sflag:s7] =	ssyncadd.s32 $0xFFFFC000  }
0x413: {  	[tilespmem:s31], [sflag:$0x1] =	stream.indirect.gather [hbm4b:s1+s30], $0x80, s8, s30, $0xb8;
	[tilespmem:$0x1FC00] =	vst v63  }
0x414: {  	s11 =	simm.s32 $0x14780  }
0x415: {  	[spmem:s2] =	stream.indirect.scatter.add.f32 [tilespmem:s6], [sflag:$0x3], $0x80, s11, s30, $0xb8;
	[tilespmem:$0x1FC00] =	vst v63  }
0x416: {  	_ =	swait.ge [sflag:s26], $0x4000  }
0x417: {  	[sflag:s26] =	ssyncset.done $0x0  }
0x418: {  	[sflag:s26] =	ssyncadd.s32 $0xFFFFC000  }
0x419: {  	_ =	swait.ge [sflag:s28], $0x4000  }
0x41a: {  	[sflag:s28] =	ssyncset.done $0x0  }
0x41b: {  	s16 =	simm.s32 $0x14080;
	[sflag:s28] =	ssyncadd.s32 $0xFFFFC000  }
0x41c: {  	[tilespmem:s6], [sflag:$0x2] =	stream.indirect.gather [hbm4b:s1+s30], $0x80, s16, s30, $0xb8;
	[tilespmem:$0x1FC00] =	vst v63  }
0x41d: {  	s13 =	simm.s32 $0x14800  }
0x41e: {  	[spmem:s2] =	stream.indirect.scatter.add.f32 [tilespmem:s31], [sflag:$0x3], $0x80, s13, s30, $0xb8;
	[tilespmem:$0x1FC00] =	vst v63  }
0x41f: {  	s8 =	rddreg [dreg:$0x17];
	_ =	swait.ge [sflag:s26], $0x4000  }
0x420: {  	[sflag:s26] =	ssyncset.done $0x0  }
0x421: {  	[sflag:s26] =	ssyncadd.s32 $0xFFFFC000  }
0x422: {  	_ =	swait.ge [sflag:s7], $0x4000  }
0x423: {  	[sflag:s7] =	ssyncset.done $0x0  }
0x424: {  	s12 =	simm.s32 $0x14100;
	[sflag:s7] =	ssyncadd.s32 $0xFFFFC000  }
0x425: {  	[tilespmem:s31], [sflag:$0x1] =	stream.indirect.gather [hbm4b:s1+s30], $0x80, s12, s30, $0xb8;
	[tilespmem:$0x1FC00] =	vst v63  }
0x426: {  	s14 =	simm.s32 $0x14880  }
0x427: {  	[spmem:s2] =	stream.indirect.scatter.add.f32 [tilespmem:s6], [sflag:$0x3], $0x80, s14, s30, $0xb8;
	[tilespmem:$0x1FC00] =	vst v63  }
0x428: {  	_ =	swait.ge [sflag:s26], $0x4000  }
0x429: {  	[sflag:s26] =	ssyncset.done $0x0  }
0x42a: {  	[sflag:s26] =	ssyncadd.s32 $0xFFFFC000  }
0x42b: {  	_ =	swait.ge [sflag:s28], $0x4000  }
0x42c: {  	[sflag:s28] =	ssyncset.done $0x0  }
0x42d: {  	s4 =	simm.s32 $0x14180;
	[sflag:s28] =	ssyncadd.s32 $0xFFFFC000  }
0x42e: {  	[tilespmem:s6], [sflag:$0x2] =	stream.indirect.gather [hbm4b:s1+s30], $0x80, s4, s30, $0xb8;
	[tilespmem:$0x1FC00] =	vst v63  }
0x42f: {  	s23 =	simm.s32 $0x14900  }
0x430: {  	[spmem:s2] =	stream.indirect.scatter.add.f32 [tilespmem:s31], [sflag:$0x3], $0x80, s23, s30, $0xb8;
	[tilespmem:$0x1FC00] =	vst v63  }
0x431: {  	_ =	swait.ge [sflag:s26], $0x4000  }
0x432: {  	[sflag:s26] =	ssyncset.done $0x0  }
0x433: {  	[sflag:s26] =	ssyncadd.s32 $0xFFFFC000  }
0x434: {  	_ =	swait.ge [sflag:s7], $0x4000  }
0x435: {  	[sflag:s7] =	ssyncset.done $0x0  }
0x436: {  	s17 =	simm.s32 $0x14200;
	[sflag:s7] =	ssyncadd.s32 $0xFFFFC000  }
0x437: {  	[tilespmem:s31], [sflag:$0x1] =	stream.indirect.gather [hbm4b:s1+s30], $0x80, s17, s30, $0xb8;
	[tilespmem:$0x1FC00] =	vst v63  }
0x438: {  	s17 =	simm.s32 $0x14980  }
0x439: {  	[spmem:s2] =	stream.indirect.scatter.add.f32 [tilespmem:s6], [sflag:$0x3], $0x80, s17, s30, $0xb8;
	[tilespmem:$0x1FC00] =	vst v63  }
0x43a: {  	s11 =	rddreg [dreg:$0x19];
	_ =	swait.ge [sflag:s26], $0x4000  }
0x43b: {  	[sflag:s26] =	ssyncset.done $0x0  }
0x43c: {  	[sflag:s26] =	ssyncadd.s32 $0xFFFFC000  }
0x43d: {  	_ =	swait.ge [sflag:s28], $0x4000  }
0x43e: {  	[sflag:s28] =	ssyncset.done $0x0  }
0x43f: {  	s3 =	simm.s32 $0x14280;
	[sflag:s28] =	ssyncadd.s32 $0xFFFFC000  }
0x440: {  	[tilespmem:s6], [sflag:$0x2] =	stream.indirect.gather [hbm4b:s1+s30], $0x80, s3, s30, $0xb8;
	[tilespmem:$0x1FC00] =	vst v63  }
0x441: {  	s20 =	simm.s32 $0x14A00  }
0x442: {  	[spmem:s2] =	stream.indirect.scatter.add.f32 [tilespmem:s31], [sflag:$0x3], $0x80, s20, s30, $0xb8;
	[tilespmem:$0x1FC00] =	vst v63  }
0x443: {  	_ =	swait.ge [sflag:s26], $0x4000  }
0x444: {  	[sflag:s26] =	ssyncset.done $0x0  }
0x445: {  	[sflag:s26] =	ssyncadd.s32 $0xFFFFC000  }
0x446: {  	_ =	swait.ge [sflag:s7], $0x4000  }
0x447: {  	[sflag:s7] =	ssyncset.done $0x0  }
0x448: {  	s19 =	simm.s32 $0x14300;
	[sflag:s7] =	ssyncadd.s32 $0xFFFFC000  }
0x449: {  	[tilespmem:s31], [sflag:$0x1] =	stream.indirect.gather [hbm4b:s1+s30], $0x80, s19, s30, $0xb8;
	[tilespmem:$0x1FC00] =	vst v63  }
0x44a: {  	s22 =	simm.s32 $0x14A80  }
0x44b: {  	[spmem:s2] =	stream.indirect.scatter.add.f32 [tilespmem:s6], [sflag:$0x3], $0x80, s22, s30, $0xb8;
	[tilespmem:$0x1FC00] =	vst v63  }
0x44c: {  	_ =	swait.ge [sflag:s26], $0x4000  }
0x44d: {  	[sflag:s26] =	ssyncset.done $0x0  }
0x44e: {  	[sflag:s26] =	ssyncadd.s32 $0xFFFFC000  }
0x44f: {  	_ =	swait.ge [sflag:s28], $0x4000  }
0x450: {  	[sflag:s28] =	ssyncset.done $0x0  }
0x451: {  	[sflag:s28] =	ssyncadd.s32 $0xFFFFC000  }
0x452: {  	[tilespmem:s6], [sflag:$0x2] =	stream.indirect.gather [hbm4b:s1+s30], $0x80, s21, s30, $0xb8;
	[tilespmem:$0x1FC00] =	vst v63  }
0x453: {  	s23 =	simm.s32 $0x14B00  }
0x454: {  	[spmem:s2] =	stream.indirect.scatter.add.f32 [tilespmem:s31], [sflag:$0x3], $0x80, s23, s30, $0xb8;
	[tilespmem:$0x1FC00] =	vst v63  }
0x455: {  	_ =	swait.ge [sflag:s26], $0x4000  }
0x456: {  	[sflag:s26] =	ssyncset.done $0x0  }
0x457: {  	[sflag:s26] =	ssyncadd.s32 $0xFFFFC000  }
0x458: {  	_ =	swait.ge [sflag:s7], $0x4000  }
0x459: {  	[sflag:s7] =	ssyncset.done $0x0  }
0x45a: {  	[sflag:s7] =	ssyncadd.s32 $0xFFFFC000  }
0x45b: {  	[tilespmem:s31], [sflag:$0x1] =	stream.indirect.gather [hbm4b:s1+s30], $0x80, s21, s30, $0xb8;
	[tilespmem:$0x1FC00] =	vst v63  }
0x45c: {  	s24 =	simm.s32 $0x14B80  }
0x45d: {  	[spmem:s2] =	stream.indirect.scatter.add.f32 [tilespmem:s6], [sflag:$0x3], $0x80, s24, s30, $0xb8;
	[tilespmem:$0x1FC00] =	vst v63  }
0x45e: {  	_ =	swait.ge [sflag:s26], $0x4000  }
0x45f: {  	[sflag:s26] =	ssyncset.done $0x0  }
0x460: {  	[sflag:s26] =	ssyncadd.s32 $0xFFFFC000  }
0x461: {  	_ =	swait.ge [sflag:s28], $0x4000  }
0x462: {  	[sflag:s28] =	ssyncset.done $0x0  }
0x463: {  	[sflag:s28] =	ssyncadd.s32 $0xFFFFC000  }
.LBB2_6:
0x464: {  	s18 =	sadd.s32 $0x1, s18  }
0x465: {  	p1 =	sne.s32 s18, s9  }
.Ltmp1:
0x466: {  	[bflag:$0x0] =	sbarrier.arrive $0xFFFF;
	(pc) =	sbr.rel @!p1 .LBB2_7-.Ltmp1, $4  }
0x467: {  	[hbm:s8], [sflag:s10] =	dma.local [spmem:s11], $0x2780  }
0x468: {  	_ =	swait.ge [sflag:s26], $0x2780  }
0x469: {  	[sflag:s26] =	ssyncset.done $0x0  }
0x46a: {  	[sflag:s26] =	ssyncadd.s32 $0xFFFFD880  }
.LBB2_1:
0x46b: {  	s11 =	sshrl.u32 s29, $0x3  }
0x46c: {  	[spmem:s11], [sflag:s10] =	dma.local [hbm:s25], $0x2780  }
.Ltmp2:
0x46d: {  	_ =	swait.ge [sflag:s26], $0x2780;
	(pc) =	sbr.rel @!p0 .LBB2_2-.Ltmp2, $3  }
0x46e: {  	[sflag:s26] =	ssyncset.done $0x0  }
0x46f: {  	[sflag:s26] =	ssyncadd.s32 $0xFFFFD880  }
0x470: {  	[bflag:$0x0] =	sbarrier.arrive $0xFFFF;
	_ =	sdelay $0x1  }
0x471: {  	s20 =	simm.s32 $0x0;
	s5 =	rddreg [dreg:$0x12];
	s21 =	simm.s32 $0x14C00  }
0x472: {  	[tilespmem:s21], [sflag:$0x3] =	stream.linear.gather [hbm4b:s5+s20], $0x1800, $0x38;
	[tilespmem:$0x1FC00] =	vst v63  }
0x473: {  	_ =	swait.ge [sflag:s26], $0x1800  }
0x474: {  	[sflag:s26] =	ssyncset.done $0x0  }
0x475: {  	s22 =	simm.s32 $0x16400;
	s21 =	rddreg [dreg:$0x13];
	[sflag:s26] =	ssyncadd.s32 $0xFFFFE800  }
0x476: {  	[tilespmem:s22], [sflag:$0x3] =	stream.linear.gather [hbm4b:s21+s20], $0x1800, $0x38;
	[tilespmem:$0x1FC00] =	vst v63  }
0x477: {  	_ =	swait.ge [sflag:s26], $0x1800  }
0x478: {  	[sflag:s26] =	ssyncset.done $0x0  }
0x479: {  	s23 =	simm.s32 $0x14C00;
	[sflag:s26] =	ssyncadd.s32 $0xFFFFE800  }
0x47a: {  	[tilespmem:s31], [sflag:$0x3] =	stream.indirect.gather [hbm4b:s1+s30], $0x80, s23, s30, $0xb8;
	[tilespmem:$0x1FC00] =	vst v63  }
0x47b: {  	_ =	swait.ge [sflag:s26], $0x4000  }
0x47c: {  	[sflag:s26] =	ssyncset.done $0x0  }
0x47d: {  	s24 =	simm.s32 $0x16400;
	[sflag:s26] =	ssyncadd.s32 $0xFFFFC000  }
0x47e: {  	[spmem:s2] =	stream.indirect.scatter.add.f32 [tilespmem:s31], [sflag:$0x3], $0x80, s24, s30, $0xb8;
	[tilespmem:$0x1FC00] =	vst v63  }
0x47f: {  	_ =	swait.ge [sflag:s26], $0x4000  }
0x480: {  	s21 =	simm.s32 $0x400;
	s20 =	simm.s32 $0x80;
	[sflag:s26] =	ssyncset.done $0x0  }
.LBB2_4:
0x481: {  	s5 =	sadd.s32 $0x14C00, s20  }
0x482: {  	[sflag:s26] =	ssyncadd.s32 $0xFFFFC000;
	s22 =	smov.u32 s21;
	s24 =	sadd.s32 $0x200, s21  }
0x483: {  	[tilespmem:s31], [sflag:$0x3] =	stream.indirect.gather [hbm4b:s1+s30], $0x80, s5, s30, $0xb8;
	[tilespmem:$0x1FC00] =	vst v63  }
0x484: {  	p1 =	sne.s32 s21, $0x5E00;
	_ =	swait.ge [sflag:s26], $0x4000  }
.Ltmp3:
0x485: {  	[sflag:s26] =	ssyncset.done $0x0;
	(pc) =	sbr.rel @p1 .LBB2_4-.Ltmp3, $4  }
0x486: {  	s5 =	sadd.s32 $0x16400, s20;
	[sflag:s26] =	ssyncadd.s32 $0xFFFFC000  }
0x487: {  	[spmem:s2] =	stream.indirect.scatter.add.f32 [tilespmem:s31], [sflag:$0x3], $0x80, s5, s30, $0xb8;
	[tilespmem:$0x1FC00] =	vst v63  }
0x488: {  	_ =	swait.ge [sflag:s26], $0x4000  }
0x489: {  	s20 =	sshra.s32 s22, $0x2;
	s21 =	smov.u32 s24;
	[sflag:s26] =	ssyncset.done $0x0  }
0x48a: {  	s5 =	sadd.s32 $0x14C00, s20;
	[sflag:s26] =	ssyncadd.s32 $0xFFFFC000  }
0x48b: {  	[tilespmem:s31], [sflag:$0x3] =	stream.indirect.gather [hbm4b:s1+s30], $0x80, s5, s30, $0xb8;
	[tilespmem:$0x1FC00] =	vst v63  }
0x48c: {  	_ =	swait.ge [sflag:s26], $0x4000  }
0x48d: {  	[sflag:s26] =	ssyncset.done $0x0  }
.Ltmp4:
0x48e: {  	s24 =	sadd.s32 $0x16400, s20;
	[sflag:s26] =	ssyncadd.s32 $0xFFFFC000;
	(pc) =	sbr.rel .LBB2_6-.Ltmp4, $4  }
0x48f: {  	[spmem:s2] =	stream.indirect.scatter.add.f32 [tilespmem:s31], [sflag:$0x3], $0x80, s24, s30, $0xb8;
	[tilespmem:$0x1FC00] =	vst v63  }
0x490: {  	_ =	swait.ge [sflag:s26], $0x4000  }
0x491: {  	[sflag:s26] =	ssyncset.done $0x0  }
0x492: {  	[sflag:s26] =	ssyncadd.s32 $0xFFFFC000  }
.LBB2_7:
0x493: {  	_ =	sfence.sel $0x180000  }
0x494: {  	[bflag:$0x0] =	sbarrier.arrive $0xFFFF  }
0x495: {  	_ =	strace $0x9000004D  }
0x496: {  	s0 =	stileid.u32;
	[bflag:$0x2] =	sbarrier.arrive $0xFFFF  }
0x497: {  	p0 =	sne.s32 s0, $0x0;
	s0 =	rddreg [dreg:$0x3]  }
0x498: {  	s0 =	sadd.s32 @!p0 $0x100000, s0  }
0x499: {  	[sflag:s0] =	ssyncadd.tile.s32 @!p0 $0x1;
	_ =	shalt  }
.Lfunc_end2:
_tile_overlayer_lowered:
.L_overlay_start_2:
0x49a: {  	(tag) =	ssettag $0x2  }
0x49b: {  	s0 =	rddreg [dreg:$0x0];
	s2 =	stileid.u32  }
0x49c: {  	s1 =	rddreg [dreg:$0x1];
	p0 =	sne.s32 s2, $0x0  }
0x49d: {  	s3 =	rddreg [dreg:$0x2];
	[bflag:$0x3] =	sbarrier.arrive $0xFFFF;
	s2 =	simm.s32 @!p0 $0x1C03  }
0x49e: {  	[timem:s3], [sflag:s2] =	dma.local @!p0 [hbm:s0], s1  }
0x49f: {  	s0 =	simm.s32 @!p0 $0x3  }
0x4a0: {  	_ =	swait.ge @!p0 [sflag:s0], s1  }
0x4a1: {  	s1 =	ssub.s32 @!p0 $0x0, s1;
	[sflag:s0] =	ssyncset.done @!p0 $0x0  }
0x4a2: {  	[sflag:s0] =	ssyncadd.s32 @!p0 s1  }
0x4a3: {  	[bflag:$0x3] =	sbarrier.arrive $0xFFFF  }
0x4a4: {  	_ =	shalt  }

// kernel: kernel.13.cloned.1.call-start
scs
__scs_entry_jumppad:
0x0: {  	(pc) =	sbr.rel $0x88, $3  }
0x1: {  	(tag) =	ssettag $0x0;
	lr =	simm.s32 $0x1  }
0x2: {  	[smem:$0x3F99] =	sst lr;
	_ =	strace $0xD0000000  }
0x3: {  	_ = 	snop  }
0x4: {  	_ = 	snop  }
0x5: {  	_ = 	snop  }
0x6: {  	_ = 	snop  }
0x7: {  	_ = 	snop  }
__scs_overlays_trampoline_lowered:
0x8: {  	[smem:$0x3FA8] =	sst s0  }
0x9: {  	[smem:$0x3FA9] =	sst s1  }
0xa: {  	[smem:$0x3FAA] =	sst s2  }
0xb: {  	[smem:$0x3FAB] =	sst s3  }
0xc: {  	[smem:$0x3FAC] =	sst s4  }
0xd: {  	[smem:$0x3FAD] =	sst s5  }
0xe: {  	[smem:$0x3FAE] =	sst s6  }
0xf: {  	[smem:$0x3FAF] =	sst s7  }
0x10: {  	[smem:$0x3FB0] =	sst s8  }
0x11: {  	[smem:$0x3FB1] =	sst s9;
	s0 =	simm.s32 @!p0 $0x0  }
0x12: {  	s1 =	sld [smem:$0x3F97];
	s0 =	simm.s32 @p0 $0x1  }
0x13: {  	[smem:$0x3FB2] =	sst s0;
	s0 =	simm.s32 @!p1 $0x0  }
0x14: {  	s2 =	sld [smem:$0x3F96];
	s0 =	simm.s32 @p1 $0x1  }
0x15: {  	[smem:$0x3FB3] =	sst s0;
	s0 =	simm.s32 @!p2 $0x0  }
0x16: {  	s3 =	sld [smem:$0x3FDB];
	s0 =	simm.s32 @p2 $0x1  }
0x17: {  	s4 =	simm.s32 $0x1BF5;
	[smem:$0x3FB5] =	sst s0  }
0x18: {  	s0 =	sld [smem:$0x3F98];
	_ =	swait.ge [sflag:s4], $0x0  }
0x19: {  	s7 =	sld [smem:$0x3F99]  }
0x1a: {  	s8 =	sadd.s32 $0xFFFFE003, lr  }
0x1b: {  	s9 =	sadd.s32 $0xFFFFFEF7, lr;
	s5 =	simm.s32 $0xFFFFFFFF;
	p2 =	slt.u32 s8, $0xFFFFF086  }
0x1c: {  	p1 =	slt.u32 s9, $0xF7A;
	s5 =	simm.s32 @!p2 $0x0  }
0x1d: {  	s5 =	simm.s32 @p1 $0x1;
	p0 =	seq.s32 s7, s2  }
0x1e: {  	s7 =	smul.u32 @!p0 $0xF7A, s2;
	p2 =	seq.s32 @!p0 s5, $0x0  }
0x1f: {  	s9 =	smul.u32 $0xF7A, s1;
	s8 =	simm.s32 @!p0 $0x1BF5;
	p2 =	por !p2, p0  }
0x20: {  	[sflag:s8] =	ssyncset.s32 @!p0 $0xFFFFF086;
	s6 =	sadd.s32 @!p0 s3, s7;
	s7 =	simm.s32 @!p0 $0x108  }
0x21: {  	s3 =	sadd.s32 s3, s9;
	s6 =	sadd.s32 @!p0 $0x88, s6;
	s7 =	simm.s32 @p2 $0x1082  }
0x22: {  	[simem:s7], [sflag:s8] =	dma.local @!p0 [hbm:s6], $0xF7A  }
0x23: {  	s9 =	sor.u32 $0xD0000000, s2;
	s6 =	simm.s32 $0x108;
	_ =	swait.ge @!p0 [sflag:s8], $0x0  }
0x24: {  	s3 =	sadd.s32 $0x88, s3;
	s6 =	simm.s32 @!p1 $0x1082;
	[sflag:s4] =	ssyncset.s32 $0xFFFFF086  }
0x25: {  	[simem:s6], [sflag:s4] =	dma.local [hbm:s3], $0xF7A  }
0x26: {  	[smem:$0x3F99] =	sst s1;
	(tag) =	ssettag s2;
	_ =	strace s9  }
0x27: {  	s1 =	sld [smem:$0x3FA9]  }
0x28: {  	s2 =	sld [smem:$0x3FAA]  }
0x29: {  	s4 =	sld [smem:$0x3FAC]  }
0x2a: {  	p0 =	seq.s32 s5, $0x0;
	s5 =	sld [smem:$0x3FAD]  }
0x2b: {  	s6 =	sld [smem:$0x3FAE]  }
0x2c: {  	s7 =	sld [smem:$0x3FAF]  }
0x2d: {  	s3 =	simm.s32 $0x108;
	s8 =	sld [smem:$0x3FB0]  }
0x2e: {  	s3 =	simm.s32 @!p0 $0x1082;
	s9 =	sld [smem:$0x3FB1]  }
0x2f: {  	lr =	sadd.s32 s0, s3;
	s0 =	sld [smem:$0x3FA8]  }
0x30: {  	s3 =	sld [smem:$0x3FAB]  }
0x31: {  	[smem:$0x3FB4] =	sst s10  }
0x32: {  	s10 =	sld [smem:$0x3FB2];
	_ =	sdelay $0x3  }
0x33: {  	p0 =	seq.s32 s10, $0x1;
	s10 =	sld [smem:$0x3FB4];
	_ =	sdelay $0x3  }
0x34: {  	[smem:$0x3FB4] =	sst s10  }
0x35: {  	s10 =	sld [smem:$0x3FB3];
	_ =	sdelay $0x3  }
0x36: {  	p1 =	seq.s32 s10, $0x1;
	s10 =	sld [smem:$0x3FB4];
	_ =	sdelay $0x3  }
0x37: {  	[smem:$0x3FB4] =	sst s10  }
0x38: {  	s10 =	sld [smem:$0x3FB5]  }
0x39: {  	_ = 	snop;
	(pc) =	sbr.ind lr, $3  }
0x3a: {  	_ = 	snop  }
0x3b: {  	_ = 	snop  }
0x3c: {  	p2 =	seq.s32 s10, $0x1;
	s10 =	sld [smem:$0x3FB4]  }
0x3d: {  	_ =	shalt  }
0x3e: {  	_ =	shalt  }
0x3f: {  	_ =	shalt  }
0x40: {  	_ =	shalt  }
0x41: {  	_ =	shalt  }
0x42: {  	_ =	shalt  }
0x43: {  	_ =	shalt  }
0x44: {  	_ =	shalt  }
0x45: {  	_ =	shalt  }
0x46: {  	_ =	shalt  }
0x47: {  	_ =	shalt  }
0x48: {  	_ =	shalt  }
0x49: {  	_ =	shalt  }
0x4a: {  	_ =	shalt  }
0x4b: {  	_ =	shalt  }
0x4c: {  	_ =	shalt  }
0x4d: {  	_ =	shalt  }
0x4e: {  	_ =	shalt  }
0x4f: {  	_ =	shalt  }
0x50: {  	_ =	shalt  }
0x51: {  	_ =	shalt  }
0x52: {  	_ =	shalt  }
0x53: {  	_ =	shalt  }
0x54: {  	_ =	shalt  }
0x55: {  	_ =	shalt  }
0x56: {  	_ =	shalt  }
0x57: {  	_ =	shalt  }
0x58: {  	_ =	shalt  }
0x59: {  	_ =	shalt  }
0x5a: {  	_ =	shalt  }
0x5b: {  	_ =	shalt  }
0x5c: {  	_ =	shalt  }
0x5d: {  	_ =	shalt  }
0x5e: {  	_ =	shalt  }
0x5f: {  	_ =	shalt  }
0x60: {  	_ =	shalt  }
0x61: {  	_ =	shalt  }
0x62: {  	_ =	shalt  }
0x63: {  	_ =	shalt  }
0x64: {  	_ =	shalt  }
0x65: {  	_ =	shalt  }
0x66: {  	_ =	shalt  }
0x67: {  	_ =	shalt  }
0x68: {  	_ =	shalt  }
0x69: {  	_ =	shalt  }
0x6a: {  	_ =	shalt  }
0x6b: {  	_ =	shalt  }
0x6c: {  	_ =	shalt  }
0x6d: {  	_ =	shalt  }
0x6e: {  	_ =	shalt  }
0x6f: {  	_ =	shalt  }
0x70: {  	_ =	shalt  }
0x71: {  	_ =	shalt  }
0x72: {  	_ =	shalt  }
0x73: {  	_ =	shalt  }
0x74: {  	_ =	shalt  }
0x75: {  	_ =	shalt  }
0x76: {  	_ =	shalt  }
0x77: {  	_ =	shalt  }
0x78: {  	_ =	shalt  }
0x79: {  	_ =	shalt  }
0x7a: {  	_ =	shalt  }
0x7b: {  	_ =	shalt  }
0x7c: {  	_ =	shalt  }
0x7d: {  	_ =	shalt  }
0x7e: {  	_ =	shalt  }
0x7f: {  	_ =	shalt  }
0x80: {  	_ =	shalt  }
0x81: {  	_ =	shalt  }
0x82: {  	_ =	shalt  }
0x83: {  	_ =	shalt  }
0x84: {  	_ =	shalt  }
0x85: {  	_ =	shalt  }
0x86: {  	_ =	shalt  }
0x87: {  	_ =	shalt  }
.Lfunc_end0:
.L_simem_size_0:
called_computation.3_lowered:
.L_overlay_start_0:
0x88: {  	s2 =	sld [smem:$0x3FD9]  }
0x89: {  	s3 =	sld [smem:$0x3FFE];
	_ =	sdelay $0x1  }
0x8a: {  	s1 =	srdreg.scid  }
0x8b: {  	s0 =	sand.u32 $0x1, s1  }
0x8c: {  	s17 =	sshll.u32 s0, $0xA;
	s2 =	sadd.s32 s3, s2  }
0x8d: {  	s2 =	sadd.s32 s2, s17  }
0x8e: {  	[smem:$0x3FC0] =	sst s2  }
0x8f: {  	_ = 	snop  }
0x90: {  	s2 =	sld [smem:$0x3FD0];
	(tm) =	ssettm $0x1  }
0x91: {  	s18 =	sld [smem:$0x3FFB];
	_ =	sdelay $0x3  }
0x92: {  	_ =	strace s18  }
0x93: {  	s3 =	sld [smem:$0x3FFC];
	_ =	sdelay $0x3  }
0x94: {  	_ =	strace s3  }
0x95: {  	s3 =	sld [smem:$0x3FFD];
	_ =	sdelay $0x3  }
0x96: {  	_ =	strace s3  }
0x97: {  	_ =	strace $0x8FFFFFFF  }
0x98: {  	s19 =	sld [smem:$0x3FDB];
	_ =	sdelay $0x1  }
0x99: {  	s4 =	simm.s32 $_scs_section_size  }
0x9a: {  	s5 =	simm.s32 $_size__tile_overlayer_lowered;
	s6 =	simm.s32 $_tile_overlayer_lowered  }
0x9b: {  	s22 =	simm.s32 $0x1BFF;
	s21 =	sshll.u32 s6, $0x1;
	s3 =	sadd.s32 s4, s19  }
0x9c: {  	s7 =	simm.s32 $0x0;
	s20 =	sshll.u32 s5, $0x1;
	s5 =	sadd.s32 s21, s3  }
0x9d: {  	[timem:s7], [sflag:s22] =	dma.local [hbm:s5], s20  }
0x9e: {  	_ =	swait.ge [sflag:s22], s20  }
0x9f: {  	s4 =	ssub.s32 $0x0, s20;
	[sflag:s22] =	ssyncset.done $0x0  }
0xa0: {  	[sflag:s22] =	ssyncadd.s32 s4;
	_ =	sdelay $0x1  }
0xa1: {  	s23 =	simm.s32 $0x1B8B  }
0xa2: {  	_ =	swait.ge [sflag:s23], $0x1  }
0xa3: {  	[sflag:s23] =	ssyncset.done $0x0  }
0xa4: {  	s25 =	simm.s32 $0x1B8E;
	s24 =	sld [smem:$0x3FFE];
	[sflag:s23] =	ssyncadd.s32 $0xFFFFFFFF  }
0xa5: {  	s26 =	simm.s32 $execute0_lowered;
	[smem:$0x3FD2] =	sst s25  }
0xa6: {  	s5 =	sshll.u32 s26, $0x1;
	_ =	strace $0x8000004F;
	[dreg:$0x1] =	wrdreg $0xFFFFFFFF  }
0xa7: {  	s28 =	simm.s32 $_size_execute0_lowered;
	s3 =	sadd.s32 s3, s5;
	[dreg:$0x0] =	wrdreg $0x0  }
0xa8: {  	s5 =	sshll.u32 s28, $0x1;
	[dreg:$0x2] =	wrdreg s3  }
0xa9: {  	[dreg:$0x3] =	wrdreg s5  }
0xaa: {  	[dreg:$0x4] =	wrdreg $0xC0  }
0xab: {  	_ =	task [dreg:s7], $0x5FFFF  }
0xac: {  	[dreg:$0x1] =	wrdreg $0xFFFFFFFF  }
0xad: {  	[dreg:$0x0] =	wrdreg $0x60  }
0xae: {  	[dreg:$0x2] =	wrdreg s2  }
0xaf: {  	[dreg:$0x3] =	wrdreg s24  }
0xb0: {  	[dreg:$0x4] =	wrdreg $0x0  }
0xb1: {  	[dreg:$0x5] =	wrdreg $0x9  }
0xb2: {  	_ =	task.clear_ibuf [dreg:s7], $0x6FFFF;
	_ =	strace $0x9000004F  }
0xb3: {  	s29 =	simm.s32 $0x9;
	_ =	strace $0x80000051  }
0xb4: {  	_ =	swait.ge [sflag:s29], $0x1  }
0xb5: {  	[sflag:s29] =	ssyncadd.s32 $0xFFFFFFFF  }
0xb6: {  	_ =	strace $0x90000051  }
0xb7: {  	_ =	sfence  }
0xb8: {  	s30 =	sld [smem:$0x0];
	_ =	sdelay $0x2  }
0xb9: {  	s31 =	sshll.u32 s1, $0xD;
	s1 =	sshrl.u32 s1, $0x2  }
0xba: {  	s3 =	sand.u32 $0x4000, s31;
	s1 =	sadd.s32 s1, s30  }
0xbb: {  	s0 =	sor.u32 s3, s0;
	s1 =	sshll.u32 s1, $0x11  }
0xbc: {  	s0 =	sor.u32 s1, s0  }
0xbd: {  	s0 =	sadd.s32 $0x8F2B, s0  }
0xbe: {  	[sflag:s0] =	ssyncadd.remote.s32 $0x1  }
0xbf: {  	_ =	sfence.sel $0xFFFF  }
0xc0: {  	[dreg:$0x0] =	wrdreg $0xFFFFFFFF;
	(pc) =	sbr.abs _section_cstart, $3  }
0xc1: {  	[dreg:$0x1] =	wrdreg $0xFFFFFFFF  }
0xc2: {  	_ =	task.clear_ibuf [dreg:s7], $0x2FFFF;
	_ =	strace $0x9FFFFFFF  }
0xc3: {  	(tm) =	ssettm $0x7FFFFFFF  }
tec
execute0_lowered:
.L_overlay_start_1:
0x0: {  	(tag) =	ssettag $0x1  }
0x1: {  	s1 =	rddreg [dreg:$0x0]  }
0x2: {  	s0 =	rddreg [dreg:$0x1];
	s12 =	stileid.u32  }
0x3: {  	s2 =	rddreg [dreg:$0x2];
	s6 =	smul.u32 $0x13C00, s12  }
0x4: {  	s3 =	srdreg.scid;
	s4 =	simm.s32 $0x0;
	s20 =	smul.u32 $0x4F000, s12  }
0x5: {  	s30 =	simm.s32 $0x80;
	s31 =	simm.s32 $0x17C00;
	s10 =	smul.u32 $0x3800, s12  }
0x6: {  	s28 =	simm.s32 $0x1;
	s3 =	sand.u32 $0x1, s3;
	s11 =	smul.u32 $0x700, s12  }
0x7: {  	[smem:$0x7FF] =	sst s4;
	s7 =	sadd.s32 $0xC800, s0;
	s18 =	smul.u32 $0x1800, s12  }
0x8: {  	s8 =	sadd.s32 $0x16800, s0;
	s25 =	sadd.s32 $0x2800, s0;
	s5 =	smul.u32 $0x13C000, s3  }
0x9: {  	_ =	strace $0x80000050;
	s9 =	ssub.s32 $0x2, s3;
	p0 =	seq.s32 s3, $0x1  }
0xa: {  	[dreg:$0x15] =	wrdreg s25;
	s22 =	sshrl.u32 s10, $0x3;
	s23 =	sadd.s32 s7, s11  }
0xb: {  	s26 =	sadd.s32 s8, s11;
	[dreg:$0x4] =	wrdreg s23;
	s24 =	sadd.s32 $0x100, s22  }
0xc: {  	s21 =	sshrl.u32 s9, $0x1;
	[dreg:$0x5] =	wrdreg s26;
	s4 =	sadd.s32 s7, s24  }
0xd: {  	s11 =	sadd.s32 $0x200, s22;
	s3 =	sadd.s32 s8, s24;
	[dreg:$0x6] =	wrdreg s4  }
0xe: {  	s5 =	sadd.s32 s6, s5;
	s13 =	sadd.s32 s7, s11;
	[dreg:$0x7] =	wrdreg s3  }
0xf: {  	s14 =	sadd.s32 $0x300, s22;
	s10 =	sadd.s32 s8, s11;
	[dreg:$0x8] =	wrdreg s13  }
0x10: {  	s17 =	sadd.s32 $0x500, s22;
	s15 =	sadd.s32 s7, s14;
	[dreg:$0x9] =	wrdreg s10  }
0x11: {  	s6 =	sshrl.u32 s20, $0x2;
	s19 =	sadd.s32 s7, s17;
	[dreg:$0xa] =	wrdreg s15  }
0x12: {  	s16 =	sadd.s32 $0x400, s22;
	s20 =	sadd.s32 s8, s17;
	[dreg:$0xe] =	wrdreg s19  }
0x13: {  	s26 =	sshll.u32 s12, $0x6;
	s29 =	sadd.s32 s6, s2;
	[dreg:$0xf] =	wrdreg s20  }
0x14: {  	s5 =	sshrl.u32 s5, $0x3;
	s3 =	sadd.s32 s8, s14;
	[dreg:$0x16] =	wrdreg s29  }
0x15: {  	s0 =	sadd.s32 s5, s0;
	s13 =	sadd.s32 s7, s16;
	[dreg:$0xb] =	wrdreg s3  }
0x16: {  	s5 =	ssub.s32 s9, s21;
	s10 =	sor.u32 $0x1C03, s26;
	[dreg:$0xc] =	wrdreg s13  }
0x17: {  	s21 =	sadd.s32 $0x600, s22;
	s3 =	sadd.s32 s8, s16;
	[dreg:$0x14] =	wrdreg s10  }
0x18: {  	s22 =	sshrl.u32 s18, $0x3;
	s23 =	sadd.s32 s7, s21;
	[dreg:$0xd] =	wrdreg s3  }
0x19: {  	s24 =	sadd.s32 $0x7000, s22;
	s9 =	smax.u32 s5, $0x1;
	[dreg:$0x10] =	wrdreg s23  }
.Ltmp0:
0x1a: {  	s3 =	sadd.s32 s8, s21;
	[dreg:$0x18] =	wrdreg s9;
	(pc) =	sbr.rel .LBB2_1-.Ltmp0, $4  }
0x1b: {  	s6 =	simm.s32 $0x1BC00;
	s7 =	sadd.s32 s7, s24;
	[dreg:$0x11] =	wrdreg s3  }
0x1c: {  	s26 =	simm.s32 $0x3;
	[dreg:$0x12] =	wrdreg s7;
	s3 =	sadd.s32 s8, s24  }
0x1d: {  	s18 =	simm.s32 $0x0;
	s8 =	sadd.s32 $0x20800, s0;
	[dreg:$0x13] =	wrdreg s3  }
0x1e: {  	s15 =	simm.s32 $0x0;
	s7 =	simm.s32 $0x2;
	[dreg:$0x17] =	wrdreg s8  }
.LBB2_2:
0x1f: {  	s5 =	rddreg [dreg:$0x4];
	s20 =	simm.s32 $0x13C00  }
0x20: {  	[tilespmem:s20], [sflag:$0x3] =	stream.linear.gather [hbm4b:s5+s15], $0x800, $0x38;
	[tilespmem:$0x1FC00] =	vst v63  }
0x21: {  	_ =	swait.ge [sflag:s26], $0x800  }
0x22: {  	[sflag:s26] =	ssyncset.done $0x0  }
0x23: {  	s22 =	simm.s32 $0x14400;
	s24 =	rddreg [dreg:$0x5];
	[sflag:s26] =	ssyncadd.s32 $0xFFFFF800  }
0x24: {  	[tilespmem:s22], [sflag:$0x3] =	stream.linear.gather [hbm4b:s24+s15], $0x800, $0x38;
	[tilespmem:$0x1FC00] =	vst v63  }
0x25: {  	_ =	swait.ge [sflag:s26], $0x800  }
0x26: {  	[sflag:s26] =	ssyncset.done $0x0  }
0x27: {  	[sflag:s26] =	ssyncadd.s32 $0xFFFFF800  }
0x28: {  	[tilespmem:s31], [sflag:$0x1] =	stream.indirect.gather [hbm4b:s1+s30], $0x80, s20, s30, $0xb8;
	[tilespmem:$0x1FC00] =	vst v63  }
0x29: {  	_ =	swait.ge [sflag:s28], $0x4000  }
0x2a: {  	[sflag:s28] =	ssyncset.done $0x0  }
0x2b: {  	s4 =	simm.s32 $0x13C80;
	[sflag:s28] =	ssyncadd.s32 $0xFFFFC000  }
0x2c: {  	[tilespmem:s6], [sflag:$0x2] =	stream.indirect.gather [hbm4b:s1+s30], $0x80, s4, s30, $0xb8;
	[tilespmem:$0x1FC00] =	vst v63  }
0x2d: {  	_ = 	snop  }
0x2e: {  	[spmem:s2] =	stream.indirect.scatter.add.f32 [tilespmem:s31], [sflag:$0x3], $0x80, s22, s30, $0xb8;
	[tilespmem:$0x1FC00] =	vst v63  }
0x2f: {  	_ =	swait.ge [sflag:s26], $0x4000  }
0x30: {  	[sflag:s26] =	ssyncset.done $0x0  }
0x31: {  	[sflag:s26] =	ssyncadd.s32 $0xFFFFC000  }
0x32: {  	_ =	swait.ge [sflag:s7], $0x4000  }
0x33: {  	[sflag:s7] =	ssyncset.done $0x0  }
0x34: {  	s25 =	simm.s32 $0x13D00;
	[sflag:s7] =	ssyncadd.s32 $0xFFFFC000  }
0x35: {  	[tilespmem:s31], [sflag:$0x1] =	stream.indirect.gather [hbm4b:s1+s30], $0x80, s25, s30, $0xb8;
	[tilespmem:$0x1FC00] =	vst v63  }
0x36: {  	s0 =	simm.s32 $0x14480  }
0x37: {  	[spmem:s2] =	stream.indirect.scatter.add.f32 [tilespmem:s6], [sflag:$0x3], $0x80, s0, s30, $0xb8;
	[tilespmem:$0x1FC00] =	vst v63  }
0x38: {  	_ =	swait.ge [sflag:s26], $0x4000  }
0x39: {  	[sflag:s26] =	ssyncset.done $0x0  }
0x3a: {  	[sflag:s26] =	ssyncadd.s32 $0xFFFFC000  }
0x3b: {  	_ =	swait.ge [sflag:s28], $0x4000  }
0x3c: {  	[sflag:s28] =	ssyncset.done $0x0  }
0x3d: {  	s3 =	simm.s32 $0x13D80;
	[sflag:s28] =	ssyncadd.s32 $0xFFFFC000  }
0x3e: {  	[tilespmem:s6], [sflag:$0x2] =	stream.indirect.gather [hbm4b:s1+s30], $0x80, s3, s30, $0xb8;
	[tilespmem:$0x1FC00] =	vst v63  }
0x3f: {  	s5 =	simm.s32 $0x14500  }
0x40: {  	[spmem:s2] =	stream.indirect.scatter.add.f32 [tilespmem:s31], [sflag:$0x3], $0x80, s5, s30, $0xb8;
	[tilespmem:$0x1FC00] =	vst v63  }
0x41: {  	_ =	swait.ge [sflag:s26], $0x4000  }
0x42: {  	[sflag:s26] =	ssyncset.done $0x0  }
0x43: {  	[sflag:s26] =	ssyncadd.s32 $0xFFFFC000  }
0x44: {  	_ =	swait.ge [sflag:s7], $0x4000  }
0x45: {  	[sflag:s7] =	ssyncset.done $0x0  }
0x46: {  	s8 =	simm.s32 $0x13E00;
	[sflag:s7] =	ssyncadd.s32 $0xFFFFC000  }
0x47: {  	[tilespmem:s31], [sflag:$0x1] =	stream.indirect.gather [hbm4b:s1+s30], $0x80, s8, s30, $0xb8;
	[tilespmem:$0x1FC00] =	vst v63  }
0x48: {  	s9 =	simm.s32 $0x14580  }
0x49: {  	[spmem:s2] =	stream.indirect.scatter.add.f32 [tilespmem:s6], [sflag:$0x3], $0x80, s9, s30, $0xb8;
	[tilespmem:$0x1FC00] =	vst v63  }
0x4a: {  	_ =	swait.ge [sflag:s26], $0x4000  }
0x4b: {  	[sflag:s26] =	ssyncset.done $0x0  }
0x4c: {  	[sflag:s26] =	ssyncadd.s32 $0xFFFFC000  }
0x4d: {  	_ =	swait.ge [sflag:s28], $0x4000  }
0x4e: {  	[sflag:s28] =	ssyncset.done $0x0  }
0x4f: {  	s10 =	simm.s32 $0x13E80;
	[sflag:s28] =	ssyncadd.s32 $0xFFFFC000  }
0x50: {  	[tilespmem:s6], [sflag:$0x2] =	stream.indirect.gather [hbm4b:s1+s30], $0x80, s10, s30, $0xb8;
	[tilespmem:$0x1FC00] =	vst v63  }
0x51: {  	s12 =	simm.s32 $0x14600  }
0x52: {  	[spmem:s2] =	stream.indirect.scatter.add.f32 [tilespmem:s31], [sflag:$0x3], $0x80, s12, s30, $0xb8;
	[tilespmem:$0x1FC00] =	vst v63  }
0x53: {  	_ =	swait.ge [sflag:s26], $0x4000  }
0x54: {  	[sflag:s26] =	ssyncset.done $0x0  }
0x55: {  	[sflag:s26] =	ssyncadd.s32 $0xFFFFC000  }
0x56: {  	_ =	swait.ge [sflag:s7], $0x4000  }
0x57: {  	[sflag:s7] =	ssyncset.done $0x0  }
0x58: {  	s14 =	simm.s32 $0x13F00;
	[sflag:s7] =	ssyncadd.s32 $0xFFFFC000  }
0x59: {  	[tilespmem:s31], [sflag:$0x1] =	stream.indirect.gather [hbm4b:s1+s30], $0x80, s14, s30, $0xb8;
	[tilespmem:$0x1FC00] =	vst v63  }
0x5a: {  	s17 =	simm.s32 $0x14680  }
0x5b: {  	[spmem:s2] =	stream.indirect.scatter.add.f32 [tilespmem:s6], [sflag:$0x3], $0x80, s17, s30, $0xb8;
	[tilespmem:$0x1FC00] =	vst v63  }
0x5c: {  	_ =	swait.ge [sflag:s26], $0x4000  }
0x5d: {  	[sflag:s26] =	ssyncset.done $0x0  }
0x5e: {  	[sflag:s26] =	ssyncadd.s32 $0xFFFFC000  }
0x5f: {  	_ =	swait.ge [sflag:s28], $0x4000  }
0x60: {  	[sflag:s28] =	ssyncset.done $0x0  }
0x61: {  	s19 =	simm.s32 $0x13F80;
	[sflag:s28] =	ssyncadd.s32 $0xFFFFC000  }
0x62: {  	[tilespmem:s6], [sflag:$0x2] =	stream.indirect.gather [hbm4b:s1+s30], $0x80, s19, s30, $0xb8;
	[tilespmem:$0x1FC00] =	vst v63  }
0x63: {  	s21 =	simm.s32 $0x14700  }
0x64: {  	[spmem:s2] =	stream.indirect.scatter.add.f32 [tilespmem:s31], [sflag:$0x3], $0x80, s21, s30, $0xb8;
	[tilespmem:$0x1FC00] =	vst v63  }
0x65: {  	_ =	swait.ge [sflag:s26], $0x4000  }
0x66: {  	[sflag:s26] =	ssyncset.done $0x0  }
0x67: {  	[sflag:s26] =	ssyncadd.s32 $0xFFFFC000  }
0x68: {  	_ =	swait.ge [sflag:s7], $0x4000  }
0x69: {  	[sflag:s7] =	ssyncset.done $0x0  }
0x6a: {  	s24 =	simm.s32 $0x14000;
	[sflag:s7] =	ssyncadd.s32 $0xFFFFC000  }
0x6b: {  	[tilespmem:s31], [sflag:$0x1] =	stream.indirect.gather [hbm4b:s1+s30], $0x80, s24, s30, $0xb8;
	[tilespmem:$0x1FC00] =	vst v63  }
0x6c: {  	s25 =	simm.s32 $0x14780  }
0x6d: {  	[spmem:s2] =	stream.indirect.scatter.add.f32 [tilespmem:s6], [sflag:$0x3], $0x80, s25, s30, $0xb8;
	[tilespmem:$0x1FC00] =	vst v63  }
0x6e: {  	_ =	swait.ge [sflag:s26], $0x4000  }
0x6f: {  	[sflag:s26] =	ssyncset.done $0x0  }
0x70: {  	[sflag:s26] =	ssyncadd.s32 $0xFFFFC000  }
0x71: {  	_ =	swait.ge [sflag:s28], $0x4000  }
0x72: {  	[sflag:s28] =	ssyncset.done $0x0  }
0x73: {  	s3 =	simm.s32 $0x14080;
	[sflag:s28] =	ssyncadd.s32 $0xFFFFC000  }
0x74: {  	[tilespmem:s6], [sflag:$0x2] =	stream.indirect.gather [hbm4b:s1+s30], $0x80, s3, s30, $0xb8;
	[tilespmem:$0x1FC00] =	vst v63  }
0x75: {  	s4 =	simm.s32 $0x14800  }
0x76: {  	[spmem:s2] =	stream.indirect.scatter.add.f32 [tilespmem:s31], [sflag:$0x3], $0x80, s4, s30, $0xb8;
	[tilespmem:$0x1FC00] =	vst v63  }
0x77: {  	_ =	swait.ge [sflag:s26], $0x4000  }
0x78: {  	[sflag:s26] =	ssyncset.done $0x0  }
0x79: {  	[sflag:s26] =	ssyncadd.s32 $0xFFFFC000  }
0x7a: {  	_ =	swait.ge [sflag:s7], $0x4000  }
0x7b: {  	[sflag:s7] =	ssyncset.done $0x0  }
0x7c: {  	s8 =	simm.s32 $0x14100;
	[sflag:s7] =	ssyncadd.s32 $0xFFFFC000  }
0x7d: {  	[tilespmem:s31], [sflag:$0x1] =	stream.indirect.gather [hbm4b:s1+s30], $0x80, s8, s30, $0xb8;
	[tilespmem:$0x1FC00] =	vst v63  }
0x7e: {  	s9 =	simm.s32 $0x14880  }
0x7f: {  	[spmem:s2] =	stream.indirect.scatter.add.f32 [tilespmem:s6], [sflag:$0x3], $0x80, s9, s30, $0xb8;
	[tilespmem:$0x1FC00] =	vst v63  }
0x80: {  	_ =	swait.ge [sflag:s26], $0x4000  }
0x81: {  	[sflag:s26] =	ssyncset.done $0x0  }
0x82: {  	[sflag:s26] =	ssyncadd.s32 $0xFFFFC000  }
0x83: {  	_ =	swait.ge [sflag:s28], $0x4000  }
0x84: {  	[sflag:s28] =	ssyncset.done $0x0  }
0x85: {  	s10 =	simm.s32 $0x14180;
	[sflag:s28] =	ssyncadd.s32 $0xFFFFC000  }
0x86: {  	[tilespmem:s6], [sflag:$0x2] =	stream.indirect.gather [hbm4b:s1+s30], $0x80, s10, s30, $0xb8;
	[tilespmem:$0x1FC00] =	vst v63  }
0x87: {  	[dreg:$0x19] =	wrdreg s11;
	s11 =	simm.s32 $0x14900  }
0x88: {  	[spmem:s2] =	stream.indirect.scatter.add.f32 [tilespmem:s31], [sflag:$0x3], $0x80, s11, s30, $0xb8;
	[tilespmem:$0x1FC00] =	vst v63  }
0x89: {  	_ =	swait.ge [sflag:s26], $0x4000  }
0x8a: {  	[sflag:s26] =	ssyncset.done $0x0  }
0x8b: {  	[sflag:s26] =	ssyncadd.s32 $0xFFFFC000  }
0x8c: {  	_ =	swait.ge [sflag:s7], $0x4000  }
0x8d: {  	[sflag:s7] =	ssyncset.done $0x0  }
0x8e: {  	s17 =	simm.s32 $0x14200;
	[sflag:s7] =	ssyncadd.s32 $0xFFFFC000  }
0x8f: {  	[tilespmem:s31], [sflag:$0x1] =	stream.indirect.gather [hbm4b:s1+s30], $0x80, s17, s30, $0xb8;
	[tilespmem:$0x1FC00] =	vst v63  }
0x90: {  	s19 =	simm.s32 $0x14980  }
0x91: {  	[spmem:s2] =	stream.indirect.scatter.add.f32 [tilespmem:s6], [sflag:$0x3], $0x80, s19, s30, $0xb8;
	[tilespmem:$0x1FC00] =	vst v63  }
0x92: {  	_ =	swait.ge [sflag:s26], $0x4000  }
0x93: {  	[sflag:s26] =	ssyncset.done $0x0  }
0x94: {  	[sflag:s26] =	ssyncadd.s32 $0xFFFFC000  }
0x95: {  	_ =	swait.ge [sflag:s28], $0x4000  }
0x96: {  	[sflag:s28] =	ssyncset.done $0x0  }
0x97: {  	s21 =	simm.s32 $0x14280;
	[sflag:s28] =	ssyncadd.s32 $0xFFFFC000  }
0x98: {  	[tilespmem:s6], [sflag:$0x2] =	stream.indirect.gather [hbm4b:s1+s30], $0x80, s21, s30, $0xb8;
	[tilespmem:$0x1FC00] =	vst v63  }
0x99: {  	s24 =	simm.s32 $0x14A00  }
0x9a: {  	[spmem:s2] =	stream.indirect.scatter.add.f32 [tilespmem:s31], [sflag:$0x3], $0x80, s24, s30, $0xb8;
	[tilespmem:$0x1FC00] =	vst v63  }
0x9b: {  	_ =	swait.ge [sflag:s26], $0x4000  }
0x9c: {  	[sflag:s26] =	ssyncset.done $0x0  }
0x9d: {  	[sflag:s26] =	ssyncadd.s32 $0xFFFFC000  }
0x9e: {  	_ =	swait.ge [sflag:s7], $0x4000  }
0x9f: {  	[sflag:s7] =	ssyncset.done $0x0  }
0xa0: {  	s25 =	simm.s32 $0x14300;
	[sflag:s7] =	ssyncadd.s32 $0xFFFFC000  }
0xa1: {  	[tilespmem:s31], [sflag:$0x1] =	stream.indirect.gather [hbm4b:s1+s30], $0x80, s25, s30, $0xb8;
	[tilespmem:$0x1FC00] =	vst v63  }
0xa2: {  	s3 =	simm.s32 $0x14A80  }
0xa3: {  	[spmem:s2] =	stream.indirect.scatter.add.f32 [tilespmem:s6], [sflag:$0x3], $0x80, s3, s30, $0xb8;
	[tilespmem:$0x1FC00] =	vst v63  }
0xa4: {  	_ =	swait.ge [sflag:s26], $0x4000  }
0xa5: {  	[sflag:s26] =	ssyncset.done $0x0  }
0xa6: {  	[sflag:s26] =	ssyncadd.s32 $0xFFFFC000  }
0xa7: {  	_ =	swait.ge [sflag:s28], $0x4000  }
0xa8: {  	[sflag:s28] =	ssyncset.done $0x0  }
0xa9: {  	s21 =	simm.s32 $0x14380;
	[sflag:s28] =	ssyncadd.s32 $0xFFFFC000  }
0xaa: {  	[tilespmem:s6], [sflag:$0x2] =	stream.indirect.gather [hbm4b:s1+s30], $0x80, s21, s30, $0xb8;
	[tilespmem:$0x1FC00] =	vst v63  }
0xab: {  	s4 =	simm.s32 $0x14B00  }
0xac: {  	[spmem:s2] =	stream.indirect.scatter.add.f32 [tilespmem:s31], [sflag:$0x3], $0x80, s4, s30, $0xb8;
	[tilespmem:$0x1FC00] =	vst v63  }
0xad: {  	_ =	swait.ge [sflag:s26], $0x4000  }
0xae: {  	[sflag:s26] =	ssyncset.done $0x0  }
0xaf: {  	[sflag:s26] =	ssyncadd.s32 $0xFFFFC000  }
0xb0: {  	_ =	swait.ge [sflag:s7], $0x4000  }
0xb1: {  	[sflag:s7] =	ssyncset.done $0x0  }
0xb2: {  	[sflag:s7] =	ssyncadd.s32 $0xFFFFC000  }
0xb3: {  	[tilespmem:s31], [sflag:$0x1] =	stream.indirect.gather [hbm4b:s1+s30], $0x80, s21, s30, $0xb8;
	[tilespmem:$0x1FC00] =	vst v63  }
0xb4: {  	s8 =	simm.s32 $0x14B80  }
0xb5: {  	[spmem:s2] =	stream.indirect.scatter.add.f32 [tilespmem:s6], [sflag:$0x3], $0x80, s8, s30, $0xb8;
	[tilespmem:$0x1FC00] =	vst v63  }
0xb6: {  	_ =	swait.ge [sflag:s26], $0x4000  }
0xb7: {  	[sflag:s26] =	ssyncset.done $0x0  }
0xb8: {  	[sflag:s26] =	ssyncadd.s32 $0xFFFFC000  }
0xb9: {  	_ =	swait.ge [sflag:s28], $0x4000  }
0xba: {  	[sflag:s28] =	ssyncset.done $0x0  }
0xbb: {  	s9 =	rddreg [dreg:$0x6];
	[sflag:s28] =	ssyncadd.s32 $0xFFFFC000  }
0xbc: {  	[tilespmem:s20], [sflag:$0x3] =	stream.linear.gather [hbm4b:s9+s15], $0x800, $0x38;
	[tilespmem:$0x1FC00] =	vst v63  }
0xbd: {  	_ =	swait.ge [sflag:s26], $0x800  }
0xbe: {  	[sflag:s26] =	ssyncset.done $0x0  }
0xbf: {  	s10 =	rddreg [dreg:$0x7];
	[sflag:s26] =	ssyncadd.s32 $0xFFFFF800  }
0xc0: {  	[tilespmem:s22], [sflag:$0x3] =	stream.linear.gather [hbm4b:s10+s15], $0x800, $0x38;
	[tilespmem:$0x1FC00] =	vst v63  }
0xc1: {  	_ =	swait.ge [sflag:s26], $0x800  }
0xc2: {  	[sflag:s26] =	ssyncset.done $0x0  }
0xc3: {  	[sflag:s26] =	ssyncadd.s32 $0xFFFFF800  }
0xc4: {  	[tilespmem:s31], [sflag:$0x1] =	stream.indirect.gather [hbm4b:s1+s30], $0x80, s20, s30, $0xb8;
	[tilespmem:$0x1FC00] =	vst v63  }
0xc5: {  	_ =	swait.ge [sflag:s28], $0x4000  }
0xc6: {  	[sflag:s28] =	ssyncset.done $0x0  }
0xc7: {  	s8 =	simm.s32 $0x13C80;
	[sflag:s28] =	ssyncadd.s32 $0xFFFFC000  }
0xc8: {  	[tilespmem:s6], [sflag:$0x2] =	stream.indirect.gather [hbm4b:s1+s30], $0x80, s8, s30, $0xb8;
	[tilespmem:$0x1FC00] =	vst v63  }
0xc9: {  	_ = 	snop  }
0xca: {  	[spmem:s2] =	stream.indirect.scatter.add.f32 [tilespmem:s31], [sflag:$0x3], $0x80, s22, s30, $0xb8;
	[tilespmem:$0x1FC00] =	vst v63  }
0xcb: {  	_ =	swait.ge [sflag:s26], $0x4000  }
0xcc: {  	[sflag:s26] =	ssyncset.done $0x0  }
0xcd: {  	[sflag:s26] =	ssyncadd.s32 $0xFFFFC000  }
0xce: {  	_ =	swait.ge [sflag:s7], $0x4000  }
0xcf: {  	[sflag:s7] =	ssyncset.done $0x0  }
0xd0: {  	s9 =	simm.s32 $0x13D00;
	[sflag:s7] =	ssyncadd.s32 $0xFFFFC000  }
0xd1: {  	[tilespmem:s31], [sflag:$0x1] =	stream.indirect.gather [hbm4b:s1+s30], $0x80, s9, s30, $0xb8;
	[tilespmem:$0x1FC00] =	vst v63  }
0xd2: {  	s10 =	simm.s32 $0x14480  }
0xd3: {  	[spmem:s2] =	stream.indirect.scatter.add.f32 [tilespmem:s6], [sflag:$0x3], $0x80, s10, s30, $0xb8;
	[tilespmem:$0x1FC00] =	vst v63  }
0xd4: {  	_ =	swait.ge [sflag:s26], $0x4000  }
0xd5: {  	[sflag:s26] =	ssyncset.done $0x0  }
0xd6: {  	[sflag:s26] =	ssyncadd.s32 $0xFFFFC000  }
0xd7: {  	_ =	swait.ge [sflag:s28], $0x4000  }
0xd8: {  	[sflag:s28] =	ssyncset.done $0x0  }
0xd9: {  	s0 =	simm.s32 $0x13D80;
	[sflag:s28] =	ssyncadd.s32 $0xFFFFC000  }
0xda: {  	[tilespmem:s6], [sflag:$0x2] =	stream.indirect.gather [hbm4b:s1+s30], $0x80, s0, s30, $0xb8;
	[tilespmem:$0x1FC00] =	vst v63  }
0xdb: {  	s16 =	simm.s32 $0x14500  }
0xdc: {  	[spmem:s2] =	stream.indirect.scatter.add.f32 [tilespmem:s31], [sflag:$0x3], $0x80, s16, s30, $0xb8;
	[tilespmem:$0x1FC00] =	vst v63  }
0xdd: {  	_ =	swait.ge [sflag:s26], $0x4000  }
0xde: {  	[sflag:s26] =	ssyncset.done $0x0  }
0xdf: {  	[sflag:s26] =	ssyncadd.s32 $0xFFFFC000  }
0xe0: {  	_ =	swait.ge [sflag:s7], $0x4000  }
0xe1: {  	[sflag:s7] =	ssyncset.done $0x0  }
0xe2: {  	s16 =	simm.s32 $0x13E00;
	[sflag:s7] =	ssyncadd.s32 $0xFFFFC000  }
0xe3: {  	[tilespmem:s31], [sflag:$0x1] =	stream.indirect.gather [hbm4b:s1+s30], $0x80, s16, s30, $0xb8;
	[tilespmem:$0x1FC00] =	vst v63  }
0xe4: {  	s13 =	simm.s32 $0x14580  }
0xe5: {  	[spmem:s2] =	stream.indirect.scatter.add.f32 [tilespmem:s6], [sflag:$0x3], $0x80, s13, s30, $0xb8;
	[tilespmem:$0x1FC00] =	vst v63  }
0xe6: {  	_ =	swait.ge [sflag:s26], $0x4000  }
0xe7: {  	[sflag:s26] =	ssyncset.done $0x0  }
0xe8: {  	[sflag:s26] =	ssyncadd.s32 $0xFFFFC000  }
0xe9: {  	_ =	swait.ge [sflag:s28], $0x4000  }
0xea: {  	[sflag:s28] =	ssyncset.done $0x0  }
0xeb: {  	s17 =	simm.s32 $0x13E80;
	[sflag:s28] =	ssyncadd.s32 $0xFFFFC000  }
0xec: {  	[tilespmem:s6], [sflag:$0x2] =	stream.indirect.gather [hbm4b:s1+s30], $0x80, s17, s30, $0xb8;
	[tilespmem:$0x1FC00] =	vst v63  }
0xed: {  	s23 =	simm.s32 $0x14600  }
0xee: {  	[spmem:s2] =	stream.indirect.scatter.add.f32 [tilespmem:s31], [sflag:$0x3], $0x80, s23, s30, $0xb8;
	[tilespmem:$0x1FC00] =	vst v63  }
0xef: {  	_ =	swait.ge [sflag:s26], $0x4000  }
0xf0: {  	[sflag:s26] =	ssyncset.done $0x0  }
0xf1: {  	[sflag:s26] =	ssyncadd.s32 $0xFFFFC000  }
0xf2: {  	_ =	swait.ge [sflag:s7], $0x4000  }
0xf3: {  	[sflag:s7] =	ssyncset.done $0x0  }
0xf4: {  	s23 =	simm.s32 $0x13F00;
	[sflag:s7] =	ssyncadd.s32 $0xFFFFC000  }
0xf5: {  	[tilespmem:s31], [sflag:$0x1] =	stream.indirect.gather [hbm4b:s1+s30], $0x80, s23, s30, $0xb8;
	[tilespmem:$0x1FC00] =	vst v63  }
0xf6: {  	s19 =	simm.s32 $0x14680  }
0xf7: {  	[spmem:s2] =	stream.indirect.scatter.add.f32 [tilespmem:s6], [sflag:$0x3], $0x80, s19, s30, $0xb8;
	[tilespmem:$0x1FC00] =	vst v63  }
0xf8: {  	_ =	swait.ge [sflag:s26], $0x4000  }
0xf9: {  	[sflag:s26] =	ssyncset.done $0x0  }
0xfa: {  	[sflag:s26] =	ssyncadd.s32 $0xFFFFC000  }
0xfb: {  	_ =	swait.ge [sflag:s28], $0x4000  }
0xfc: {  	[sflag:s28] =	ssyncset.done $0x0  }
0xfd: {  	s4 =	simm.s32 $0x13F80;
	[sflag:s28] =	ssyncadd.s32 $0xFFFFC000  }
0xfe: {  	[tilespmem:s6], [sflag:$0x2] =	stream.indirect.gather [hbm4b:s1+s30], $0x80, s4, s30, $0xb8;
	[tilespmem:$0x1FC00] =	vst v63  }
0xff: {  	s3 =	simm.s32 $0x14700  }
0x100: {  	[spmem:s2] =	stream.indirect.scatter.add.f32 [tilespmem:s31], [sflag:$0x3], $0x80, s3, s30, $0xb8;
	[tilespmem:$0x1FC00] =	vst v63  }
0x101: {  	_ =	swait.ge [sflag:s26], $0x4000  }
0x102: {  	[sflag:s26] =	ssyncset.done $0x0  }
0x103: {  	[sflag:s26] =	ssyncadd.s32 $0xFFFFC000  }
0x104: {  	_ =	swait.ge [sflag:s7], $0x4000  }
0x105: {  	[sflag:s7] =	ssyncset.done $0x0  }
0x106: {  	s12 =	simm.s32 $0x14000;
	[sflag:s7] =	ssyncadd.s32 $0xFFFFC000  }
0x107: {  	[tilespmem:s31], [sflag:$0x1] =	stream.indirect.gather [hbm4b:s1+s30], $0x80, s12, s30, $0xb8;
	[tilespmem:$0x1FC00] =	vst v63  }
0x108: {  	s0 =	simm.s32 $0x14780  }
0x109: {  	[spmem:s2] =	stream.indirect.scatter.add.f32 [tilespmem:s6], [sflag:$0x3], $0x80, s0, s30, $0xb8;
	[tilespmem:$0x1FC00] =	vst v63  }
0x10a: {  	_ =	swait.ge [sflag:s26], $0x4000  }
0x10b: {  	[sflag:s26] =	ssyncset.done $0x0  }
0x10c: {  	[sflag:s26] =	ssyncadd.s32 $0xFFFFC000  }
0x10d: {  	_ =	swait.ge [sflag:s28], $0x4000  }
0x10e: {  	[sflag:s28] =	ssyncset.done $0x0  }
0x10f: {  	s12 =	simm.s32 $0x14080;
	[sflag:s28] =	ssyncadd.s32 $0xFFFFC000  }
0x110: {  	[tilespmem:s6], [sflag:$0x2] =	stream.indirect.gather [hbm4b:s1+s30], $0x80, s12, s30, $0xb8;
	[tilespmem:$0x1FC00] =	vst v63  }
0x111: {  	s13 =	simm.s32 $0x14800  }
0x112: {  	[spmem:s2] =	stream.indirect.scatter.add.f32 [tilespmem:s31], [sflag:$0x3], $0x80, s13, s30, $0xb8;
	[tilespmem:$0x1FC00] =	vst v63  }
0x113: {  	_ =	swait.ge [sflag:s26], $0x4000  }
0x114: {  	[sflag:s26] =	ssyncset.done $0x0  }
0x115: {  	[sflag:s26] =	ssyncadd.s32 $0xFFFFC000  }
0x116: {  	_ =	swait.ge [sflag:s7], $0x4000  }
0x117: {  	[sflag:s7] =	ssyncset.done $0x0  }
0x118: {  	s14 =	simm.s32 $0x14100;
	[sflag:s7] =	ssyncadd.s32 $0xFFFFC000  }
0x119: {  	[tilespmem:s31], [sflag:$0x1] =	stream.indirect.gather [hbm4b:s1+s30], $0x80, s14, s30, $0xb8;
	[tilespmem:$0x1FC00] =	vst v63  }
0x11a: {  	s14 =	simm.s32 $0x14880  }
0x11b: {  	[spmem:s2] =	stream.indirect.scatter.add.f32 [tilespmem:s6], [sflag:$0x3], $0x80, s14, s30, $0xb8;
	[tilespmem:$0x1FC00] =	vst v63  }
0x11c: {  	_ =	swait.ge [sflag:s26], $0x4000  }
0x11d: {  	[sflag:s26] =	ssyncset.done $0x0  }
0x11e: {  	[sflag:s26] =	ssyncadd.s32 $0xFFFFC000  }
0x11f: {  	_ =	swait.ge [sflag:s28], $0x4000  }
0x120: {  	[sflag:s28] =	ssyncset.done $0x0  }
0x121: {  	s5 =	simm.s32 $0x14180;
	[sflag:s28] =	ssyncadd.s32 $0xFFFFC000  }
0x122: {  	[tilespmem:s6], [sflag:$0x2] =	stream.indirect.gather [hbm4b:s1+s30], $0x80, s5, s30, $0xb8;
	[tilespmem:$0x1FC00] =	vst v63  }
0x123: {  	s11 =	simm.s32 $0x14900  }
0x124: {  	[spmem:s2] =	stream.indirect.scatter.add.f32 [tilespmem:s31], [sflag:$0x3], $0x80, s11, s30, $0xb8;
	[tilespmem:$0x1FC00] =	vst v63  }
0x125: {  	_ =	swait.ge [sflag:s26], $0x4000  }
0x126: {  	[sflag:s26] =	ssyncset.done $0x0  }
0x127: {  	[sflag:s26] =	ssyncadd.s32 $0xFFFFC000  }
0x128: {  	_ =	swait.ge [sflag:s7], $0x4000  }
0x129: {  	[sflag:s7] =	ssyncset.done $0x0  }
0x12a: {  	s11 =	simm.s32 $0x14200;
	[sflag:s7] =	ssyncadd.s32 $0xFFFFC000  }
0x12b: {  	[tilespmem:s31], [sflag:$0x1] =	stream.indirect.gather [hbm4b:s1+s30], $0x80, s11, s30, $0xb8;
	[tilespmem:$0x1FC00] =	vst v63  }
0x12c: {  	s29 =	simm.s32 $0x14980  }
0x12d: {  	[spmem:s2] =	stream.indirect.scatter.add.f32 [tilespmem:s6], [sflag:$0x3], $0x80, s29, s30, $0xb8;
	[tilespmem:$0x1FC00] =	vst v63  }
0x12e: {  	_ =	swait.ge [sflag:s26], $0x4000  }
0x12f: {  	[sflag:s26] =	ssyncset.done $0x0  }
0x130: {  	[sflag:s26] =	ssyncadd.s32 $0xFFFFC000  }
0x131: {  	_ =	swait.ge [sflag:s28], $0x4000  }
0x132: {  	[sflag:s28] =	ssyncset.done $0x0  }
0x133: {  	s5 =	simm.s32 $0x14280;
	[sflag:s28] =	ssyncadd.s32 $0xFFFFC000  }
0x134: {  	[tilespmem:s6], [sflag:$0x2] =	stream.indirect.gather [hbm4b:s1+s30], $0x80, s5, s30, $0xb8;
	[tilespmem:$0x1FC00] =	vst v63  }
0x135: {  	s5 =	simm.s32 $0x14A00  }
0x136: {  	[spmem:s2] =	stream.indirect.scatter.add.f32 [tilespmem:s31], [sflag:$0x3], $0x80, s5, s30, $0xb8;
	[tilespmem:$0x1FC00] =	vst v63  }
0x137: {  	_ =	swait.ge [sflag:s26], $0x4000  }
0x138: {  	[sflag:s26] =	ssyncset.done $0x0  }
0x139: {  	[sflag:s26] =	ssyncadd.s32 $0xFFFFC000  }
0x13a: {  	_ =	swait.ge [sflag:s7], $0x4000  }
0x13b: {  	[sflag:s7] =	ssyncset.done $0x0  }
0x13c: {  	s5 =	simm.s32 $0x14300;
	[sflag:s7] =	ssyncadd.s32 $0xFFFFC000  }
0x13d: {  	[tilespmem:s31], [sflag:$0x1] =	stream.indirect.gather [hbm4b:s1+s30], $0x80, s5, s30, $0xb8;
	[tilespmem:$0x1FC00] =	vst v63  }
0x13e: {  	s5 =	simm.s32 $0x14A80  }
0x13f: {  	[spmem:s2] =	stream.indirect.scatter.add.f32 [tilespmem:s6], [sflag:$0x3], $0x80, s5, s30, $0xb8;
	[tilespmem:$0x1FC00] =	vst v63  }
0x140: {  	_ =	swait.ge [sflag:s26], $0x4000  }
0x141: {  	[sflag:s26] =	ssyncset.done $0x0  }
0x142: {  	[sflag:s26] =	ssyncadd.s32 $0xFFFFC000  }
0x143: {  	_ =	swait.ge [sflag:s28], $0x4000  }
0x144: {  	[sflag:s28] =	ssyncset.done $0x0  }
0x145: {  	[sflag:s28] =	ssyncadd.s32 $0xFFFFC000  }
0x146: {  	[tilespmem:s6], [sflag:$0x2] =	stream.indirect.gather [hbm4b:s1+s30], $0x80, s21, s30, $0xb8;
	[tilespmem:$0x1FC00] =	vst v63  }
0x147: {  	s25 =	simm.s32 $0x14B00  }
0x148: {  	[spmem:s2] =	stream.indirect.scatter.add.f32 [tilespmem:s31], [sflag:$0x3], $0x80, s25, s30, $0xb8;
	[tilespmem:$0x1FC00] =	vst v63  }
0x149: {  	_ =	swait.ge [sflag:s26], $0x4000  }
0x14a: {  	[sflag:s26] =	ssyncset.done $0x0  }
0x14b: {  	[sflag:s26] =	ssyncadd.s32 $0xFFFFC000  }
0x14c: {  	_ =	swait.ge [sflag:s7], $0x4000  }
0x14d: {  	[sflag:s7] =	ssyncset.done $0x0  }
0x14e: {  	[sflag:s7] =	ssyncadd.s32 $0xFFFFC000  }
0x14f: {  	[tilespmem:s31], [sflag:$0x1] =	stream.indirect.gather [hbm4b:s1+s30], $0x80, s21, s30, $0xb8;
	[tilespmem:$0x1FC00] =	vst v63  }
0x150: {  	s24 =	simm.s32 $0x14B80  }
0x151: {  	[spmem:s2] =	stream.indirect.scatter.add.f32 [tilespmem:s6], [sflag:$0x3], $0x80, s24, s30, $0xb8;
	[tilespmem:$0x1FC00] =	vst v63  }
0x152: {  	_ =	swait.ge [sflag:s26], $0x4000  }
0x153: {  	[sflag:s26] =	ssyncset.done $0x0  }
0x154: {  	[sflag:s26] =	ssyncadd.s32 $0xFFFFC000  }
0x155: {  	_ =	swait.ge [sflag:s28], $0x4000  }
0x156: {  	[sflag:s28] =	ssyncset.done $0x0  }
0x157: {  	s5 =	rddreg [dreg:$0x8];
	[sflag:s28] =	ssyncadd.s32 $0xFFFFC000  }
0x158: {  	[tilespmem:s20], [sflag:$0x3] =	stream.linear.gather [hbm4b:s5+s15], $0x800, $0x38;
	[tilespmem:$0x1FC00] =	vst v63  }
0x159: {  	_ =	swait.ge [sflag:s26], $0x800  }
0x15a: {  	[sflag:s26] =	ssyncset.done $0x0  }
0x15b: {  	s5 =	rddreg [dreg:$0x9];
	[sflag:s26] =	ssyncadd.s32 $0xFFFFF800  }
0x15c: {  	[tilespmem:s22], [sflag:$0x3] =	stream.linear.gather [hbm4b:s5+s15], $0x800, $0x38;
	[tilespmem:$0x1FC00] =	vst v63  }
0x15d: {  	_ =	swait.ge [sflag:s26], $0x800  }
0x15e: {  	[sflag:s26] =	ssyncset.done $0x0  }
0x15f: {  	[sflag:s26] =	ssyncadd.s32 $0xFFFFF800  }
0x160: {  	[tilespmem:s31], [sflag:$0x1] =	stream.indirect.gather [hbm4b:s1+s30], $0x80, s20, s30, $0xb8;
	[tilespmem:$0x1FC00] =	vst v63  }
0x161: {  	_ =	swait.ge [sflag:s28], $0x4000  }
0x162: {  	[sflag:s28] =	ssyncset.done $0x0  }
0x163: {  	[sflag:s28] =	ssyncadd.s32 $0xFFFFC000  }
0x164: {  	[tilespmem:s6], [sflag:$0x2] =	stream.indirect.gather [hbm4b:s1+s30], $0x80, s8, s30, $0xb8;
	[tilespmem:$0x1FC00] =	vst v63  }
0x165: {  	_ = 	snop  }
0x166: {  	[spmem:s2] =	stream.indirect.scatter.add.f32 [tilespmem:s31], [sflag:$0x3], $0x80, s22, s30, $0xb8;
	[tilespmem:$0x1FC00] =	vst v63  }
0x167: {  	_ =	swait.ge [sflag:s26], $0x4000  }
0x168: {  	[sflag:s26] =	ssyncset.done $0x0  }
0x169: {  	[sflag:s26] =	ssyncadd.s32 $0xFFFFC000  }
0x16a: {  	_ =	swait.ge [sflag:s7], $0x4000  }
0x16b: {  	[sflag:s7] =	ssyncset.done $0x0  }
0x16c: {  	[sflag:s7] =	ssyncadd.s32 $0xFFFFC000  }
0x16d: {  	[tilespmem:s31], [sflag:$0x1] =	stream.indirect.gather [hbm4b:s1+s30], $0x80, s9, s30, $0xb8;
	[tilespmem:$0x1FC00] =	vst v63  }
0x16e: {  	_ = 	snop  }
0x16f: {  	[spmem:s2] =	stream.indirect.scatter.add.f32 [tilespmem:s6], [sflag:$0x3], $0x80, s10, s30, $0xb8;
	[tilespmem:$0x1FC00] =	vst v63  }
0x170: {  	_ =	swait.ge [sflag:s26], $0x4000  }
0x171: {  	[sflag:s26] =	ssyncset.done $0x0  }
0x172: {  	[sflag:s26] =	ssyncadd.s32 $0xFFFFC000  }
0x173: {  	_ =	swait.ge [sflag:s28], $0x4000  }
0x174: {  	[sflag:s28] =	ssyncset.done $0x0  }
0x175: {  	s9 =	simm.s32 $0x13D80;
	[sflag:s28] =	ssyncadd.s32 $0xFFFFC000  }
0x176: {  	[tilespmem:s6], [sflag:$0x2] =	stream.indirect.gather [hbm4b:s1+s30], $0x80, s9, s30, $0xb8;
	[tilespmem:$0x1FC00] =	vst v63  }
0x177: {  	s10 =	simm.s32 $0x14500  }
0x178: {  	[spmem:s2] =	stream.indirect.scatter.add.f32 [tilespmem:s31], [sflag:$0x3], $0x80, s10, s30, $0xb8;
	[tilespmem:$0x1FC00] =	vst v63  }
0x179: {  	_ =	swait.ge [sflag:s26], $0x4000  }
0x17a: {  	[sflag:s26] =	ssyncset.done $0x0  }
0x17b: {  	[sflag:s26] =	ssyncadd.s32 $0xFFFFC000  }
0x17c: {  	_ =	swait.ge [sflag:s7], $0x4000  }
0x17d: {  	[sflag:s7] =	ssyncset.done $0x0  }
0x17e: {  	[sflag:s7] =	ssyncadd.s32 $0xFFFFC000  }
0x17f: {  	[tilespmem:s31], [sflag:$0x1] =	stream.indirect.gather [hbm4b:s1+s30], $0x80, s16, s30, $0xb8;
	[tilespmem:$0x1FC00] =	vst v63  }
0x180: {  	s9 =	simm.s32 $0x14580  }
0x181: {  	[spmem:s2] =	stream.indirect.scatter.add.f32 [tilespmem:s6], [sflag:$0x3], $0x80, s9, s30, $0xb8;
	[tilespmem:$0x1FC00] =	vst v63  }
0x182: {  	_ =	swait.ge [sflag:s26], $0x4000  }
0x183: {  	[sflag:s26] =	ssyncset.done $0x0  }
0x184: {  	[sflag:s26] =	ssyncadd.s32 $0xFFFFC000  }
0x185: {  	_ =	swait.ge [sflag:s28], $0x4000  }
0x186: {  	[sflag:s28] =	ssyncset.done $0x0  }
0x187: {  	[sflag:s28] =	ssyncadd.s32 $0xFFFFC000  }
0x188: {  	[tilespmem:s6], [sflag:$0x2] =	stream.indirect.gather [hbm4b:s1+s30], $0x80, s17, s30, $0xb8;
	[tilespmem:$0x1FC00] =	vst v63  }
0x189: {  	s16 =	simm.s32 $0x14600  }
0x18a: {  	[spmem:s2] =	stream.indirect.scatter.add.f32 [tilespmem:s31], [sflag:$0x3], $0x80, s16, s30, $0xb8;
	[tilespmem:$0x1FC00] =	vst v63  }
0x18b: {  	_ =	swait.ge [sflag:s26], $0x4000  }
0x18c: {  	[sflag:s26] =	ssyncset.done $0x0  }
0x18d: {  	[sflag:s26] =	ssyncadd.s32 $0xFFFFC000  }
0x18e: {  	_ =	swait.ge [sflag:s7], $0x4000  }
0x18f: {  	[sflag:s7] =	ssyncset.done $0x0  }
0x190: {  	[sflag:s7] =	ssyncadd.s32 $0xFFFFC000  }
0x191: {  	[tilespmem:s31], [sflag:$0x1] =	stream.indirect.gather [hbm4b:s1+s30], $0x80, s23, s30, $0xb8;
	[tilespmem:$0x1FC00] =	vst v63  }
0x192: {  	_ = 	snop  }
0x193: {  	[spmem:s2] =	stream.indirect.scatter.add.f32 [tilespmem:s6], [sflag:$0x3], $0x80, s19, s30, $0xb8;
	[tilespmem:$0x1FC00] =	vst v63  }
0x194: {  	_ =	swait.ge [sflag:s26], $0x4000  }
0x195: {  	[sflag:s26] =	ssyncset.done $0x0  }
0x196: {  	[sflag:s26] =	ssyncadd.s32 $0xFFFFC000  }
0x197: {  	_ =	swait.ge [sflag:s28], $0x4000  }
0x198: {  	[sflag:s28] =	ssyncset.done $0x0  }
0x199: {  	[sflag:s28] =	ssyncadd.s32 $0xFFFFC000  }
0x19a: {  	[tilespmem:s6], [sflag:$0x2] =	stream.indirect.gather [hbm4b:s1+s30], $0x80, s4, s30, $0xb8;
	[tilespmem:$0x1FC00] =	vst v63  }
0x19b: {  	_ = 	snop  }
0x19c: {  	[spmem:s2] =	stream.indirect.scatter.add.f32 [tilespmem:s31], [sflag:$0x3], $0x80, s3, s30, $0xb8;
	[tilespmem:$0x1FC00] =	vst v63  }
0x19d: {  	_ =	swait.ge [sflag:s26], $0x4000  }
0x19e: {  	[sflag:s26] =	ssyncset.done $0x0  }
0x19f: {  	[sflag:s26] =	ssyncadd.s32 $0xFFFFC000  }
0x1a0: {  	_ =	swait.ge [sflag:s7], $0x4000  }
0x1a1: {  	[sflag:s7] =	ssyncset.done $0x0  }
0x1a2: {  	s4 =	simm.s32 $0x14000;
	[sflag:s7] =	ssyncadd.s32 $0xFFFFC000  }
0x1a3: {  	[tilespmem:s31], [sflag:$0x1] =	stream.indirect.gather [hbm4b:s1+s30], $0x80, s4, s30, $0xb8;
	[tilespmem:$0x1FC00] =	vst v63  }
0x1a4: {  	_ = 	snop  }
0x1a5: {  	[spmem:s2] =	stream.indirect.scatter.add.f32 [tilespmem:s6], [sflag:$0x3], $0x80, s0, s30, $0xb8;
	[tilespmem:$0x1FC00] =	vst v63  }
0x1a6: {  	_ =	swait.ge [sflag:s26], $0x4000  }
0x1a7: {  	[sflag:s26] =	ssyncset.done $0x0  }
0x1a8: {  	[sflag:s26] =	ssyncadd.s32 $0xFFFFC000  }
0x1a9: {  	_ =	swait.ge [sflag:s28], $0x4000  }
0x1aa: {  	[sflag:s28] =	ssyncset.done $0x0  }
0x1ab: {  	[sflag:s28] =	ssyncadd.s32 $0xFFFFC000  }
0x1ac: {  	[tilespmem:s6], [sflag:$0x2] =	stream.indirect.gather [hbm4b:s1+s30], $0x80, s12, s30, $0xb8;
	[tilespmem:$0x1FC00] =	vst v63  }
0x1ad: {  	_ = 	snop  }
0x1ae: {  	[spmem:s2] =	stream.indirect.scatter.add.f32 [tilespmem:s31], [sflag:$0x3], $0x80, s13, s30, $0xb8;
	[tilespmem:$0x1FC00] =	vst v63  }
0x1af: {  	_ =	swait.ge [sflag:s26], $0x4000  }
0x1b0: {  	[sflag:s26] =	ssyncset.done $0x0  }
0x1b1: {  	[sflag:s26] =	ssyncadd.s32 $0xFFFFC000  }
0x1b2: {  	_ =	swait.ge [sflag:s7], $0x4000  }
0x1b3: {  	[sflag:s7] =	ssyncset.done $0x0  }
0x1b4: {  	s5 =	simm.s32 $0x14100;
	[sflag:s7] =	ssyncadd.s32 $0xFFFFC000  }
0x1b5: {  	[tilespmem:s31], [sflag:$0x1] =	stream.indirect.gather [hbm4b:s1+s30], $0x80, s5, s30, $0xb8;
	[tilespmem:$0x1FC00] =	vst v63  }
0x1b6: {  	_ = 	snop  }
0x1b7: {  	[spmem:s2] =	stream.indirect.scatter.add.f32 [tilespmem:s6], [sflag:$0x3], $0x80, s14, s30, $0xb8;
	[tilespmem:$0x1FC00] =	vst v63  }
0x1b8: {  	_ =	swait.ge [sflag:s26], $0x4000  }
0x1b9: {  	[sflag:s26] =	ssyncset.done $0x0  }
0x1ba: {  	[sflag:s26] =	ssyncadd.s32 $0xFFFFC000  }
0x1bb: {  	_ =	swait.ge [sflag:s28], $0x4000  }
0x1bc: {  	[sflag:s28] =	ssyncset.done $0x0  }
0x1bd: {  	s16 =	simm.s32 $0x14180;
	[sflag:s28] =	ssyncadd.s32 $0xFFFFC000  }
0x1be: {  	[tilespmem:s6], [sflag:$0x2] =	stream.indirect.gather [hbm4b:s1+s30], $0x80, s16, s30, $0xb8;
	[tilespmem:$0x1FC00] =	vst v63  }
0x1bf: {  	s5 =	simm.s32 $0x14900  }
0x1c0: {  	[spmem:s2] =	stream.indirect.scatter.add.f32 [tilespmem:s31], [sflag:$0x3], $0x80, s5, s30, $0xb8;
	[tilespmem:$0x1FC00] =	vst v63  }
0x1c1: {  	_ =	swait.ge [sflag:s26], $0x4000  }
0x1c2: {  	[sflag:s26] =	ssyncset.done $0x0  }
0x1c3: {  	[sflag:s26] =	ssyncadd.s32 $0xFFFFC000  }
0x1c4: {  	_ =	swait.ge [sflag:s7], $0x4000  }
0x1c5: {  	[sflag:s7] =	ssyncset.done $0x0  }
0x1c6: {  	s11 =	simm.s32 $0x14200;
	[sflag:s7] =	ssyncadd.s32 $0xFFFFC000  }
0x1c7: {  	[tilespmem:s31], [sflag:$0x1] =	stream.indirect.gather [hbm4b:s1+s30], $0x80, s11, s30, $0xb8;
	[tilespmem:$0x1FC00] =	vst v63  }
0x1c8: {  	s11 =	simm.s32 $0x14980  }
0x1c9: {  	[spmem:s2] =	stream.indirect.scatter.add.f32 [tilespmem:s6], [sflag:$0x3], $0x80, s11, s30, $0xb8;
	[tilespmem:$0x1FC00] =	vst v63  }
0x1ca: {  	_ =	swait.ge [sflag:s26], $0x4000  }
0x1cb: {  	[sflag:s26] =	ssyncset.done $0x0  }
0x1cc: {  	[sflag:s26] =	ssyncadd.s32 $0xFFFFC000  }
0x1cd: {  	_ =	swait.ge [sflag:s28], $0x4000  }
0x1ce: {  	[sflag:s28] =	ssyncset.done $0x0  }
0x1cf: {  	s29 =	simm.s32 $0x14280;
	[sflag:s28] =	ssyncadd.s32 $0xFFFFC000  }
0x1d0: {  	[tilespmem:s6], [sflag:$0x2] =	stream.indirect.gather [hbm4b:s1+s30], $0x80, s29, s30, $0xb8;
	[tilespmem:$0x1FC00] =	vst v63  }
0x1d1: {  	s5 =	simm.s32 $0x14A00  }
0x1d2: {  	[spmem:s2] =	stream.indirect.scatter.add.f32 [tilespmem:s31], [sflag:$0x3], $0x80, s5, s30, $0xb8;
	[tilespmem:$0x1FC00] =	vst v63  }
0x1d3: {  	_ =	swait.ge [sflag:s26], $0x4000  }
0x1d4: {  	[sflag:s26] =	ssyncset.done $0x0  }
0x1d5: {  	[sflag:s26] =	ssyncadd.s32 $0xFFFFC000  }
0x1d6: {  	_ =	swait.ge [sflag:s7], $0x4000  }
0x1d7: {  	[sflag:s7] =	ssyncset.done $0x0  }
0x1d8: {  	s5 =	simm.s32 $0x14300;
	[sflag:s7] =	ssyncadd.s32 $0xFFFFC000  }
0x1d9: {  	[tilespmem:s31], [sflag:$0x1] =	stream.indirect.gather [hbm4b:s1+s30], $0x80, s5, s30, $0xb8;
	[tilespmem:$0x1FC00] =	vst v63  }
0x1da: {  	s5 =	simm.s32 $0x14A80  }
0x1db: {  	[spmem:s2] =	stream.indirect.scatter.add.f32 [tilespmem:s6], [sflag:$0x3], $0x80, s5, s30, $0xb8;
	[tilespmem:$0x1FC00] =	vst v63  }
0x1dc: {  	_ =	swait.ge [sflag:s26], $0x4000  }
0x1dd: {  	[sflag:s26] =	ssyncset.done $0x0  }
0x1de: {  	[sflag:s26] =	ssyncadd.s32 $0xFFFFC000  }
0x1df: {  	_ =	swait.ge [sflag:s28], $0x4000  }
0x1e0: {  	[sflag:s28] =	ssyncset.done $0x0  }
0x1e1: {  	[sflag:s28] =	ssyncadd.s32 $0xFFFFC000  }
0x1e2: {  	[tilespmem:s6], [sflag:$0x2] =	stream.indirect.gather [hbm4b:s1+s30], $0x80, s21, s30, $0xb8;
	[tilespmem:$0x1FC00] =	vst v63  }
0x1e3: {  	s25 =	simm.s32 $0x14B00  }
0x1e4: {  	[spmem:s2] =	stream.indirect.scatter.add.f32 [tilespmem:s31], [sflag:$0x3], $0x80, s25, s30, $0xb8;
	[tilespmem:$0x1FC00] =	vst v63  }
0x1e5: {  	_ =	swait.ge [sflag:s26], $0x4000  }
0x1e6: {  	[sflag:s26] =	ssyncset.done $0x0  }
0x1e7: {  	[sflag:s26] =	ssyncadd.s32 $0xFFFFC000  }
0x1e8: {  	_ =	swait.ge [sflag:s7], $0x4000  }
0x1e9: {  	[sflag:s7] =	ssyncset.done $0x0  }
0x1ea: {  	[sflag:s7] =	ssyncadd.s32 $0xFFFFC000  }
0x1eb: {  	[tilespmem:s31], [sflag:$0x1] =	stream.indirect.gather [hbm4b:s1+s30], $0x80, s21, s30, $0xb8;
	[tilespmem:$0x1FC00] =	vst v63  }
0x1ec: {  	s24 =	simm.s32 $0x14B80  }
0x1ed: {  	[spmem:s2] =	stream.indirect.scatter.add.f32 [tilespmem:s6], [sflag:$0x3], $0x80, s24, s30, $0xb8;
	[tilespmem:$0x1FC00] =	vst v63  }
0x1ee: {  	_ =	swait.ge [sflag:s26], $0x4000  }
0x1ef: {  	[sflag:s26] =	ssyncset.done $0x0  }
0x1f0: {  	[sflag:s26] =	ssyncadd.s32 $0xFFFFC000  }
0x1f1: {  	_ =	swait.ge [sflag:s28], $0x4000  }
0x1f2: {  	[sflag:s28] =	ssyncset.done $0x0  }
0x1f3: {  	s5 =	rddreg [dreg:$0xa];
	[sflag:s28] =	ssyncadd.s32 $0xFFFFC000  }
0x1f4: {  	[tilespmem:s20], [sflag:$0x3] =	stream.linear.gather [hbm4b:s5+s15], $0x800, $0x38;
	[tilespmem:$0x1FC00] =	vst v63  }
0x1f5: {  	_ =	swait.ge [sflag:s26], $0x800  }
0x1f6: {  	[sflag:s26] =	ssyncset.done $0x0  }
0x1f7: {  	s5 =	rddreg [dreg:$0xb];
	[sflag:s26] =	ssyncadd.s32 $0xFFFFF800  }
0x1f8: {  	[tilespmem:s22], [sflag:$0x3] =	stream.linear.gather [hbm4b:s5+s15], $0x800, $0x38;
	[tilespmem:$0x1FC00] =	vst v63  }
0x1f9: {  	_ =	swait.ge [sflag:s26], $0x800  }
0x1fa: {  	[sflag:s26] =	ssyncset.done $0x0  }
0x1fb: {  	[sflag:s26] =	ssyncadd.s32 $0xFFFFF800  }
0x1fc: {  	[tilespmem:s31], [sflag:$0x1] =	stream.indirect.gather [hbm4b:s1+s30], $0x80, s20, s30, $0xb8;
	[tilespmem:$0x1FC00] =	vst v63  }
0x1fd: {  	_ =	swait.ge [sflag:s28], $0x4000  }
0x1fe: {  	[sflag:s28] =	ssyncset.done $0x0  }
0x1ff: {  	s8 =	simm.s32 $0x13C80;
	[sflag:s28] =	ssyncadd.s32 $0xFFFFC000  }
0x200: {  	[tilespmem:s6], [sflag:$0x2] =	stream.indirect.gather [hbm4b:s1+s30], $0x80, s8, s30, $0xb8;
	[tilespmem:$0x1FC00] =	vst v63  }
0x201: {  	_ = 	snop  }
0x202: {  	[spmem:s2] =	stream.indirect.scatter.add.f32 [tilespmem:s31], [sflag:$0x3], $0x80, s22, s30, $0xb8;
	[tilespmem:$0x1FC00] =	vst v63  }
0x203: {  	_ =	swait.ge [sflag:s26], $0x4000  }
0x204: {  	[sflag:s26] =	ssyncset.done $0x0  }
0x205: {  	[sflag:s26] =	ssyncadd.s32 $0xFFFFC000  }
0x206: {  	_ =	swait.ge [sflag:s7], $0x4000  }
0x207: {  	[sflag:s7] =	ssyncset.done $0x0  }
0x208: {  	s5 =	simm.s32 $0x13D00;
	[sflag:s7] =	ssyncadd.s32 $0xFFFFC000  }
0x209: {  	[tilespmem:s31], [sflag:$0x1] =	stream.indirect.gather [hbm4b:s1+s30], $0x80, s5, s30, $0xb8;
	[tilespmem:$0x1FC00] =	vst v63  }
0x20a: {  	s5 =	simm.s32 $0x14480  }
0x20b: {  	[spmem:s2] =	stream.indirect.scatter.add.f32 [tilespmem:s6], [sflag:$0x3], $0x80, s5, s30, $0xb8;
	[tilespmem:$0x1FC00] =	vst v63  }
0x20c: {  	_ =	swait.ge [sflag:s26], $0x4000  }
0x20d: {  	[sflag:s26] =	ssyncset.done $0x0  }
0x20e: {  	[sflag:s26] =	ssyncadd.s32 $0xFFFFC000  }
0x20f: {  	_ =	swait.ge [sflag:s28], $0x4000  }
0x210: {  	[sflag:s28] =	ssyncset.done $0x0  }
0x211: {  	s5 =	simm.s32 $0x13D80;
	[sflag:s28] =	ssyncadd.s32 $0xFFFFC000  }
0x212: {  	[tilespmem:s6], [sflag:$0x2] =	stream.indirect.gather [hbm4b:s1+s30], $0x80, s5, s30, $0xb8;
	[tilespmem:$0x1FC00] =	vst v63  }
0x213: {  	s5 =	simm.s32 $0x14500  }
0x214: {  	[spmem:s2] =	stream.indirect.scatter.add.f32 [tilespmem:s31], [sflag:$0x3], $0x80, s5, s30, $0xb8;
	[tilespmem:$0x1FC00] =	vst v63  }
0x215: {  	_ =	swait.ge [sflag:s26], $0x4000  }
0x216: {  	[sflag:s26] =	ssyncset.done $0x0  }
0x217: {  	[sflag:s26] =	ssyncadd.s32 $0xFFFFC000  }
0x218: {  	_ =	swait.ge [sflag:s7], $0x4000  }
0x219: {  	[sflag:s7] =	ssyncset.done $0x0  }
0x21a: {  	s10 =	simm.s32 $0x13E00;
	[sflag:s7] =	ssyncadd.s32 $0xFFFFC000  }
0x21b: {  	[tilespmem:s31], [sflag:$0x1] =	stream.indirect.gather [hbm4b:s1+s30], $0x80, s10, s30, $0xb8;
	[tilespmem:$0x1FC00] =	vst v63  }
0x21c: {  	s5 =	simm.s32 $0x14580  }
0x21d: {  	[spmem:s2] =	stream.indirect.scatter.add.f32 [tilespmem:s6], [sflag:$0x3], $0x80, s5, s30, $0xb8;
	[tilespmem:$0x1FC00] =	vst v63  }
0x21e: {  	_ =	swait.ge [sflag:s26], $0x4000  }
0x21f: {  	[sflag:s26] =	ssyncset.done $0x0  }
0x220: {  	[sflag:s26] =	ssyncadd.s32 $0xFFFFC000  }
0x221: {  	_ =	swait.ge [sflag:s28], $0x4000  }
0x222: {  	[sflag:s28] =	ssyncset.done $0x0  }
0x223: {  	s17 =	simm.s32 $0x13E80;
	[sflag:s28] =	ssyncadd.s32 $0xFFFFC000  }
0x224: {  	[tilespmem:s6], [sflag:$0x2] =	stream.indirect.gather [hbm4b:s1+s30], $0x80, s17, s30, $0xb8;
	[tilespmem:$0x1FC00] =	vst v63  }
0x225: {  	s17 =	simm.s32 $0x14600  }
0x226: {  	[spmem:s2] =	stream.indirect.scatter.add.f32 [tilespmem:s31], [sflag:$0x3], $0x80, s17, s30, $0xb8;
	[tilespmem:$0x1FC00] =	vst v63  }
0x227: {  	_ =	swait.ge [sflag:s26], $0x4000  }
0x228: {  	[sflag:s26] =	ssyncset.done $0x0  }
0x229: {  	[sflag:s26] =	ssyncadd.s32 $0xFFFFC000  }
0x22a: {  	_ =	swait.ge [sflag:s7], $0x4000  }
0x22b: {  	[sflag:s7] =	ssyncset.done $0x0  }
0x22c: {  	s23 =	simm.s32 $0x13F00;
	[sflag:s7] =	ssyncadd.s32 $0xFFFFC000  }
0x22d: {  	[tilespmem:s31], [sflag:$0x1] =	stream.indirect.gather [hbm4b:s1+s30], $0x80, s23, s30, $0xb8;
	[tilespmem:$0x1FC00] =	vst v63  }
0x22e: {  	s9 =	simm.s32 $0x14680  }
0x22f: {  	[spmem:s2] =	stream.indirect.scatter.add.f32 [tilespmem:s6], [sflag:$0x3], $0x80, s9, s30, $0xb8;
	[tilespmem:$0x1FC00] =	vst v63  }
0x230: {  	_ =	swait.ge [sflag:s26], $0x4000  }
0x231: {  	[sflag:s26] =	ssyncset.done $0x0  }
0x232: {  	[sflag:s26] =	ssyncadd.s32 $0xFFFFC000  }
0x233: {  	_ =	swait.ge [sflag:s28], $0x4000  }
0x234: {  	[sflag:s28] =	ssyncset.done $0x0  }
0x235: {  	s19 =	simm.s32 $0x13F80;
	[sflag:s28] =	ssyncadd.s32 $0xFFFFC000  }
0x236: {  	[tilespmem:s6], [sflag:$0x2] =	stream.indirect.gather [hbm4b:s1+s30], $0x80, s19, s30, $0xb8;
	[tilespmem:$0x1FC00] =	vst v63  }
0x237: {  	s19 =	simm.s32 $0x14700  }
0x238: {  	[spmem:s2] =	stream.indirect.scatter.add.f32 [tilespmem:s31], [sflag:$0x3], $0x80, s19, s30, $0xb8;
	[tilespmem:$0x1FC00] =	vst v63  }
0x239: {  	_ =	swait.ge [sflag:s26], $0x4000  }
0x23a: {  	[sflag:s26] =	ssyncset.done $0x0  }
0x23b: {  	[sflag:s26] =	ssyncadd.s32 $0xFFFFC000  }
0x23c: {  	_ =	swait.ge [sflag:s7], $0x4000  }
0x23d: {  	[sflag:s7] =	ssyncset.done $0x0  }
0x23e: {  	s19 =	simm.s32 $0x14000;
	[sflag:s7] =	ssyncadd.s32 $0xFFFFC000  }
0x23f: {  	[tilespmem:s31], [sflag:$0x1] =	stream.indirect.gather [hbm4b:s1+s30], $0x80, s19, s30, $0xb8;
	[tilespmem:$0x1FC00] =	vst v63  }
0x240: {  	s4 =	simm.s32 $0x14780  }
0x241: {  	[spmem:s2] =	stream.indirect.scatter.add.f32 [tilespmem:s6], [sflag:$0x3], $0x80, s4, s30, $0xb8;
	[tilespmem:$0x1FC00] =	vst v63  }
0x242: {  	_ =	swait.ge [sflag:s26], $0x4000  }
0x243: {  	[sflag:s26] =	ssyncset.done $0x0  }
0x244: {  	[sflag:s26] =	ssyncadd.s32 $0xFFFFC000  }
0x245: {  	_ =	swait.ge [sflag:s28], $0x4000  }
0x246: {  	[sflag:s28] =	ssyncset.done $0x0  }
0x247: {  	s12 =	simm.s32 $0x14080;
	[sflag:s28] =	ssyncadd.s32 $0xFFFFC000  }
0x248: {  	[tilespmem:s6], [sflag:$0x2] =	stream.indirect.gather [hbm4b:s1+s30], $0x80, s12, s30, $0xb8;
	[tilespmem:$0x1FC00] =	vst v63  }
0x249: {  	s13 =	simm.s32 $0x14800  }
0x24a: {  	[spmem:s2] =	stream.indirect.scatter.add.f32 [tilespmem:s31], [sflag:$0x3], $0x80, s13, s30, $0xb8;
	[tilespmem:$0x1FC00] =	vst v63  }
0x24b: {  	_ =	swait.ge [sflag:s26], $0x4000  }
0x24c: {  	[sflag:s26] =	ssyncset.done $0x0  }
0x24d: {  	[sflag:s26] =	ssyncadd.s32 $0xFFFFC000  }
0x24e: {  	_ =	swait.ge [sflag:s7], $0x4000  }
0x24f: {  	[sflag:s7] =	ssyncset.done $0x0  }
0x250: {  	s3 =	simm.s32 $0x14100;
	[sflag:s7] =	ssyncadd.s32 $0xFFFFC000  }
0x251: {  	[tilespmem:s31], [sflag:$0x1] =	stream.indirect.gather [hbm4b:s1+s30], $0x80, s3, s30, $0xb8;
	[tilespmem:$0x1FC00] =	vst v63  }
0x252: {  	s14 =	simm.s32 $0x14880  }
0x253: {  	[spmem:s2] =	stream.indirect.scatter.add.f32 [tilespmem:s6], [sflag:$0x3], $0x80, s14, s30, $0xb8;
	[tilespmem:$0x1FC00] =	vst v63  }
0x254: {  	_ =	swait.ge [sflag:s26], $0x4000  }
0x255: {  	[sflag:s26] =	ssyncset.done $0x0  }
0x256: {  	[sflag:s26] =	ssyncadd.s32 $0xFFFFC000  }
0x257: {  	_ =	swait.ge [sflag:s28], $0x4000  }
0x258: {  	[sflag:s28] =	ssyncset.done $0x0  }
0x259: {  	s16 =	simm.s32 $0x14180;
	[sflag:s28] =	ssyncadd.s32 $0xFFFFC000  }
0x25a: {  	[tilespmem:s6], [sflag:$0x2] =	stream.indirect.gather [hbm4b:s1+s30], $0x80, s16, s30, $0xb8;
	[tilespmem:$0x1FC00] =	vst v63  }
0x25b: {  	s16 =	simm.s32 $0x14900  }
0x25c: {  	[spmem:s2] =	stream.indirect.scatter.add.f32 [tilespmem:s31], [sflag:$0x3], $0x80, s16, s30, $0xb8;
	[tilespmem:$0x1FC00] =	vst v63  }
0x25d: {  	_ =	swait.ge [sflag:s26], $0x4000  }
0x25e: {  	[sflag:s26] =	ssyncset.done $0x0  }
0x25f: {  	[sflag:s26] =	ssyncadd.s32 $0xFFFFC000  }
0x260: {  	_ =	swait.ge [sflag:s7], $0x4000  }
0x261: {  	[sflag:s7] =	ssyncset.done $0x0  }
0x262: {  	s0 =	simm.s32 $0x14200;
	[sflag:s7] =	ssyncadd.s32 $0xFFFFC000  }
0x263: {  	[tilespmem:s31], [sflag:$0x1] =	stream.indirect.gather [hbm4b:s1+s30], $0x80, s0, s30, $0xb8;
	[tilespmem:$0x1FC00] =	vst v63  }
0x264: {  	s16 =	simm.s32 $0x14980  }
0x265: {  	[spmem:s2] =	stream.indirect.scatter.add.f32 [tilespmem:s6], [sflag:$0x3], $0x80, s16, s30, $0xb8;
	[tilespmem:$0x1FC00] =	vst v63  }
0x266: {  	_ =	swait.ge [sflag:s26], $0x4000  }
0x267: {  	[sflag:s26] =	ssyncset.done $0x0  }
0x268: {  	[sflag:s26] =	ssyncadd.s32 $0xFFFFC000  }
0x269: {  	_ =	swait.ge [sflag:s28], $0x4000  }
0x26a: {  	[sflag:s28] =	ssyncset.done $0x0  }
0x26b: {  	s11 =	simm.s32 $0x14280;
	[sflag:s28] =	ssyncadd.s32 $0xFFFFC000  }
0x26c: {  	[tilespmem:s6], [sflag:$0x2] =	stream.indirect.gather [hbm4b:s1+s30], $0x80, s11, s30, $0xb8;
	[tilespmem:$0x1FC00] =	vst v63  }
0x26d: {  	s16 =	simm.s32 $0x14A00  }
0x26e: {  	[spmem:s2] =	stream.indirect.scatter.add.f32 [tilespmem:s31], [sflag:$0x3], $0x80, s16, s30, $0xb8;
	[tilespmem:$0x1FC00] =	vst v63  }
0x26f: {  	_ =	swait.ge [sflag:s26], $0x4000  }
0x270: {  	[sflag:s26] =	ssyncset.done $0x0  }
0x271: {  	[sflag:s26] =	ssyncadd.s32 $0xFFFFC000  }
0x272: {  	_ =	swait.ge [sflag:s7], $0x4000  }
0x273: {  	[sflag:s7] =	ssyncset.done $0x0  }
0x274: {  	s29 =	simm.s32 $0x14300;
	[sflag:s7] =	ssyncadd.s32 $0xFFFFC000  }
0x275: {  	[tilespmem:s31], [sflag:$0x1] =	stream.indirect.gather [hbm4b:s1+s30], $0x80, s29, s30, $0xb8;
	[tilespmem:$0x1FC00] =	vst v63  }
0x276: {  	s5 =	simm.s32 $0x14A80  }
0x277: {  	[spmem:s2] =	stream.indirect.scatter.add.f32 [tilespmem:s6], [sflag:$0x3], $0x80, s5, s30, $0xb8;
	[tilespmem:$0x1FC00] =	vst v63  }
0x278: {  	_ =	swait.ge [sflag:s26], $0x4000  }
0x279: {  	[sflag:s26] =	ssyncset.done $0x0  }
0x27a: {  	[sflag:s26] =	ssyncadd.s32 $0xFFFFC000  }
0x27b: {  	_ =	swait.ge [sflag:s28], $0x4000  }
0x27c: {  	[sflag:s28] =	ssyncset.done $0x0  }
0x27d: {  	[sflag:s28] =	ssyncadd.s32 $0xFFFFC000  }
0x27e: {  	[tilespmem:s6], [sflag:$0x2] =	stream.indirect.gather [hbm4b:s1+s30], $0x80, s21, s30, $0xb8;
	[tilespmem:$0x1FC00] =	vst v63  }
0x27f: {  	s25 =	simm.s32 $0x14B00  }
0x280: {  	[spmem:s2] =	stream.indirect.scatter.add.f32 [tilespmem:s31], [sflag:$0x3], $0x80, s25, s30, $0xb8;
	[tilespmem:$0x1FC00] =	vst v63  }
0x281: {  	_ =	swait.ge [sflag:s26], $0x4000  }
0x282: {  	[sflag:s26] =	ssyncset.done $0x0  }
0x283: {  	[sflag:s26] =	ssyncadd.s32 $0xFFFFC000  }
0x284: {  	_ =	swait.ge [sflag:s7], $0x4000  }
0x285: {  	[sflag:s7] =	ssyncset.done $0x0  }
0x286: {  	[sflag:s7] =	ssyncadd.s32 $0xFFFFC000  }
0x287: {  	[tilespmem:s31], [sflag:$0x1] =	stream.indirect.gather [hbm4b:s1+s30], $0x80, s21, s30, $0xb8;
	[tilespmem:$0x1FC00] =	vst v63  }
0x288: {  	s24 =	simm.s32 $0x14B80  }
0x289: {  	[spmem:s2] =	stream.indirect.scatter.add.f32 [tilespmem:s6], [sflag:$0x3], $0x80, s24, s30, $0xb8;
	[tilespmem:$0x1FC00] =	vst v63  }
0x28a: {  	_ =	swait.ge [sflag:s26], $0x4000  }
0x28b: {  	[sflag:s26] =	ssyncset.done $0x0  }
0x28c: {  	[sflag:s26] =	ssyncadd.s32 $0xFFFFC000  }
0x28d: {  	_ =	swait.ge [sflag:s28], $0x4000  }
0x28e: {  	[sflag:s28] =	ssyncset.done $0x0  }
0x28f: {  	s5 =	rddreg [dreg:$0xc];
	[sflag:s28] =	ssyncadd.s32 $0xFFFFC000  }
0x290: {  	[tilespmem:s20], [sflag:$0x3] =	stream.linear.gather [hbm4b:s5+s15], $0x800, $0x38;
	[tilespmem:$0x1FC00] =	vst v63  }
0x291: {  	_ =	swait.ge [sflag:s26], $0x800  }
0x292: {  	[sflag:s26] =	ssyncset.done $0x0  }
0x293: {  	s5 =	rddreg [dreg:$0xd];
	[sflag:s26] =	ssyncadd.s32 $0xFFFFF800  }
0x294: {  	[tilespmem:s22], [sflag:$0x3] =	stream.linear.gather [hbm4b:s5+s15], $0x800, $0x38;
	[tilespmem:$0x1FC00] =	vst v63  }
0x295: {  	_ =	swait.ge [sflag:s26], $0x800  }
0x296: {  	[sflag:s26] =	ssyncset.done $0x0  }
0x297: {  	[sflag:s26] =	ssyncadd.s32 $0xFFFFF800  }
0x298: {  	[tilespmem:s31], [sflag:$0x1] =	stream.indirect.gather [hbm4b:s1+s30], $0x80, s20, s30, $0xb8;
	[tilespmem:$0x1FC00] =	vst v63  }
0x299: {  	_ =	swait.ge [sflag:s28], $0x4000  }
0x29a: {  	[sflag:s28] =	ssyncset.done $0x0  }
0x29b: {  	s8 =	simm.s32 $0x13C80;
	[sflag:s28] =	ssyncadd.s32 $0xFFFFC000  }
0x29c: {  	[tilespmem:s6], [sflag:$0x2] =	stream.indirect.gather [hbm4b:s1+s30], $0x80, s8, s30, $0xb8;
	[tilespmem:$0x1FC00] =	vst v63  }
0x29d: {  	_ = 	snop  }
0x29e: {  	[spmem:s2] =	stream.indirect.scatter.add.f32 [tilespmem:s31], [sflag:$0x3], $0x80, s22, s30, $0xb8;
	[tilespmem:$0x1FC00] =	vst v63  }
0x29f: {  	_ =	swait.ge [sflag:s26], $0x4000  }
0x2a0: {  	[sflag:s26] =	ssyncset.done $0x0  }
0x2a1: {  	[sflag:s26] =	ssyncadd.s32 $0xFFFFC000  }
0x2a2: {  	_ =	swait.ge [sflag:s7], $0x4000  }
0x2a3: {  	[sflag:s7] =	ssyncset.done $0x0  }
0x2a4: {  	s5 =	simm.s32 $0x13D00;
	[sflag:s7] =	ssyncadd.s32 $0xFFFFC000  }
0x2a5: {  	[tilespmem:s31], [sflag:$0x1] =	stream.indirect.gather [hbm4b:s1+s30], $0x80, s5, s30, $0xb8;
	[tilespmem:$0x1FC00] =	vst v63  }
0x2a6: {  	s5 =	simm.s32 $0x14480  }
0x2a7: {  	[spmem:s2] =	stream.indirect.scatter.add.f32 [tilespmem:s6], [sflag:$0x3], $0x80, s5, s30, $0xb8;
	[tilespmem:$0x1FC00] =	vst v63  }
0x2a8: {  	_ =	swait.ge [sflag:s26], $0x4000  }
0x2a9: {  	[sflag:s26] =	ssyncset.done $0x0  }
0x2aa: {  	[sflag:s26] =	ssyncadd.s32 $0xFFFFC000  }
0x2ab: {  	_ =	swait.ge [sflag:s28], $0x4000  }
0x2ac: {  	[sflag:s28] =	ssyncset.done $0x0  }
0x2ad: {  	s5 =	simm.s32 $0x13D80;
	[sflag:s28] =	ssyncadd.s32 $0xFFFFC000  }
0x2ae: {  	[tilespmem:s6], [sflag:$0x2] =	stream.indirect.gather [hbm4b:s1+s30], $0x80, s5, s30, $0xb8;
	[tilespmem:$0x1FC00] =	vst v63  }
0x2af: {  	s5 =	simm.s32 $0x14500  }
0x2b0: {  	[spmem:s2] =	stream.indirect.scatter.add.f32 [tilespmem:s31], [sflag:$0x3], $0x80, s5, s30, $0xb8;
	[tilespmem:$0x1FC00] =	vst v63  }
0x2b1: {  	_ =	swait.ge [sflag:s26], $0x4000  }
0x2b2: {  	[sflag:s26] =	ssyncset.done $0x0  }
0x2b3: {  	[sflag:s26] =	ssyncadd.s32 $0xFFFFC000  }
0x2b4: {  	_ =	swait.ge [sflag:s7], $0x4000  }
0x2b5: {  	[sflag:s7] =	ssyncset.done $0x0  }
0x2b6: {  	s10 =	simm.s32 $0x13E00;
	[sflag:s7] =	ssyncadd.s32 $0xFFFFC000  }
0x2b7: {  	[tilespmem:s31], [sflag:$0x1] =	stream.indirect.gather [hbm4b:s1+s30], $0x80, s10, s30, $0xb8;
	[tilespmem:$0x1FC00] =	vst v63  }
0x2b8: {  	s10 =	simm.s32 $0x14580  }
0x2b9: {  	[spmem:s2] =	stream.indirect.scatter.add.f32 [tilespmem:s6], [sflag:$0x3], $0x80, s10, s30, $0xb8;
	[tilespmem:$0x1FC00] =	vst v63  }
0x2ba: {  	_ =	swait.ge [sflag:s26], $0x4000  }
0x2bb: {  	[sflag:s26] =	ssyncset.done $0x0  }
0x2bc: {  	[sflag:s26] =	ssyncadd.s32 $0xFFFFC000  }
0x2bd: {  	_ =	swait.ge [sflag:s28], $0x4000  }
0x2be: {  	[sflag:s28] =	ssyncset.done $0x0  }
0x2bf: {  	s10 =	simm.s32 $0x13E80;
	[sflag:s28] =	ssyncadd.s32 $0xFFFFC000  }
0x2c0: {  	[tilespmem:s6], [sflag:$0x2] =	stream.indirect.gather [hbm4b:s1+s30], $0x80, s10, s30, $0xb8;
	[tilespmem:$0x1FC00] =	vst v63  }
0x2c1: {  	s10 =	simm.s32 $0x14600  }
0x2c2: {  	[spmem:s2] =	stream.indirect.scatter.add.f32 [tilespmem:s31], [sflag:$0x3], $0x80, s10, s30, $0xb8;
	[tilespmem:$0x1FC00] =	vst v63  }
0x2c3: {  	_ =	swait.ge [sflag:s26], $0x4000  }
0x2c4: {  	[sflag:s26] =	ssyncset.done $0x0  }
0x2c5: {  	[sflag:s26] =	ssyncadd.s32 $0xFFFFC000  }
0x2c6: {  	_ =	swait.ge [sflag:s7], $0x4000  }
0x2c7: {  	[sflag:s7] =	ssyncset.done $0x0  }
0x2c8: {  	s17 =	simm.s32 $0x13F00;
	[sflag:s7] =	ssyncadd.s32 $0xFFFFC000  }
0x2c9: {  	[tilespmem:s31], [sflag:$0x1] =	stream.indirect.gather [hbm4b:s1+s30], $0x80, s17, s30, $0xb8;
	[tilespmem:$0x1FC00] =	vst v63  }
0x2ca: {  	s9 =	simm.s32 $0x14680  }
0x2cb: {  	[spmem:s2] =	stream.indirect.scatter.add.f32 [tilespmem:s6], [sflag:$0x3], $0x80, s9, s30, $0xb8;
	[tilespmem:$0x1FC00] =	vst v63  }
0x2cc: {  	_ =	swait.ge [sflag:s26], $0x4000  }
0x2cd: {  	[sflag:s26] =	ssyncset.done $0x0  }
0x2ce: {  	[sflag:s26] =	ssyncadd.s32 $0xFFFFC000  }
0x2cf: {  	_ =	swait.ge [sflag:s28], $0x4000  }
0x2d0: {  	[sflag:s28] =	ssyncset.done $0x0  }
0x2d1: {  	s23 =	simm.s32 $0x13F80;
	[sflag:s28] =	ssyncadd.s32 $0xFFFFC000  }
0x2d2: {  	[tilespmem:s6], [sflag:$0x2] =	stream.indirect.gather [hbm4b:s1+s30], $0x80, s23, s30, $0xb8;
	[tilespmem:$0x1FC00] =	vst v63  }
0x2d3: {  	s10 =	simm.s32 $0x14700  }
0x2d4: {  	[spmem:s2] =	stream.indirect.scatter.add.f32 [tilespmem:s31], [sflag:$0x3], $0x80, s10, s30, $0xb8;
	[tilespmem:$0x1FC00] =	vst v63  }
0x2d5: {  	_ =	swait.ge [sflag:s26], $0x4000  }
0x2d6: {  	[sflag:s26] =	ssyncset.done $0x0  }
0x2d7: {  	[sflag:s26] =	ssyncadd.s32 $0xFFFFC000  }
0x2d8: {  	_ =	swait.ge [sflag:s7], $0x4000  }
0x2d9: {  	[sflag:s7] =	ssyncset.done $0x0  }
0x2da: {  	s23 =	simm.s32 $0x14000;
	[sflag:s7] =	ssyncadd.s32 $0xFFFFC000  }
0x2db: {  	[tilespmem:s31], [sflag:$0x1] =	stream.indirect.gather [hbm4b:s1+s30], $0x80, s23, s30, $0xb8;
	[tilespmem:$0x1FC00] =	vst v63  }
0x2dc: {  	s19 =	simm.s32 $0x14780  }
0x2dd: {  	[spmem:s2] =	stream.indirect.scatter.add.f32 [tilespmem:s6], [sflag:$0x3], $0x80, s19, s30, $0xb8;
	[tilespmem:$0x1FC00] =	vst v63  }
0x2de: {  	_ =	swait.ge [sflag:s26], $0x4000  }
0x2df: {  	[sflag:s26] =	ssyncset.done $0x0  }
0x2e0: {  	[sflag:s26] =	ssyncadd.s32 $0xFFFFC000  }
0x2e1: {  	_ =	swait.ge [sflag:s28], $0x4000  }
0x2e2: {  	[sflag:s28] =	ssyncset.done $0x0  }
0x2e3: {  	s12 =	simm.s32 $0x14080;
	[sflag:s28] =	ssyncadd.s32 $0xFFFFC000  }
0x2e4: {  	[tilespmem:s6], [sflag:$0x2] =	stream.indirect.gather [hbm4b:s1+s30], $0x80, s12, s30, $0xb8;
	[tilespmem:$0x1FC00] =	vst v63  }
0x2e5: {  	s13 =	simm.s32 $0x14800  }
0x2e6: {  	[spmem:s2] =	stream.indirect.scatter.add.f32 [tilespmem:s31], [sflag:$0x3], $0x80, s13, s30, $0xb8;
	[tilespmem:$0x1FC00] =	vst v63  }
0x2e7: {  	_ =	swait.ge [sflag:s26], $0x4000  }
0x2e8: {  	[sflag:s26] =	ssyncset.done $0x0  }
0x2e9: {  	[sflag:s26] =	ssyncadd.s32 $0xFFFFC000  }
0x2ea: {  	_ =	swait.ge [sflag:s7], $0x4000  }
0x2eb: {  	[sflag:s7] =	ssyncset.done $0x0  }
0x2ec: {  	s4 =	simm.s32 $0x14100;
	[sflag:s7] =	ssyncadd.s32 $0xFFFFC000  }
0x2ed: {  	[tilespmem:s31], [sflag:$0x1] =	stream.indirect.gather [hbm4b:s1+s30], $0x80, s4, s30, $0xb8;
	[tilespmem:$0x1FC00] =	vst v63  }
0x2ee: {  	s3 =	simm.s32 $0x14880  }
0x2ef: {  	[spmem:s2] =	stream.indirect.scatter.add.f32 [tilespmem:s6], [sflag:$0x3], $0x80, s3, s30, $0xb8;
	[tilespmem:$0x1FC00] =	vst v63  }
0x2f0: {  	_ =	swait.ge [sflag:s26], $0x4000  }
0x2f1: {  	[sflag:s26] =	ssyncset.done $0x0  }
0x2f2: {  	[sflag:s26] =	ssyncadd.s32 $0xFFFFC000  }
0x2f3: {  	_ =	swait.ge [sflag:s28], $0x4000  }
0x2f4: {  	[sflag:s28] =	ssyncset.done $0x0  }
0x2f5: {  	s14 =	simm.s32 $0x14180;
	[sflag:s28] =	ssyncadd.s32 $0xFFFFC000  }
0x2f6: {  	[tilespmem:s6], [sflag:$0x2] =	stream.indirect.gather [hbm4b:s1+s30], $0x80, s14, s30, $0xb8;
	[tilespmem:$0x1FC00] =	vst v63  }
0x2f7: {  	s5 =	simm.s32 $0x14900  }
0x2f8: {  	[spmem:s2] =	stream.indirect.scatter.add.f32 [tilespmem:s31], [sflag:$0x3], $0x80, s5, s30, $0xb8;
	[tilespmem:$0x1FC00] =	vst v63  }
0x2f9: {  	_ =	swait.ge [sflag:s26], $0x4000  }
0x2fa: {  	[sflag:s26] =	ssyncset.done $0x0  }
0x2fb: {  	[sflag:s26] =	ssyncadd.s32 $0xFFFFC000  }
0x2fc: {  	_ =	swait.ge [sflag:s7], $0x4000  }
0x2fd: {  	[sflag:s7] =	ssyncset.done $0x0  }
0x2fe: {  	s0 =	simm.s32 $0x14200;
	[sflag:s7] =	ssyncadd.s32 $0xFFFFC000  }
0x2ff: {  	[tilespmem:s31], [sflag:$0x1] =	stream.indirect.gather [hbm4b:s1+s30], $0x80, s0, s30, $0xb8;
	[tilespmem:$0x1FC00] =	vst v63  }
0x300: {  	s10 =	simm.s32 $0x14980  }
0x301: {  	[spmem:s2] =	stream.indirect.scatter.add.f32 [tilespmem:s6], [sflag:$0x3], $0x80, s10, s30, $0xb8;
	[tilespmem:$0x1FC00] =	vst v63  }
0x302: {  	_ =	swait.ge [sflag:s26], $0x4000  }
0x303: {  	[sflag:s26] =	ssyncset.done $0x0  }
0x304: {  	[sflag:s26] =	ssyncadd.s32 $0xFFFFC000  }
0x305: {  	_ =	swait.ge [sflag:s28], $0x4000  }
0x306: {  	[sflag:s28] =	ssyncset.done $0x0  }
0x307: {  	s11 =	simm.s32 $0x14280;
	[sflag:s28] =	ssyncadd.s32 $0xFFFFC000  }
0x308: {  	[tilespmem:s6], [sflag:$0x2] =	stream.indirect.gather [hbm4b:s1+s30], $0x80, s11, s30, $0xb8;
	[tilespmem:$0x1FC00] =	vst v63  }
0x309: {  	s14 =	simm.s32 $0x14A00  }
0x30a: {  	[spmem:s2] =	stream.indirect.scatter.add.f32 [tilespmem:s31], [sflag:$0x3], $0x80, s14, s30, $0xb8;
	[tilespmem:$0x1FC00] =	vst v63  }
0x30b: {  	_ =	swait.ge [sflag:s26], $0x4000  }
0x30c: {  	[sflag:s26] =	ssyncset.done $0x0  }
0x30d: {  	[sflag:s26] =	ssyncadd.s32 $0xFFFFC000  }
0x30e: {  	_ =	swait.ge [sflag:s7], $0x4000  }
0x30f: {  	[sflag:s7] =	ssyncset.done $0x0  }
0x310: {  	s16 =	simm.s32 $0x14300;
	[sflag:s7] =	ssyncadd.s32 $0xFFFFC000  }
0x311: {  	[tilespmem:s31], [sflag:$0x1] =	stream.indirect.gather [hbm4b:s1+s30], $0x80, s16, s30, $0xb8;
	[tilespmem:$0x1FC00] =	vst v63  }
0x312: {  	s29 =	simm.s32 $0x14A80  }
0x313: {  	[spmem:s2] =	stream.indirect.scatter.add.f32 [tilespmem:s6], [sflag:$0x3], $0x80, s29, s30, $0xb8;
	[tilespmem:$0x1FC00] =	vst v63  }
0x314: {  	_ =	swait.ge [sflag:s26], $0x4000  }
0x315: {  	[sflag:s26] =	ssyncset.done $0x0  }
0x316: {  	[sflag:s26] =	ssyncadd.s32 $0xFFFFC000  }
0x317: {  	_ =	swait.ge [sflag:s28], $0x4000  }
0x318: {  	[sflag:s28] =	ssyncset.done $0x0  }
0x319: {  	[sflag:s28] =	ssyncadd.s32 $0xFFFFC000  }
0x31a: {  	[tilespmem:s6], [sflag:$0x2] =	stream.indirect.gather [hbm4b:s1+s30], $0x80, s21, s30, $0xb8;
	[tilespmem:$0x1FC00] =	vst v63  }
0x31b: {  	s25 =	simm.s32 $0x14B00  }
0x31c: {  	[spmem:s2] =	stream.indirect.scatter.add.f32 [tilespmem:s31], [sflag:$0x3], $0x80, s25, s30, $0xb8;
	[tilespmem:$0x1FC00] =	vst v63  }
0x31d: {  	_ =	swait.ge [sflag:s26], $0x4000  }
0x31e: {  	[sflag:s26] =	ssyncset.done $0x0  }
0x31f: {  	[sflag:s26] =	ssyncadd.s32 $0xFFFFC000  }
0x320: {  	_ =	swait.ge [sflag:s7], $0x4000  }
0x321: {  	[sflag:s7] =	ssyncset.done $0x0  }
0x322: {  	[sflag:s7] =	ssyncadd.s32 $0xFFFFC000  }
0x323: {  	[tilespmem:s31], [sflag:$0x1] =	stream.indirect.gather [hbm4b:s1+s30], $0x80, s21, s30, $0xb8;
	[tilespmem:$0x1FC00] =	vst v63  }
0x324: {  	s24 =	simm.s32 $0x14B80  }
0x325: {  	[spmem:s2] =	stream.indirect.scatter.add.f32 [tilespmem:s6], [sflag:$0x3], $0x80, s24, s30, $0xb8;
	[tilespmem:$0x1FC00] =	vst v63  }
0x326: {  	_ =	swait.ge [sflag:s26], $0x4000  }
0x327: {  	[sflag:s26] =	ssyncset.done $0x0  }
0x328: {  	[sflag:s26] =	ssyncadd.s32 $0xFFFFC000  }
0x329: {  	_ =	swait.ge [sflag:s28], $0x4000  }
0x32a: {  	[sflag:s28] =	ssyncset.done $0x0  }
0x32b: {  	s0 =	rddreg [dreg:$0xe];
	[sflag:s28] =	ssyncadd.s32 $0xFFFFC000  }
0x32c: {  	[tilespmem:s20], [sflag:$0x3] =	stream.linear.gather [hbm4b:s0+s15], $0x800, $0x38;
	[tilespmem:$0x1FC00] =	vst v63  }
0x32d: {  	_ =	swait.ge [sflag:s26], $0x800  }
0x32e: {  	[sflag:s26] =	ssyncset.done $0x0  }
0x32f: {  	s10 =	rddreg [dreg:$0xf];
	[sflag:s26] =	ssyncadd.s32 $0xFFFFF800  }
0x330: {  	[tilespmem:s22], [sflag:$0x3] =	stream.linear.gather [hbm4b:s10+s15], $0x800, $0x38;
	[tilespmem:$0x1FC00] =	vst v63  }
0x331: {  	_ =	swait.ge [sflag:s26], $0x800  }
0x332: {  	[sflag:s26] =	ssyncset.done $0x0  }
0x333: {  	[sflag:s26] =	ssyncadd.s32 $0xFFFFF800  }
0x334: {  	[tilespmem:s31], [sflag:$0x1] =	stream.indirect.gather [hbm4b:s1+s30], $0x80, s20, s30, $0xb8;
	[tilespmem:$0x1FC00] =	vst v63  }
0x335: {  	_ =	swait.ge [sflag:s28], $0x4000  }
0x336: {  	[sflag:s28] =	ssyncset.done $0x0  }
0x337: {  	s8 =	simm.s32 $0x13C80;
	[sflag:s28] =	ssyncadd.s32 $0xFFFFC000  }
0x338: {  	[tilespmem:s6], [sflag:$0x2] =	stream.indirect.gather [hbm4b:s1+s30], $0x80, s8, s30, $0xb8;
	[tilespmem:$0x1FC00] =	vst v63  }
0x339: {  	_ = 	snop  }
0x33a: {  	[spmem:s2] =	stream.indirect.scatter.add.f32 [tilespmem:s31], [sflag:$0x3], $0x80, s22, s30, $0xb8;
	[tilespmem:$0x1FC00] =	vst v63  }
0x33b: {  	_ =	swait.ge [sflag:s26], $0x4000  }
0x33c: {  	[sflag:s26] =	ssyncset.done $0x0  }
0x33d: {  	[sflag:s26] =	ssyncadd.s32 $0xFFFFC000  }
0x33e: {  	_ =	swait.ge [sflag:s7], $0x4000  }
0x33f: {  	[sflag:s7] =	ssyncset.done $0x0  }
0x340: {  	s11 =	simm.s32 $0x13D00;
	[sflag:s7] =	ssyncadd.s32 $0xFFFFC000  }
0x341: {  	[tilespmem:s31], [sflag:$0x1] =	stream.indirect.gather [hbm4b:s1+s30], $0x80, s11, s30, $0xb8;
	[tilespmem:$0x1FC00] =	vst v63  }
0x342: {  	s14 =	simm.s32 $0x14480  }
0x343: {  	[spmem:s2] =	stream.indirect.scatter.add.f32 [tilespmem:s6], [sflag:$0x3], $0x80, s14, s30, $0xb8;
	[tilespmem:$0x1FC00] =	vst v63  }
0x344: {  	_ =	swait.ge [sflag:s26], $0x4000  }
0x345: {  	[sflag:s26] =	ssyncset.done $0x0  }
0x346: {  	[sflag:s26] =	ssyncadd.s32 $0xFFFFC000  }
0x347: {  	_ =	swait.ge [sflag:s28], $0x4000  }
0x348: {  	[sflag:s28] =	ssyncset.done $0x0  }
0x349: {  	s16 =	simm.s32 $0x13D80;
	[sflag:s28] =	ssyncadd.s32 $0xFFFFC000  }
0x34a: {  	[tilespmem:s6], [sflag:$0x2] =	stream.indirect.gather [hbm4b:s1+s30], $0x80, s16, s30, $0xb8;
	[tilespmem:$0x1FC00] =	vst v63  }
0x34b: {  	s5 =	simm.s32 $0x14500  }
0x34c: {  	[spmem:s2] =	stream.indirect.scatter.add.f32 [tilespmem:s31], [sflag:$0x3], $0x80, s5, s30, $0xb8;
	[tilespmem:$0x1FC00] =	vst v63  }
0x34d: {  	_ =	swait.ge [sflag:s26], $0x4000  }
0x34e: {  	[sflag:s26] =	ssyncset.done $0x0  }
0x34f: {  	[sflag:s26] =	ssyncadd.s32 $0xFFFFC000  }
0x350: {  	_ =	swait.ge [sflag:s7], $0x4000  }
0x351: {  	[sflag:s7] =	ssyncset.done $0x0  }
0x352: {  	s8 =	simm.s32 $0x13E00;
	[sflag:s7] =	ssyncadd.s32 $0xFFFFC000  }
0x353: {  	[tilespmem:s31], [sflag:$0x1] =	stream.indirect.gather [hbm4b:s1+s30], $0x80, s8, s30, $0xb8;
	[tilespmem:$0x1FC00] =	vst v63  }
0x354: {  	s11 =	simm.s32 $0x14580  }
0x355: {  	[spmem:s2] =	stream.indirect.scatter.add.f32 [tilespmem:s6], [sflag:$0x3], $0x80, s11, s30, $0xb8;
	[tilespmem:$0x1FC00] =	vst v63  }
0x356: {  	_ =	swait.ge [sflag:s26], $0x4000  }
0x357: {  	[sflag:s26] =	ssyncset.done $0x0  }
0x358: {  	[sflag:s26] =	ssyncadd.s32 $0xFFFFC000  }
0x359: {  	_ =	swait.ge [sflag:s28], $0x4000  }
0x35a: {  	[sflag:s28] =	ssyncset.done $0x0  }
0x35b: {  	s14 =	simm.s32 $0x13E80;
	[sflag:s28] =	ssyncadd.s32 $0xFFFFC000  }
0x35c: {  	[tilespmem:s6], [sflag:$0x2] =	stream.indirect.gather [hbm4b:s1+s30], $0x80, s14, s30, $0xb8;
	[tilespmem:$0x1FC00] =	vst v63  }
0x35d: {  	s16 =	simm.s32 $0x14600  }
0x35e: {  	[spmem:s2] =	stream.indirect.scatter.add.f32 [tilespmem:s31], [sflag:$0x3], $0x80, s16, s30, $0xb8;
	[tilespmem:$0x1FC00] =	vst v63  }
0x35f: {  	_ =	swait.ge [sflag:s26], $0x4000  }
0x360: {  	[sflag:s26] =	ssyncset.done $0x0  }
0x361: {  	[sflag:s26] =	ssyncadd.s32 $0xFFFFC000  }
0x362: {  	_ =	swait.ge [sflag:s7], $0x4000  }
0x363: {  	[sflag:s7] =	ssyncset.done $0x0  }
0x364: {  	s17 =	simm.s32 $0x13F00;
	[sflag:s7] =	ssyncadd.s32 $0xFFFFC000  }
0x365: {  	[tilespmem:s31], [sflag:$0x1] =	stream.indirect.gather [hbm4b:s1+s30], $0x80, s17, s30, $0xb8;
	[tilespmem:$0x1FC00] =	vst v63  }
0x366: {  	s9 =	simm.s32 $0x14680  }
0x367: {  	[spmem:s2] =	stream.indirect.scatter.add.f32 [tilespmem:s6], [sflag:$0x3], $0x80, s9, s30, $0xb8;
	[tilespmem:$0x1FC00] =	vst v63  }
0x368: {  	_ =	swait.ge [sflag:s26], $0x4000  }
0x369: {  	[sflag:s26] =	ssyncset.done $0x0  }
0x36a: {  	[sflag:s26] =	ssyncadd.s32 $0xFFFFC000  }
0x36b: {  	_ =	swait.ge [sflag:s28], $0x4000  }
0x36c: {  	[sflag:s28] =	ssyncset.done $0x0  }
0x36d: {  	s17 =	simm.s32 $0x13F80;
	[sflag:s28] =	ssyncadd.s32 $0xFFFFC000  }
0x36e: {  	[tilespmem:s6], [sflag:$0x2] =	stream.indirect.gather [hbm4b:s1+s30], $0x80, s17, s30, $0xb8;
	[tilespmem:$0x1FC00] =	vst v63  }
0x36f: {  	s9 =	simm.s32 $0x14700  }
0x370: {  	[spmem:s2] =	stream.indirect.scatter.add.f32 [tilespmem:s31], [sflag:$0x3], $0x80, s9, s30, $0xb8;
	[tilespmem:$0x1FC00] =	vst v63  }
0x371: {  	_ =	swait.ge [sflag:s26], $0x4000  }
0x372: {  	[sflag:s26] =	ssyncset.done $0x0  }
0x373: {  	[sflag:s26] =	ssyncadd.s32 $0xFFFFC000  }
0x374: {  	_ =	swait.ge [sflag:s7], $0x4000  }
0x375: {  	[sflag:s7] =	ssyncset.done $0x0  }
0x376: {  	s14 =	simm.s32 $0x14000;
	[sflag:s7] =	ssyncadd.s32 $0xFFFFC000  }
0x377: {  	[tilespmem:s31], [sflag:$0x1] =	stream.indirect.gather [hbm4b:s1+s30], $0x80, s14, s30, $0xb8;
	[tilespmem:$0x1FC00] =	vst v63  }
0x378: {  	s16 =	simm.s32 $0x14780  }
0x379: {  	[spmem:s2] =	stream.indirect.scatter.add.f32 [tilespmem:s6], [sflag:$0x3], $0x80, s16, s30, $0xb8;
	[tilespmem:$0x1FC00] =	vst v63  }
0x37a: {  	_ =	swait.ge [sflag:s26], $0x4000  }
0x37b: {  	[sflag:s26] =	ssyncset.done $0x0  }
0x37c: {  	[sflag:s26] =	ssyncadd.s32 $0xFFFFC000  }
0x37d: {  	_ =	swait.ge [sflag:s28], $0x4000  }
0x37e: {  	[sflag:s28] =	ssyncset.done $0x0  }
0x37f: {  	s23 =	simm.s32 $0x14080;
	[sflag:s28] =	ssyncadd.s32 $0xFFFFC000  }
0x380: {  	[tilespmem:s6], [sflag:$0x2] =	stream.indirect.gather [hbm4b:s1+s30], $0x80, s23, s30, $0xb8;
	[tilespmem:$0x1FC00] =	vst v63  }
0x381: {  	s13 =	simm.s32 $0x14800  }
0x382: {  	[spmem:s2] =	stream.indirect.scatter.add.f32 [tilespmem:s31], [sflag:$0x3], $0x80, s13, s30, $0xb8;
	[tilespmem:$0x1FC00] =	vst v63  }
0x383: {  	_ =	swait.ge [sflag:s26], $0x4000  }
0x384: {  	[sflag:s26] =	ssyncset.done $0x0  }
0x385: {  	[sflag:s26] =	ssyncadd.s32 $0xFFFFC000  }
0x386: {  	_ =	swait.ge [sflag:s7], $0x4000  }
0x387: {  	[sflag:s7] =	ssyncset.done $0x0  }
0x388: {  	s12 =	simm.s32 $0x14100;
	[sflag:s7] =	ssyncadd.s32 $0xFFFFC000  }
0x389: {  	[tilespmem:s31], [sflag:$0x1] =	stream.indirect.gather [hbm4b:s1+s30], $0x80, s12, s30, $0xb8;
	[tilespmem:$0x1FC00] =	vst v63  }
0x38a: {  	s19 =	simm.s32 $0x14880  }
0x38b: {  	[spmem:s2] =	stream.indirect.scatter.add.f32 [tilespmem:s6], [sflag:$0x3], $0x80, s19, s30, $0xb8;
	[tilespmem:$0x1FC00] =	vst v63  }
0x38c: {  	_ =	swait.ge [sflag:s26], $0x4000  }
0x38d: {  	[sflag:s26] =	ssyncset.done $0x0  }
0x38e: {  	[sflag:s26] =	ssyncadd.s32 $0xFFFFC000  }
0x38f: {  	_ =	swait.ge [sflag:s28], $0x4000  }
0x390: {  	[sflag:s28] =	ssyncset.done $0x0  }
0x391: {  	s4 =	simm.s32 $0x14180;
	[sflag:s28] =	ssyncadd.s32 $0xFFFFC000  }
0x392: {  	[tilespmem:s6], [sflag:$0x2] =	stream.indirect.gather [hbm4b:s1+s30], $0x80, s4, s30, $0xb8;
	[tilespmem:$0x1FC00] =	vst v63  }
0x393: {  	s17 =	simm.s32 $0x14900  }
0x394: {  	[spmem:s2] =	stream.indirect.scatter.add.f32 [tilespmem:s31], [sflag:$0x3], $0x80, s17, s30, $0xb8;
	[tilespmem:$0x1FC00] =	vst v63  }
0x395: {  	_ =	swait.ge [sflag:s26], $0x4000  }
0x396: {  	[sflag:s26] =	ssyncset.done $0x0  }
0x397: {  	[sflag:s26] =	ssyncadd.s32 $0xFFFFC000  }
0x398: {  	_ =	swait.ge [sflag:s7], $0x4000  }
0x399: {  	[sflag:s7] =	ssyncset.done $0x0  }
0x39a: {  	s3 =	simm.s32 $0x14200;
	[sflag:s7] =	ssyncadd.s32 $0xFFFFC000  }
0x39b: {  	[tilespmem:s31], [sflag:$0x1] =	stream.indirect.gather [hbm4b:s1+s30], $0x80, s3, s30, $0xb8;
	[tilespmem:$0x1FC00] =	vst v63  }
0x39c: {  	s19 =	simm.s32 $0x14980  }
0x39d: {  	[spmem:s2] =	stream.indirect.scatter.add.f32 [tilespmem:s6], [sflag:$0x3], $0x80, s19, s30, $0xb8;
	[tilespmem:$0x1FC00] =	vst v63  }
0x39e: {  	_ =	swait.ge [sflag:s26], $0x4000  }
0x39f: {  	[sflag:s26] =	ssyncset.done $0x0  }
0x3a0: {  	[sflag:s26] =	ssyncadd.s32 $0xFFFFC000  }
0x3a1: {  	_ =	swait.ge [sflag:s28], $0x4000  }
0x3a2: {  	[sflag:s28] =	ssyncset.done $0x0  }
0x3a3: {  	s5 =	simm.s32 $0x14280;
	[sflag:s28] =	ssyncadd.s32 $0xFFFFC000  }
0x3a4: {  	[tilespmem:s6], [sflag:$0x2] =	stream.indirect.gather [hbm4b:s1+s30], $0x80, s5, s30, $0xb8;
	[tilespmem:$0x1FC00] =	vst v63  }
0x3a5: {  	s9 =	simm.s32 $0x14A00  }
0x3a6: {  	[spmem:s2] =	stream.indirect.scatter.add.f32 [tilespmem:s31], [sflag:$0x3], $0x80, s9, s30, $0xb8;
	[tilespmem:$0x1FC00] =	vst v63  }
0x3a7: {  	_ =	swait.ge [sflag:s26], $0x4000  }
0x3a8: {  	[sflag:s26] =	ssyncset.done $0x0  }
0x3a9: {  	[sflag:s26] =	ssyncadd.s32 $0xFFFFC000  }
0x3aa: {  	_ =	swait.ge [sflag:s7], $0x4000  }
0x3ab: {  	[sflag:s7] =	ssyncset.done $0x0  }
0x3ac: {  	s19 =	simm.s32 $0x14300;
	[sflag:s7] =	ssyncadd.s32 $0xFFFFC000  }
0x3ad: {  	[tilespmem:s31], [sflag:$0x1] =	stream.indirect.gather [hbm4b:s1+s30], $0x80, s19, s30, $0xb8;
	[tilespmem:$0x1FC00] =	vst v63  }
0x3ae: {  	s29 =	simm.s32 $0x14A80  }
0x3af: {  	[spmem:s2] =	stream.indirect.scatter.add.f32 [tilespmem:s6], [sflag:$0x3], $0x80, s29, s30, $0xb8;
	[tilespmem:$0x1FC00] =	vst v63  }
0x3b0: {  	_ =	swait.ge [sflag:s26], $0x4000  }
0x3b1: {  	[sflag:s26] =	ssyncset.done $0x0  }
0x3b2: {  	[sflag:s26] =	ssyncadd.s32 $0xFFFFC000  }
0x3b3: {  	_ =	swait.ge [sflag:s28], $0x4000  }
0x3b4: {  	[sflag:s28] =	ssyncset.done $0x0  }
0x3b5: {  	[sflag:s28] =	ssyncadd.s32 $0xFFFFC000  }
0x3b6: {  	[tilespmem:s6], [sflag:$0x2] =	stream.indirect.gather [hbm4b:s1+s30], $0x80, s21, s30, $0xb8;
	[tilespmem:$0x1FC00] =	vst v63  }
0x3b7: {  	s9 =	simm.s32 $0x14B00  }
0x3b8: {  	[spmem:s2] =	stream.indirect.scatter.add.f32 [tilespmem:s31], [sflag:$0x3], $0x80, s9, s30, $0xb8;
	[tilespmem:$0x1FC00] =	vst v63  }
0x3b9: {  	_ =	swait.ge [sflag:s26], $0x4000  }
0x3ba: {  	[sflag:s26] =	ssyncset.done $0x0  }
0x3bb: {  	[sflag:s26] =	ssyncadd.s32 $0xFFFFC000  }
0x3bc: {  	_ =	swait.ge [sflag:s7], $0x4000  }
0x3bd: {  	[sflag:s7] =	ssyncset.done $0x0  }
0x3be: {  	[sflag:s7] =	ssyncadd.s32 $0xFFFFC000  }
0x3bf: {  	[tilespmem:s31], [sflag:$0x1] =	stream.indirect.gather [hbm4b:s1+s30], $0x80, s21, s30, $0xb8;
	[tilespmem:$0x1FC00] =	vst v63  }
0x3c0: {  	s9 =	simm.s32 $0x14B80  }
0x3c1: {  	[spmem:s2] =	stream.indirect.scatter.add.f32 [tilespmem:s6], [sflag:$0x3], $0x80, s9, s30, $0xb8;
	[tilespmem:$0x1FC00] =	vst v63  }
0x3c2: {  	_ =	swait.ge [sflag:s26], $0x4000  }
0x3c3: {  	[sflag:s26] =	ssyncset.done $0x0  }
0x3c4: {  	[sflag:s26] =	ssyncadd.s32 $0xFFFFC000  }
0x3c5: {  	_ =	swait.ge [sflag:s28], $0x4000  }
0x3c6: {  	[sflag:s28] =	ssyncset.done $0x0  }
0x3c7: {  	s9 =	rddreg [dreg:$0x10];
	[sflag:s28] =	ssyncadd.s32 $0xFFFFC000  }
0x3c8: {  	[tilespmem:s20], [sflag:$0x3] =	stream.linear.gather [hbm4b:s9+s15], $0x800, $0x38;
	[tilespmem:$0x1FC00] =	vst v63  }
0x3c9: {  	_ =	swait.ge [sflag:s26], $0x800  }
0x3ca: {  	[sflag:s26] =	ssyncset.done $0x0  }
0x3cb: {  	s9 =	rddreg [dreg:$0x11];
	[sflag:s26] =	ssyncadd.s32 $0xFFFFF800  }
0x3cc: {  	[tilespmem:s22], [sflag:$0x3] =	stream.linear.gather [hbm4b:s9+s15], $0x800, $0x38;
	[tilespmem:$0x1FC00] =	vst v63  }
0x3cd: {  	_ =	swait.ge [sflag:s26], $0x800  }
0x3ce: {  	[sflag:s26] =	ssyncset.done $0x0  }
0x3cf: {  	[sflag:s26] =	ssyncadd.s32 $0xFFFFF800  }
0x3d0: {  	[tilespmem:s31], [sflag:$0x1] =	stream.indirect.gather [hbm4b:s1+s30], $0x80, s20, s30, $0xb8;
	[tilespmem:$0x1FC00] =	vst v63  }
0x3d1: {  	_ =	swait.ge [sflag:s28], $0x4000  }
0x3d2: {  	[sflag:s28] =	ssyncset.done $0x0  }
0x3d3: {  	s10 =	simm.s32 $0x13C80;
	[sflag:s28] =	ssyncadd.s32 $0xFFFFC000  }
0x3d4: {  	[tilespmem:s6], [sflag:$0x2] =	stream.indirect.gather [hbm4b:s1+s30], $0x80, s10, s30, $0xb8;
	[tilespmem:$0x1FC00] =	vst v63  }
0x3d5: {  	_ = 	snop  }
0x3d6: {  	[spmem:s2] =	stream.indirect.scatter.add.f32 [tilespmem:s31], [sflag:$0x3], $0x80, s22, s30, $0xb8;
	[tilespmem:$0x1FC00] =	vst v63  }
0x3d7: {  	s9 =	rddreg [dreg:$0x18];
	_ =	swait.ge [sflag:s26], $0x4000  }
0x3d8: {  	[sflag:s26] =	ssyncset.done $0x0  }
0x3d9: {  	[sflag:s26] =	ssyncadd.s32 $0xFFFFC000  }
0x3da: {  	_ =	swait.ge [sflag:s7], $0x4000  }
0x3db: {  	[sflag:s7] =	ssyncset.done $0x0  }
0x3dc: {  	s24 =	simm.s32 $0x13D00;
	[sflag:s7] =	ssyncadd.s32 $0xFFFFC000  }
0x3dd: {  	[tilespmem:s31], [sflag:$0x1] =	stream.indirect.gather [hbm4b:s1+s30], $0x80, s24, s30, $0xb8;
	[tilespmem:$0x1FC00] =	vst v63  }
0x3de: {  	s25 =	simm.s32 $0x14480  }
0x3df: {  	[spmem:s2] =	stream.indirect.scatter.add.f32 [tilespmem:s6], [sflag:$0x3], $0x80, s25, s30, $0xb8;
	[tilespmem:$0x1FC00] =	vst v63  }
0x3e0: {  	s25 =	rddreg [dreg:$0x15];
	_ =	swait.ge [sflag:s26], $0x4000  }
0x3e1: {  	[sflag:s26] =	ssyncset.done $0x0  }
0x3e2: {  	[sflag:s26] =	ssyncadd.s32 $0xFFFFC000  }
0x3e3: {  	_ =	swait.ge [sflag:s28], $0x4000  }
0x3e4: {  	[sflag:s28] =	ssyncset.done $0x0  }
0x3e5: {  	s22 =	simm.s32 $0x13D80;
	[sflag:s28] =	ssyncadd.s32 $0xFFFFC000  }
0x3e6: {  	[tilespmem:s6], [sflag:$0x2] =	stream.indirect.gather [hbm4b:s1+s30], $0x80, s22, s30, $0xb8;
	[tilespmem:$0x1FC00] =	vst v63  }
0x3e7: {  	s24 =	simm.s32 $0x14500;
	s29 =	rddreg [dreg:$0x16]  }
0x3e8: {  	[spmem:s2] =	stream.indirect.scatter.add.f32 [tilespmem:s31], [sflag:$0x3], $0x80, s24, s30, $0xb8;
	[tilespmem:$0x1FC00] =	vst v63  }
0x3e9: {  	s10 =	rddreg [dreg:$0x14];
	_ =	swait.ge [sflag:s26], $0x4000  }
0x3ea: {  	[sflag:s26] =	ssyncset.done $0x0  }
0x3eb: {  	[sflag:s26] =	ssyncadd.s32 $0xFFFFC000  }
0x3ec: {  	_ =	swait.ge [sflag:s7], $0x4000  }
0x3ed: {  	[sflag:s7] =	ssyncset.done $0x0  }
0x3ee: {  	s8 =	simm.s32 $0x13E00;
	[sflag:s7] =	ssyncadd.s32 $0xFFFFC000  }
0x3ef: {  	[tilespmem:s31], [sflag:$0x1] =	stream.indirect.gather [hbm4b:s1+s30], $0x80, s8, s30, $0xb8;
	[tilespmem:$0x1FC00] =	vst v63  }
0x3f0: {  	s8 =	simm.s32 $0x14580  }
0x3f1: {  	[spmem:s2] =	stream.indirect.scatter.add.f32 [tilespmem:s6], [sflag:$0x3], $0x80, s8, s30, $0xb8;
	[tilespmem:$0x1FC00] =	vst v63  }
0x3f2: {  	_ =	swait.ge [sflag:s26], $0x4000  }
0x3f3: {  	[sflag:s26] =	ssyncset.done $0x0  }
0x3f4: {  	[sflag:s26] =	ssyncadd.s32 $0xFFFFC000  }
0x3f5: {  	_ =	swait.ge [sflag:s28], $0x4000  }
0x3f6: {  	[sflag:s28] =	ssyncset.done $0x0  }
0x3f7: {  	s20 =	simm.s32 $0x13E80;
	[sflag:s28] =	ssyncadd.s32 $0xFFFFC000  }
0x3f8: {  	[tilespmem:s6], [sflag:$0x2] =	stream.indirect.gather [hbm4b:s1+s30], $0x80, s20, s30, $0xb8;
	[tilespmem:$0x1FC00] =	vst v63  }
0x3f9: {  	s22 =	simm.s32 $0x14600  }
0x3fa: {  	[spmem:s2] =	stream.indirect.scatter.add.f32 [tilespmem:s31], [sflag:$0x3], $0x80, s22, s30, $0xb8;
	[tilespmem:$0x1FC00] =	vst v63  }
0x3fb: {  	_ =	swait.ge [sflag:s26], $0x4000  }
0x3fc: {  	[sflag:s26] =	ssyncset.done $0x0  }
0x3fd: {  	[sflag:s26] =	ssyncadd.s32 $0xFFFFC000  }
0x3fe: {  	_ =	swait.ge [sflag:s7], $0x4000  }
0x3ff: {  	[sflag:s7] =	ssyncset.done $0x0  }
0x400: {  	s0 =	simm.s32 $0x13F00;
	[sflag:s7] =	ssyncadd.s32 $0xFFFFC000  }
0x401: {  	[tilespmem:s31], [sflag:$0x1] =	stream.indirect.gather [hbm4b:s1+s30], $0x80, s0, s30, $0xb8;
	[tilespmem:$0x1FC00] =	vst v63  }
0x402: {  	s11 =	simm.s32 $0x14680  }
0x403: {  	[spmem:s2] =	stream.indirect.scatter.add.f32 [tilespmem:s6], [sflag:$0x3], $0x80, s11, s30, $0xb8;
	[tilespmem:$0x1FC00] =	vst v63  }
0x404: {  	_ =	swait.ge [sflag:s26], $0x4000  }
0x405: {  	[sflag:s26] =	ssyncset.done $0x0  }
0x406: {  	[sflag:s26] =	ssyncadd.s32 $0xFFFFC000  }
0x407: {  	_ =	swait.ge [sflag:s28], $0x4000  }
0x408: {  	[sflag:s28] =	ssyncset.done $0x0  }
0x409: {  	s24 =	simm.s32 $0x13F80;
	[sflag:s28] =	ssyncadd.s32 $0xFFFFC000  }
0x40a: {  	[tilespmem:s6], [sflag:$0x2] =	stream.indirect.gather [hbm4b:s1+s30], $0x80, s24, s30, $0xb8;
	[tilespmem:$0x1FC00] =	vst v63  }
0x40b: {  	s5 =	simm.s32 $0x14700  }
0x40c: {  	[spmem:s2] =	stream.indirect.scatter.add.f32 [tilespmem:s31], [sflag:$0x3], $0x80, s5, s30, $0xb8;
	[tilespmem:$0x1FC00] =	vst v63  }
0x40d: {  	_ =	swait.ge [sflag:s26], $0x4000  }
0x40e: {  	[sflag:s26] =	ssyncset.done $0x0  }
0x40f: {  	[sflag:s26] =	ssyncadd.s32 $0xFFFFC000  }
0x410: {  	_ =	swait.ge [sflag:s7], $0x4000  }
0x411: {  	[sflag:s7] =	ssyncset.done $0x0  }
0x412: {  	s8 =	simm.s32 $0x14000;
	[sflag:s7] =	ssyncadd.s32 $0xFFFFC000  }
0x413: {  	[tilespmem:s31], [sflag:$0x1] =	stream.indirect.gather [hbm4b:s1+s30], $0x80, s8, s30, $0xb8;
	[tilespmem:$0x1FC00] =	vst v63  }
0x414: {  	s11 =	simm.s32 $0x14780  }
0x415: {  	[spmem:s2] =	stream.indirect.scatter.add.f32 [tilespmem:s6], [sflag:$0x3], $0x80, s11, s30, $0xb8;
	[tilespmem:$0x1FC00] =	vst v63  }
0x416: {  	_ =	swait.ge [sflag:s26], $0x4000  }
0x417: {  	[sflag:s26] =	ssyncset.done $0x0  }
0x418: {  	[sflag:s26] =	ssyncadd.s32 $0xFFFFC000  }
0x419: {  	_ =	swait.ge [sflag:s28], $0x4000  }
0x41a: {  	[sflag:s28] =	ssyncset.done $0x0  }
0x41b: {  	s16 =	simm.s32 $0x14080;
	[sflag:s28] =	ssyncadd.s32 $0xFFFFC000  }
0x41c: {  	[tilespmem:s6], [sflag:$0x2] =	stream.indirect.gather [hbm4b:s1+s30], $0x80, s16, s30, $0xb8;
	[tilespmem:$0x1FC00] =	vst v63  }
0x41d: {  	s13 =	simm.s32 $0x14800  }
0x41e: {  	[spmem:s2] =	stream.indirect.scatter.add.f32 [tilespmem:s31], [sflag:$0x3], $0x80, s13, s30, $0xb8;
	[tilespmem:$0x1FC00] =	vst v63  }
0x41f: {  	s8 =	rddreg [dreg:$0x17];
	_ =	swait.ge [sflag:s26], $0x4000  }
0x420: {  	[sflag:s26] =	ssyncset.done $0x0  }
0x421: {  	[sflag:s26] =	ssyncadd.s32 $0xFFFFC000  }
0x422: {  	_ =	swait.ge [sflag:s7], $0x4000  }
0x423: {  	[sflag:s7] =	ssyncset.done $0x0  }
0x424: {  	s12 =	simm.s32 $0x14100;
	[sflag:s7] =	ssyncadd.s32 $0xFFFFC000  }
0x425: {  	[tilespmem:s31], [sflag:$0x1] =	stream.indirect.gather [hbm4b:s1+s30], $0x80, s12, s30, $0xb8;
	[tilespmem:$0x1FC00] =	vst v63  }
0x426: {  	s14 =	simm.s32 $0x14880  }
0x427: {  	[spmem:s2] =	stream.indirect.scatter.add.f32 [tilespmem:s6], [sflag:$0x3], $0x80, s14, s30, $0xb8;
	[tilespmem:$0x1FC00] =	vst v63  }
0x428: {  	_ =	swait.ge [sflag:s26], $0x4000  }
0x429: {  	[sflag:s26] =	ssyncset.done $0x0  }
0x42a: {  	[sflag:s26] =	ssyncadd.s32 $0xFFFFC000  }
0x42b: {  	_ =	swait.ge [sflag:s28], $0x4000  }
0x42c: {  	[sflag:s28] =	ssyncset.done $0x0  }
0x42d: {  	s4 =	simm.s32 $0x14180;
	[sflag:s28] =	ssyncadd.s32 $0xFFFFC000  }
0x42e: {  	[tilespmem:s6], [sflag:$0x2] =	stream.indirect.gather [hbm4b:s1+s30], $0x80, s4, s30, $0xb8;
	[tilespmem:$0x1FC00] =	vst v63  }
0x42f: {  	s23 =	simm.s32 $0x14900  }
0x430: {  	[spmem:s2] =	stream.indirect.scatter.add.f32 [tilespmem:s31], [sflag:$0x3], $0x80, s23, s30, $0xb8;
	[tilespmem:$0x1FC00] =	vst v63  }
0x431: {  	_ =	swait.ge [sflag:s26], $0x4000  }
0x432: {  	[sflag:s26] =	ssyncset.done $0x0  }
0x433: {  	[sflag:s26] =	ssyncadd.s32 $0xFFFFC000  }
0x434: {  	_ =	swait.ge [sflag:s7], $0x4000  }
0x435: {  	[sflag:s7] =	ssyncset.done $0x0  }
0x436: {  	s17 =	simm.s32 $0x14200;
	[sflag:s7] =	ssyncadd.s32 $0xFFFFC000  }
0x437: {  	[tilespmem:s31], [sflag:$0x1] =	stream.indirect.gather [hbm4b:s1+s30], $0x80, s17, s30, $0xb8;
	[tilespmem:$0x1FC00] =	vst v63  }
0x438: {  	s17 =	simm.s32 $0x14980  }
0x439: {  	[spmem:s2] =	stream.indirect.scatter.add.f32 [tilespmem:s6], [sflag:$0x3], $0x80, s17, s30, $0xb8;
	[tilespmem:$0x1FC00] =	vst v63  }
0x43a: {  	s11 =	rddreg [dreg:$0x19];
	_ =	swait.ge [sflag:s26], $0x4000  }
0x43b: {  	[sflag:s26] =	ssyncset.done $0x0  }
0x43c: {  	[sflag:s26] =	ssyncadd.s32 $0xFFFFC000  }
0x43d: {  	_ =	swait.ge [sflag:s28], $0x4000  }
0x43e: {  	[sflag:s28] =	ssyncset.done $0x0  }
0x43f: {  	s3 =	simm.s32 $0x14280;
	[sflag:s28] =	ssyncadd.s32 $0xFFFFC000  }
0x440: {  	[tilespmem:s6], [sflag:$0x2] =	stream.indirect.gather [hbm4b:s1+s30], $0x80, s3, s30, $0xb8;
	[tilespmem:$0x1FC00] =	vst v63  }
0x441: {  	s20 =	simm.s32 $0x14A00  }
0x442: {  	[spmem:s2] =	stream.indirect.scatter.add.f32 [tilespmem:s31], [sflag:$0x3], $0x80, s20, s30, $0xb8;
	[tilespmem:$0x1FC00] =	vst v63  }
0x443: {  	_ =	swait.ge [sflag:s26], $0x4000  }
0x444: {  	[sflag:s26] =	ssyncset.done $0x0  }
0x445: {  	[sflag:s26] =	ssyncadd.s32 $0xFFFFC000  }
0x446: {  	_ =	swait.ge [sflag:s7], $0x4000  }
0x447: {  	[sflag:s7] =	ssyncset.done $0x0  }
0x448: {  	s19 =	simm.s32 $0x14300;
	[sflag:s7] =	ssyncadd.s32 $0xFFFFC000  }
0x449: {  	[tilespmem:s31], [sflag:$0x1] =	stream.indirect.gather [hbm4b:s1+s30], $0x80, s19, s30, $0xb8;
	[tilespmem:$0x1FC00] =	vst v63  }
0x44a: {  	s22 =	simm.s32 $0x14A80  }
0x44b: {  	[spmem:s2] =	stream.indirect.scatter.add.f32 [tilespmem:s6], [sflag:$0x3], $0x80, s22, s30, $0xb8;
	[tilespmem:$0x1FC00] =	vst v63  }
0x44c: {  	_ =	swait.ge [sflag:s26], $0x4000  }
0x44d: {  	[sflag:s26] =	ssyncset.done $0x0  }
0x44e: {  	[sflag:s26] =	ssyncadd.s32 $0xFFFFC000  }
0x44f: {  	_ =	swait.ge [sflag:s28], $0x4000  }
0x450: {  	[sflag:s28] =	ssyncset.done $0x0  }
0x451: {  	[sflag:s28] =	ssyncadd.s32 $0xFFFFC000  }
0x452: {  	[tilespmem:s6], [sflag:$0x2] =	stream.indirect.gather [hbm4b:s1+s30], $0x80, s21, s30, $0xb8;
	[tilespmem:$0x1FC00] =	vst v63  }
0x453: {  	s23 =	simm.s32 $0x14B00  }
0x454: {  	[spmem:s2] =	stream.indirect.scatter.add.f32 [tilespmem:s31], [sflag:$0x3], $0x80, s23, s30, $0xb8;
	[tilespmem:$0x1FC00] =	vst v63  }
0x455: {  	_ =	swait.ge [sflag:s26], $0x4000  }
0x456: {  	[sflag:s26] =	ssyncset.done $0x0  }
0x457: {  	[sflag:s26] =	ssyncadd.s32 $0xFFFFC000  }
0x458: {  	_ =	swait.ge [sflag:s7], $0x4000  }
0x459: {  	[sflag:s7] =	ssyncset.done $0x0  }
0x45a: {  	[sflag:s7] =	ssyncadd.s32 $0xFFFFC000  }
0x45b: {  	[tilespmem:s31], [sflag:$0x1] =	stream.indirect.gather [hbm4b:s1+s30], $0x80, s21, s30, $0xb8;
	[tilespmem:$0x1FC00] =	vst v63  }
0x45c: {  	s24 =	simm.s32 $0x14B80  }
0x45d: {  	[spmem:s2] =	stream.indirect.scatter.add.f32 [tilespmem:s6], [sflag:$0x3], $0x80, s24, s30, $0xb8;
	[tilespmem:$0x1FC00] =	vst v63  }
0x45e: {  	_ =	swait.ge [sflag:s26], $0x4000  }
0x45f: {  	[sflag:s26] =	ssyncset.done $0x0  }
0x460: {  	[sflag:s26] =	ssyncadd.s32 $0xFFFFC000  }
0x461: {  	_ =	swait.ge [sflag:s28], $0x4000  }
0x462: {  	[sflag:s28] =	ssyncset.done $0x0  }
0x463: {  	[sflag:s28] =	ssyncadd.s32 $0xFFFFC000  }
.LBB2_6:
0x464: {  	s18 =	sadd.s32 $0x1, s18  }
0x465: {  	p1 =	sne.s32 s18, s9  }
.Ltmp1:
0x466: {  	[bflag:$0x0] =	sbarrier.arrive $0xFFFF;
	(pc) =	sbr.rel @!p1 .LBB2_7-.Ltmp1, $4  }
0x467: {  	[hbm:s8], [sflag:s10] =	dma.local [spmem:s11], $0x2780  }
0x468: {  	_ =	swait.ge [sflag:s26], $0x2780  }
0x469: {  	[sflag:s26] =	ssyncset.done $0x0  }
0x46a: {  	[sflag:s26] =	ssyncadd.s32 $0xFFFFD880  }
.LBB2_1:
0x46b: {  	s11 =	sshrl.u32 s29, $0x3  }
0x46c: {  	[spmem:s11], [sflag:s10] =	dma.local [hbm:s25], $0x2780  }
.Ltmp2:
0x46d: {  	_ =	swait.ge [sflag:s26], $0x2780;
	(pc) =	sbr.rel @!p0 .LBB2_2-.Ltmp2, $3  }
0x46e: {  	[sflag:s26] =	ssyncset.done $0x0  }
0x46f: {  	[sflag:s26] =	ssyncadd.s32 $0xFFFFD880  }
0x470: {  	[bflag:$0x0] =	sbarrier.arrive $0xFFFF;
	_ =	sdelay $0x1  }
0x471: {  	s20 =	simm.s32 $0x0;
	s5 =	rddreg [dreg:$0x12];
	s21 =	simm.s32 $0x14C00  }
0x472: {  	[tilespmem:s21], [sflag:$0x3] =	stream.linear.gather [hbm4b:s5+s20], $0x1800, $0x38;
	[tilespmem:$0x1FC00] =	vst v63  }
0x473: {  	_ =	swait.ge [sflag:s26], $0x1800  }
0x474: {  	[sflag:s26] =	ssyncset.done $0x0  }
0x475: {  	s22 =	simm.s32 $0x16400;
	s21 =	rddreg [dreg:$0x13];
	[sflag:s26] =	ssyncadd.s32 $0xFFFFE800  }
0x476: {  	[tilespmem:s22], [sflag:$0x3] =	stream.linear.gather [hbm4b:s21+s20], $0x1800, $0x38;
	[tilespmem:$0x1FC00] =	vst v63  }
0x477: {  	_ =	swait.ge [sflag:s26], $0x1800  }
0x478: {  	[sflag:s26] =	ssyncset.done $0x0  }
0x479: {  	s23 =	simm.s32 $0x14C00;
	[sflag:s26] =	ssyncadd.s32 $0xFFFFE800  }
0x47a: {  	[tilespmem:s31], [sflag:$0x3] =	stream.indirect.gather [hbm4b:s1+s30], $0x80, s23, s30, $0xb8;
	[tilespmem:$0x1FC00] =	vst v63  }
0x47b: {  	_ =	swait.ge [sflag:s26], $0x4000  }
0x47c: {  	[sflag:s26] =	ssyncset.done $0x0  }
0x47d: {  	s24 =	simm.s32 $0x16400;
	[sflag:s26] =	ssyncadd.s32 $0xFFFFC000  }
0x47e: {  	[spmem:s2] =	stream.indirect.scatter.add.f32 [tilespmem:s31], [sflag:$0x3], $0x80, s24, s30, $0xb8;
	[tilespmem:$0x1FC00] =	vst v63  }
0x47f: {  	_ =	swait.ge [sflag:s26], $0x4000  }
0x480: {  	s21 =	simm.s32 $0x400;
	s20 =	simm.s32 $0x80;
	[sflag:s26] =	ssyncset.done $0x0  }
.LBB2_4:
0x481: {  	s5 =	sadd.s32 $0x14C00, s20  }
0x482: {  	[sflag:s26] =	ssyncadd.s32 $0xFFFFC000;
	s22 =	smov.u32 s21;
	s24 =	sadd.s32 $0x200, s21  }
0x483: {  	[tilespmem:s31], [sflag:$0x3] =	stream.indirect.gather [hbm4b:s1+s30], $0x80, s5, s30, $0xb8;
	[tilespmem:$0x1FC00] =	vst v63  }
0x484: {  	p1 =	sne.s32 s21, $0x5E00;
	_ =	swait.ge [sflag:s26], $0x4000  }
.Ltmp3:
0x485: {  	[sflag:s26] =	ssyncset.done $0x0;
	(pc) =	sbr.rel @p1 .LBB2_4-.Ltmp3, $4  }
0x486: {  	s5 =	sadd.s32 $0x16400, s20;
	[sflag:s26] =	ssyncadd.s32 $0xFFFFC000  }
0x487: {  	[spmem:s2] =	stream.indirect.scatter.add.f32 [tilespmem:s31], [sflag:$0x3], $0x80, s5, s30, $0xb8;
	[tilespmem:$0x1FC00] =	vst v63  }
0x488: {  	_ =	swait.ge [sflag:s26], $0x4000  }
0x489: {  	s20 =	sshra.s32 s22, $0x2;
	s21 =	smov.u32 s24;
	[sflag:s26] =	ssyncset.done $0x0  }
0x48a: {  	s5 =	sadd.s32 $0x14C00, s20;
	[sflag:s26] =	ssyncadd.s32 $0xFFFFC000  }
0x48b: {  	[tilespmem:s31], [sflag:$0x3] =	stream.indirect.gather [hbm4b:s1+s30], $0x80, s5, s30, $0xb8;
	[tilespmem:$0x1FC00] =	vst v63  }
0x48c: {  	_ =	swait.ge [sflag:s26], $0x4000  }
0x48d: {  	[sflag:s26] =	ssyncset.done $0x0  }
.Ltmp4:
0x48e: {  	s24 =	sadd.s32 $0x16400, s20;
	[sflag:s26] =	ssyncadd.s32 $0xFFFFC000;
	(pc) =	sbr.rel .LBB2_6-.Ltmp4, $4  }
0x48f: {  	[spmem:s2] =	stream.indirect.scatter.add.f32 [tilespmem:s31], [sflag:$0x3], $0x80, s24, s30, $0xb8;
	[tilespmem:$0x1FC00] =	vst v63  }
0x490: {  	_ =	swait.ge [sflag:s26], $0x4000  }
0x491: {  	[sflag:s26] =	ssyncset.done $0x0  }
0x492: {  	[sflag:s26] =	ssyncadd.s32 $0xFFFFC000  }
.LBB2_7:
0x493: {  	_ =	sfence.sel $0x180000  }
0x494: {  	[bflag:$0x0] =	sbarrier.arrive $0xFFFF  }
0x495: {  	_ =	strace $0x90000050  }
0x496: {  	s0 =	stileid.u32;
	[bflag:$0x2] =	sbarrier.arrive $0xFFFF  }
0x497: {  	p0 =	sne.s32 s0, $0x0;
	s0 =	rddreg [dreg:$0x3]  }
0x498: {  	s0 =	sadd.s32 @!p0 $0x100000, s0  }
0x499: {  	[sflag:s0] =	ssyncadd.tile.s32 @!p0 $0x1;
	_ =	shalt  }
.Lfunc_end2:
_tile_overlayer_lowered:
.L_overlay_start_2:
0x49a: {  	(tag) =	ssettag $0x2  }
0x49b: {  	s0 =	rddreg [dreg:$0x0];
	s2 =	stileid.u32  }
0x49c: {  	s1 =	rddreg [dreg:$0x1];
	p0 =	sne.s32 s2, $0x0  }
0x49d: {  	s3 =	rddreg [dreg:$0x2];
	[bflag:$0x3] =	sbarrier.arrive $0xFFFF;
	s2 =	simm.s32 @!p0 $0x1C03  }
0x49e: {  	[timem:s3], [sflag:s2] =	dma.local @!p0 [hbm:s0], s1  }
0x49f: {  	s0 =	simm.s32 @!p0 $0x3  }
0x4a0: {  	_ =	swait.ge @!p0 [sflag:s0], s1  }
0x4a1: {  	s1 =	ssub.s32 @!p0 $0x0, s1;
	[sflag:s0] =	ssyncset.done @!p0 $0x0  }
0x4a2: {  	[sflag:s0] =	ssyncadd.s32 @!p0 s1  }
0x4a3: {  	[bflag:$0x3] =	sbarrier.arrive $0xFFFF  }
0x4a4: {  	_ =	shalt  }

// kernel: kernel.7.cloned.1.call-start
scs
__scs_entry_jumppad:
0x0: {  	(pc) =	sbr.rel $0x88, $3  }
0x1: {  	(tag) =	ssettag $0x0;
	lr =	simm.s32 $0x1  }
0x2: {  	[smem:$0x3F99] =	sst lr;
	_ =	strace $0xD0000000  }
0x3: {  	_ = 	snop  }
0x4: {  	_ = 	snop  }
0x5: {  	_ = 	snop  }
0x6: {  	_ = 	snop  }
0x7: {  	_ = 	snop  }
__scs_overlays_trampoline_lowered:
0x8: {  	[smem:$0x3FA8] =	sst s0  }
0x9: {  	[smem:$0x3FA9] =	sst s1  }
0xa: {  	[smem:$0x3FAA] =	sst s2  }
0xb: {  	[smem:$0x3FAB] =	sst s3  }
0xc: {  	[smem:$0x3FAC] =	sst s4  }
0xd: {  	[smem:$0x3FAD] =	sst s5  }
0xe: {  	[smem:$0x3FAE] =	sst s6  }
0xf: {  	[smem:$0x3FAF] =	sst s7  }
0x10: {  	[smem:$0x3FB0] =	sst s8  }
0x11: {  	[smem:$0x3FB1] =	sst s9;
	s0 =	simm.s32 @!p0 $0x0  }
0x12: {  	s1 =	sld [smem:$0x3F97];
	s0 =	simm.s32 @p0 $0x1  }
0x13: {  	[smem:$0x3FB2] =	sst s0;
	s0 =	simm.s32 @!p1 $0x0  }
0x14: {  	s2 =	sld [smem:$0x3F96];
	s0 =	simm.s32 @p1 $0x1  }
0x15: {  	[smem:$0x3FB3] =	sst s0;
	s0 =	simm.s32 @!p2 $0x0  }
0x16: {  	s3 =	sld [smem:$0x3FDB];
	s0 =	simm.s32 @p2 $0x1  }
0x17: {  	s4 =	simm.s32 $0x1BF5;
	[smem:$0x3FB5] =	sst s0  }
0x18: {  	s0 =	sld [smem:$0x3F98];
	_ =	swait.ge [sflag:s4], $0x0  }
0x19: {  	s7 =	sld [smem:$0x3F99]  }
0x1a: {  	s8 =	sadd.s32 $0xFFFFE003, lr  }
0x1b: {  	s9 =	sadd.s32 $0xFFFFFEF7, lr;
	s5 =	simm.s32 $0xFFFFFFFF;
	p2 =	slt.u32 s8, $0xFFFFF086  }
0x1c: {  	p1 =	slt.u32 s9, $0xF7A;
	s5 =	simm.s32 @!p2 $0x0  }
0x1d: {  	s5 =	simm.s32 @p1 $0x1;
	p0 =	seq.s32 s7, s2  }
0x1e: {  	s7 =	smul.u32 @!p0 $0xF7A, s2;
	p2 =	seq.s32 @!p0 s5, $0x0  }
0x1f: {  	s9 =	smul.u32 $0xF7A, s1;
	s8 =	simm.s32 @!p0 $0x1BF5;
	p2 =	por !p2, p0  }
0x20: {  	[sflag:s8] =	ssyncset.s32 @!p0 $0xFFFFF086;
	s6 =	sadd.s32 @!p0 s3, s7;
	s7 =	simm.s32 @!p0 $0x108  }
0x21: {  	s3 =	sadd.s32 s3, s9;
	s6 =	sadd.s32 @!p0 $0x88, s6;
	s7 =	simm.s32 @p2 $0x1082  }
0x22: {  	[simem:s7], [sflag:s8] =	dma.local @!p0 [hbm:s6], $0xF7A  }
0x23: {  	s9 =	sor.u32 $0xD0000000, s2;
	s6 =	simm.s32 $0x108;
	_ =	swait.ge @!p0 [sflag:s8], $0x0  }
0x24: {  	s3 =	sadd.s32 $0x88, s3;
	s6 =	simm.s32 @!p1 $0x1082;
	[sflag:s4] =	ssyncset.s32 $0xFFFFF086  }
0x25: {  	[simem:s6], [sflag:s4] =	dma.local [hbm:s3], $0xF7A  }
0x26: {  	[smem:$0x3F99] =	sst s1;
	(tag) =	ssettag s2;
	_ =	strace s9  }
0x27: {  	s1 =	sld [smem:$0x3FA9]  }
0x28: {  	s2 =	sld [smem:$0x3FAA]  }
0x29: {  	s4 =	sld [smem:$0x3FAC]  }
0x2a: {  	p0 =	seq.s32 s5, $0x0;
	s5 =	sld [smem:$0x3FAD]  }
0x2b: {  	s6 =	sld [smem:$0x3FAE]  }
0x2c: {  	s7 =	sld [smem:$0x3FAF]  }
0x2d: {  	s3 =	simm.s32 $0x108;
	s8 =	sld [smem:$0x3FB0]  }
0x2e: {  	s3 =	simm.s32 @!p0 $0x1082;
	s9 =	sld [smem:$0x3FB1]  }
0x2f: {  	lr =	sadd.s32 s0, s3;
	s0 =	sld [smem:$0x3FA8]  }
0x30: {  	s3 =	sld [smem:$0x3FAB]  }
0x31: {  	[smem:$0x3FB4] =	sst s10  }
0x32: {  	s10 =	sld [smem:$0x3FB2];
	_ =	sdelay $0x3  }
0x33: {  	p0 =	seq.s32 s10, $0x1;
	s10 =	sld [smem:$0x3FB4];
	_ =	sdelay $0x3  }
0x34: {  	[smem:$0x3FB4] =	sst s10  }
0x35: {  	s10 =	sld [smem:$0x3FB3];
	_ =	sdelay $0x3  }
0x36: {  	p1 =	seq.s32 s10, $0x1;
	s10 =	sld [smem:$0x3FB4];
	_ =	sdelay $0x3  }
0x37: {  	[smem:$0x3FB4] =	sst s10  }
0x38: {  	s10 =	sld [smem:$0x3FB5]  }
0x39: {  	_ = 	snop;
	(pc) =	sbr.ind lr, $3  }
0x3a: {  	_ = 	snop  }
0x3b: {  	_ = 	snop  }
0x3c: {  	p2 =	seq.s32 s10, $0x1;
	s10 =	sld [smem:$0x3FB4]  }
0x3d: {  	_ =	shalt  }
0x3e: {  	_ =	shalt  }
0x3f: {  	_ =	shalt  }
0x40: {  	_ =	shalt  }
0x41: {  	_ =	shalt  }
0x42: {  	_ =	shalt  }
0x43: {  	_ =	shalt  }
0x44: {  	_ =	shalt  }
0x45: {  	_ =	shalt  }
0x46: {  	_ =	shalt  }
0x47: {  	_ =	shalt  }
0x48: {  	_ =	shalt  }
0x49: {  	_ =	shalt  }
0x4a: {  	_ =	shalt  }
0x4b: {  	_ =	shalt  }
0x4c: {  	_ =	shalt  }
0x4d: {  	_ =	shalt  }
0x4e: {  	_ =	shalt  }
0x4f: {  	_ =	shalt  }
0x50: {  	_ =	shalt  }
0x51: {  	_ =	shalt  }
0x52: {  	_ =	shalt  }
0x53: {  	_ =	shalt  }
0x54: {  	_ =	shalt  }
0x55: {  	_ =	shalt  }
0x56: {  	_ =	shalt  }
0x57: {  	_ =	shalt  }
0x58: {  	_ =	shalt  }
0x59: {  	_ =	shalt  }
0x5a: {  	_ =	shalt  }
0x5b: {  	_ =	shalt  }
0x5c: {  	_ =	shalt  }
0x5d: {  	_ =	shalt  }
0x5e: {  	_ =	shalt  }
0x5f: {  	_ =	shalt  }
0x60: {  	_ =	shalt  }
0x61: {  	_ =	shalt  }
0x62: {  	_ =	shalt  }
0x63: {  	_ =	shalt  }
0x64: {  	_ =	shalt  }
0x65: {  	_ =	shalt  }
0x66: {  	_ =	shalt  }
0x67: {  	_ =	shalt  }
0x68: {  	_ =	shalt  }
0x69: {  	_ =	shalt  }
0x6a: {  	_ =	shalt  }
0x6b: {  	_ =	shalt  }
0x6c: {  	_ =	shalt  }
0x6d: {  	_ =	shalt  }
0x6e: {  	_ =	shalt  }
0x6f: {  	_ =	shalt  }
0x70: {  	_ =	shalt  }
0x71: {  	_ =	shalt  }
0x72: {  	_ =	shalt  }
0x73: {  	_ =	shalt  }
0x74: {  	_ =	shalt  }
0x75: {  	_ =	shalt  }
0x76: {  	_ =	shalt  }
0x77: {  	_ =	shalt  }
0x78: {  	_ =	shalt  }
0x79: {  	_ =	shalt  }
0x7a: {  	_ =	shalt  }
0x7b: {  	_ =	shalt  }
0x7c: {  	_ =	shalt  }
0x7d: {  	_ =	shalt  }
0x7e: {  	_ =	shalt  }
0x7f: {  	_ =	shalt  }
0x80: {  	_ =	shalt  }
0x81: {  	_ =	shalt  }
0x82: {  	_ =	shalt  }
0x83: {  	_ =	shalt  }
0x84: {  	_ =	shalt  }
0x85: {  	_ =	shalt  }
0x86: {  	_ =	shalt  }
0x87: {  	_ =	shalt  }
.Lfunc_end0:
.L_simem_size_0:
called_computation.1_lowered:
.L_overlay_start_0:
0x88: {  	s2 =	sld [smem:$0x3FD9]  }
0x89: {  	s3 =	sld [smem:$0x3FFE];
	_ =	sdelay $0x1  }
0x8a: {  	s1 =	srdreg.scid  }
0x8b: {  	s0 =	sand.u32 $0x1, s1  }
0x8c: {  	s16 =	sshll.u32 s0, $0xA;
	s2 =	sadd.s32 s3, s2  }
0x8d: {  	s2 =	sadd.s32 s2, s16  }
0x8e: {  	[smem:$0x3FC0] =	sst s2  }
0x8f: {  	_ = 	snop  }
0x90: {  	(tm) =	ssettm $0x1  }
0x91: {  	s17 =	sld [smem:$0x3FFB];
	_ =	sdelay $0x3  }
0x92: {  	_ =	strace s17  }
0x93: {  	s2 =	sld [smem:$0x3FFC];
	_ =	sdelay $0x3  }
0x94: {  	_ =	strace s2  }
0x95: {  	s2 =	sld [smem:$0x3FFD];
	_ =	sdelay $0x3  }
0x96: {  	_ =	strace s2  }
0x97: {  	_ =	strace $0x8FFFFFFF  }
0x98: {  	s18 =	sld [smem:$0x3FDB];
	_ =	sdelay $0x1  }
0x99: {  	s19 =	simm.s32 $_scs_section_size  }
0x9a: {  	s4 =	simm.s32 $_size__tile_overlayer_lowered;
	s5 =	simm.s32 $_tile_overlayer_lowered  }
0x9b: {  	s22 =	simm.s32 $0x1BFF;
	s21 =	sshll.u32 s5, $0x1;
	s2 =	sadd.s32 s19, s18  }
0x9c: {  	s6 =	simm.s32 $0x0;
	s20 =	sshll.u32 s4, $0x1;
	s4 =	sadd.s32 s21, s2  }
0x9d: {  	[timem:s6], [sflag:s22] =	dma.local [hbm:s4], s20  }
0x9e: {  	_ =	swait.ge [sflag:s22], s20  }
0x9f: {  	s3 =	ssub.s32 $0x0, s20;
	[sflag:s22] =	ssyncset.done $0x0  }
0xa0: {  	[sflag:s22] =	ssyncadd.s32 s3;
	_ =	sdelay $0x1  }
0xa1: {  	s23 =	simm.s32 $0x1B8B  }
0xa2: {  	_ =	swait.ge [sflag:s23], $0x1  }
0xa3: {  	[sflag:s23] =	ssyncset.done $0x0  }
0xa4: {  	s25 =	simm.s32 $0x1B8E;
	s24 =	sld [smem:$0x3FFE];
	[sflag:s23] =	ssyncadd.s32 $0xFFFFFFFF  }
0xa5: {  	s26 =	simm.s32 $execute0_lowered;
	[smem:$0x3FD2] =	sst s25  }
0xa6: {  	s4 =	sshll.u32 s26, $0x1;
	_ =	strace $0x80000046;
	[dreg:$0x1] =	wrdreg $0xFFFFFFFF  }
0xa7: {  	s28 =	simm.s32 $_size_execute0_lowered;
	s2 =	sadd.s32 s2, s4;
	[dreg:$0x0] =	wrdreg $0x0  }
0xa8: {  	s4 =	sshll.u32 s28, $0x1;
	[dreg:$0x2] =	wrdreg s2  }
0xa9: {  	[dreg:$0x3] =	wrdreg s4  }
0xaa: {  	[dreg:$0x4] =	wrdreg $0xC0  }
0xab: {  	_ =	task [dreg:s6], $0x5FFFF  }
0xac: {  	[dreg:$0x1] =	wrdreg $0xFFFFFFFF  }
0xad: {  	[dreg:$0x0] =	wrdreg $0x60  }
0xae: {  	[dreg:$0x2] =	wrdreg s24  }
0xaf: {  	[dreg:$0x3] =	wrdreg $0x0  }
0xb0: {  	[dreg:$0x4] =	wrdreg $0x2800  }
0xb1: {  	[dreg:$0x5] =	wrdreg $0xA  }
0xb2: {  	_ =	task.clear_ibuf [dreg:s6], $0x6FFFF;
	_ =	strace $0x90000046  }
0xb3: {  	s29 =	simm.s32 $0xA;
	_ =	strace $0x80000048  }
0xb4: {  	_ =	swait.ge [sflag:s29], $0x1  }
0xb5: {  	[sflag:s29] =	ssyncadd.s32 $0xFFFFFFFF  }
0xb6: {  	_ =	strace $0x90000048  }
0xb7: {  	_ =	sfence  }
0xb8: {  	s30 =	sld [smem:$0x0];
	_ =	sdelay $0x2  }
0xb9: {  	s31 =	sshll.u32 s1, $0xD;
	s1 =	sshrl.u32 s1, $0x2  }
0xba: {  	s3 =	sand.u32 $0x4000, s31;
	s1 =	sadd.s32 s1, s30  }
0xbb: {  	s0 =	sor.u32 s3, s0;
	s1 =	sshll.u32 s1, $0x11  }
0xbc: {  	s0 =	sor.u32 s1, s0  }
0xbd: {  	s0 =	sadd.s32 $0x8F2B, s0  }
0xbe: {  	[sflag:s0] =	ssyncadd.remote.s32 $0x1  }
0xbf: {  	_ =	sfence.sel $0xFFFF  }
0xc0: {  	[dreg:$0x0] =	wrdreg $0xFFFFFFFF;
	(pc) =	sbr.abs _section_cstart, $3  }
0xc1: {  	[dreg:$0x1] =	wrdreg $0xFFFFFFFF  }
0xc2: {  	_ =	task.clear_ibuf [dreg:s6], $0x2FFFF;
	_ =	strace $0x9FFFFFFF  }
0xc3: {  	(tm) =	ssettm $0x7FFFFFFF  }
tec
execute0_lowered:
.L_overlay_start_1:
0x0: {  	(tag) =	ssettag $0x1  }
0x1: {  	s7 =	rddreg [dreg:$0x0]  }
0x2: {  	s1 =	srdreg.scid;
	s2 =	rddreg [dreg:$0x1]  }
0x3: {  	s0 =	stileid.u32;
	s3 =	rddreg [dreg:$0x2]  }
0x4: {  	s4 =	simm.s32 $0x0;
	s16 =	simm.s32 $0x5500;
	s17 =	simm.s32 $0x500  }
0x5: {  	s18 =	simm.s32 $0x2D00;
	s19 =	simm.s32 $0x80;
	s20 =	simm.s32 $0x0  }
0x6: {  	s6 =	sand.u32 $0x1, s1;
	s29 =	sshll.u32 s0, $0x1;
	s8 =	smul.u32 $0x280, s0  }
0x7: {  	[smem:$0x7FF] =	sst s4;
	s31 =	sshll.u32 s0, $0x6;
	s1 =	sor.u32 s6, s29  }
0x8: {  	s9 =	smul.u32 $0x2800, s6;
	s11 =	ssub.s32 $0x2, s6;
	s6 =	sadd.s32 $0x20A00, s7  }
0x9: {  	s5 =	smul.u32 $0x500, s1;
	s1 =	rddreg [dreg:$0x3];
	_ =	strace $0x80000047  }
0xa: {  	s30 =	sshrl.u32 s11, $0x1;
	s14 =	sadd.s32 s8, s2;
	s15 =	sadd.s32 s8, s3  }
0xb: {  	s9 =	sadd.s32 s8, s9;
	s13 =	ssub.s32 s11, s30;
	s15 =	sshrl.u32 s15, $0x3  }
0xc: {  	s10 =	sadd.s32 s5, s7;
	s5 =	sadd.s32 $0x20800, s7;
	s9 =	sshrl.u32 s9, $0x3  }
0xd: {  	s12 =	sadd.s32 s9, s7;
	s7 =	sor.u32 $0x1C01, s31;
	s8 =	sadd.s32 $0x2800, s10  }
0xe: {  	s9 =	sadd.s32 $0x16800, s10;
	s10 =	sadd.s32 $0x20C00, s12;
	s11 =	sadd.s32 $0x21600, s12  }
0xf: {  	s12 =	smax.u32 s13, $0x1;
	s13 =	sshrl.u32 s14, $0x3;
	s14 =	simm.s32 $0x1  }
.LBB2_1:
0x10: {  	[spmem:s13], [sflag:s7] =	dma.local [hbm:s5], $0x50  }
0x11: {  	_ =	swait.ge [sflag:s14], $0x50  }
0x12: {  	[sflag:s14] =	ssyncset.done $0x0  }
0x13: {  	[sflag:s14] =	ssyncadd.s32 $0xFFFFFFB0  }
0x14: {  	[spmem:s15], [sflag:s7] =	dma.local [hbm:s5], $0x50  }
0x15: {  	_ =	swait.ge [sflag:s14], $0x50  }
0x16: {  	[sflag:s14] =	ssyncset.done $0x0  }
0x17: {  	[sflag:s14] =	ssyncadd.s32 $0xFFFFFFB0  }
0x18: {  	[tilespmem:s16], [sflag:$0x1] =	stream.linear.gather [hbm4b:s6+s4], $0x80, $0x38;
	[tilespmem:$0x5580] =	vst v63  }
0x19: {  	_ =	swait.ge [sflag:s14], $0x80  }
0x1a: {  	[sflag:s14] =	ssyncset.done $0x0  }
0x1b: {  	[sflag:s14] =	ssyncadd.s32 $0xFFFFFF80  }
0x1c: {  	[tilespmem:s17], [sflag:$0x1] =	stream.linear.gather [hbm4b:s8+s4], $0x2800, $0x38;
	[tilespmem:$0x5580] =	vst v63  }
0x1d: {  	_ =	swait.ge [sflag:s14], $0x2800  }
0x1e: {  	[sflag:s14] =	ssyncset.done $0x0  }
0x1f: {  	[sflag:s14] =	ssyncadd.s32 $0xFFFFD800  }
0x20: {  	[tilespmem:s18], [sflag:$0x1] =	stream.linear.gather [hbm4b:s9+s4], $0x2800, $0x38;
	[tilespmem:$0x5580] =	vst v63  }
0x21: {  	_ =	swait.ge [sflag:s14], $0x2800  }
0x22: {  	[sflag:s14] =	ssyncset.done $0x0  }
0x23: {  	[sflag:s14] =	ssyncadd.s32 $0xFFFFD800  }
0x24: {  	s21 =	simm.s32 $0x500;
	[bflag:$0x0] =	sbarrier.arrive $0xFFFF  }
0x25: {  	[spmem:s2] =	stream.indirect.scatter.add.f32 [tilespmem:s16], [sflag:$0x1], $0x1, s21, s19, $0xb8;
	[tilespmem:$0x5580] =	vst v63  }
0x26: {  	_ =	swait.ge [sflag:s14], $0x80  }
0x27: {  	[sflag:s14] =	ssyncset.done $0x0  }
0x28: {  	s31 =	simm.s32 $0x2D00;
	[sflag:s14] =	ssyncadd.s32 $0xFFFFFF80  }
0x29: {  	[spmem:s3] =	stream.indirect.scatter.add.f32 [tilespmem:s16], [sflag:$0x1], $0x1, s31, s19, $0xb8;
	[tilespmem:$0x5580] =	vst v63  }
0x2a: {  	_ =	swait.ge [sflag:s14], $0x80  }
0x2b: {  	s22 =	simm.s32 $0x400;
	s21 =	simm.s32 $0x80;
	[sflag:s14] =	ssyncset.done $0x0  }
.LBB2_2:
0x2c: {  	s23 =	sadd.s32 $0x500, s21  }
0x2d: {  	[sflag:s14] =	ssyncadd.s32 $0xFFFFFF80;
	s24 =	smov.u32 s22;
	s25 =	sadd.s32 $0x200, s22  }
0x2e: {  	[spmem:s2] =	stream.indirect.scatter.add.f32 [tilespmem:s16], [sflag:$0x1], $0x1, s23, s19, $0xb8;
	[tilespmem:$0x5580] =	vst v63  }
0x2f: {  	p0 =	sne.s32 s22, $0x9E00;
	_ =	swait.ge [sflag:s14], $0x80  }
.Ltmp0:
0x30: {  	[sflag:s14] =	ssyncset.done $0x0;
	(pc) =	sbr.rel @p0 .LBB2_2-.Ltmp0, $4  }
0x31: {  	s21 =	sadd.s32 $0x2D00, s21;
	[sflag:s14] =	ssyncadd.s32 $0xFFFFFF80  }
0x32: {  	[spmem:s3] =	stream.indirect.scatter.add.f32 [tilespmem:s16], [sflag:$0x1], $0x1, s21, s19, $0xb8;
	[tilespmem:$0x5580] =	vst v63  }
0x33: {  	_ =	swait.ge [sflag:s14], $0x80  }
0x34: {  	s22 =	smov.u32 s25;
	s21 =	sshra.s32 s24, $0x2;
	[sflag:s14] =	ssyncset.done $0x0  }
0x35: {  	s22 =	sadd.s32 $0x500, s21;
	[sflag:s14] =	ssyncadd.s32 $0xFFFFFF80  }
0x36: {  	[spmem:s2] =	stream.indirect.scatter.add.f32 [tilespmem:s16], [sflag:$0x1], $0x1, s22, s19, $0xb8;
	[tilespmem:$0x5580] =	vst v63  }
0x37: {  	_ =	swait.ge [sflag:s14], $0x80  }
0x38: {  	[sflag:s14] =	ssyncset.done $0x0  }
0x39: {  	s31 =	sadd.s32 $0x2D00, s21;
	[sflag:s14] =	ssyncadd.s32 $0xFFFFFF80  }
0x3a: {  	[spmem:s3] =	stream.indirect.scatter.add.f32 [tilespmem:s16], [sflag:$0x1], $0x1, s31, s19, $0xb8;
	[tilespmem:$0x5580] =	vst v63  }
0x3b: {  	_ =	swait.ge [sflag:s14], $0x80  }
0x3c: {  	[sflag:s14] =	ssyncset.done $0x0  }
0x3d: {  	[sflag:s14] =	ssyncadd.s32 $0xFFFFFF80  }
0x3e: {  	[bflag:$0x0] =	sbarrier.arrive $0xFFFF  }
0x3f: {  	[hbm:s10], [sflag:s7] =	dma.local [spmem:s13], $0x50  }
0x40: {  	s20 =	sadd.s32 $0x1, s20;
	_ =	swait.ge [sflag:s14], $0x50  }
0x41: {  	p0 =	sne.s32 s20, s12;
	[sflag:s14] =	ssyncset.done $0x0  }
.Ltmp1:
0x42: {  	[sflag:s14] =	ssyncadd.s32 $0xFFFFFFB0;
	(pc) =	sbr.rel @p0 .LBB2_1-.Ltmp1, $4  }
0x43: {  	[hbm:s11], [sflag:s7] =	dma.local [spmem:s15], $0x50  }
0x44: {  	_ =	swait.ge [sflag:s14], $0x50  }
0x45: {  	[sflag:s14] =	ssyncset.done $0x0  }
0x46: {  	[sflag:s14] =	ssyncadd.s32 $0xFFFFFFB0  }
0x47: {  	_ =	sfence.sel $0x180000  }
0x48: {  	[bflag:$0x0] =	sbarrier.arrive $0xFFFF  }
0x49: {  	p0 =	sne.s32 s0, $0x0;
	_ =	strace $0x90000047  }
0x4a: {  	s0 =	sadd.s32 @!p0 $0x100000, s1;
	[bflag:$0x2] =	sbarrier.arrive $0xFFFF  }
0x4b: {  	[sflag:s0] =	ssyncadd.tile.s32 @!p0 $0x1;
	_ =	shalt  }
.Lfunc_end2:
_tile_overlayer_lowered:
.L_overlay_start_2:
0x4c: {  	(tag) =	ssettag $0x2  }
0x4d: {  	s0 =	rddreg [dreg:$0x0];
	s2 =	stileid.u32  }
0x4e: {  	s1 =	rddreg [dreg:$0x1];
	p0 =	sne.s32 s2, $0x0  }
0x4f: {  	s3 =	rddreg [dreg:$0x2];
	[bflag:$0x3] =	sbarrier.arrive $0xFFFF;
	s2 =	simm.s32 @!p0 $0x1C01  }
0x50: {  	[timem:s3], [sflag:s2] =	dma.local @!p0 [hbm:s0], s1  }
0x51: {  	s0 =	simm.s32 @!p0 $0x1  }
0x52: {  	_ =	swait.ge @!p0 [sflag:s0], s1  }
0x53: {  	s1 =	ssub.s32 @!p0 $0x0, s1;
	[sflag:s0] =	ssyncset.done @!p0 $0x0  }
0x54: {  	[sflag:s0] =	ssyncadd.s32 @!p0 s1  }
0x55: {  	[bflag:$0x3] =	sbarrier.arrive $0xFFFF  }
0x56: {  	_ =	shalt  }

</sc_bundles>
